<compile_context>
chip_gen: v7x
topology: tpu7x:2x2x1
jax: 0.10.2.dev20260603
libtpu: 0.0.44.dev20260713+nightly
codegen_flags: <defaults>
</compile_context>

<pallas_src>
import functools

import jax
import jax.numpy as jnp
from jax import lax
from jax.experimental import pallas as pl
from jax.experimental.pallas import tpu as pltpu
from jax.experimental.pallas import tpu_sc as plsc

N = 10000
E = 320000
C_IN = 128
C_OUT = 128
KT = 3

NC = 2
NS = 16
NW = NC * NS
CHUNK = 128
EROWS = E // CHUNK
RPW = 80
LAST_W = NW - 1
ROWS_LAST = EROWS - RPW * LAST_W

NODE_A = 624
NODE_B = N - 15 * NODE_A

_mesh = plsc.VectorSubcoreMesh(core_axis_name="c", subcore_axis_name="s")


def _node_slice_copy(s, copy_a, copy_b):
    @pl.when(s < NS - 1)
    def _():
        copy_a()

    @pl.when(s == NS - 1)
    def _():
        copy_b()


_K1R = 8


@functools.partial(
    pl.kernel,
    out_type=jax.ShapeDtypeStruct((NC * N,), jnp.float32),
    mesh=_mesh,
    scratch_types=[
        pltpu.VMEM((2, RPW * CHUNK), jnp.int32),
        pltpu.VMEM((CHUNK,), jnp.float32),
        pltpu.VMEM((NODE_B,), jnp.float32),
        pltpu.VMEM_SHARED((N,), jnp.float32),
        pltpu.SemaphoreType.DMA,
    ],
)
def _deg_kernel(ei_hbm, ones_hbm, zeros_hbm, out_hbm,
                pairs2, ones_v, zbuf_v, deg_sp, sem):
    c = lax.axis_index("c")
    s = lax.axis_index("s")
    wid = c * NS + s
    rbase = wid * RPW
    nrows = jnp.where(wid == LAST_W, ROWS_LAST, RPW)

    pltpu.sync_copy(ones_hbm, ones_v)
    @pl.when(wid < LAST_W)
    def _():
        pltpu.sync_copy(ei_hbm.at[:, pl.ds(rbase * CHUNK, RPW * CHUNK)],
                        pairs2)

    @pl.when(wid == LAST_W)
    def _():
        pltpu.sync_copy(
            ei_hbm.at[:, pl.ds(rbase * CHUNK, ROWS_LAST * CHUNK)],
            pairs2.at[:, pl.ds(0, ROWS_LAST * CHUNK)])

    pltpu.sync_copy(zeros_hbm, zbuf_v)
    _node_slice_copy(
        s,
        lambda: pltpu.sync_copy(zbuf_v.at[pl.ds(0, NODE_A)],
                                deg_sp.at[pl.ds(s * NODE_A, NODE_A)]),
        lambda: pltpu.sync_copy(zbuf_v,
                                deg_sp.at[pl.ds((NS - 1) * NODE_A, NODE_B)]),
    )
    plsc.subcore_barrier()

    def didx(ci):
        return pairs2.at[1, pl.ds(ci * CHUNK, CHUNK)]

    WAVE = 4

    @pl.loop(0, nrows // WAVE)
    def _(gp):
        for b in range(WAVE):
            pltpu.async_copy(ones_v, deg_sp.at[didx(gp * WAVE + b)],
                             sem, add=True)
        for b in range(WAVE):
            pltpu.make_async_copy(ones_v, deg_sp.at[didx(gp * WAVE + b)],
                                  sem).wait()

    plsc.subcore_barrier()

    def _wr_a():
        pltpu.sync_copy(deg_sp.at[pl.ds(s * NODE_A, NODE_A)],
                        zbuf_v.at[pl.ds(0, NODE_A)])
        pltpu.sync_copy(zbuf_v.at[pl.ds(0, NODE_A)],
                        out_hbm.at[pl.ds(c * N + s * NODE_A, NODE_A)])

    def _wr_b():
        pltpu.sync_copy(deg_sp.at[pl.ds((NS - 1) * NODE_A, NODE_B)], zbuf_v)
        pltpu.sync_copy(zbuf_v,
                        out_hbm.at[pl.ds(c * N + (NS - 1) * NODE_A, NODE_B)])

    _node_slice_copy(s, _wr_a, _wr_b)


_NB = 2
_NSI = 3


@functools.partial(
    pl.kernel,
    out_type=jax.ShapeDtypeStruct((NC, N, C_OUT), jnp.float32),
    mesh=_mesh,
    scratch_types=[
        [pltpu.VMEM((2, CHUNK), jnp.int32)] * _NSI,
        [pltpu.VMEM((CHUNK, C_OUT), jnp.float32)] * _NB,
        [pltpu.SemaphoreType.DMA] * _NSI,
        [pltpu.SemaphoreType.DMA] * _NB,
        [pltpu.SemaphoreType.DMA] * _NB,
        pltpu.VMEM_SHARED((N, C_OUT), jnp.float32),
    ],
)
def _scatter_kernel(ei_hbm, g_hbm, zeros2_hbm, out_hbm,
                    pairs, rows, isems, gsems, ssems, acc_sp):
    c = lax.axis_index("c")
    s = lax.axis_index("s")
    wid = c * NS + s
    rbase = wid * RPW
    nrows = jnp.where(wid == LAST_W, ROWS_LAST, RPW)

    def load_pair(ci, b3):
        pltpu.async_copy(ei_hbm.at[:, pl.ds((rbase + ci) * CHUNK, CHUNK)],
                         pairs[b3], isems[b3])

    def wait_pair(b3):
        pltpu.make_async_copy(ei_hbm.at[:, pl.ds(0, CHUNK)], pairs[b3],
                              isems[b3]).wait()

    def _for_node_pieces(fn_piece):
        @pl.when(s < NS - 1)
        def _():
            for p in range(4):
                fn_piece(p, s * NODE_A + p * CHUNK, CHUNK)
            fn_piece(4, s * NODE_A + 4 * CHUNK, NODE_A - 4 * CHUNK)

        @pl.when(s == NS - 1)
        def _():
            for p in range(5):
                fn_piece(p, (NS - 1) * NODE_A + p * CHUNK, CHUNK)

    pltpu.sync_copy(zeros2_hbm, rows[0])
    _for_node_pieces(lambda p, nstart, sz: pltpu.async_copy(
        rows[0].at[pl.ds(0, sz), :], acc_sp.at[pl.ds(nstart, sz), :],
        ssems[0]))
    _for_node_pieces(lambda p, nstart, sz: pltpu.make_async_copy(
        rows[0].at[pl.ds(0, sz), :], acc_sp.at[pl.ds(nstart, sz), :],
        ssems[0]).wait())
    plsc.subcore_barrier()

    def start_gather(b2, b3):
        pltpu.async_copy(g_hbm.at[pairs[b3].at[0]], rows[b2], gsems[b2])

    def wait_gather(b2, b3):
        pltpu.make_async_copy(g_hbm.at[pairs[b3].at[0]], rows[b2],
                              gsems[b2]).wait()

    def start_scatter(b2, b3):
        pltpu.async_copy(rows[b2], acc_sp.at[pairs[b3].at[1]], ssems[b2],
                         add=True)

    def wait_scatter(b2, b3):
        pltpu.make_async_copy(rows[b2], acc_sp.at[pairs[b3].at[1]],
                              ssems[b2]).wait()

    for k in range(_NSI):
        load_pair(k, k)
    wait_pair(0)
    start_gather(0, 0)

    def body(ci, b2, b3):
        wait_gather(b2, b3)

        @pl.when(ci + 1 < nrows)
        def _():
            wait_pair((b3 + 1) % _NSI)
            start_gather(1 - b2, (b3 + 1) % _NSI)

        start_scatter(b2, b3)
        wait_scatter(b2, b3)

        @pl.when(ci + _NSI < nrows)
        def _():
            load_pair(ci + _NSI, b3)

    @pl.loop(0, (nrows - 2) // 6)
    def _(gp):
        for k in range(6):
            ci = gp * 6 + k
            body(ci, k % 2, k % 3)
    body(nrows - 2, 0, 0)
    body(nrows - 1, 1, 1)

    plsc.subcore_barrier()

    def _writeout(p, nstart, sz):
        b = p % 2
        if p >= 2:
            pltpu.make_async_copy(
                rows[b].at[pl.ds(0, CHUNK), :],
                out_hbm.at[c, pl.ds(nstart - 2 * CHUNK, CHUNK), :],
                gsems[b]).wait()
        pltpu.sync_copy(acc_sp.at[pl.ds(nstart, sz), :],
                        rows[b].at[pl.ds(0, sz), :])
        pltpu.async_copy(rows[b].at[pl.ds(0, sz), :],
                         out_hbm.at[c, pl.ds(nstart, sz), :], gsems[b])

    _for_node_pieces(_writeout)

    def _drain(p, nstart, sz):
        if p >= 3:
            pltpu.make_async_copy(rows[p % 2].at[pl.ds(0, sz), :],
                                  out_hbm.at[c, pl.ds(nstart, sz), :],
                                  gsems[p % 2]).wait()

    _for_node_pieces(_drain)


_BLK = 1000


def _dense_body(x0_ref, x1_ref, x2_ref, degp_ref, w0_ref, w1_ref, w2_ref,
                bg_ref, bt_ref, g_ref, base_ref, dinv_ref):
    hu = (jnp.dot(x0_ref[...], w0_ref[...],
                  preferred_element_type=jnp.float32)
          + jnp.dot(x1_ref[...], w1_ref[...],
                    preferred_element_type=jnp.float32)
          + jnp.dot(x2_ref[...], w2_ref[...],
                    preferred_element_type=jnp.float32))
    h = hu[:, :C_OUT]
    tmp = hu[:, C_OUT:]
    deg = degp_ref[:, 0:1] + degp_ref[:, 1:2] + 1.0
    dinv = lax.rsqrt(deg)
    g_ref[...] = h * dinv
    base_ref[...] = h * (dinv * dinv) + bg_ref[...] + tmp + bt_ref[...]
    dinv_ref[...] = dinv


def _dense_call(xp, degp_t, wp, bg, bt):
    blk = pl.BlockSpec((_BLK, C_IN), lambda i: (i, 0))
    wblk = pl.BlockSpec((C_IN, 2 * C_OUT), lambda i: (0, 0))
    return pl.pallas_call(
        _dense_body,
        grid=(N // _BLK,),
        in_specs=[
            blk, blk, blk,
            pl.BlockSpec((_BLK, NC), lambda i: (i, 0)),
            wblk, wblk, wblk,
            pl.BlockSpec((1, C_OUT), lambda i: (0, 0)),
            pl.BlockSpec((1, C_OUT), lambda i: (0, 0)),
        ],
        out_specs=[
            pl.BlockSpec((_BLK, C_OUT), lambda i: (i, 0)),
            pl.BlockSpec((_BLK, C_OUT), lambda i: (i, 0)),
            pl.BlockSpec((_BLK, 1), lambda i: (i, 0)),
        ],
        out_shape=[
            jax.ShapeDtypeStruct((N, C_OUT), jnp.float32),
            jax.ShapeDtypeStruct((N, C_OUT), jnp.float32),
            jax.ShapeDtypeStruct((N, 1), jnp.float32),
        ],
    )(xp[0], xp[1], xp[2], degp_t, wp[0], wp[1], wp[2], bg, bt)


def _combine_body(p_ref, dinv_ref, base_ref, out_ref):
    out_ref[...] = (dinv_ref[...] * (p_ref[0] + p_ref[1])
                    + base_ref[...])


def _combine_call(part, dinv, base):
    return pl.pallas_call(
        _combine_body,
        grid=(N // _BLK,),
        in_specs=[
            pl.BlockSpec((NC, _BLK, C_OUT), lambda i: (0, i, 0)),
            pl.BlockSpec((_BLK, 1), lambda i: (i, 0)),
            pl.BlockSpec((_BLK, C_OUT), lambda i: (i, 0)),
        ],
        out_specs=pl.BlockSpec((_BLK, C_OUT), lambda i: (i, 0)),
        out_shape=jax.ShapeDtypeStruct((N, C_OUT), jnp.float32),
    )(part, dinv, base)


def kernel(x, edge_index, W_gcn, b_gcn, W_t, b_t):
    xp = [x[:, :, k] for k in range(KT)]
    wp = [jnp.concatenate([W_gcn, W_t[:, :, k].T], axis=1)
          for k in range(KT)]

    ones1 = jnp.ones((CHUNK,), jnp.float32)
    zeros1 = jnp.zeros((NODE_B,), jnp.float32)
    zeros2 = jnp.zeros((CHUNK, C_OUT), jnp.float32)

    degp = _deg_kernel(edge_index, ones1, zeros1).reshape(NC, N)
    g, base, dinv = _dense_call(xp, degp.T, wp,
                                b_gcn.reshape(1, C_OUT),
                                b_t.reshape(1, C_OUT))
    part = _scatter_kernel(edge_index, g, zeros2)
    return _combine_call(part, dinv, base)

# --- scband reference (transcript-rebuilt; emitter-appended) ---
"""Pipeline reference for scband-stgcnlayer-73924977099264 (READ-ONLY COPY).

The authoritative reference and input builder live on the scoring server;
editing this copy changes nothing except your own understanding.
"""

import jax, jax.numpy as jnp
import numpy as np

N = 10000
E = 320000
C_IN = 128
C_OUT = 128
KT = 3


def setup_inputs(seed: int = 0) -> dict:
    key = jax.random.key(seed)
    k1, k2, k3, k4, k5, k6 = jax.random.split(key, 6)
    x = jax.random.normal(k1, (N, C_IN, KT), dtype=jnp.float32)
    edge_index = jax.random.randint(k2, (2, E), 0, N, dtype=jnp.int32)
    # GCN conv params (BayesianGCNConv treated at its mean weights)
    W_gcn = jax.random.normal(k3, (C_IN, C_OUT), dtype=jnp.float32) * (1.0 / np.sqrt(C_IN))
    b_gcn = jnp.zeros((C_OUT,), dtype=jnp.float32)
    # temporal Conv2d(in_channels, out_channels, kernel=(1, Kt)) -> weight [C_OUT, C_IN, Kt]
    W_t = jax.random.normal(k4, (C_OUT, C_IN, KT), dtype=jnp.float32) * (1.0 / np.sqrt(C_IN * KT))
    b_t = jax.random.normal(k5, (C_OUT,), dtype=jnp.float32) * 0.01
    return {"x": x, "edge_index": edge_index, "W_gcn": W_gcn, "b_gcn": b_gcn, "W_t": W_t, "b_t": b_t}


def reference(x, edge_index, W_gcn, b_gcn, W_t, b_t):
    src = edge_index[0]
    dst = edge_index[1]
    # GCNConv with added self-loops and symmetric normalization
    loop = jnp.arange(N, dtype=edge_index.dtype)
    src_f = jnp.concatenate([src, loop], axis=0)
    dst_f = jnp.concatenate([dst, loop], axis=0)
    deg = jnp.zeros((N,), dtype=jnp.float32).at[dst_f].add(1.0)
    dinv = jnp.where(deg > 0, 1.0 / jnp.sqrt(deg), 0.0)
    norm = dinv[src_f] * dinv[dst_f]
    # linear transform; temporal window is contracted (full-width kernel analogue)
    h = jnp.sum(x, axis=-1) @ W_gcn  # [N, C_OUT]
    msg = h[src_f] * norm[:, None]   # gather over edges
    spatial = jnp.zeros((N, C_OUT), dtype=jnp.float32).at[dst_f].add(msg) + b_gcn
    # temporal conv: input viewed as (N, C, 1, Kt), kernel (1, Kt) -> (N, C_OUT, 1, 1)
    temporal = jnp.einsum('nck,ock->no', x, W_t) + b_t
    return spatial + temporal

if __name__ == "__main__":
    import jax
    _d = setup_inputs()
    print(jax.jit(kernel)(*tuple(_d.values())))

</pallas_src>

<mosaic_0001>
#map = affine_map<(d0, d1) -> (0, 0)>
#map1 = affine_map<(d0, d1) -> (0, 0, 0)>
module attributes {stable_mosaic.version = 14 : i64} {
  func.func @_scatter_kernel(%arg0: i32, %arg1: i32, %arg2: memref<2x320000xi32, #tpu.memory_space<hbm>>, %arg3: memref<10000x128xf32, #tpu.memory_space<hbm>>, %arg4: memref<128x128xf32, #tpu.memory_space<hbm>>, %arg5: memref<2x10000x128xf32, #tpu.memory_space<hbm>>, %arg6: memref<2x128xi32, #tpu.memory_space<vmem>>, %arg7: memref<2x128xi32, #tpu.memory_space<vmem>>, %arg8: memref<2x128xi32, #tpu.memory_space<vmem>>, %arg9: memref<128x128xf32, #tpu.memory_space<vmem>>, %arg10: memref<128x128xf32, #tpu.memory_space<vmem>>, %arg11: memref<!tpu.dma_semaphore, #tpu.memory_space<semaphore_mem>>, %arg12: memref<!tpu.dma_semaphore, #tpu.memory_space<semaphore_mem>>, %arg13: memref<!tpu.dma_semaphore, #tpu.memory_space<semaphore_mem>>, %arg14: memref<!tpu.dma_semaphore, #tpu.memory_space<semaphore_mem>>, %arg15: memref<!tpu.dma_semaphore, #tpu.memory_space<semaphore_mem>>, %arg16: memref<!tpu.dma_semaphore, #tpu.memory_space<semaphore_mem>>, %arg17: memref<!tpu.dma_semaphore, #tpu.memory_space<semaphore_mem>>, %arg18: memref<10000x128xf32, #tpu.memory_space<vmem_shared>>) attributes {dimension_semantics = [#tpu.dimension_semantics<core_parallel>, #tpu.dimension_semantics<subcore_parallel>], iteration_bounds = array<i64: 2, 16>, scalar_prefetch = 0 : i64, scratch_operands = 13 : i64, tpu.core_type = #tpu.core_type<sc_vector_subcore>, window_params = [{transform_indices = #map}, {transform_indices = #map}, {transform_indices = #map}, {transform_indices = #map1}]} {
    %mul3A = arith.constant 16 : i32
    %mul3A_0 = arith.muli %arg0, %mul3A : i32
    %add3A = arith.addi %mul3A_0, %arg1 : i32
    %mul3A_1 = arith.constant 80 : i32
    %mul3A_2 = arith.muli %add3A, %mul3A_1 : i32
    %eq3A = arith.constant 31 : i32
    %eq3A_3 = arith.cmpi eq, %add3A, %eq3A : i32
    %jit3A = arith.constant 20 : i32
    %jit3A_4 = arith.constant 80 : i32
    %select_n3A = arith.select %eq3A_3, %jit3A, %jit3A_4 : i32
    "tpu.region"() ({
      %run_scoped3A = tpu.sem_alloc : memref<!tpu.dma_semaphore, #tpu.memory_space<semaphore_mem>>
      tpu.enqueue_dma source(%arg4 : memref<128x128xf32, #tpu.memory_space<hbm>>) target(%arg9 : memref<128x128xf32, #tpu.memory_space<vmem>>) target_semaphore(%run_scoped3A : memref<!tpu.dma_semaphore, #tpu.memory_space<semaphore_mem>>)
      tpu.wait_dma2 semaphore(%run_scoped3A : memref<!tpu.dma_semaphore, #tpu.memory_space<semaphore_mem>>) src(%arg4 : memref<128x128xf32, #tpu.memory_space<hbm>>) dst(%arg9 : memref<128x128xf32, #tpu.memory_space<vmem>>)
      tpu.yield
    }) : () -> ()
    %lt3A = arith.constant 15 : i32
    %lt3A_5 = arith.cmpi slt, %arg1, %lt3A : i32
    %convert_element_type3A = arith.extui %lt3A_5 : i1 to i32
    %cond3A = arith.constant 0 : i32
    %cond3A_6 = arith.cmpi ne, %convert_element_type3A, %cond3A : i32
    scf.if %cond3A_6 {
      %mul3A_186 = arith.constant 624 : i32
      %mul3A_187 = arith.muli %arg1, %mul3A_186 : i32
      %add3A_188 = arith.constant 0 : i32
      %add3A_189 = arith.addi %mul3A_187, %add3A_188 : i32
      %dma_start3A_190 = arith.constant 0 : i32
      %dma_start3A_191 = arith.constant 0 : i32
      %dma_start3A_192 = tpu.memref_slice %arg9[%dma_start3A_190, %dma_start3A_191] : memref<128x128xf32, #tpu.memory_space<vmem>> -> memref<128x128xf32, #tpu.memory_space<vmem>>
      %dma_start3A_193 = arith.constant 0 : i32
      %dma_start3A_194 = tpu.memref_slice %arg18[%add3A_189, %dma_start3A_193] : memref<10000x128xf32, #tpu.memory_space<vmem_shared>> -> memref<128x128xf32, #tpu.memory_space<vmem_shared>>
      %dma_start3A_195 = arith.constant 0 : i32
      %dma_start3A_196 = tpu.memref_slice %arg18[%add3A_189, %dma_start3A_195] : memref<10000x128xf32, #tpu.memory_space<vmem_shared>> -> memref<128x128xf32, #tpu.memory_space<vmem_shared>>
      %dma_start3A_197 = arith.constant 0 : i32
      %dma_start3A_198 = arith.constant 0 : i32
      %dma_start3A_199 = tpu.memref_slice %arg9[%dma_start3A_197, %dma_start3A_198] : memref<128x128xf32, #tpu.memory_space<vmem>> -> memref<128x128xf32, #tpu.memory_space<vmem>>
      tpu.enqueue_dma source(%dma_start3A_199 : memref<128x128xf32, #tpu.memory_space<vmem>>) target(%dma_start3A_196 : memref<128x128xf32, #tpu.memory_space<vmem_shared>>) target_semaphore(%arg16 : memref<!tpu.dma_semaphore, #tpu.memory_space<semaphore_mem>>)
      %mul3A_200 = arith.constant 624 : i32
      %mul3A_201 = arith.muli %arg1, %mul3A_200 : i32
      %add3A_202 = arith.constant 128 : i32
      %add3A_203 = arith.addi %mul3A_201, %add3A_202 : i32
      %dma_start3A_204 = arith.constant 0 : i32
      %dma_start3A_205 = arith.constant 0 : i32
      %dma_start3A_206 = tpu.memref_slice %arg9[%dma_start3A_204, %dma_start3A_205] : memref<128x128xf32, #tpu.memory_space<vmem>> -> memref<128x128xf32, #tpu.memory_space<vmem>>
      %dma_start3A_207 = arith.constant 0 : i32
      %dma_start3A_208 = tpu.memref_slice %arg18[%add3A_203, %dma_start3A_207] : memref<10000x128xf32, #tpu.memory_space<vmem_shared>> -> memref<128x128xf32, #tpu.memory_space<vmem_shared>>
      %dma_start3A_209 = arith.constant 0 : i32
      %dma_start3A_210 = tpu.memref_slice %arg18[%add3A_203, %dma_start3A_209] : memref<10000x128xf32, #tpu.memory_space<vmem_shared>> -> memref<128x128xf32, #tpu.memory_space<vmem_shared>>
      %dma_start3A_211 = arith.constant 0 : i32
      %dma_start3A_212 = arith.constant 0 : i32
      %dma_start3A_213 = tpu.memref_slice %arg9[%dma_start3A_211, %dma_start3A_212] : memref<128x128xf32, #tpu.memory_space<vmem>> -> memref<128x128xf32, #tpu.memory_space<vmem>>
      tpu.enqueue_dma source(%dma_start3A_213 : memref<128x128xf32, #tpu.memory_space<vmem>>) target(%dma_start3A_210 : memref<128x128xf32, #tpu.memory_space<vmem_shared>>) target_semaphore(%arg16 : memref<!tpu.dma_semaphore, #tpu.memory_space<semaphore_mem>>)
      %mul3A_214 = arith.constant 624 : i32
      %mul3A_215 = arith.muli %arg1, %mul3A_214 : i32
      %add3A_216 = arith.constant 256 : i32
      %add3A_217 = arith.addi %mul3A_215, %add3A_216 : i32
      %dma_start3A_218 = arith.constant 0 : i32
      %dma_start3A_219 = arith.constant 0 : i32
      %dma_start3A_220 = tpu.memref_slice %arg9[%dma_start3A_218, %dma_start3A_219] : memref<128x128xf32, #tpu.memory_space<vmem>> -> memref<128x128xf32, #tpu.memory_space<vmem>>
      %dma_start3A_221 = arith.constant 0 : i32
      %dma_start3A_222 = tpu.memref_slice %arg18[%add3A_217, %dma_start3A_221] : memref<10000x128xf32, #tpu.memory_space<vmem_shared>> -> memref<128x128xf32, #tpu.memory_space<vmem_shared>>
      %dma_start3A_223 = arith.constant 0 : i32
      %dma_start3A_224 = tpu.memref_slice %arg18[%add3A_217, %dma_start3A_223] : memref<10000x128xf32, #tpu.memory_space<vmem_shared>> -> memref<128x128xf32, #tpu.memory_space<vmem_shared>>
      %dma_start3A_225 = arith.constant 0 : i32
      %dma_start3A_226 = arith.constant 0 : i32
      %dma_start3A_227 = tpu.memref_slice %arg9[%dma_start3A_225, %dma_start3A_226] : memref<128x128xf32, #tpu.memory_space<vmem>> -> memref<128x128xf32, #tpu.memory_space<vmem>>
      tpu.enqueue_dma source(%dma_start3A_227 : memref<128x128xf32, #tpu.memory_space<vmem>>) target(%dma_start3A_224 : memref<128x128xf32, #tpu.memory_space<vmem_shared>>) target_semaphore(%arg16 : memref<!tpu.dma_semaphore, #tpu.memory_space<semaphore_mem>>)
      %mul3A_228 = arith.constant 624 : i32
      %mul3A_229 = arith.muli %arg1, %mul3A_228 : i32
      %add3A_230 = arith.constant 384 : i32
      %add3A_231 = arith.addi %mul3A_229, %add3A_230 : i32
      %dma_start3A_232 = arith.constant 0 : i32
      %dma_start3A_233 = arith.constant 0 : i32
      %dma_start3A_234 = tpu.memref_slice %arg9[%dma_start3A_232, %dma_start3A_233] : memref<128x128xf32, #tpu.memory_space<vmem>> -> memref<128x128xf32, #tpu.memory_space<vmem>>
      %dma_start3A_235 = arith.constant 0 : i32
      %dma_start3A_236 = tpu.memref_slice %arg18[%add3A_231, %dma_start3A_235] : memref<10000x128xf32, #tpu.memory_space<vmem_shared>> -> memref<128x128xf32, #tpu.memory_space<vmem_shared>>
      %dma_start3A_237 = arith.constant 0 : i32
      %dma_start3A_238 = tpu.memref_slice %arg18[%add3A_231, %dma_start3A_237] : memref<10000x128xf32, #tpu.memory_space<vmem_shared>> -> memref<128x128xf32, #tpu.memory_space<vmem_shared>>
      %dma_start3A_239 = arith.constant 0 : i32
      %dma_start3A_240 = arith.constant 0 : i32
      %dma_start3A_241 = tpu.memref_slice %arg9[%dma_start3A_239, %dma_start3A_240] : memref<128x128xf32, #tpu.memory_space<vmem>> -> memref<128x128xf32, #tpu.memory_space<vmem>>
      tpu.enqueue_dma source(%dma_start3A_241 : memref<128x128xf32, #tpu.memory_space<vmem>>) target(%dma_start3A_238 : memref<128x128xf32, #tpu.memory_space<vmem_shared>>) target_semaphore(%arg16 : memref<!tpu.dma_semaphore, #tpu.memory_space<semaphore_mem>>)
      %mul3A_242 = arith.constant 624 : i32
      %mul3A_243 = arith.muli %arg1, %mul3A_242 : i32
      %add3A_244 = arith.constant 512 : i32
      %add3A_245 = arith.addi %mul3A_243, %add3A_244 : i32
      %dma_start3A_246 = arith.constant 0 : i32
      %dma_start3A_247 = arith.constant 0 : i32
      %dma_start3A_248 = tpu.memref_slice %arg9[%dma_start3A_246, %dma_start3A_247] : memref<128x128xf32, #tpu.memory_space<vmem>> -> memref<112x128xf32, #tpu.memory_space<vmem>>
      %dma_start3A_249 = arith.constant 0 : i32
      %dma_start3A_250 = tpu.memref_slice %arg18[%add3A_245, %dma_start3A_249] : memref<10000x128xf32, #tpu.memory_space<vmem_shared>> -> memref<112x128xf32, #tpu.memory_space<vmem_shared>>
      %dma_start3A_251 = arith.constant 0 : i32
      %dma_start3A_252 = tpu.memref_slice %arg18[%add3A_245, %dma_start3A_251] : memref<10000x128xf32, #tpu.memory_space<vmem_shared>> -> memref<112x128xf32, #tpu.memory_space<vmem_shared>>
      %dma_start3A_253 = arith.constant 0 : i32
      %dma_start3A_254 = arith.constant 0 : i32
      %dma_start3A_255 = tpu.memref_slice %arg9[%dma_start3A_253, %dma_start3A_254] : memref<128x128xf32, #tpu.memory_space<vmem>> -> memref<112x128xf32, #tpu.memory_space<vmem>>
      tpu.enqueue_dma source(%dma_start3A_255 : memref<112x128xf32, #tpu.memory_space<vmem>>) target(%dma_start3A_252 : memref<112x128xf32, #tpu.memory_space<vmem_shared>>) target_semaphore(%arg16 : memref<!tpu.dma_semaphore, #tpu.memory_space<semaphore_mem>>)
    } else {
    }
    %eq3A_7 = arith.constant 15 : i32
    %eq3A_8 = arith.cmpi eq, %arg1, %eq3A_7 : i32
    %convert_element_type3A_9 = arith.extui %eq3A_8 : i1 to i32
    %cond3A_10 = arith.constant 0 : i32
    %cond3A_11 = arith.cmpi ne, %convert_element_type3A_9, %cond3A_10 : i32
    scf.if %cond3A_11 {
      %dma_start3A_186 = arith.constant 0 : i32
      %dma_start3A_187 = arith.constant 0 : i32
      %dma_start3A_188 = tpu.memref_slice %arg9[%dma_start3A_186, %dma_start3A_187] : memref<128x128xf32, #tpu.memory_space<vmem>> -> memref<128x128xf32, #tpu.memory_space<vmem>>
      %dma_start3A_189 = arith.constant 9360 : i32
      %dma_start3A_190 = arith.constant 0 : i32
      %dma_start3A_191 = tpu.memref_slice %arg18[%dma_start3A_189, %dma_start3A_190] : memref<10000x128xf32, #tpu.memory_space<vmem_shared>> -> memref<128x128xf32, #tpu.memory_space<vmem_shared>>
      %dma_start3A_192 = arith.constant 9360 : i32
      %dma_start3A_193 = arith.constant 0 : i32
      %dma_start3A_194 = tpu.memref_slice %arg18[%dma_start3A_192, %dma_start3A_193] : memref<10000x128xf32, #tpu.memory_space<vmem_shared>> -> memref<128x128xf32, #tpu.memory_space<vmem_shared>>
      %dma_start3A_195 = arith.constant 0 : i32
      %dma_start3A_196 = arith.constant 0 : i32
      %dma_start3A_197 = tpu.memref_slice %arg9[%dma_start3A_195, %dma_start3A_196] : memref<128x128xf32, #tpu.memory_space<vmem>> -> memref<128x128xf32, #tpu.memory_space<vmem>>
      tpu.enqueue_dma source(%dma_start3A_197 : memref<128x128xf32, #tpu.memory_space<vmem>>) target(%dma_start3A_194 : memref<128x128xf32, #tpu.memory_space<vmem_shared>>) target_semaphore(%arg16 : memref<!tpu.dma_semaphore, #tpu.memory_space<semaphore_mem>>)
      %dma_start3A_198 = arith.constant 0 : i32
      %dma_start3A_199 = arith.constant 0 : i32
      %dma_start3A_200 = tpu.memref_slice %arg9[%dma_start3A_198, %dma_start3A_199] : memref<128x128xf32, #tpu.memory_space<vmem>> -> memref<128x128xf32, #tpu.memory_space<vmem>>
      %dma_start3A_201 = arith.constant 9488 : i32
      %dma_start3A_202 = arith.constant 0 : i32
      %dma_start3A_203 = tpu.memref_slice %arg18[%dma_start3A_201, %dma_start3A_202] : memref<10000x128xf32, #tpu.memory_space<vmem_shared>> -> memref<128x128xf32, #tpu.memory_space<vmem_shared>>
      %dma_start3A_204 = arith.constant 9488 : i32
      %dma_start3A_205 = arith.constant 0 : i32
      %dma_start3A_206 = tpu.memref_slice %arg18[%dma_start3A_204, %dma_start3A_205] : memref<10000x128xf32, #tpu.memory_space<vmem_shared>> -> memref<128x128xf32, #tpu.memory_space<vmem_shared>>
      %dma_start3A_207 = arith.constant 0 : i32
      %dma_start3A_208 = arith.constant 0 : i32
      %dma_start3A_209 = tpu.memref_slice %arg9[%dma_start3A_207, %dma_start3A_208] : memref<128x128xf32, #tpu.memory_space<vmem>> -> memref<128x128xf32, #tpu.memory_space<vmem>>
      tpu.enqueue_dma source(%dma_start3A_209 : memref<128x128xf32, #tpu.memory_space<vmem>>) target(%dma_start3A_206 : memref<128x128xf32, #tpu.memory_space<vmem_shared>>) target_semaphore(%arg16 : memref<!tpu.dma_semaphore, #tpu.memory_space<semaphore_mem>>)
      %dma_start3A_210 = arith.constant 0 : i32
      %dma_start3A_211 = arith.constant 0 : i32
      %dma_start3A_212 = tpu.memref_slice %arg9[%dma_start3A_210, %dma_start3A_211] : memref<128x128xf32, #tpu.memory_space<vmem>> -> memref<128x128xf32, #tpu.memory_space<vmem>>
      %dma_start3A_213 = arith.constant 9616 : i32
      %dma_start3A_214 = arith.constant 0 : i32
      %dma_start3A_215 = tpu.memref_slice %arg18[%dma_start3A_213, %dma_start3A_214] : memref<10000x128xf32, #tpu.memory_space<vmem_shared>> -> memref<128x128xf32, #tpu.memory_space<vmem_shared>>
      %dma_start3A_216 = arith.constant 9616 : i32
      %dma_start3A_217 = arith.constant 0 : i32
      %dma_start3A_218 = tpu.memref_slice %arg18[%dma_start3A_216, %dma_start3A_217] : memref<10000x128xf32, #tpu.memory_space<vmem_shared>> -> memref<128x128xf32, #tpu.memory_space<vmem_shared>>
      %dma_start3A_219 = arith.constant 0 : i32
      %dma_start3A_220 = arith.constant 0 : i32
      %dma_start3A_221 = tpu.memref_slice %arg9[%dma_start3A_219, %dma_start3A_220] : memref<128x128xf32, #tpu.memory_space<vmem>> -> memref<128x128xf32, #tpu.memory_space<vmem>>
      tpu.enqueue_dma source(%dma_start3A_221 : memref<128x128xf32, #tpu.memory_space<vmem>>) target(%dma_start3A_218 : memref<128x128xf32, #tpu.memory_space<vmem_shared>>) target_semaphore(%arg16 : memref<!tpu.dma_semaphore, #tpu.memory_space<semaphore_mem>>)
      %dma_start3A_222 = arith.constant 0 : i32
      %dma_start3A_223 = arith.constant 0 : i32
      %dma_start3A_224 = tpu.memref_slice %arg9[%dma_start3A_222, %dma_start3A_223] : memref<128x128xf32, #tpu.memory_space<vmem>> -> memref<128x128xf32, #tpu.memory_space<vmem>>
      %dma_start3A_225 = arith.constant 9744 : i32
      %dma_start3A_226 = arith.constant 0 : i32
      %dma_start3A_227 = tpu.memref_slice %arg18[%dma_start3A_225, %dma_start3A_226] : memref<10000x128xf32, #tpu.memory_space<vmem_shared>> -> memref<128x128xf32, #tpu.memory_space<vmem_shared>>
      %dma_start3A_228 = arith.constant 9744 : i32
      %dma_start3A_229 = arith.constant 0 : i32
      %dma_start3A_230 = tpu.memref_slice %arg18[%dma_start3A_228, %dma_start3A_229] : memref<10000x128xf32, #tpu.memory_space<vmem_shared>> -> memref<128x128xf32, #tpu.memory_space<vmem_shared>>
      %dma_start3A_231 = arith.constant 0 : i32
      %dma_start3A_232 = arith.constant 0 : i32
      %dma_start3A_233 = tpu.memref_slice %arg9[%dma_start3A_231, %dma_start3A_232] : memref<128x128xf32, #tpu.memory_space<vmem>> -> memref<128x128xf32, #tpu.memory_space<vmem>>
      tpu.enqueue_dma source(%dma_start3A_233 : memref<128x128xf32, #tpu.memory_space<vmem>>) target(%dma_start3A_230 : memref<128x128xf32, #tpu.memory_space<vmem_shared>>) target_semaphore(%arg16 : memref<!tpu.dma_semaphore, #tpu.memory_space<semaphore_mem>>)
      %dma_start3A_234 = arith.constant 0 : i32
      %dma_start3A_235 = arith.constant 0 : i32
      %dma_start3A_236 = tpu.memref_slice %arg9[%dma_start3A_234, %dma_start3A_235] : memref<128x128xf32, #tpu.memory_space<vmem>> -> memref<128x128xf32, #tpu.memory_space<vmem>>
      %dma_start3A_237 = arith.constant 9872 : i32
      %dma_start3A_238 = arith.constant 0 : i32
      %dma_start3A_239 = tpu.memref_slice %arg18[%dma_start3A_237, %dma_start3A_238] : memref<10000x128xf32, #tpu.memory_space<vmem_shared>> -> memref<128x128xf32, #tpu.memory_space<vmem_shared>>
      %dma_start3A_240 = arith.constant 9872 : i32
      %dma_start3A_241 = arith.constant 0 : i32
      %dma_start3A_242 = tpu.memref_slice %arg18[%dma_start3A_240, %dma_start3A_241] : memref<10000x128xf32, #tpu.memory_space<vmem_shared>> -> memref<128x128xf32, #tpu.memory_space<vmem_shared>>
      %dma_start3A_243 = arith.constant 0 : i32
      %dma_start3A_244 = arith.constant 0 : i32
      %dma_start3A_245 = tpu.memref_slice %arg9[%dma_start3A_243, %dma_start3A_244] : memref<128x128xf32, #tpu.memory_space<vmem>> -> memref<128x128xf32, #tpu.memory_space<vmem>>
      tpu.enqueue_dma source(%dma_start3A_245 : memref<128x128xf32, #tpu.memory_space<vmem>>) target(%dma_start3A_242 : memref<128x128xf32, #tpu.memory_space<vmem_shared>>) target_semaphore(%arg16 : memref<!tpu.dma_semaphore, #tpu.memory_space<semaphore_mem>>)
    } else {
    }
    %lt3A_12 = arith.constant 15 : i32
    %lt3A_13 = arith.cmpi slt, %arg1, %lt3A_12 : i32
    %convert_element_type3A_14 = arith.extui %lt3A_13 : i1 to i32
    %cond3A_15 = arith.constant 0 : i32
    %cond3A_16 = arith.cmpi ne, %convert_element_type3A_14, %cond3A_15 : i32
    scf.if %cond3A_16 {
      %mul3A_186 = arith.constant 624 : i32
      %mul3A_187 = arith.muli %arg1, %mul3A_186 : i32
      %add3A_188 = arith.constant 0 : i32
      %add3A_189 = arith.addi %mul3A_187, %add3A_188 : i32
      %dma_wait3A_190 = arith.constant 0 : i32
      %dma_wait3A_191 = arith.constant 0 : i32
      %dma_wait3A_192 = tpu.memref_slice %arg9[%dma_wait3A_190, %dma_wait3A_191] : memref<128x128xf32, #tpu.memory_space<vmem>> -> memref<128x128xf32, #tpu.memory_space<vmem>>
      %dma_wait3A_193 = arith.constant 0 : i32
      %dma_wait3A_194 = tpu.memref_slice %arg18[%add3A_189, %dma_wait3A_193] : memref<10000x128xf32, #tpu.memory_space<vmem_shared>> -> memref<128x128xf32, #tpu.memory_space<vmem_shared>>
      %dma_wait3A_195 = arith.constant 0 : i32
      %dma_wait3A_196 = tpu.memref_slice %arg18[%add3A_189, %dma_wait3A_195] : memref<10000x128xf32, #tpu.memory_space<vmem_shared>> -> memref<128x128xf32, #tpu.memory_space<vmem_shared>>
      %dma_wait3A_197 = arith.constant 0 : i32
      %dma_wait3A_198 = arith.constant 0 : i32
      %dma_wait3A_199 = tpu.memref_slice %arg9[%dma_wait3A_197, %dma_wait3A_198] : memref<128x128xf32, #tpu.memory_space<vmem>> -> memref<128x128xf32, #tpu.memory_space<vmem>>
      tpu.wait_dma2 semaphore(%arg16 : memref<!tpu.dma_semaphore, #tpu.memory_space<semaphore_mem>>) src(%dma_wait3A_199 : memref<128x128xf32, #tpu.memory_space<vmem>>) dst(%dma_wait3A_196 : memref<128x128xf32, #tpu.memory_space<vmem_shared>>)
      %mul3A_200 = arith.constant 624 : i32
      %mul3A_201 = arith.muli %arg1, %mul3A_200 : i32
      %add3A_202 = arith.constant 128 : i32
      %add3A_203 = arith.addi %mul3A_201, %add3A_202 : i32
      %dma_wait3A_204 = arith.constant 0 : i32
      %dma_wait3A_205 = arith.constant 0 : i32
      %dma_wait3A_206 = tpu.memref_slice %arg9[%dma_wait3A_204, %dma_wait3A_205] : memref<128x128xf32, #tpu.memory_space<vmem>> -> memref<128x128xf32, #tpu.memory_space<vmem>>
      %dma_wait3A_207 = arith.constant 0 : i32
      %dma_wait3A_208 = tpu.memref_slice %arg18[%add3A_203, %dma_wait3A_207] : memref<10000x128xf32, #tpu.memory_space<vmem_shared>> -> memref<128x128xf32, #tpu.memory_space<vmem_shared>>
      %dma_wait3A_209 = arith.constant 0 : i32
      %dma_wait3A_210 = tpu.memref_slice %arg18[%add3A_203, %dma_wait3A_209] : memref<10000x128xf32, #tpu.memory_space<vmem_shared>> -> memref<128x128xf32, #tpu.memory_space<vmem_shared>>
      %dma_wait3A_211 = arith.constant 0 : i32
      %dma_wait3A_212 = arith.constant 0 : i32
      %dma_wait3A_213 = tpu.memref_slice %arg9[%dma_wait3A_211, %dma_wait3A_212] : memref<128x128xf32, #tpu.memory_space<vmem>> -> memref<128x128xf32, #tpu.memory_space<vmem>>
      tpu.wait_dma2 semaphore(%arg16 : memref<!tpu.dma_semaphore, #tpu.memory_space<semaphore_mem>>) src(%dma_wait3A_213 : memref<128x128xf32, #tpu.memory_space<vmem>>) dst(%dma_wait3A_210 : memref<128x128xf32, #tpu.memory_space<vmem_shared>>)
      %mul3A_214 = arith.constant 624 : i32
      %mul3A_215 = arith.muli %arg1, %mul3A_214 : i32
      %add3A_216 = arith.constant 256 : i32
      %add3A_217 = arith.addi %mul3A_215, %add3A_216 : i32
      %dma_wait3A_218 = arith.constant 0 : i32
      %dma_wait3A_219 = arith.constant 0 : i32
      %dma_wait3A_220 = tpu.memref_slice %arg9[%dma_wait3A_218, %dma_wait3A_219] : memref<128x128xf32, #tpu.memory_space<vmem>> -> memref<128x128xf32, #tpu.memory_space<vmem>>
      %dma_wait3A_221 = arith.constant 0 : i32
      %dma_wait3A_222 = tpu.memref_slice %arg18[%add3A_217, %dma_wait3A_221] : memref<10000x128xf32, #tpu.memory_space<vmem_shared>> -> memref<128x128xf32, #tpu.memory_space<vmem_shared>>
      %dma_wait3A_223 = arith.constant 0 : i32
      %dma_wait3A_224 = tpu.memref_slice %arg18[%add3A_217, %dma_wait3A_223] : memref<10000x128xf32, #tpu.memory_space<vmem_shared>> -> memref<128x128xf32, #tpu.memory_space<vmem_shared>>
      %dma_wait3A_225 = arith.constant 0 : i32
      %dma_wait3A_226 = arith.constant 0 : i32
      %dma_wait3A_227 = tpu.memref_slice %arg9[%dma_wait3A_225, %dma_wait3A_226] : memref<128x128xf32, #tpu.memory_space<vmem>> -> memref<128x128xf32, #tpu.memory_space<vmem>>
      tpu.wait_dma2 semaphore(%arg16 : memref<!tpu.dma_semaphore, #tpu.memory_space<semaphore_mem>>) src(%dma_wait3A_227 : memref<128x128xf32, #tpu.memory_space<vmem>>) dst(%dma_wait3A_224 : memref<128x128xf32, #tpu.memory_space<vmem_shared>>)
      %mul3A_228 = arith.constant 624 : i32
      %mul3A_229 = arith.muli %arg1, %mul3A_228 : i32
      %add3A_230 = arith.constant 384 : i32
      %add3A_231 = arith.addi %mul3A_229, %add3A_230 : i32
      %dma_wait3A_232 = arith.constant 0 : i32
      %dma_wait3A_233 = arith.constant 0 : i32
      %dma_wait3A_234 = tpu.memref_slice %arg9[%dma_wait3A_232, %dma_wait3A_233] : memref<128x128xf32, #tpu.memory_space<vmem>> -> memref<128x128xf32, #tpu.memory_space<vmem>>
      %dma_wait3A_235 = arith.constant 0 : i32
      %dma_wait3A_236 = tpu.memref_slice %arg18[%add3A_231, %dma_wait3A_235] : memref<10000x128xf32, #tpu.memory_space<vmem_shared>> -> memref<128x128xf32, #tpu.memory_space<vmem_shared>>
      %dma_wait3A_237 = arith.constant 0 : i32
      %dma_wait3A_238 = tpu.memref_slice %arg18[%add3A_231, %dma_wait3A_237] : memref<10000x128xf32, #tpu.memory_space<vmem_shared>> -> memref<128x128xf32, #tpu.memory_space<vmem_shared>>
      %dma_wait3A_239 = arith.constant 0 : i32
      %dma_wait3A_240 = arith.constant 0 : i32
      %dma_wait3A_241 = tpu.memref_slice %arg9[%dma_wait3A_239, %dma_wait3A_240] : memref<128x128xf32, #tpu.memory_space<vmem>> -> memref<128x128xf32, #tpu.memory_space<vmem>>
      tpu.wait_dma2 semaphore(%arg16 : memref<!tpu.dma_semaphore, #tpu.memory_space<semaphore_mem>>) src(%dma_wait3A_241 : memref<128x128xf32, #tpu.memory_space<vmem>>) dst(%dma_wait3A_238 : memref<128x128xf32, #tpu.memory_space<vmem_shared>>)
      %mul3A_242 = arith.constant 624 : i32
      %mul3A_243 = arith.muli %arg1, %mul3A_242 : i32
      %add3A_244 = arith.constant 512 : i32
      %add3A_245 = arith.addi %mul3A_243, %add3A_244 : i32
      %dma_wait3A_246 = arith.constant 0 : i32
      %dma_wait3A_247 = arith.constant 0 : i32
      %dma_wait3A_248 = tpu.memref_slice %arg9[%dma_wait3A_246, %dma_wait3A_247] : memref<128x128xf32, #tpu.memory_space<vmem>> -> memref<112x128xf32, #tpu.memory_space<vmem>>
      %dma_wait3A_249 = arith.constant 0 : i32
      %dma_wait3A_250 = tpu.memref_slice %arg18[%add3A_245, %dma_wait3A_249] : memref<10000x128xf32, #tpu.memory_space<vmem_shared>> -> memref<112x128xf32, #tpu.memory_space<vmem_shared>>
      %dma_wait3A_251 = arith.constant 0 : i32
      %dma_wait3A_252 = tpu.memref_slice %arg18[%add3A_245, %dma_wait3A_251] : memref<10000x128xf32, #tpu.memory_space<vmem_shared>> -> memref<112x128xf32, #tpu.memory_space<vmem_shared>>
      %dma_wait3A_253 = arith.constant 0 : i32
      %dma_wait3A_254 = arith.constant 0 : i32
      %dma_wait3A_255 = tpu.memref_slice %arg9[%dma_wait3A_253, %dma_wait3A_254] : memref<128x128xf32, #tpu.memory_space<vmem>> -> memref<112x128xf32, #tpu.memory_space<vmem>>
      tpu.wait_dma2 semaphore(%arg16 : memref<!tpu.dma_semaphore, #tpu.memory_space<semaphore_mem>>) src(%dma_wait3A_255 : memref<112x128xf32, #tpu.memory_space<vmem>>) dst(%dma_wait3A_252 : memref<112x128xf32, #tpu.memory_space<vmem_shared>>)
    } else {
    }
    %eq3A_17 = arith.constant 15 : i32
    %eq3A_18 = arith.cmpi eq, %arg1, %eq3A_17 : i32
    %convert_element_type3A_19 = arith.extui %eq3A_18 : i1 to i32
    %cond3A_20 = arith.constant 0 : i32
    %cond3A_21 = arith.cmpi ne, %convert_element_type3A_19, %cond3A_20 : i32
    scf.if %cond3A_21 {
      %dma_wait3A_186 = arith.constant 0 : i32
      %dma_wait3A_187 = arith.constant 0 : i32
      %dma_wait3A_188 = tpu.memref_slice %arg9[%dma_wait3A_186, %dma_wait3A_187] : memref<128x128xf32, #tpu.memory_space<vmem>> -> memref<128x128xf32, #tpu.memory_space<vmem>>
      %dma_wait3A_189 = arith.constant 9360 : i32
      %dma_wait3A_190 = arith.constant 0 : i32
      %dma_wait3A_191 = tpu.memref_slice %arg18[%dma_wait3A_189, %dma_wait3A_190] : memref<10000x128xf32, #tpu.memory_space<vmem_shared>> -> memref<128x128xf32, #tpu.memory_space<vmem_shared>>
      %dma_wait3A_192 = arith.constant 9360 : i32
      %dma_wait3A_193 = arith.constant 0 : i32
      %dma_wait3A_194 = tpu.memref_slice %arg18[%dma_wait3A_192, %dma_wait3A_193] : memref<10000x128xf32, #tpu.memory_space<vmem_shared>> -> memref<128x128xf32, #tpu.memory_space<vmem_shared>>
      %dma_wait3A_195 = arith.constant 0 : i32
      %dma_wait3A_196 = arith.constant 0 : i32
      %dma_wait3A_197 = tpu.memref_slice %arg9[%dma_wait3A_195, %dma_wait3A_196] : memref<128x128xf32, #tpu.memory_space<vmem>> -> memref<128x128xf32, #tpu.memory_space<vmem>>
      tpu.wait_dma2 semaphore(%arg16 : memref<!tpu.dma_semaphore, #tpu.memory_space<semaphore_mem>>) src(%dma_wait3A_197 : memref<128x128xf32, #tpu.memory_space<vmem>>) dst(%dma_wait3A_194 : memref<128x128xf32, #tpu.memory_space<vmem_shared>>)
      %dma_wait3A_198 = arith.constant 0 : i32
      %dma_wait3A_199 = arith.constant 0 : i32
      %dma_wait3A_200 = tpu.memref_slice %arg9[%dma_wait3A_198, %dma_wait3A_199] : memref<128x128xf32, #tpu.memory_space<vmem>> -> memref<128x128xf32, #tpu.memory_space<vmem>>
      %dma_wait3A_201 = arith.constant 9488 : i32
      %dma_wait3A_202 = arith.constant 0 : i32
      %dma_wait3A_203 = tpu.memref_slice %arg18[%dma_wait3A_201, %dma_wait3A_202] : memref<10000x128xf32, #tpu.memory_space<vmem_shared>> -> memref<128x128xf32, #tpu.memory_space<vmem_shared>>
      %dma_wait3A_204 = arith.constant 9488 : i32
      %dma_wait3A_205 = arith.constant 0 : i32
      %dma_wait3A_206 = tpu.memref_slice %arg18[%dma_wait3A_204, %dma_wait3A_205] : memref<10000x128xf32, #tpu.memory_space<vmem_shared>> -> memref<128x128xf32, #tpu.memory_space<vmem_shared>>
      %dma_wait3A_207 = arith.constant 0 : i32
      %dma_wait3A_208 = arith.constant 0 : i32
      %dma_wait3A_209 = tpu.memref_slice %arg9[%dma_wait3A_207, %dma_wait3A_208] : memref<128x128xf32, #tpu.memory_space<vmem>> -> memref<128x128xf32, #tpu.memory_space<vmem>>
      tpu.wait_dma2 semaphore(%arg16 : memref<!tpu.dma_semaphore, #tpu.memory_space<semaphore_mem>>) src(%dma_wait3A_209 : memref<128x128xf32, #tpu.memory_space<vmem>>) dst(%dma_wait3A_206 : memref<128x128xf32, #tpu.memory_space<vmem_shared>>)
      %dma_wait3A_210 = arith.constant 0 : i32
      %dma_wait3A_211 = arith.constant 0 : i32
      %dma_wait3A_212 = tpu.memref_slice %arg9[%dma_wait3A_210, %dma_wait3A_211] : memref<128x128xf32, #tpu.memory_space<vmem>> -> memref<128x128xf32, #tpu.memory_space<vmem>>
      %dma_wait3A_213 = arith.constant 9616 : i32
      %dma_wait3A_214 = arith.constant 0 : i32
      %dma_wait3A_215 = tpu.memref_slice %arg18[%dma_wait3A_213, %dma_wait3A_214] : memref<10000x128xf32, #tpu.memory_space<vmem_shared>> -> memref<128x128xf32, #tpu.memory_space<vmem_shared>>
      %dma_wait3A_216 = arith.constant 9616 : i32
      %dma_wait3A_217 = arith.constant 0 : i32
      %dma_wait3A_218 = tpu.memref_slice %arg18[%dma_wait3A_216, %dma_wait3A_217] : memref<10000x128xf32, #tpu.memory_space<vmem_shared>> -> memref<128x128xf32, #tpu.memory_space<vmem_shared>>
      %dma_wait3A_219 = arith.constant 0 : i32
      %dma_wait3A_220 = arith.constant 0 : i32
      %dma_wait3A_221 = tpu.memref_slice %arg9[%dma_wait3A_219, %dma_wait3A_220] : memref<128x128xf32, #tpu.memory_space<vmem>> -> memref<128x128xf32, #tpu.memory_space<vmem>>
      tpu.wait_dma2 semaphore(%arg16 : memref<!tpu.dma_semaphore, #tpu.memory_space<semaphore_mem>>) src(%dma_wait3A_221 : memref<128x128xf32, #tpu.memory_space<vmem>>) dst(%dma_wait3A_218 : memref<128x128xf32, #tpu.memory_space<vmem_shared>>)
      %dma_wait3A_222 = arith.constant 0 : i32
      %dma_wait3A_223 = arith.constant 0 : i32
      %dma_wait3A_224 = tpu.memref_slice %arg9[%dma_wait3A_222, %dma_wait3A_223] : memref<128x128xf32, #tpu.memory_space<vmem>> -> memref<128x128xf32, #tpu.memory_space<vmem>>
      %dma_wait3A_225 = arith.constant 9744 : i32
      %dma_wait3A_226 = arith.constant 0 : i32
      %dma_wait3A_227 = tpu.memref_slice %arg18[%dma_wait3A_225, %dma_wait3A_226] : memref<10000x128xf32, #tpu.memory_space<vmem_shared>> -> memref<128x128xf32, #tpu.memory_space<vmem_shared>>
      %dma_wait3A_228 = arith.constant 9744 : i32
      %dma_wait3A_229 = arith.constant 0 : i32
      %dma_wait3A_230 = tpu.memref_slice %arg18[%dma_wait3A_228, %dma_wait3A_229] : memref<10000x128xf32, #tpu.memory_space<vmem_shared>> -> memref<128x128xf32, #tpu.memory_space<vmem_shared>>
      %dma_wait3A_231 = arith.constant 0 : i32
      %dma_wait3A_232 = arith.constant 0 : i32
      %dma_wait3A_233 = tpu.memref_slice %arg9[%dma_wait3A_231, %dma_wait3A_232] : memref<128x128xf32, #tpu.memory_space<vmem>> -> memref<128x128xf32, #tpu.memory_space<vmem>>
      tpu.wait_dma2 semaphore(%arg16 : memref<!tpu.dma_semaphore, #tpu.memory_space<semaphore_mem>>) src(%dma_wait3A_233 : memref<128x128xf32, #tpu.memory_space<vmem>>) dst(%dma_wait3A_230 : memref<128x128xf32, #tpu.memory_space<vmem_shared>>)
      %dma_wait3A_234 = arith.constant 0 : i32
      %dma_wait3A_235 = arith.constant 0 : i32
      %dma_wait3A_236 = tpu.memref_slice %arg9[%dma_wait3A_234, %dma_wait3A_235] : memref<128x128xf32, #tpu.memory_space<vmem>> -> memref<128x128xf32, #tpu.memory_space<vmem>>
      %dma_wait3A_237 = arith.constant 9872 : i32
      %dma_wait3A_238 = arith.constant 0 : i32
      %dma_wait3A_239 = tpu.memref_slice %arg18[%dma_wait3A_237, %dma_wait3A_238] : memref<10000x128xf32, #tpu.memory_space<vmem_shared>> -> memref<128x128xf32, #tpu.memory_space<vmem_shared>>
      %dma_wait3A_240 = arith.constant 9872 : i32
      %dma_wait3A_241 = arith.constant 0 : i32
      %dma_wait3A_242 = tpu.memref_slice %arg18[%dma_wait3A_240, %dma_wait3A_241] : memref<10000x128xf32, #tpu.memory_space<vmem_shared>> -> memref<128x128xf32, #tpu.memory_space<vmem_shared>>
      %dma_wait3A_243 = arith.constant 0 : i32
      %dma_wait3A_244 = arith.constant 0 : i32
      %dma_wait3A_245 = tpu.memref_slice %arg9[%dma_wait3A_243, %dma_wait3A_244] : memref<128x128xf32, #tpu.memory_space<vmem>> -> memref<128x128xf32, #tpu.memory_space<vmem>>
      tpu.wait_dma2 semaphore(%arg16 : memref<!tpu.dma_semaphore, #tpu.memory_space<semaphore_mem>>) src(%dma_wait3A_245 : memref<128x128xf32, #tpu.memory_space<vmem>>) dst(%dma_wait3A_242 : memref<128x128xf32, #tpu.memory_space<vmem_shared>>)
    } else {
    }
    %barrier3A = arith.constant 0 : index
    tpu.barrier barrier_id(%barrier3A)
    %add3A_22 = arith.constant 0 : i32
    %add3A_23 = arith.addi %mul3A_2, %add3A_22 : i32
    %mul3A_24 = arith.constant 128 : i32
    %mul3A_25 = arith.muli %add3A_23, %mul3A_24 : i32
    %dma_start3A = arith.constant 0 : i32
    %dma_start3A_26 = tpu.memref_slice %arg2[%dma_start3A, %mul3A_25] : memref<2x320000xi32, #tpu.memory_space<hbm>> -> memref<2x128xi32, #tpu.memory_space<hbm>>
    %dma_start3A_27 = arith.constant 0 : i32
    %dma_start3A_28 = tpu.memref_slice %arg2[%dma_start3A_27, %mul3A_25] : memref<2x320000xi32, #tpu.memory_space<hbm>> -> memref<2x128xi32, #tpu.memory_space<hbm>>
    tpu.enqueue_dma source(%dma_start3A_28 : memref<2x128xi32, #tpu.memory_space<hbm>>) target(%arg6 : memref<2x128xi32, #tpu.memory_space<vmem>>) target_semaphore(%arg11 : memref<!tpu.dma_semaphore, #tpu.memory_space<semaphore_mem>>)
    %add3A_29 = arith.constant 1 : i32
    %add3A_30 = arith.addi %mul3A_2, %add3A_29 : i32
    %mul3A_31 = arith.constant 128 : i32
    %mul3A_32 = arith.muli %add3A_30, %mul3A_31 : i32
    %dma_start3A_33 = arith.constant 0 : i32
    %dma_start3A_34 = tpu.memref_slice %arg2[%dma_start3A_33, %mul3A_32] : memref<2x320000xi32, #tpu.memory_space<hbm>> -> memref<2x128xi32, #tpu.memory_space<hbm>>
    %dma_start3A_35 = arith.constant 0 : i32
    %dma_start3A_36 = tpu.memref_slice %arg2[%dma_start3A_35, %mul3A_32] : memref<2x320000xi32, #tpu.memory_space<hbm>> -> memref<2x128xi32, #tpu.memory_space<hbm>>
    tpu.enqueue_dma source(%dma_start3A_36 : memref<2x128xi32, #tpu.memory_space<hbm>>) target(%arg7 : memref<2x128xi32, #tpu.memory_space<vmem>>) target_semaphore(%arg12 : memref<!tpu.dma_semaphore, #tpu.memory_space<semaphore_mem>>)
    %add3A_37 = arith.constant 2 : i32
    %add3A_38 = arith.addi %mul3A_2, %add3A_37 : i32
    %mul3A_39 = arith.constant 128 : i32
    %mul3A_40 = arith.muli %add3A_38, %mul3A_39 : i32
    %dma_start3A_41 = arith.constant 0 : i32
    %dma_start3A_42 = tpu.memref_slice %arg2[%dma_start3A_41, %mul3A_40] : memref<2x320000xi32, #tpu.memory_space<hbm>> -> memref<2x128xi32, #tpu.memory_space<hbm>>
    %dma_start3A_43 = arith.constant 0 : i32
    %dma_start3A_44 = tpu.memref_slice %arg2[%dma_start3A_43, %mul3A_40] : memref<2x320000xi32, #tpu.memory_space<hbm>> -> memref<2x128xi32, #tpu.memory_space<hbm>>
    tpu.enqueue_dma source(%dma_start3A_44 : memref<2x128xi32, #tpu.memory_space<hbm>>) target(%arg8 : memref<2x128xi32, #tpu.memory_space<vmem>>) target_semaphore(%arg13 : memref<!tpu.dma_semaphore, #tpu.memory_space<semaphore_mem>>)
    %dma_wait3A = arith.constant 0 : i32
    %dma_wait3A_45 = arith.constant 0 : i32
    %dma_wait3A_46 = tpu.memref_slice %arg2[%dma_wait3A, %dma_wait3A_45] : memref<2x320000xi32, #tpu.memory_space<hbm>> -> memref<2x128xi32, #tpu.memory_space<hbm>>
    %dma_wait3A_47 = arith.constant 0 : i32
    %dma_wait3A_48 = arith.constant 0 : i32
    %dma_wait3A_49 = tpu.memref_slice %arg2[%dma_wait3A_47, %dma_wait3A_48] : memref<2x320000xi32, #tpu.memory_space<hbm>> -> memref<2x128xi32, #tpu.memory_space<hbm>>
    tpu.wait_dma2 semaphore(%arg11 : memref<!tpu.dma_semaphore, #tpu.memory_space<semaphore_mem>>) src(%dma_wait3A_49 : memref<2x128xi32, #tpu.memory_space<hbm>>) dst(%arg6 : memref<2x128xi32, #tpu.memory_space<vmem>>)
    %dma_start3A_50 = arith.constant 0 : i32
    %dma_start3A_51 = arith.constant 0 : i32
    %dma_start3A_52 = tpu.memref_slice %arg6[%dma_start3A_50, %dma_start3A_51] : memref<2x128xi32, #tpu.memory_space<vmem>> -> memref<1x128xi32, #tpu.memory_space<vmem>>
    %dma_start3A_53 = tpu.memref_squeeze %dma_start3A_52 : memref<1x128xi32, #tpu.memory_space<vmem>> -> memref<128xi32, #tpu.memory_space<vmem>>
    %dma_start3A_54 = arith.constant 0 : i32
    %dma_start3A_55 = arith.constant 0 : i32
    %dma_start3A_56 = tpu.memref_slice %arg3[%dma_start3A_54, %dma_start3A_55] : memref<10000x128xf32, #tpu.memory_space<hbm>> -> memref<10000x128xf32, #tpu.memory_space<hbm>>
    tpu.enqueue_indirect_dma source(%dma_start3A_56 : memref<10000x128xf32, #tpu.memory_space<hbm>>) target(%arg9 : memref<128x128xf32, #tpu.memory_space<vmem>>) offsets(%dma_start3A_53 : memref<128xi32, #tpu.memory_space<vmem>>) semaphore(%arg14 : memref<!tpu.dma_semaphore, #tpu.memory_space<semaphore_mem>>)
    %sub3A = arith.constant 2 : i32
    %sub3A_57 = arith.subi %select_n3A, %sub3A : i32
    %jit3A_58 = arith.constant 6 : i32
    %div3A = arith.divsi %sub3A_57, %jit3A_58 : i32
    %sign3A = arith.constant 0 : i32
    %sign3A_59 = arith.cmpi sgt, %sub3A_57, %sign3A : i32
    %sign3A_60 = arith.extui %sign3A_59 : i1 to i32
    %sign3A_61 = arith.constant 0 : i32
    %sign3A_62 = arith.cmpi slt, %sub3A_57, %sign3A_61 : i32
    %sign3A_63 = arith.extui %sign3A_62 : i1 to i32
    %sign3A_64 = arith.subi %sign3A_60, %sign3A_63 : i32
    %sign3A_65 = arith.constant 0 : i32
    %sign3A_66 = arith.cmpi sgt, %jit3A_58, %sign3A_65 : i32
    %sign3A_67 = arith.extui %sign3A_66 : i1 to i32
    %sign3A_68 = arith.constant 0 : i32
    %sign3A_69 = arith.cmpi slt, %jit3A_58, %sign3A_68 : i32
    %sign3A_70 = arith.extui %sign3A_69 : i1 to i32
    %sign3A_71 = arith.subi %sign3A_67, %sign3A_70 : i32
    %ne3A = arith.cmpi ne, %sign3A_64, %sign3A_71 : i32
    %rem3A = arith.remsi %sub3A_57, %jit3A_58 : i32
    %ne3A_72 = arith.constant 0 : i32
    %ne3A_73 = arith.cmpi ne, %rem3A, %ne3A_72 : i32
    %and3A = arith.andi %ne3A, %ne3A_73 : i1
    %sub3A_74 = arith.constant 1 : i32
    %sub3A_75 = arith.subi %div3A, %sub3A_74 : i32
    %select_n3A_76 = arith.select %and3A, %sub3A_75, %div3A : i32
    %sub3A_77 = arith.constant 0 : i32
    %sub3A_78 = arith.subi %select_n3A_76, %sub3A_77 : i32
    %sub3A_79 = arith.constant 1 : i32
    %sub3A_80 = arith.constant 1 : i32
    %sub3A_81 = arith.subi %sub3A_79, %sub3A_80 : i32
    %add3A_82 = arith.addi %sub3A_78, %sub3A_81 : i32
    %div3A_83 = arith.constant 1 : i32
    %div3A_84 = arith.divsi %add3A_82, %div3A_83 : i32
    %while3A = arith.constant 1 : i32
    %while3A_85 = arith.constant 0 : i32
    %while3A_86 = arith.constant 0 : i32
    %while3A_87 = arith.subi %div3A_84, %while3A_86 : i32
    %while3A_88 = arith.addi %while3A_86, %while3A_87 : i32
    %while3A_89 = arith.constant 1 : i32
    %while3A_90 = arith.divsi %while3A_87, %while3A_89 : i32
    %while3A_91 = arith.muli %while3A_90, %while3A_89 : i32
    %while3A_92 = arith.addi %while3A_86, %while3A_91 : i32
    %while3A_93 = arith.constant 1 : i32
    scf.for %while3A_186 = %while3A_86 to %while3A_92 step %while3A_93  : i32 {
      %mul3A_187 = arith.muli %while3A_186, %while3A : i32
      %add3A_188 = arith.addi %while3A_85, %mul3A_187 : i32
      %mul3A_189 = arith.constant 6 : i32
      %mul3A_190 = arith.muli %add3A_188, %mul3A_189 : i32
      %add3A_191 = arith.constant 0 : i32
      %add3A_192 = arith.addi %mul3A_190, %add3A_191 : i32
      %dma_wait3A_193 = arith.constant 0 : i32
      %dma_wait3A_194 = arith.constant 0 : i32
      %dma_wait3A_195 = tpu.memref_slice %arg6[%dma_wait3A_193, %dma_wait3A_194] : memref<2x128xi32, #tpu.memory_space<vmem>> -> memref<1x128xi32, #tpu.memory_space<vmem>>
      %dma_wait3A_196 = tpu.memref_squeeze %dma_wait3A_195 : memref<1x128xi32, #tpu.memory_space<vmem>> -> memref<128xi32, #tpu.memory_space<vmem>>
      %dma_wait3A_197 = arith.constant 0 : i32
      %dma_wait3A_198 = arith.constant 0 : i32
      %dma_wait3A_199 = tpu.memref_slice %arg3[%dma_wait3A_197, %dma_wait3A_198] : memref<10000x128xf32, #tpu.memory_space<hbm>> -> memref<10000x128xf32, #tpu.memory_space<hbm>>
      tpu.wait_indirect_dma semaphore(%arg14 : memref<!tpu.dma_semaphore, #tpu.memory_space<semaphore_mem>>) src(%dma_wait3A_199 : memref<10000x128xf32, #tpu.memory_space<hbm>>) dst(%arg9 : memref<128x128xf32, #tpu.memory_space<vmem>>)
      %add3A_200 = arith.constant 1 : i32
      %add3A_201 = arith.addi %add3A_192, %add3A_200 : i32
      %lt3A_202 = arith.cmpi slt, %add3A_201, %select_n3A : i32
      %convert_element_type3A_203 = arith.extui %lt3A_202 : i1 to i32
      %cond3A_204 = arith.constant 0 : i32
      %cond3A_205 = arith.cmpi ne, %convert_element_type3A_203, %cond3A_204 : i32
      scf.if %cond3A_205 {
        %dma_wait3A_411 = arith.constant 0 : i32
        %dma_wait3A_412 = arith.constant 0 : i32
        %dma_wait3A_413 = tpu.memref_slice %arg2[%dma_wait3A_411, %dma_wait3A_412] : memref<2x320000xi32, #tpu.memory_space<hbm>> -> memref<2x128xi32, #tpu.memory_space<hbm>>
        %dma_wait3A_414 = arith.constant 0 : i32
        %dma_wait3A_415 = arith.constant 0 : i32
        %dma_wait3A_416 = tpu.memref_slice %arg2[%dma_wait3A_414, %dma_wait3A_415] : memref<2x320000xi32, #tpu.memory_space<hbm>> -> memref<2x128xi32, #tpu.memory_space<hbm>>
        tpu.wait_dma2 semaphore(%arg12 : memref<!tpu.dma_semaphore, #tpu.memory_space<semaphore_mem>>) src(%dma_wait3A_416 : memref<2x128xi32, #tpu.memory_space<hbm>>) dst(%arg7 : memref<2x128xi32, #tpu.memory_space<vmem>>)
        %dma_start3A_417 = arith.constant 0 : i32
        %dma_start3A_418 = arith.constant 0 : i32
        %dma_start3A_419 = tpu.memref_slice %arg7[%dma_start3A_417, %dma_start3A_418] : memref<2x128xi32, #tpu.memory_space<vmem>> -> memref<1x128xi32, #tpu.memory_space<vmem>>
        %dma_start3A_420 = tpu.memref_squeeze %dma_start3A_419 : memref<1x128xi32, #tpu.memory_space<vmem>> -> memref<128xi32, #tpu.memory_space<vmem>>
        %dma_start3A_421 = arith.constant 0 : i32
        %dma_start3A_422 = arith.constant 0 : i32
        %dma_start3A_423 = tpu.memref_slice %arg3[%dma_start3A_421, %dma_start3A_422] : memref<10000x128xf32, #tpu.memory_space<hbm>> -> memref<10000x128xf32, #tpu.memory_space<hbm>>
        tpu.enqueue_indirect_dma source(%dma_start3A_423 : memref<10000x128xf32, #tpu.memory_space<hbm>>) target(%arg10 : memref<128x128xf32, #tpu.memory_space<vmem>>) offsets(%dma_start3A_420 : memref<128xi32, #tpu.memory_space<vmem>>) semaphore(%arg15 : memref<!tpu.dma_semaphore, #tpu.memory_space<semaphore_mem>>)
      } else {
      }
      %dma_start3A_206 = arith.constant 1 : i32
      %dma_start3A_207 = arith.constant 0 : i32
      %dma_start3A_208 = tpu.memref_slice %arg6[%dma_start3A_206, %dma_start3A_207] : memref<2x128xi32, #tpu.memory_space<vmem>> -> memref<1x128xi32, #tpu.memory_space<vmem>>
      %dma_start3A_209 = tpu.memref_squeeze %dma_start3A_208 : memref<1x128xi32, #tpu.memory_space<vmem>> -> memref<128xi32, #tpu.memory_space<vmem>>
      %dma_start3A_210 = arith.constant 0 : i32
      %dma_start3A_211 = arith.constant 0 : i32
      %dma_start3A_212 = tpu.memref_slice %arg18[%dma_start3A_210, %dma_start3A_211] : memref<10000x128xf32, #tpu.memory_space<vmem_shared>> -> memref<10000x128xf32, #tpu.memory_space<vmem_shared>>
      tpu.enqueue_indirect_dma source(%arg9 : memref<128x128xf32, #tpu.memory_space<vmem>>) target(%dma_start3A_212 : memref<10000x128xf32, #tpu.memory_space<vmem_shared>>) offsets(%dma_start3A_209 : memref<128xi32, #tpu.memory_space<vmem>>) semaphore(%arg16 : memref<!tpu.dma_semaphore, #tpu.memory_space<semaphore_mem>>) {add = true}
      %dma_wait3A_213 = arith.constant 1 : i32
      %dma_wait3A_214 = arith.constant 0 : i32
      %dma_wait3A_215 = tpu.memref_slice %arg6[%dma_wait3A_213, %dma_wait3A_214] : memref<2x128xi32, #tpu.memory_space<vmem>> -> memref<1x128xi32, #tpu.memory_space<vmem>>
      %dma_wait3A_216 = tpu.memref_squeeze %dma_wait3A_215 : memref<1x128xi32, #tpu.memory_space<vmem>> -> memref<128xi32, #tpu.memory_space<vmem>>
      %dma_wait3A_217 = arith.constant 0 : i32
      %dma_wait3A_218 = arith.constant 0 : i32
      %dma_wait3A_219 = tpu.memref_slice %arg18[%dma_wait3A_217, %dma_wait3A_218] : memref<10000x128xf32, #tpu.memory_space<vmem_shared>> -> memref<10000x128xf32, #tpu.memory_space<vmem_shared>>
      tpu.wait_indirect_dma semaphore(%arg16 : memref<!tpu.dma_semaphore, #tpu.memory_space<semaphore_mem>>) src(%arg9 : memref<128x128xf32, #tpu.memory_space<vmem>>) dst(%dma_wait3A_219 : memref<10000x128xf32, #tpu.memory_space<vmem_shared>>)
      %add3A_220 = arith.constant 3 : i32
      %add3A_221 = arith.addi %add3A_192, %add3A_220 : i32
      %lt3A_222 = arith.cmpi slt, %add3A_221, %select_n3A : i32
      %convert_element_type3A_223 = arith.extui %lt3A_222 : i1 to i32
      %cond3A_224 = arith.constant 0 : i32
      %cond3A_225 = arith.cmpi ne, %convert_element_type3A_223, %cond3A_224 : i32
      scf.if %cond3A_225 {
        %add3A_411 = arith.constant 3 : i32
        %add3A_412 = arith.addi %add3A_192, %add3A_411 : i32
        %add3A_413 = arith.addi %mul3A_2, %add3A_412 : i32
        %mul3A_414 = arith.constant 128 : i32
        %mul3A_415 = arith.muli %add3A_413, %mul3A_414 : i32
        %dma_start3A_416 = arith.constant 0 : i32
        %dma_start3A_417 = tpu.memref_slice %arg2[%dma_start3A_416, %mul3A_415] : memref<2x320000xi32, #tpu.memory_space<hbm>> -> memref<2x128xi32, #tpu.memory_space<hbm>>
        %dma_start3A_418 = arith.constant 0 : i32
        %dma_start3A_419 = tpu.memref_slice %arg2[%dma_start3A_418, %mul3A_415] : memref<2x320000xi32, #tpu.memory_space<hbm>> -> memref<2x128xi32, #tpu.memory_space<hbm>>
        tpu.enqueue_dma source(%dma_start3A_419 : memref<2x128xi32, #tpu.memory_space<hbm>>) target(%arg6 : memref<2x128xi32, #tpu.memory_space<vmem>>) target_semaphore(%arg11 : memref<!tpu.dma_semaphore, #tpu.memory_space<semaphore_mem>>)
      } else {
      }
      %mul3A_226 = arith.constant 6 : i32
      %mul3A_227 = arith.muli %add3A_188, %mul3A_226 : i32
      %add3A_228 = arith.constant 1 : i32
      %add3A_229 = arith.addi %mul3A_227, %add3A_228 : i32
      %dma_wait3A_230 = arith.constant 0 : i32
      %dma_wait3A_231 = arith.constant 0 : i32
      %dma_wait3A_232 = tpu.memref_slice %arg7[%dma_wait3A_230, %dma_wait3A_231] : memref<2x128xi32, #tpu.memory_space<vmem>> -> memref<1x128xi32, #tpu.memory_space<vmem>>
      %dma_wait3A_233 = tpu.memref_squeeze %dma_wait3A_232 : memref<1x128xi32, #tpu.memory_space<vmem>> -> memref<128xi32, #tpu.memory_space<vmem>>
      %dma_wait3A_234 = arith.constant 0 : i32
      %dma_wait3A_235 = arith.constant 0 : i32
      %dma_wait3A_236 = tpu.memref_slice %arg3[%dma_wait3A_234, %dma_wait3A_235] : memref<10000x128xf32, #tpu.memory_space<hbm>> -> memref<10000x128xf32, #tpu.memory_space<hbm>>
      tpu.wait_indirect_dma semaphore(%arg15 : memref<!tpu.dma_semaphore, #tpu.memory_space<semaphore_mem>>) src(%dma_wait3A_236 : memref<10000x128xf32, #tpu.memory_space<hbm>>) dst(%arg10 : memref<128x128xf32, #tpu.memory_space<vmem>>)
      %add3A_237 = arith.constant 1 : i32
      %add3A_238 = arith.addi %add3A_229, %add3A_237 : i32
      %lt3A_239 = arith.cmpi slt, %add3A_238, %select_n3A : i32
      %convert_element_type3A_240 = arith.extui %lt3A_239 : i1 to i32
      %cond3A_241 = arith.constant 0 : i32
      %cond3A_242 = arith.cmpi ne, %convert_element_type3A_240, %cond3A_241 : i32
      scf.if %cond3A_242 {
        %dma_wait3A_411 = arith.constant 0 : i32
        %dma_wait3A_412 = arith.constant 0 : i32
        %dma_wait3A_413 = tpu.memref_slice %arg2[%dma_wait3A_411, %dma_wait3A_412] : memref<2x320000xi32, #tpu.memory_space<hbm>> -> memref<2x128xi32, #tpu.memory_space<hbm>>
        %dma_wait3A_414 = arith.constant 0 : i32
        %dma_wait3A_415 = arith.constant 0 : i32
        %dma_wait3A_416 = tpu.memref_slice %arg2[%dma_wait3A_414, %dma_wait3A_415] : memref<2x320000xi32, #tpu.memory_space<hbm>> -> memref<2x128xi32, #tpu.memory_space<hbm>>
        tpu.wait_dma2 semaphore(%arg13 : memref<!tpu.dma_semaphore, #tpu.memory_space<semaphore_mem>>) src(%dma_wait3A_416 : memref<2x128xi32, #tpu.memory_space<hbm>>) dst(%arg8 : memref<2x128xi32, #tpu.memory_space<vmem>>)
        %dma_start3A_417 = arith.constant 0 : i32
        %dma_start3A_418 = arith.constant 0 : i32
        %dma_start3A_419 = tpu.memref_slice %arg8[%dma_start3A_417, %dma_start3A_418] : memref<2x128xi32, #tpu.memory_space<vmem>> -> memref<1x128xi32, #tpu.memory_space<vmem>>
        %dma_start3A_420 = tpu.memref_squeeze %dma_start3A_419 : memref<1x128xi32, #tpu.memory_space<vmem>> -> memref<128xi32, #tpu.memory_space<vmem>>
        %dma_start3A_421 = arith.constant 0 : i32
        %dma_start3A_422 = arith.constant 0 : i32
        %dma_start3A_423 = tpu.memref_slice %arg3[%dma_start3A_421, %dma_start3A_422] : memref<10000x128xf32, #tpu.memory_space<hbm>> -> memref<10000x128xf32, #tpu.memory_space<hbm>>
        tpu.enqueue_indirect_dma source(%dma_start3A_423 : memref<10000x128xf32, #tpu.memory_space<hbm>>) target(%arg9 : memref<128x128xf32, #tpu.memory_space<vmem>>) offsets(%dma_start3A_420 : memref<128xi32, #tpu.memory_space<vmem>>) semaphore(%arg14 : memref<!tpu.dma_semaphore, #tpu.memory_space<semaphore_mem>>)
      } else {
      }
      %dma_start3A_243 = arith.constant 1 : i32
      %dma_start3A_244 = arith.constant 0 : i32
      %dma_start3A_245 = tpu.memref_slice %arg7[%dma_start3A_243, %dma_start3A_244] : memref<2x128xi32, #tpu.memory_space<vmem>> -> memref<1x128xi32, #tpu.memory_space<vmem>>
      %dma_start3A_246 = tpu.memref_squeeze %dma_start3A_245 : memref<1x128xi32, #tpu.memory_space<vmem>> -> memref<128xi32, #tpu.memory_space<vmem>>
      %dma_start3A_247 = arith.constant 0 : i32
      %dma_start3A_248 = arith.constant 0 : i32
      %dma_start3A_249 = tpu.memref_slice %arg18[%dma_start3A_247, %dma_start3A_248] : memref<10000x128xf32, #tpu.memory_space<vmem_shared>> -> memref<10000x128xf32, #tpu.memory_space<vmem_shared>>
      tpu.enqueue_indirect_dma source(%arg10 : memref<128x128xf32, #tpu.memory_space<vmem>>) target(%dma_start3A_249 : memref<10000x128xf32, #tpu.memory_space<vmem_shared>>) offsets(%dma_start3A_246 : memref<128xi32, #tpu.memory_space<vmem>>) semaphore(%arg17 : memref<!tpu.dma_semaphore, #tpu.memory_space<semaphore_mem>>) {add = true}
      %dma_wait3A_250 = arith.constant 1 : i32
      %dma_wait3A_251 = arith.constant 0 : i32
      %dma_wait3A_252 = tpu.memref_slice %arg7[%dma_wait3A_250, %dma_wait3A_251] : memref<2x128xi32, #tpu.memory_space<vmem>> -> memref<1x128xi32, #tpu.memory_space<vmem>>
      %dma_wait3A_253 = tpu.memref_squeeze %dma_wait3A_252 : memref<1x128xi32, #tpu.memory_space<vmem>> -> memref<128xi32, #tpu.memory_space<vmem>>
      %dma_wait3A_254 = arith.constant 0 : i32
      %dma_wait3A_255 = arith.constant 0 : i32
      %dma_wait3A_256 = tpu.memref_slice %arg18[%dma_wait3A_254, %dma_wait3A_255] : memref<10000x128xf32, #tpu.memory_space<vmem_shared>> -> memref<10000x128xf32, #tpu.memory_space<vmem_shared>>
      tpu.wait_indirect_dma semaphore(%arg17 : memref<!tpu.dma_semaphore, #tpu.memory_space<semaphore_mem>>) src(%arg10 : memref<128x128xf32, #tpu.memory_space<vmem>>) dst(%dma_wait3A_256 : memref<10000x128xf32, #tpu.memory_space<vmem_shared>>)
      %add3A_257 = arith.constant 3 : i32
      %add3A_258 = arith.addi %add3A_229, %add3A_257 : i32
      %lt3A_259 = arith.cmpi slt, %add3A_258, %select_n3A : i32
      %convert_element_type3A_260 = arith.extui %lt3A_259 : i1 to i32
      %cond3A_261 = arith.constant 0 : i32
      %cond3A_262 = arith.cmpi ne, %convert_element_type3A_260, %cond3A_261 : i32
      scf.if %cond3A_262 {
        %add3A_411 = arith.constant 3 : i32
        %add3A_412 = arith.addi %add3A_229, %add3A_411 : i32
        %add3A_413 = arith.addi %mul3A_2, %add3A_412 : i32
        %mul3A_414 = arith.constant 128 : i32
        %mul3A_415 = arith.muli %add3A_413, %mul3A_414 : i32
        %dma_start3A_416 = arith.constant 0 : i32
        %dma_start3A_417 = tpu.memref_slice %arg2[%dma_start3A_416, %mul3A_415] : memref<2x320000xi32, #tpu.memory_space<hbm>> -> memref<2x128xi32, #tpu.memory_space<hbm>>
        %dma_start3A_418 = arith.constant 0 : i32
        %dma_start3A_419 = tpu.memref_slice %arg2[%dma_start3A_418, %mul3A_415] : memref<2x320000xi32, #tpu.memory_space<hbm>> -> memref<2x128xi32, #tpu.memory_space<hbm>>
        tpu.enqueue_dma source(%dma_start3A_419 : memref<2x128xi32, #tpu.memory_space<hbm>>) target(%arg7 : memref<2x128xi32, #tpu.memory_space<vmem>>) target_semaphore(%arg12 : memref<!tpu.dma_semaphore, #tpu.memory_space<semaphore_mem>>)
      } else {
      }
      %mul3A_263 = arith.constant 6 : i32
      %mul3A_264 = arith.muli %add3A_188, %mul3A_263 : i32
      %add3A_265 = arith.constant 2 : i32
      %add3A_266 = arith.addi %mul3A_264, %add3A_265 : i32
      %dma_wait3A_267 = arith.constant 0 : i32
      %dma_wait3A_268 = arith.constant 0 : i32
      %dma_wait3A_269 = tpu.memref_slice %arg8[%dma_wait3A_267, %dma_wait3A_268] : memref<2x128xi32, #tpu.memory_space<vmem>> -> memref<1x128xi32, #tpu.memory_space<vmem>>
      %dma_wait3A_270 = tpu.memref_squeeze %dma_wait3A_269 : memref<1x128xi32, #tpu.memory_space<vmem>> -> memref<128xi32, #tpu.memory_space<vmem>>
      %dma_wait3A_271 = arith.constant 0 : i32
      %dma_wait3A_272 = arith.constant 0 : i32
      %dma_wait3A_273 = tpu.memref_slice %arg3[%dma_wait3A_271, %dma_wait3A_272] : memref<10000x128xf32, #tpu.memory_space<hbm>> -> memref<10000x128xf32, #tpu.memory_space<hbm>>
      tpu.wait_indirect_dma semaphore(%arg14 : memref<!tpu.dma_semaphore, #tpu.memory_space<semaphore_mem>>) src(%dma_wait3A_273 : memref<10000x128xf32, #tpu.memory_space<hbm>>) dst(%arg9 : memref<128x128xf32, #tpu.memory_space<vmem>>)
      %add3A_274 = arith.constant 1 : i32
      %add3A_275 = arith.addi %add3A_266, %add3A_274 : i32
      %lt3A_276 = arith.cmpi slt, %add3A_275, %select_n3A : i32
      %convert_element_type3A_277 = arith.extui %lt3A_276 : i1 to i32
      %cond3A_278 = arith.constant 0 : i32
      %cond3A_279 = arith.cmpi ne, %convert_element_type3A_277, %cond3A_278 : i32
      scf.if %cond3A_279 {
        %dma_wait3A_411 = arith.constant 0 : i32
        %dma_wait3A_412 = arith.constant 0 : i32
        %dma_wait3A_413 = tpu.memref_slice %arg2[%dma_wait3A_411, %dma_wait3A_412] : memref<2x320000xi32, #tpu.memory_space<hbm>> -> memref<2x128xi32, #tpu.memory_space<hbm>>
        %dma_wait3A_414 = arith.constant 0 : i32
        %dma_wait3A_415 = arith.constant 0 : i32
        %dma_wait3A_416 = tpu.memref_slice %arg2[%dma_wait3A_414, %dma_wait3A_415] : memref<2x320000xi32, #tpu.memory_space<hbm>> -> memref<2x128xi32, #tpu.memory_space<hbm>>
        tpu.wait_dma2 semaphore(%arg11 : memref<!tpu.dma_semaphore, #tpu.memory_space<semaphore_mem>>) src(%dma_wait3A_416 : memref<2x128xi32, #tpu.memory_space<hbm>>) dst(%arg6 : memref<2x128xi32, #tpu.memory_space<vmem>>)
        %dma_start3A_417 = arith.constant 0 : i32
        %dma_start3A_418 = arith.constant 0 : i32
        %dma_start3A_419 = tpu.memref_slice %arg6[%dma_start3A_417, %dma_start3A_418] : memref<2x128xi32, #tpu.memory_space<vmem>> -> memref<1x128xi32, #tpu.memory_space<vmem>>
        %dma_start3A_420 = tpu.memref_squeeze %dma_start3A_419 : memref<1x128xi32, #tpu.memory_space<vmem>> -> memref<128xi32, #tpu.memory_space<vmem>>
        %dma_start3A_421 = arith.constant 0 : i32
        %dma_start3A_422 = arith.constant 0 : i32
        %dma_start3A_423 = tpu.memref_slice %arg3[%dma_start3A_421, %dma_start3A_422] : memref<10000x128xf32, #tpu.memory_space<hbm>> -> memref<10000x128xf32, #tpu.memory_space<hbm>>
        tpu.enqueue_indirect_dma source(%dma_start3A_423 : memref<10000x128xf32, #tpu.memory_space<hbm>>) target(%arg10 : memref<128x128xf32, #tpu.memory_space<vmem>>) offsets(%dma_start3A_420 : memref<128xi32, #tpu.memory_space<vmem>>) semaphore(%arg15 : memref<!tpu.dma_semaphore, #tpu.memory_space<semaphore_mem>>)
      } else {
      }
      %dma_start3A_280 = arith.constant 1 : i32
      %dma_start3A_281 = arith.constant 0 : i32
      %dma_start3A_282 = tpu.memref_slice %arg8[%dma_start3A_280, %dma_start3A_281] : memref<2x128xi32, #tpu.memory_space<vmem>> -> memref<1x128xi32, #tpu.memory_space<vmem>>
      %dma_start3A_283 = tpu.memref_squeeze %dma_start3A_282 : memref<1x128xi32, #tpu.memory_space<vmem>> -> memref<128xi32, #tpu.memory_space<vmem>>
      %dma_start3A_284 = arith.constant 0 : i32
      %dma_start3A_285 = arith.constant 0 : i32
      %dma_start3A_286 = tpu.memref_slice %arg18[%dma_start3A_284, %dma_start3A_285] : memref<10000x128xf32, #tpu.memory_space<vmem_shared>> -> memref<10000x128xf32, #tpu.memory_space<vmem_shared>>
      tpu.enqueue_indirect_dma source(%arg9 : memref<128x128xf32, #tpu.memory_space<vmem>>) target(%dma_start3A_286 : memref<10000x128xf32, #tpu.memory_space<vmem_shared>>) offsets(%dma_start3A_283 : memref<128xi32, #tpu.memory_space<vmem>>) semaphore(%arg16 : memref<!tpu.dma_semaphore, #tpu.memory_space<semaphore_mem>>) {add = true}
      %dma_wait3A_287 = arith.constant 1 : i32
      %dma_wait3A_288 = arith.constant 0 : i32
      %dma_wait3A_289 = tpu.memref_slice %arg8[%dma_wait3A_287, %dma_wait3A_288] : memref<2x128xi32, #tpu.memory_space<vmem>> -> memref<1x128xi32, #tpu.memory_space<vmem>>
      %dma_wait3A_290 = tpu.memref_squeeze %dma_wait3A_289 : memref<1x128xi32, #tpu.memory_space<vmem>> -> memref<128xi32, #tpu.memory_space<vmem>>
      %dma_wait3A_291 = arith.constant 0 : i32
      %dma_wait3A_292 = arith.constant 0 : i32
      %dma_wait3A_293 = tpu.memref_slice %arg18[%dma_wait3A_291, %dma_wait3A_292] : memref<10000x128xf32, #tpu.memory_space<vmem_shared>> -> memref<10000x128xf32, #tpu.memory_space<vmem_shared>>
      tpu.wait_indirect_dma semaphore(%arg16 : memref<!tpu.dma_semaphore, #tpu.memory_space<semaphore_mem>>) src(%arg9 : memref<128x128xf32, #tpu.memory_space<vmem>>) dst(%dma_wait3A_293 : memref<10000x128xf32, #tpu.memory_space<vmem_shared>>)
      %add3A_294 = arith.constant 3 : i32
      %add3A_295 = arith.addi %add3A_266, %add3A_294 : i32
      %lt3A_296 = arith.cmpi slt, %add3A_295, %select_n3A : i32
      %convert_element_type3A_297 = arith.extui %lt3A_296 : i1 to i32
      %cond3A_298 = arith.constant 0 : i32
      %cond3A_299 = arith.cmpi ne, %convert_element_type3A_297, %cond3A_298 : i32
      scf.if %cond3A_299 {
        %add3A_411 = arith.constant 3 : i32
        %add3A_412 = arith.addi %add3A_266, %add3A_411 : i32
        %add3A_413 = arith.addi %mul3A_2, %add3A_412 : i32
        %mul3A_414 = arith.constant 128 : i32
        %mul3A_415 = arith.muli %add3A_413, %mul3A_414 : i32
        %dma_start3A_416 = arith.constant 0 : i32
        %dma_start3A_417 = tpu.memref_slice %arg2[%dma_start3A_416, %mul3A_415] : memref<2x320000xi32, #tpu.memory_space<hbm>> -> memref<2x128xi32, #tpu.memory_space<hbm>>
        %dma_start3A_418 = arith.constant 0 : i32
        %dma_start3A_419 = tpu.memref_slice %arg2[%dma_start3A_418, %mul3A_415] : memref<2x320000xi32, #tpu.memory_space<hbm>> -> memref<2x128xi32, #tpu.memory_space<hbm>>
        tpu.enqueue_dma source(%dma_start3A_419 : memref<2x128xi32, #tpu.memory_space<hbm>>) target(%arg8 : memref<2x128xi32, #tpu.memory_space<vmem>>) target_semaphore(%arg13 : memref<!tpu.dma_semaphore, #tpu.memory_space<semaphore_mem>>)
      } else {
      }
      %mul3A_300 = arith.constant 6 : i32
      %mul3A_301 = arith.muli %add3A_188, %mul3A_300 : i32
      %add3A_302 = arith.constant 3 : i32
      %add3A_303 = arith.addi %mul3A_301, %add3A_302 : i32
      %dma_wait3A_304 = arith.constant 0 : i32
      %dma_wait3A_305 = arith.constant 0 : i32
      %dma_wait3A_306 = tpu.memref_slice %arg6[%dma_wait3A_304, %dma_wait3A_305] : memref<2x128xi32, #tpu.memory_space<vmem>> -> memref<1x128xi32, #tpu.memory_space<vmem>>
      %dma_wait3A_307 = tpu.memref_squeeze %dma_wait3A_306 : memref<1x128xi32, #tpu.memory_space<vmem>> -> memref<128xi32, #tpu.memory_space<vmem>>
      %dma_wait3A_308 = arith.constant 0 : i32
      %dma_wait3A_309 = arith.constant 0 : i32
      %dma_wait3A_310 = tpu.memref_slice %arg3[%dma_wait3A_308, %dma_wait3A_309] : memref<10000x128xf32, #tpu.memory_space<hbm>> -> memref<10000x128xf32, #tpu.memory_space<hbm>>
      tpu.wait_indirect_dma semaphore(%arg15 : memref<!tpu.dma_semaphore, #tpu.memory_space<semaphore_mem>>) src(%dma_wait3A_310 : memref<10000x128xf32, #tpu.memory_space<hbm>>) dst(%arg10 : memref<128x128xf32, #tpu.memory_space<vmem>>)
      %add3A_311 = arith.constant 1 : i32
      %add3A_312 = arith.addi %add3A_303, %add3A_311 : i32
      %lt3A_313 = arith.cmpi slt, %add3A_312, %select_n3A : i32
      %convert_element_type3A_314 = arith.extui %lt3A_313 : i1 to i32
      %cond3A_315 = arith.constant 0 : i32
      %cond3A_316 = arith.cmpi ne, %convert_element_type3A_314, %cond3A_315 : i32
      scf.if %cond3A_316 {
        %dma_wait3A_411 = arith.constant 0 : i32
        %dma_wait3A_412 = arith.constant 0 : i32
        %dma_wait3A_413 = tpu.memref_slice %arg2[%dma_wait3A_411, %dma_wait3A_412] : memref<2x320000xi32, #tpu.memory_space<hbm>> -> memref<2x128xi32, #tpu.memory_space<hbm>>
        %dma_wait3A_414 = arith.constant 0 : i32
        %dma_wait3A_415 = arith.constant 0 : i32
        %dma_wait3A_416 = tpu.memref_slice %arg2[%dma_wait3A_414, %dma_wait3A_415] : memref<2x320000xi32, #tpu.memory_space<hbm>> -> memref<2x128xi32, #tpu.memory_space<hbm>>
        tpu.wait_dma2 semaphore(%arg12 : memref<!tpu.dma_semaphore, #tpu.memory_space<semaphore_mem>>) src(%dma_wait3A_416 : memref<2x128xi32, #tpu.memory_space<hbm>>) dst(%arg7 : memref<2x128xi32, #tpu.memory_space<vmem>>)
        %dma_start3A_417 = arith.constant 0 : i32
        %dma_start3A_418 = arith.constant 0 : i32
        %dma_start3A_419 = tpu.memref_slice %arg7[%dma_start3A_417, %dma_start3A_418] : memref<2x128xi32, #tpu.memory_space<vmem>> -> memref<1x128xi32, #tpu.memory_space<vmem>>
        %dma_start3A_420 = tpu.memref_squeeze %dma_start3A_419 : memref<1x128xi32, #tpu.memory_space<vmem>> -> memref<128xi32, #tpu.memory_space<vmem>>
        %dma_start3A_421 = arith.constant 0 : i32
        %dma_start3A_422 = arith.constant 0 : i32
        %dma_start3A_423 = tpu.memref_slice %arg3[%dma_start3A_421, %dma_start3A_422] : memref<10000x128xf32, #tpu.memory_space<hbm>> -> memref<10000x128xf32, #tpu.memory_space<hbm>>
        tpu.enqueue_indirect_dma source(%dma_start3A_423 : memref<10000x128xf32, #tpu.memory_space<hbm>>) target(%arg9 : memref<128x128xf32, #tpu.memory_space<vmem>>) offsets(%dma_start3A_420 : memref<128xi32, #tpu.memory_space<vmem>>) semaphore(%arg14 : memref<!tpu.dma_semaphore, #tpu.memory_space<semaphore_mem>>)
      } else {
      }
      %dma_start3A_317 = arith.constant 1 : i32
      %dma_start3A_318 = arith.constant 0 : i32
      %dma_start3A_319 = tpu.memref_slice %arg6[%dma_start3A_317, %dma_start3A_318] : memref<2x128xi32, #tpu.memory_space<vmem>> -> memref<1x128xi32, #tpu.memory_space<vmem>>
      %dma_start3A_320 = tpu.memref_squeeze %dma_start3A_319 : memref<1x128xi32, #tpu.memory_space<vmem>> -> memref<128xi32, #tpu.memory_space<vmem>>
      %dma_start3A_321 = arith.constant 0 : i32
      %dma_start3A_322 = arith.constant 0 : i32
      %dma_start3A_323 = tpu.memref_slice %arg18[%dma_start3A_321, %dma_start3A_322] : memref<10000x128xf32, #tpu.memory_space<vmem_shared>> -> memref<10000x128xf32, #tpu.memory_space<vmem_shared>>
      tpu.enqueue_indirect_dma source(%arg10 : memref<128x128xf32, #tpu.memory_space<vmem>>) target(%dma_start3A_323 : memref<10000x128xf32, #tpu.memory_space<vmem_shared>>) offsets(%dma_start3A_320 : memref<128xi32, #tpu.memory_space<vmem>>) semaphore(%arg17 : memref<!tpu.dma_semaphore, #tpu.memory_space<semaphore_mem>>) {add = true}
      %dma_wait3A_324 = arith.constant 1 : i32
      %dma_wait3A_325 = arith.constant 0 : i32
      %dma_wait3A_326 = tpu.memref_slice %arg6[%dma_wait3A_324, %dma_wait3A_325] : memref<2x128xi32, #tpu.memory_space<vmem>> -> memref<1x128xi32, #tpu.memory_space<vmem>>
      %dma_wait3A_327 = tpu.memref_squeeze %dma_wait3A_326 : memref<1x128xi32, #tpu.memory_space<vmem>> -> memref<128xi32, #tpu.memory_space<vmem>>
      %dma_wait3A_328 = arith.constant 0 : i32
      %dma_wait3A_329 = arith.constant 0 : i32
      %dma_wait3A_330 = tpu.memref_slice %arg18[%dma_wait3A_328, %dma_wait3A_329] : memref<10000x128xf32, #tpu.memory_space<vmem_shared>> -> memref<10000x128xf32, #tpu.memory_space<vmem_shared>>
      tpu.wait_indirect_dma semaphore(%arg17 : memref<!tpu.dma_semaphore, #tpu.memory_space<semaphore_mem>>) src(%arg10 : memref<128x128xf32, #tpu.memory_space<vmem>>) dst(%dma_wait3A_330 : memref<10000x128xf32, #tpu.memory_space<vmem_shared>>)
      %add3A_331 = arith.constant 3 : i32
      %add3A_332 = arith.addi %add3A_303, %add3A_331 : i32
      %lt3A_333 = arith.cmpi slt, %add3A_332, %select_n3A : i32
      %convert_element_type3A_334 = arith.extui %lt3A_333 : i1 to i32
      %cond3A_335 = arith.constant 0 : i32
      %cond3A_336 = arith.cmpi ne, %convert_element_type3A_334, %cond3A_335 : i32
      scf.if %cond3A_336 {
        %add3A_411 = arith.constant 3 : i32
        %add3A_412 = arith.addi %add3A_303, %add3A_411 : i32
        %add3A_413 = arith.addi %mul3A_2, %add3A_412 : i32
        %mul3A_414 = arith.constant 128 : i32
        %mul3A_415 = arith.muli %add3A_413, %mul3A_414 : i32
        %dma_start3A_416 = arith.constant 0 : i32
        %dma_start3A_417 = tpu.memref_slice %arg2[%dma_start3A_416, %mul3A_415] : memref<2x320000xi32, #tpu.memory_space<hbm>> -> memref<2x128xi32, #tpu.memory_space<hbm>>
        %dma_start3A_418 = arith.constant 0 : i32
        %dma_start3A_419 = tpu.memref_slice %arg2[%dma_start3A_418, %mul3A_415] : memref<2x320000xi32, #tpu.memory_space<hbm>> -> memref<2x128xi32, #tpu.memory_space<hbm>>
        tpu.enqueue_dma source(%dma_start3A_419 : memref<2x128xi32, #tpu.memory_space<hbm>>) target(%arg6 : memref<2x128xi32, #tpu.memory_space<vmem>>) target_semaphore(%arg11 : memref<!tpu.dma_semaphore, #tpu.memory_space<semaphore_mem>>)
      } else {
      }
      %mul3A_337 = arith.constant 6 : i32
      %mul3A_338 = arith.muli %add3A_188, %mul3A_337 : i32
      %add3A_339 = arith.constant 4 : i32
      %add3A_340 = arith.addi %mul3A_338, %add3A_339 : i32
      %dma_wait3A_341 = arith.constant 0 : i32
      %dma_wait3A_342 = arith.constant 0 : i32
      %dma_wait3A_343 = tpu.memref_slice %arg7[%dma_wait3A_341, %dma_wait3A_342] : memref<2x128xi32, #tpu.memory_space<vmem>> -> memref<1x128xi32, #tpu.memory_space<vmem>>
      %dma_wait3A_344 = tpu.memref_squeeze %dma_wait3A_343 : memref<1x128xi32, #tpu.memory_space<vmem>> -> memref<128xi32, #tpu.memory_space<vmem>>
      %dma_wait3A_345 = arith.constant 0 : i32
      %dma_wait3A_346 = arith.constant 0 : i32
      %dma_wait3A_347 = tpu.memref_slice %arg3[%dma_wait3A_345, %dma_wait3A_346] : memref<10000x128xf32, #tpu.memory_space<hbm>> -> memref<10000x128xf32, #tpu.memory_space<hbm>>
      tpu.wait_indirect_dma semaphore(%arg14 : memref<!tpu.dma_semaphore, #tpu.memory_space<semaphore_mem>>) src(%dma_wait3A_347 : memref<10000x128xf32, #tpu.memory_space<hbm>>) dst(%arg9 : memref<128x128xf32, #tpu.memory_space<vmem>>)
      %add3A_348 = arith.constant 1 : i32
      %add3A_349 = arith.addi %add3A_340, %add3A_348 : i32
      %lt3A_350 = arith.cmpi slt, %add3A_349, %select_n3A : i32
      %convert_element_type3A_351 = arith.extui %lt3A_350 : i1 to i32
      %cond3A_352 = arith.constant 0 : i32
      %cond3A_353 = arith.cmpi ne, %convert_element_type3A_351, %cond3A_352 : i32
      scf.if %cond3A_353 {
        %dma_wait3A_411 = arith.constant 0 : i32
        %dma_wait3A_412 = arith.constant 0 : i32
        %dma_wait3A_413 = tpu.memref_slice %arg2[%dma_wait3A_411, %dma_wait3A_412] : memref<2x320000xi32, #tpu.memory_space<hbm>> -> memref<2x128xi32, #tpu.memory_space<hbm>>
        %dma_wait3A_414 = arith.constant 0 : i32
        %dma_wait3A_415 = arith.constant 0 : i32
        %dma_wait3A_416 = tpu.memref_slice %arg2[%dma_wait3A_414, %dma_wait3A_415] : memref<2x320000xi32, #tpu.memory_space<hbm>> -> memref<2x128xi32, #tpu.memory_space<hbm>>
        tpu.wait_dma2 semaphore(%arg13 : memref<!tpu.dma_semaphore, #tpu.memory_space<semaphore_mem>>) src(%dma_wait3A_416 : memref<2x128xi32, #tpu.memory_space<hbm>>) dst(%arg8 : memref<2x128xi32, #tpu.memory_space<vmem>>)
        %dma_start3A_417 = arith.constant 0 : i32
        %dma_start3A_418 = arith.constant 0 : i32
        %dma_start3A_419 = tpu.memref_slice %arg8[%dma_start3A_417, %dma_start3A_418] : memref<2x128xi32, #tpu.memory_space<vmem>> -> memref<1x128xi32, #tpu.memory_space<vmem>>
        %dma_start3A_420 = tpu.memref_squeeze %dma_start3A_419 : memref<1x128xi32, #tpu.memory_space<vmem>> -> memref<128xi32, #tpu.memory_space<vmem>>
        %dma_start3A_421 = arith.constant 0 : i32
        %dma_start3A_422 = arith.constant 0 : i32
        %dma_start3A_423 = tpu.memref_slice %arg3[%dma_start3A_421, %dma_start3A_422] : memref<10000x128xf32, #tpu.memory_space<hbm>> -> memref<10000x128xf32, #tpu.memory_space<hbm>>
        tpu.enqueue_indirect_dma source(%dma_start3A_423 : memref<10000x128xf32, #tpu.memory_space<hbm>>) target(%arg10 : memref<128x128xf32, #tpu.memory_space<vmem>>) offsets(%dma_start3A_420 : memref<128xi32, #tpu.memory_space<vmem>>) semaphore(%arg15 : memref<!tpu.dma_semaphore, #tpu.memory_space<semaphore_mem>>)
      } else {
      }
      %dma_start3A_354 = arith.constant 1 : i32
      %dma_start3A_355 = arith.constant 0 : i32
      %dma_start3A_356 = tpu.memref_slice %arg7[%dma_start3A_354, %dma_start3A_355] : memref<2x128xi32, #tpu.memory_space<vmem>> -> memref<1x128xi32, #tpu.memory_space<vmem>>
      %dma_start3A_357 = tpu.memref_squeeze %dma_start3A_356 : memref<1x128xi32, #tpu.memory_space<vmem>> -> memref<128xi32, #tpu.memory_space<vmem>>
      %dma_start3A_358 = arith.constant 0 : i32
      %dma_start3A_359 = arith.constant 0 : i32
      %dma_start3A_360 = tpu.memref_slice %arg18[%dma_start3A_358, %dma_start3A_359] : memref<10000x128xf32, #tpu.memory_space<vmem_shared>> -> memref<10000x128xf32, #tpu.memory_space<vmem_shared>>
      tpu.enqueue_indirect_dma source(%arg9 : memref<128x128xf32, #tpu.memory_space<vmem>>) target(%dma_start3A_360 : memref<10000x128xf32, #tpu.memory_space<vmem_shared>>) offsets(%dma_start3A_357 : memref<128xi32, #tpu.memory_space<vmem>>) semaphore(%arg16 : memref<!tpu.dma_semaphore, #tpu.memory_space<semaphore_mem>>) {add = true}
      %dma_wait3A_361 = arith.constant 1 : i32
      %dma_wait3A_362 = arith.constant 0 : i32
      %dma_wait3A_363 = tpu.memref_slice %arg7[%dma_wait3A_361, %dma_wait3A_362] : memref<2x128xi32, #tpu.memory_space<vmem>> -> memref<1x128xi32, #tpu.memory_space<vmem>>
      %dma_wait3A_364 = tpu.memref_squeeze %dma_wait3A_363 : memref<1x128xi32, #tpu.memory_space<vmem>> -> memref<128xi32, #tpu.memory_space<vmem>>
      %dma_wait3A_365 = arith.constant 0 : i32
      %dma_wait3A_366 = arith.constant 0 : i32
      %dma_wait3A_367 = tpu.memref_slice %arg18[%dma_wait3A_365, %dma_wait3A_366] : memref<10000x128xf32, #tpu.memory_space<vmem_shared>> -> memref<10000x128xf32, #tpu.memory_space<vmem_shared>>
      tpu.wait_indirect_dma semaphore(%arg16 : memref<!tpu.dma_semaphore, #tpu.memory_space<semaphore_mem>>) src(%arg9 : memref<128x128xf32, #tpu.memory_space<vmem>>) dst(%dma_wait3A_367 : memref<10000x128xf32, #tpu.memory_space<vmem_shared>>)
      %add3A_368 = arith.constant 3 : i32
      %add3A_369 = arith.addi %add3A_340, %add3A_368 : i32
      %lt3A_370 = arith.cmpi slt, %add3A_369, %select_n3A : i32
      %convert_element_type3A_371 = arith.extui %lt3A_370 : i1 to i32
      %cond3A_372 = arith.constant 0 : i32
      %cond3A_373 = arith.cmpi ne, %convert_element_type3A_371, %cond3A_372 : i32
      scf.if %cond3A_373 {
        %add3A_411 = arith.constant 3 : i32
        %add3A_412 = arith.addi %add3A_340, %add3A_411 : i32
        %add3A_413 = arith.addi %mul3A_2, %add3A_412 : i32
        %mul3A_414 = arith.constant 128 : i32
        %mul3A_415 = arith.muli %add3A_413, %mul3A_414 : i32
        %dma_start3A_416 = arith.constant 0 : i32
        %dma_start3A_417 = tpu.memref_slice %arg2[%dma_start3A_416, %mul3A_415] : memref<2x320000xi32, #tpu.memory_space<hbm>> -> memref<2x128xi32, #tpu.memory_space<hbm>>
        %dma_start3A_418 = arith.constant 0 : i32
        %dma_start3A_419 = tpu.memref_slice %arg2[%dma_start3A_418, %mul3A_415] : memref<2x320000xi32, #tpu.memory_space<hbm>> -> memref<2x128xi32, #tpu.memory_space<hbm>>
        tpu.enqueue_dma source(%dma_start3A_419 : memref<2x128xi32, #tpu.memory_space<hbm>>) target(%arg7 : memref<2x128xi32, #tpu.memory_space<vmem>>) target_semaphore(%arg12 : memref<!tpu.dma_semaphore, #tpu.memory_space<semaphore_mem>>)
      } else {
      }
      %mul3A_374 = arith.constant 6 : i32
      %mul3A_375 = arith.muli %add3A_188, %mul3A_374 : i32
      %add3A_376 = arith.constant 5 : i32
      %add3A_377 = arith.addi %mul3A_375, %add3A_376 : i32
      %dma_wait3A_378 = arith.constant 0 : i32
      %dma_wait3A_379 = arith.constant 0 : i32
      %dma_wait3A_380 = tpu.memref_slice %arg8[%dma_wait3A_378, %dma_wait3A_379] : memref<2x128xi32, #tpu.memory_space<vmem>> -> memref<1x128xi32, #tpu.memory_space<vmem>>
      %dma_wait3A_381 = tpu.memref_squeeze %dma_wait3A_380 : memref<1x128xi32, #tpu.memory_space<vmem>> -> memref<128xi32, #tpu.memory_space<vmem>>
      %dma_wait3A_382 = arith.constant 0 : i32
      %dma_wait3A_383 = arith.constant 0 : i32
      %dma_wait3A_384 = tpu.memref_slice %arg3[%dma_wait3A_382, %dma_wait3A_383] : memref<10000x128xf32, #tpu.memory_space<hbm>> -> memref<10000x128xf32, #tpu.memory_space<hbm>>
      tpu.wait_indirect_dma semaphore(%arg15 : memref<!tpu.dma_semaphore, #tpu.memory_space<semaphore_mem>>) src(%dma_wait3A_384 : memref<10000x128xf32, #tpu.memory_space<hbm>>) dst(%arg10 : memref<128x128xf32, #tpu.memory_space<vmem>>)
      %add3A_385 = arith.constant 1 : i32
      %add3A_386 = arith.addi %add3A_377, %add3A_385 : i32
      %lt3A_387 = arith.cmpi slt, %add3A_386, %select_n3A : i32
      %convert_element_type3A_388 = arith.extui %lt3A_387 : i1 to i32
      %cond3A_389 = arith.constant 0 : i32
      %cond3A_390 = arith.cmpi ne, %convert_element_type3A_388, %cond3A_389 : i32
      scf.if %cond3A_390 {
        %dma_wait3A_411 = arith.constant 0 : i32
        %dma_wait3A_412 = arith.constant 0 : i32
        %dma_wait3A_413 = tpu.memref_slice %arg2[%dma_wait3A_411, %dma_wait3A_412] : memref<2x320000xi32, #tpu.memory_space<hbm>> -> memref<2x128xi32, #tpu.memory_space<hbm>>
        %dma_wait3A_414 = arith.constant 0 : i32
        %dma_wait3A_415 = arith.constant 0 : i32
        %dma_wait3A_416 = tpu.memref_slice %arg2[%dma_wait3A_414, %dma_wait3A_415] : memref<2x320000xi32, #tpu.memory_space<hbm>> -> memref<2x128xi32, #tpu.memory_space<hbm>>
        tpu.wait_dma2 semaphore(%arg11 : memref<!tpu.dma_semaphore, #tpu.memory_space<semaphore_mem>>) src(%dma_wait3A_416 : memref<2x128xi32, #tpu.memory_space<hbm>>) dst(%arg6 : memref<2x128xi32, #tpu.memory_space<vmem>>)
        %dma_start3A_417 = arith.constant 0 : i32
        %dma_start3A_418 = arith.constant 0 : i32
        %dma_start3A_419 = tpu.memref_slice %arg6[%dma_start3A_417, %dma_start3A_418] : memref<2x128xi32, #tpu.memory_space<vmem>> -> memref<1x128xi32, #tpu.memory_space<vmem>>
        %dma_start3A_420 = tpu.memref_squeeze %dma_start3A_419 : memref<1x128xi32, #tpu.memory_space<vmem>> -> memref<128xi32, #tpu.memory_space<vmem>>
        %dma_start3A_421 = arith.constant 0 : i32
        %dma_start3A_422 = arith.constant 0 : i32
        %dma_start3A_423 = tpu.memref_slice %arg3[%dma_start3A_421, %dma_start3A_422] : memref<10000x128xf32, #tpu.memory_space<hbm>> -> memref<10000x128xf32, #tpu.memory_space<hbm>>
        tpu.enqueue_indirect_dma source(%dma_start3A_423 : memref<10000x128xf32, #tpu.memory_space<hbm>>) target(%arg9 : memref<128x128xf32, #tpu.memory_space<vmem>>) offsets(%dma_start3A_420 : memref<128xi32, #tpu.memory_space<vmem>>) semaphore(%arg14 : memref<!tpu.dma_semaphore, #tpu.memory_space<semaphore_mem>>)
      } else {
      }
      %dma_start3A_391 = arith.constant 1 : i32
      %dma_start3A_392 = arith.constant 0 : i32
      %dma_start3A_393 = tpu.memref_slice %arg8[%dma_start3A_391, %dma_start3A_392] : memref<2x128xi32, #tpu.memory_space<vmem>> -> memref<1x128xi32, #tpu.memory_space<vmem>>
      %dma_start3A_394 = tpu.memref_squeeze %dma_start3A_393 : memref<1x128xi32, #tpu.memory_space<vmem>> -> memref<128xi32, #tpu.memory_space<vmem>>
      %dma_start3A_395 = arith.constant 0 : i32
      %dma_start3A_396 = arith.constant 0 : i32
      %dma_start3A_397 = tpu.memref_slice %arg18[%dma_start3A_395, %dma_start3A_396] : memref<10000x128xf32, #tpu.memory_space<vmem_shared>> -> memref<10000x128xf32, #tpu.memory_space<vmem_shared>>
      tpu.enqueue_indirect_dma source(%arg10 : memref<128x128xf32, #tpu.memory_space<vmem>>) target(%dma_start3A_397 : memref<10000x128xf32, #tpu.memory_space<vmem_shared>>) offsets(%dma_start3A_394 : memref<128xi32, #tpu.memory_space<vmem>>) semaphore(%arg17 : memref<!tpu.dma_semaphore, #tpu.memory_space<semaphore_mem>>) {add = true}
      %dma_wait3A_398 = arith.constant 1 : i32
      %dma_wait3A_399 = arith.constant 0 : i32
      %dma_wait3A_400 = tpu.memref_slice %arg8[%dma_wait3A_398, %dma_wait3A_399] : memref<2x128xi32, #tpu.memory_space<vmem>> -> memref<1x128xi32, #tpu.memory_space<vmem>>
      %dma_wait3A_401 = tpu.memref_squeeze %dma_wait3A_400 : memref<1x128xi32, #tpu.memory_space<vmem>> -> memref<128xi32, #tpu.memory_space<vmem>>
      %dma_wait3A_402 = arith.constant 0 : i32
      %dma_wait3A_403 = arith.constant 0 : i32
      %dma_wait3A_404 = tpu.memref_slice %arg18[%dma_wait3A_402, %dma_wait3A_403] : memref<10000x128xf32, #tpu.memory_space<vmem_shared>> -> memref<10000x128xf32, #tpu.memory_space<vmem_shared>>
      tpu.wait_indirect_dma semaphore(%arg17 : memref<!tpu.dma_semaphore, #tpu.memory_space<semaphore_mem>>) src(%arg10 : memref<128x128xf32, #tpu.memory_space<vmem>>) dst(%dma_wait3A_404 : memref<10000x128xf32, #tpu.memory_space<vmem_shared>>)
      %add3A_405 = arith.constant 3 : i32
      %add3A_406 = arith.addi %add3A_377, %add3A_405 : i32
      %lt3A_407 = arith.cmpi slt, %add3A_406, %select_n3A : i32
      %convert_element_type3A_408 = arith.extui %lt3A_407 : i1 to i32
      %cond3A_409 = arith.constant 0 : i32
      %cond3A_410 = arith.cmpi ne, %convert_element_type3A_408, %cond3A_409 : i32
      scf.if %cond3A_410 {
        %add3A_411 = arith.constant 3 : i32
        %add3A_412 = arith.addi %add3A_377, %add3A_411 : i32
        %add3A_413 = arith.addi %mul3A_2, %add3A_412 : i32
        %mul3A_414 = arith.constant 128 : i32
        %mul3A_415 = arith.muli %add3A_413, %mul3A_414 : i32
        %dma_start3A_416 = arith.constant 0 : i32
        %dma_start3A_417 = tpu.memref_slice %arg2[%dma_start3A_416, %mul3A_415] : memref<2x320000xi32, #tpu.memory_space<hbm>> -> memref<2x128xi32, #tpu.memory_space<hbm>>
        %dma_start3A_418 = arith.constant 0 : i32
        %dma_start3A_419 = tpu.memref_slice %arg2[%dma_start3A_418, %mul3A_415] : memref<2x320000xi32, #tpu.memory_space<hbm>> -> memref<2x128xi32, #tpu.memory_space<hbm>>
        tpu.enqueue_dma source(%dma_start3A_419 : memref<2x128xi32, #tpu.memory_space<hbm>>) target(%arg8 : memref<2x128xi32, #tpu.memory_space<vmem>>) target_semaphore(%arg13 : memref<!tpu.dma_semaphore, #tpu.memory_space<semaphore_mem>>)
      } else {
      }
    }
    %while3A_94 = arith.constant 1 : i32
    scf.for %while3A_186 = %while3A_92 to %while3A_88 step %while3A_94  : i32 {
      %mul3A_187 = arith.muli %while3A_186, %while3A : i32
      %add3A_188 = arith.addi %while3A_85, %mul3A_187 : i32
      %mul3A_189 = arith.constant 6 : i32
      %mul3A_190 = arith.muli %add3A_188, %mul3A_189 : i32
      %add3A_191 = arith.constant 0 : i32
      %add3A_192 = arith.addi %mul3A_190, %add3A_191 : i32
      %dma_wait3A_193 = arith.constant 0 : i32
      %dma_wait3A_194 = arith.constant 0 : i32
      %dma_wait3A_195 = tpu.memref_slice %arg6[%dma_wait3A_193, %dma_wait3A_194] : memref<2x128xi32, #tpu.memory_space<vmem>> -> memref<1x128xi32, #tpu.memory_space<vmem>>
      %dma_wait3A_196 = tpu.memref_squeeze %dma_wait3A_195 : memref<1x128xi32, #tpu.memory_space<vmem>> -> memref<128xi32, #tpu.memory_space<vmem>>
      %dma_wait3A_197 = arith.constant 0 : i32
      %dma_wait3A_198 = arith.constant 0 : i32
      %dma_wait3A_199 = tpu.memref_slice %arg3[%dma_wait3A_197, %dma_wait3A_198] : memref<10000x128xf32, #tpu.memory_space<hbm>> -> memref<10000x128xf32, #tpu.memory_space<hbm>>
      tpu.wait_indirect_dma semaphore(%arg14 : memref<!tpu.dma_semaphore, #tpu.memory_space<semaphore_mem>>) src(%dma_wait3A_199 : memref<10000x128xf32, #tpu.memory_space<hbm>>) dst(%arg9 : memref<128x128xf32, #tpu.memory_space<vmem>>)
      %add3A_200 = arith.constant 1 : i32
      %add3A_201 = arith.addi %add3A_192, %add3A_200 : i32
      %lt3A_202 = arith.cmpi slt, %add3A_201, %select_n3A : i32
      %convert_element_type3A_203 = arith.extui %lt3A_202 : i1 to i32
      %cond3A_204 = arith.constant 0 : i32
      %cond3A_205 = arith.cmpi ne, %convert_element_type3A_203, %cond3A_204 : i32
      scf.if %cond3A_205 {
        %dma_wait3A_411 = arith.constant 0 : i32
        %dma_wait3A_412 = arith.constant 0 : i32
        %dma_wait3A_413 = tpu.memref_slice %arg2[%dma_wait3A_411, %dma_wait3A_412] : memref<2x320000xi32, #tpu.memory_space<hbm>> -> memref<2x128xi32, #tpu.memory_space<hbm>>
        %dma_wait3A_414 = arith.constant 0 : i32
        %dma_wait3A_415 = arith.constant 0 : i32
        %dma_wait3A_416 = tpu.memref_slice %arg2[%dma_wait3A_414, %dma_wait3A_415] : memref<2x320000xi32, #tpu.memory_space<hbm>> -> memref<2x128xi32, #tpu.memory_space<hbm>>
        tpu.wait_dma2 semaphore(%arg12 : memref<!tpu.dma_semaphore, #tpu.memory_space<semaphore_mem>>) src(%dma_wait3A_416 : memref<2x128xi32, #tpu.memory_space<hbm>>) dst(%arg7 : memref<2x128xi32, #tpu.memory_space<vmem>>)
        %dma_start3A_417 = arith.constant 0 : i32
        %dma_start3A_418 = arith.constant 0 : i32
        %dma_start3A_419 = tpu.memref_slice %arg7[%dma_start3A_417, %dma_start3A_418] : memref<2x128xi32, #tpu.memory_space<vmem>> -> memref<1x128xi32, #tpu.memory_space<vmem>>
        %dma_start3A_420 = tpu.memref_squeeze %dma_start3A_419 : memref<1x128xi32, #tpu.memory_space<vmem>> -> memref<128xi32, #tpu.memory_space<vmem>>
        %dma_start3A_421 = arith.constant 0 : i32
        %dma_start3A_422 = arith.constant 0 : i32
        %dma_start3A_423 = tpu.memref_slice %arg3[%dma_start3A_421, %dma_start3A_422] : memref<10000x128xf32, #tpu.memory_space<hbm>> -> memref<10000x128xf32, #tpu.memory_space<hbm>>
        tpu.enqueue_indirect_dma source(%dma_start3A_423 : memref<10000x128xf32, #tpu.memory_space<hbm>>) target(%arg10 : memref<128x128xf32, #tpu.memory_space<vmem>>) offsets(%dma_start3A_420 : memref<128xi32, #tpu.memory_space<vmem>>) semaphore(%arg15 : memref<!tpu.dma_semaphore, #tpu.memory_space<semaphore_mem>>)
      } else {
      }
      %dma_start3A_206 = arith.constant 1 : i32
      %dma_start3A_207 = arith.constant 0 : i32
      %dma_start3A_208 = tpu.memref_slice %arg6[%dma_start3A_206, %dma_start3A_207] : memref<2x128xi32, #tpu.memory_space<vmem>> -> memref<1x128xi32, #tpu.memory_space<vmem>>
      %dma_start3A_209 = tpu.memref_squeeze %dma_start3A_208 : memref<1x128xi32, #tpu.memory_space<vmem>> -> memref<128xi32, #tpu.memory_space<vmem>>
      %dma_start3A_210 = arith.constant 0 : i32
      %dma_start3A_211 = arith.constant 0 : i32
      %dma_start3A_212 = tpu.memref_slice %arg18[%dma_start3A_210, %dma_start3A_211] : memref<10000x128xf32, #tpu.memory_space<vmem_shared>> -> memref<10000x128xf32, #tpu.memory_space<vmem_shared>>
      tpu.enqueue_indirect_dma source(%arg9 : memref<128x128xf32, #tpu.memory_space<vmem>>) target(%dma_start3A_212 : memref<10000x128xf32, #tpu.memory_space<vmem_shared>>) offsets(%dma_start3A_209 : memref<128xi32, #tpu.memory_space<vmem>>) semaphore(%arg16 : memref<!tpu.dma_semaphore, #tpu.memory_space<semaphore_mem>>) {add = true}
      %dma_wait3A_213 = arith.constant 1 : i32
      %dma_wait3A_214 = arith.constant 0 : i32
      %dma_wait3A_215 = tpu.memref_slice %arg6[%dma_wait3A_213, %dma_wait3A_214] : memref<2x128xi32, #tpu.memory_space<vmem>> -> memref<1x128xi32, #tpu.memory_space<vmem>>
      %dma_wait3A_216 = tpu.memref_squeeze %dma_wait3A_215 : memref<1x128xi32, #tpu.memory_space<vmem>> -> memref<128xi32, #tpu.memory_space<vmem>>
      %dma_wait3A_217 = arith.constant 0 : i32
      %dma_wait3A_218 = arith.constant 0 : i32
      %dma_wait3A_219 = tpu.memref_slice %arg18[%dma_wait3A_217, %dma_wait3A_218] : memref<10000x128xf32, #tpu.memory_space<vmem_shared>> -> memref<10000x128xf32, #tpu.memory_space<vmem_shared>>
      tpu.wait_indirect_dma semaphore(%arg16 : memref<!tpu.dma_semaphore, #tpu.memory_space<semaphore_mem>>) src(%arg9 : memref<128x128xf32, #tpu.memory_space<vmem>>) dst(%dma_wait3A_219 : memref<10000x128xf32, #tpu.memory_space<vmem_shared>>)
      %add3A_220 = arith.constant 3 : i32
      %add3A_221 = arith.addi %add3A_192, %add3A_220 : i32
      %lt3A_222 = arith.cmpi slt, %add3A_221, %select_n3A : i32
      %convert_element_type3A_223 = arith.extui %lt3A_222 : i1 to i32
      %cond3A_224 = arith.constant 0 : i32
      %cond3A_225 = arith.cmpi ne, %convert_element_type3A_223, %cond3A_224 : i32
      scf.if %cond3A_225 {
        %add3A_411 = arith.constant 3 : i32
        %add3A_412 = arith.addi %add3A_192, %add3A_411 : i32
        %add3A_413 = arith.addi %mul3A_2, %add3A_412 : i32
        %mul3A_414 = arith.constant 128 : i32
        %mul3A_415 = arith.muli %add3A_413, %mul3A_414 : i32
        %dma_start3A_416 = arith.constant 0 : i32
        %dma_start3A_417 = tpu.memref_slice %arg2[%dma_start3A_416, %mul3A_415] : memref<2x320000xi32, #tpu.memory_space<hbm>> -> memref<2x128xi32, #tpu.memory_space<hbm>>
        %dma_start3A_418 = arith.constant 0 : i32
        %dma_start3A_419 = tpu.memref_slice %arg2[%dma_start3A_418, %mul3A_415] : memref<2x320000xi32, #tpu.memory_space<hbm>> -> memref<2x128xi32, #tpu.memory_space<hbm>>
        tpu.enqueue_dma source(%dma_start3A_419 : memref<2x128xi32, #tpu.memory_space<hbm>>) target(%arg6 : memref<2x128xi32, #tpu.memory_space<vmem>>) target_semaphore(%arg11 : memref<!tpu.dma_semaphore, #tpu.memory_space<semaphore_mem>>)
      } else {
      }
      %mul3A_226 = arith.constant 6 : i32
      %mul3A_227 = arith.muli %add3A_188, %mul3A_226 : i32
      %add3A_228 = arith.constant 1 : i32
      %add3A_229 = arith.addi %mul3A_227, %add3A_228 : i32
      %dma_wait3A_230 = arith.constant 0 : i32
      %dma_wait3A_231 = arith.constant 0 : i32
      %dma_wait3A_232 = tpu.memref_slice %arg7[%dma_wait3A_230, %dma_wait3A_231] : memref<2x128xi32, #tpu.memory_space<vmem>> -> memref<1x128xi32, #tpu.memory_space<vmem>>
      %dma_wait3A_233 = tpu.memref_squeeze %dma_wait3A_232 : memref<1x128xi32, #tpu.memory_space<vmem>> -> memref<128xi32, #tpu.memory_space<vmem>>
      %dma_wait3A_234 = arith.constant 0 : i32
      %dma_wait3A_235 = arith.constant 0 : i32
      %dma_wait3A_236 = tpu.memref_slice %arg3[%dma_wait3A_234, %dma_wait3A_235] : memref<10000x128xf32, #tpu.memory_space<hbm>> -> memref<10000x128xf32, #tpu.memory_space<hbm>>
      tpu.wait_indirect_dma semaphore(%arg15 : memref<!tpu.dma_semaphore, #tpu.memory_space<semaphore_mem>>) src(%dma_wait3A_236 : memref<10000x128xf32, #tpu.memory_space<hbm>>) dst(%arg10 : memref<128x128xf32, #tpu.memory_space<vmem>>)
      %add3A_237 = arith.constant 1 : i32
      %add3A_238 = arith.addi %add3A_229, %add3A_237 : i32
      %lt3A_239 = arith.cmpi slt, %add3A_238, %select_n3A : i32
      %convert_element_type3A_240 = arith.extui %lt3A_239 : i1 to i32
      %cond3A_241 = arith.constant 0 : i32
      %cond3A_242 = arith.cmpi ne, %convert_element_type3A_240, %cond3A_241 : i32
      scf.if %cond3A_242 {
        %dma_wait3A_411 = arith.constant 0 : i32
        %dma_wait3A_412 = arith.constant 0 : i32
        %dma_wait3A_413 = tpu.memref_slice %arg2[%dma_wait3A_411, %dma_wait3A_412] : memref<2x320000xi32, #tpu.memory_space<hbm>> -> memref<2x128xi32, #tpu.memory_space<hbm>>
        %dma_wait3A_414 = arith.constant 0 : i32
        %dma_wait3A_415 = arith.constant 0 : i32
        %dma_wait3A_416 = tpu.memref_slice %arg2[%dma_wait3A_414, %dma_wait3A_415] : memref<2x320000xi32, #tpu.memory_space<hbm>> -> memref<2x128xi32, #tpu.memory_space<hbm>>
        tpu.wait_dma2 semaphore(%arg13 : memref<!tpu.dma_semaphore, #tpu.memory_space<semaphore_mem>>) src(%dma_wait3A_416 : memref<2x128xi32, #tpu.memory_space<hbm>>) dst(%arg8 : memref<2x128xi32, #tpu.memory_space<vmem>>)
        %dma_start3A_417 = arith.constant 0 : i32
        %dma_start3A_418 = arith.constant 0 : i32
        %dma_start3A_419 = tpu.memref_slice %arg8[%dma_start3A_417, %dma_start3A_418] : memref<2x128xi32, #tpu.memory_space<vmem>> -> memref<1x128xi32, #tpu.memory_space<vmem>>
        %dma_start3A_420 = tpu.memref_squeeze %dma_start3A_419 : memref<1x128xi32, #tpu.memory_space<vmem>> -> memref<128xi32, #tpu.memory_space<vmem>>
        %dma_start3A_421 = arith.constant 0 : i32
        %dma_start3A_422 = arith.constant 0 : i32
        %dma_start3A_423 = tpu.memref_slice %arg3[%dma_start3A_421, %dma_start3A_422] : memref<10000x128xf32, #tpu.memory_space<hbm>> -> memref<10000x128xf32, #tpu.memory_space<hbm>>
        tpu.enqueue_indirect_dma source(%dma_start3A_423 : memref<10000x128xf32, #tpu.memory_space<hbm>>) target(%arg9 : memref<128x128xf32, #tpu.memory_space<vmem>>) offsets(%dma_start3A_420 : memref<128xi32, #tpu.memory_space<vmem>>) semaphore(%arg14 : memref<!tpu.dma_semaphore, #tpu.memory_space<semaphore_mem>>)
      } else {
      }
      %dma_start3A_243 = arith.constant 1 : i32
      %dma_start3A_244 = arith.constant 0 : i32
      %dma_start3A_245 = tpu.memref_slice %arg7[%dma_start3A_243, %dma_start3A_244] : memref<2x128xi32, #tpu.memory_space<vmem>> -> memref<1x128xi32, #tpu.memory_space<vmem>>
      %dma_start3A_246 = tpu.memref_squeeze %dma_start3A_245 : memref<1x128xi32, #tpu.memory_space<vmem>> -> memref<128xi32, #tpu.memory_space<vmem>>
      %dma_start3A_247 = arith.constant 0 : i32
      %dma_start3A_248 = arith.constant 0 : i32
      %dma_start3A_249 = tpu.memref_slice %arg18[%dma_start3A_247, %dma_start3A_248] : memref<10000x128xf32, #tpu.memory_space<vmem_shared>> -> memref<10000x128xf32, #tpu.memory_space<vmem_shared>>
      tpu.enqueue_indirect_dma source(%arg10 : memref<128x128xf32, #tpu.memory_space<vmem>>) target(%dma_start3A_249 : memref<10000x128xf32, #tpu.memory_space<vmem_shared>>) offsets(%dma_start3A_246 : memref<128xi32, #tpu.memory_space<vmem>>) semaphore(%arg17 : memref<!tpu.dma_semaphore, #tpu.memory_space<semaphore_mem>>) {add = true}
      %dma_wait3A_250 = arith.constant 1 : i32
      %dma_wait3A_251 = arith.constant 0 : i32
      %dma_wait3A_252 = tpu.memref_slice %arg7[%dma_wait3A_250, %dma_wait3A_251] : memref<2x128xi32, #tpu.memory_space<vmem>> -> memref<1x128xi32, #tpu.memory_space<vmem>>
      %dma_wait3A_253 = tpu.memref_squeeze %dma_wait3A_252 : memref<1x128xi32, #tpu.memory_space<vmem>> -> memref<128xi32, #tpu.memory_space<vmem>>
      %dma_wait3A_254 = arith.constant 0 : i32
      %dma_wait3A_255 = arith.constant 0 : i32
      %dma_wait3A_256 = tpu.memref_slice %arg18[%dma_wait3A_254, %dma_wait3A_255] : memref<10000x128xf32, #tpu.memory_space<vmem_shared>> -> memref<10000x128xf32, #tpu.memory_space<vmem_shared>>
      tpu.wait_indirect_dma semaphore(%arg17 : memref<!tpu.dma_semaphore, #tpu.memory_space<semaphore_mem>>) src(%arg10 : memref<128x128xf32, #tpu.memory_space<vmem>>) dst(%dma_wait3A_256 : memref<10000x128xf32, #tpu.memory_space<vmem_shared>>)
      %add3A_257 = arith.constant 3 : i32
      %add3A_258 = arith.addi %add3A_229, %add3A_257 : i32
      %lt3A_259 = arith.cmpi slt, %add3A_258, %select_n3A : i32
      %convert_element_type3A_260 = arith.extui %lt3A_259 : i1 to i32
      %cond3A_261 = arith.constant 0 : i32
      %cond3A_262 = arith.cmpi ne, %convert_element_type3A_260, %cond3A_261 : i32
      scf.if %cond3A_262 {
        %add3A_411 = arith.constant 3 : i32
        %add3A_412 = arith.addi %add3A_229, %add3A_411 : i32
        %add3A_413 = arith.addi %mul3A_2, %add3A_412 : i32
        %mul3A_414 = arith.constant 128 : i32
        %mul3A_415 = arith.muli %add3A_413, %mul3A_414 : i32
        %dma_start3A_416 = arith.constant 0 : i32
        %dma_start3A_417 = tpu.memref_slice %arg2[%dma_start3A_416, %mul3A_415] : memref<2x320000xi32, #tpu.memory_space<hbm>> -> memref<2x128xi32, #tpu.memory_space<hbm>>
        %dma_start3A_418 = arith.constant 0 : i32
        %dma_start3A_419 = tpu.memref_slice %arg2[%dma_start3A_418, %mul3A_415] : memref<2x320000xi32, #tpu.memory_space<hbm>> -> memref<2x128xi32, #tpu.memory_space<hbm>>
        tpu.enqueue_dma source(%dma_start3A_419 : memref<2x128xi32, #tpu.memory_space<hbm>>) target(%arg7 : memref<2x128xi32, #tpu.memory_space<vmem>>) target_semaphore(%arg12 : memref<!tpu.dma_semaphore, #tpu.memory_space<semaphore_mem>>)
      } else {
      }
      %mul3A_263 = arith.constant 6 : i32
      %mul3A_264 = arith.muli %add3A_188, %mul3A_263 : i32
      %add3A_265 = arith.constant 2 : i32
      %add3A_266 = arith.addi %mul3A_264, %add3A_265 : i32
      %dma_wait3A_267 = arith.constant 0 : i32
      %dma_wait3A_268 = arith.constant 0 : i32
      %dma_wait3A_269 = tpu.memref_slice %arg8[%dma_wait3A_267, %dma_wait3A_268] : memref<2x128xi32, #tpu.memory_space<vmem>> -> memref<1x128xi32, #tpu.memory_space<vmem>>
      %dma_wait3A_270 = tpu.memref_squeeze %dma_wait3A_269 : memref<1x128xi32, #tpu.memory_space<vmem>> -> memref<128xi32, #tpu.memory_space<vmem>>
      %dma_wait3A_271 = arith.constant 0 : i32
      %dma_wait3A_272 = arith.constant 0 : i32
      %dma_wait3A_273 = tpu.memref_slice %arg3[%dma_wait3A_271, %dma_wait3A_272] : memref<10000x128xf32, #tpu.memory_space<hbm>> -> memref<10000x128xf32, #tpu.memory_space<hbm>>
      tpu.wait_indirect_dma semaphore(%arg14 : memref<!tpu.dma_semaphore, #tpu.memory_space<semaphore_mem>>) src(%dma_wait3A_273 : memref<10000x128xf32, #tpu.memory_space<hbm>>) dst(%arg9 : memref<128x128xf32, #tpu.memory_space<vmem>>)
      %add3A_274 = arith.constant 1 : i32
      %add3A_275 = arith.addi %add3A_266, %add3A_274 : i32
      %lt3A_276 = arith.cmpi slt, %add3A_275, %select_n3A : i32
      %convert_element_type3A_277 = arith.extui %lt3A_276 : i1 to i32
      %cond3A_278 = arith.constant 0 : i32
      %cond3A_279 = arith.cmpi ne, %convert_element_type3A_277, %cond3A_278 : i32
      scf.if %cond3A_279 {
        %dma_wait3A_411 = arith.constant 0 : i32
        %dma_wait3A_412 = arith.constant 0 : i32
        %dma_wait3A_413 = tpu.memref_slice %arg2[%dma_wait3A_411, %dma_wait3A_412] : memref<2x320000xi32, #tpu.memory_space<hbm>> -> memref<2x128xi32, #tpu.memory_space<hbm>>
        %dma_wait3A_414 = arith.constant 0 : i32
        %dma_wait3A_415 = arith.constant 0 : i32
        %dma_wait3A_416 = tpu.memref_slice %arg2[%dma_wait3A_414, %dma_wait3A_415] : memref<2x320000xi32, #tpu.memory_space<hbm>> -> memref<2x128xi32, #tpu.memory_space<hbm>>
        tpu.wait_dma2 semaphore(%arg11 : memref<!tpu.dma_semaphore, #tpu.memory_space<semaphore_mem>>) src(%dma_wait3A_416 : memref<2x128xi32, #tpu.memory_space<hbm>>) dst(%arg6 : memref<2x128xi32, #tpu.memory_space<vmem>>)
        %dma_start3A_417 = arith.constant 0 : i32
        %dma_start3A_418 = arith.constant 0 : i32
        %dma_start3A_419 = tpu.memref_slice %arg6[%dma_start3A_417, %dma_start3A_418] : memref<2x128xi32, #tpu.memory_space<vmem>> -> memref<1x128xi32, #tpu.memory_space<vmem>>
        %dma_start3A_420 = tpu.memref_squeeze %dma_start3A_419 : memref<1x128xi32, #tpu.memory_space<vmem>> -> memref<128xi32, #tpu.memory_space<vmem>>
        %dma_start3A_421 = arith.constant 0 : i32
        %dma_start3A_422 = arith.constant 0 : i32
        %dma_start3A_423 = tpu.memref_slice %arg3[%dma_start3A_421, %dma_start3A_422] : memref<10000x128xf32, #tpu.memory_space<hbm>> -> memref<10000x128xf32, #tpu.memory_space<hbm>>
        tpu.enqueue_indirect_dma source(%dma_start3A_423 : memref<10000x128xf32, #tpu.memory_space<hbm>>) target(%arg10 : memref<128x128xf32, #tpu.memory_space<vmem>>) offsets(%dma_start3A_420 : memref<128xi32, #tpu.memory_space<vmem>>) semaphore(%arg15 : memref<!tpu.dma_semaphore, #tpu.memory_space<semaphore_mem>>)
      } else {
      }
      %dma_start3A_280 = arith.constant 1 : i32
      %dma_start3A_281 = arith.constant 0 : i32
      %dma_start3A_282 = tpu.memref_slice %arg8[%dma_start3A_280, %dma_start3A_281] : memref<2x128xi32, #tpu.memory_space<vmem>> -> memref<1x128xi32, #tpu.memory_space<vmem>>
      %dma_start3A_283 = tpu.memref_squeeze %dma_start3A_282 : memref<1x128xi32, #tpu.memory_space<vmem>> -> memref<128xi32, #tpu.memory_space<vmem>>
      %dma_start3A_284 = arith.constant 0 : i32
      %dma_start3A_285 = arith.constant 0 : i32
      %dma_start3A_286 = tpu.memref_slice %arg18[%dma_start3A_284, %dma_start3A_285] : memref<10000x128xf32, #tpu.memory_space<vmem_shared>> -> memref<10000x128xf32, #tpu.memory_space<vmem_shared>>
      tpu.enqueue_indirect_dma source(%arg9 : memref<128x128xf32, #tpu.memory_space<vmem>>) target(%dma_start3A_286 : memref<10000x128xf32, #tpu.memory_space<vmem_shared>>) offsets(%dma_start3A_283 : memref<128xi32, #tpu.memory_space<vmem>>) semaphore(%arg16 : memref<!tpu.dma_semaphore, #tpu.memory_space<semaphore_mem>>) {add = true}
      %dma_wait3A_287 = arith.constant 1 : i32
      %dma_wait3A_288 = arith.constant 0 : i32
      %dma_wait3A_289 = tpu.memref_slice %arg8[%dma_wait3A_287, %dma_wait3A_288] : memref<2x128xi32, #tpu.memory_space<vmem>> -> memref<1x128xi32, #tpu.memory_space<vmem>>
      %dma_wait3A_290 = tpu.memref_squeeze %dma_wait3A_289 : memref<1x128xi32, #tpu.memory_space<vmem>> -> memref<128xi32, #tpu.memory_space<vmem>>
      %dma_wait3A_291 = arith.constant 0 : i32
      %dma_wait3A_292 = arith.constant 0 : i32
      %dma_wait3A_293 = tpu.memref_slice %arg18[%dma_wait3A_291, %dma_wait3A_292] : memref<10000x128xf32, #tpu.memory_space<vmem_shared>> -> memref<10000x128xf32, #tpu.memory_space<vmem_shared>>
      tpu.wait_indirect_dma semaphore(%arg16 : memref<!tpu.dma_semaphore, #tpu.memory_space<semaphore_mem>>) src(%arg9 : memref<128x128xf32, #tpu.memory_space<vmem>>) dst(%dma_wait3A_293 : memref<10000x128xf32, #tpu.memory_space<vmem_shared>>)
      %add3A_294 = arith.constant 3 : i32
      %add3A_295 = arith.addi %add3A_266, %add3A_294 : i32
      %lt3A_296 = arith.cmpi slt, %add3A_295, %select_n3A : i32
      %convert_element_type3A_297 = arith.extui %lt3A_296 : i1 to i32
      %cond3A_298 = arith.constant 0 : i32
      %cond3A_299 = arith.cmpi ne, %convert_element_type3A_297, %cond3A_298 : i32
      scf.if %cond3A_299 {
        %add3A_411 = arith.constant 3 : i32
        %add3A_412 = arith.addi %add3A_266, %add3A_411 : i32
        %add3A_413 = arith.addi %mul3A_2, %add3A_412 : i32
        %mul3A_414 = arith.constant 128 : i32
        %mul3A_415 = arith.muli %add3A_413, %mul3A_414 : i32
        %dma_start3A_416 = arith.constant 0 : i32
        %dma_start3A_417 = tpu.memref_slice %arg2[%dma_start3A_416, %mul3A_415] : memref<2x320000xi32, #tpu.memory_space<hbm>> -> memref<2x128xi32, #tpu.memory_space<hbm>>
        %dma_start3A_418 = arith.constant 0 : i32
        %dma_start3A_419 = tpu.memref_slice %arg2[%dma_start3A_418, %mul3A_415] : memref<2x320000xi32, #tpu.memory_space<hbm>> -> memref<2x128xi32, #tpu.memory_space<hbm>>
        tpu.enqueue_dma source(%dma_start3A_419 : memref<2x128xi32, #tpu.memory_space<hbm>>) target(%arg8 : memref<2x128xi32, #tpu.memory_space<vmem>>) target_semaphore(%arg13 : memref<!tpu.dma_semaphore, #tpu.memory_space<semaphore_mem>>)
      } else {
      }
      %mul3A_300 = arith.constant 6 : i32
      %mul3A_301 = arith.muli %add3A_188, %mul3A_300 : i32
      %add3A_302 = arith.constant 3 : i32
      %add3A_303 = arith.addi %mul3A_301, %add3A_302 : i32
      %dma_wait3A_304 = arith.constant 0 : i32
      %dma_wait3A_305 = arith.constant 0 : i32
      %dma_wait3A_306 = tpu.memref_slice %arg6[%dma_wait3A_304, %dma_wait3A_305] : memref<2x128xi32, #tpu.memory_space<vmem>> -> memref<1x128xi32, #tpu.memory_space<vmem>>
      %dma_wait3A_307 = tpu.memref_squeeze %dma_wait3A_306 : memref<1x128xi32, #tpu.memory_space<vmem>> -> memref<128xi32, #tpu.memory_space<vmem>>
      %dma_wait3A_308 = arith.constant 0 : i32
      %dma_wait3A_309 = arith.constant 0 : i32
      %dma_wait3A_310 = tpu.memref_slice %arg3[%dma_wait3A_308, %dma_wait3A_309] : memref<10000x128xf32, #tpu.memory_space<hbm>> -> memref<10000x128xf32, #tpu.memory_space<hbm>>
      tpu.wait_indirect_dma semaphore(%arg15 : memref<!tpu.dma_semaphore, #tpu.memory_space<semaphore_mem>>) src(%dma_wait3A_310 : memref<10000x128xf32, #tpu.memory_space<hbm>>) dst(%arg10 : memref<128x128xf32, #tpu.memory_space<vmem>>)
      %add3A_311 = arith.constant 1 : i32
      %add3A_312 = arith.addi %add3A_303, %add3A_311 : i32
      %lt3A_313 = arith.cmpi slt, %add3A_312, %select_n3A : i32
      %convert_element_type3A_314 = arith.extui %lt3A_313 : i1 to i32
      %cond3A_315 = arith.constant 0 : i32
      %cond3A_316 = arith.cmpi ne, %convert_element_type3A_314, %cond3A_315 : i32
      scf.if %cond3A_316 {
        %dma_wait3A_411 = arith.constant 0 : i32
        %dma_wait3A_412 = arith.constant 0 : i32
        %dma_wait3A_413 = tpu.memref_slice %arg2[%dma_wait3A_411, %dma_wait3A_412] : memref<2x320000xi32, #tpu.memory_space<hbm>> -> memref<2x128xi32, #tpu.memory_space<hbm>>
        %dma_wait3A_414 = arith.constant 0 : i32
        %dma_wait3A_415 = arith.constant 0 : i32
        %dma_wait3A_416 = tpu.memref_slice %arg2[%dma_wait3A_414, %dma_wait3A_415] : memref<2x320000xi32, #tpu.memory_space<hbm>> -> memref<2x128xi32, #tpu.memory_space<hbm>>
        tpu.wait_dma2 semaphore(%arg12 : memref<!tpu.dma_semaphore, #tpu.memory_space<semaphore_mem>>) src(%dma_wait3A_416 : memref<2x128xi32, #tpu.memory_space<hbm>>) dst(%arg7 : memref<2x128xi32, #tpu.memory_space<vmem>>)
        %dma_start3A_417 = arith.constant 0 : i32
        %dma_start3A_418 = arith.constant 0 : i32
        %dma_start3A_419 = tpu.memref_slice %arg7[%dma_start3A_417, %dma_start3A_418] : memref<2x128xi32, #tpu.memory_space<vmem>> -> memref<1x128xi32, #tpu.memory_space<vmem>>
        %dma_start3A_420 = tpu.memref_squeeze %dma_start3A_419 : memref<1x128xi32, #tpu.memory_space<vmem>> -> memref<128xi32, #tpu.memory_space<vmem>>
        %dma_start3A_421 = arith.constant 0 : i32
        %dma_start3A_422 = arith.constant 0 : i32
        %dma_start3A_423 = tpu.memref_slice %arg3[%dma_start3A_421, %dma_start3A_422] : memref<10000x128xf32, #tpu.memory_space<hbm>> -> memref<10000x128xf32, #tpu.memory_space<hbm>>
        tpu.enqueue_indirect_dma source(%dma_start3A_423 : memref<10000x128xf32, #tpu.memory_space<hbm>>) target(%arg9 : memref<128x128xf32, #tpu.memory_space<vmem>>) offsets(%dma_start3A_420 : memref<128xi32, #tpu.memory_space<vmem>>) semaphore(%arg14 : memref<!tpu.dma_semaphore, #tpu.memory_space<semaphore_mem>>)
      } else {
      }
      %dma_start3A_317 = arith.constant 1 : i32
      %dma_start3A_318 = arith.constant 0 : i32
      %dma_start3A_319 = tpu.memref_slice %arg6[%dma_start3A_317, %dma_start3A_318] : memref<2x128xi32, #tpu.memory_space<vmem>> -> memref<1x128xi32, #tpu.memory_space<vmem>>
      %dma_start3A_320 = tpu.memref_squeeze %dma_start3A_319 : memref<1x128xi32, #tpu.memory_space<vmem>> -> memref<128xi32, #tpu.memory_space<vmem>>
      %dma_start3A_321 = arith.constant 0 : i32
      %dma_start3A_322 = arith.constant 0 : i32
      %dma_start3A_323 = tpu.memref_slice %arg18[%dma_start3A_321, %dma_start3A_322] : memref<10000x128xf32, #tpu.memory_space<vmem_shared>> -> memref<10000x128xf32, #tpu.memory_space<vmem_shared>>
      tpu.enqueue_indirect_dma source(%arg10 : memref<128x128xf32, #tpu.memory_space<vmem>>) target(%dma_start3A_323 : memref<10000x128xf32, #tpu.memory_space<vmem_shared>>) offsets(%dma_start3A_320 : memref<128xi32, #tpu.memory_space<vmem>>) semaphore(%arg17 : memref<!tpu.dma_semaphore, #tpu.memory_space<semaphore_mem>>) {add = true}
      %dma_wait3A_324 = arith.constant 1 : i32
      %dma_wait3A_325 = arith.constant 0 : i32
      %dma_wait3A_326 = tpu.memref_slice %arg6[%dma_wait3A_324, %dma_wait3A_325] : memref<2x128xi32, #tpu.memory_space<vmem>> -> memref<1x128xi32, #tpu.memory_space<vmem>>
      %dma_wait3A_327 = tpu.memref_squeeze %dma_wait3A_326 : memref<1x128xi32, #tpu.memory_space<vmem>> -> memref<128xi32, #tpu.memory_space<vmem>>
      %dma_wait3A_328 = arith.constant 0 : i32
      %dma_wait3A_329 = arith.constant 0 : i32
      %dma_wait3A_330 = tpu.memref_slice %arg18[%dma_wait3A_328, %dma_wait3A_329] : memref<10000x128xf32, #tpu.memory_space<vmem_shared>> -> memref<10000x128xf32, #tpu.memory_space<vmem_shared>>
      tpu.wait_indirect_dma semaphore(%arg17 : memref<!tpu.dma_semaphore, #tpu.memory_space<semaphore_mem>>) src(%arg10 : memref<128x128xf32, #tpu.memory_space<vmem>>) dst(%dma_wait3A_330 : memref<10000x128xf32, #tpu.memory_space<vmem_shared>>)
      %add3A_331 = arith.constant 3 : i32
      %add3A_332 = arith.addi %add3A_303, %add3A_331 : i32
      %lt3A_333 = arith.cmpi slt, %add3A_332, %select_n3A : i32
      %convert_element_type3A_334 = arith.extui %lt3A_333 : i1 to i32
      %cond3A_335 = arith.constant 0 : i32
      %cond3A_336 = arith.cmpi ne, %convert_element_type3A_334, %cond3A_335 : i32
      scf.if %cond3A_336 {
        %add3A_411 = arith.constant 3 : i32
        %add3A_412 = arith.addi %add3A_303, %add3A_411 : i32
        %add3A_413 = arith.addi %mul3A_2, %add3A_412 : i32
        %mul3A_414 = arith.constant 128 : i32
        %mul3A_415 = arith.muli %add3A_413, %mul3A_414 : i32
        %dma_start3A_416 = arith.constant 0 : i32
        %dma_start3A_417 = tpu.memref_slice %arg2[%dma_start3A_416, %mul3A_415] : memref<2x320000xi32, #tpu.memory_space<hbm>> -> memref<2x128xi32, #tpu.memory_space<hbm>>
        %dma_start3A_418 = arith.constant 0 : i32
        %dma_start3A_419 = tpu.memref_slice %arg2[%dma_start3A_418, %mul3A_415] : memref<2x320000xi32, #tpu.memory_space<hbm>> -> memref<2x128xi32, #tpu.memory_space<hbm>>
        tpu.enqueue_dma source(%dma_start3A_419 : memref<2x128xi32, #tpu.memory_space<hbm>>) target(%arg6 : memref<2x128xi32, #tpu.memory_space<vmem>>) target_semaphore(%arg11 : memref<!tpu.dma_semaphore, #tpu.memory_space<semaphore_mem>>)
      } else {
      }
      %mul3A_337 = arith.constant 6 : i32
      %mul3A_338 = arith.muli %add3A_188, %mul3A_337 : i32
      %add3A_339 = arith.constant 4 : i32
      %add3A_340 = arith.addi %mul3A_338, %add3A_339 : i32
      %dma_wait3A_341 = arith.constant 0 : i32
      %dma_wait3A_342 = arith.constant 0 : i32
      %dma_wait3A_343 = tpu.memref_slice %arg7[%dma_wait3A_341, %dma_wait3A_342] : memref<2x128xi32, #tpu.memory_space<vmem>> -> memref<1x128xi32, #tpu.memory_space<vmem>>
      %dma_wait3A_344 = tpu.memref_squeeze %dma_wait3A_343 : memref<1x128xi32, #tpu.memory_space<vmem>> -> memref<128xi32, #tpu.memory_space<vmem>>
      %dma_wait3A_345 = arith.constant 0 : i32
      %dma_wait3A_346 = arith.constant 0 : i32
      %dma_wait3A_347 = tpu.memref_slice %arg3[%dma_wait3A_345, %dma_wait3A_346] : memref<10000x128xf32, #tpu.memory_space<hbm>> -> memref<10000x128xf32, #tpu.memory_space<hbm>>
      tpu.wait_indirect_dma semaphore(%arg14 : memref<!tpu.dma_semaphore, #tpu.memory_space<semaphore_mem>>) src(%dma_wait3A_347 : memref<10000x128xf32, #tpu.memory_space<hbm>>) dst(%arg9 : memref<128x128xf32, #tpu.memory_space<vmem>>)
      %add3A_348 = arith.constant 1 : i32
      %add3A_349 = arith.addi %add3A_340, %add3A_348 : i32
      %lt3A_350 = arith.cmpi slt, %add3A_349, %select_n3A : i32
      %convert_element_type3A_351 = arith.extui %lt3A_350 : i1 to i32
      %cond3A_352 = arith.constant 0 : i32
      %cond3A_353 = arith.cmpi ne, %convert_element_type3A_351, %cond3A_352 : i32
      scf.if %cond3A_353 {
        %dma_wait3A_411 = arith.constant 0 : i32
        %dma_wait3A_412 = arith.constant 0 : i32
        %dma_wait3A_413 = tpu.memref_slice %arg2[%dma_wait3A_411, %dma_wait3A_412] : memref<2x320000xi32, #tpu.memory_space<hbm>> -> memref<2x128xi32, #tpu.memory_space<hbm>>
        %dma_wait3A_414 = arith.constant 0 : i32
        %dma_wait3A_415 = arith.constant 0 : i32
        %dma_wait3A_416 = tpu.memref_slice %arg2[%dma_wait3A_414, %dma_wait3A_415] : memref<2x320000xi32, #tpu.memory_space<hbm>> -> memref<2x128xi32, #tpu.memory_space<hbm>>
        tpu.wait_dma2 semaphore(%arg13 : memref<!tpu.dma_semaphore, #tpu.memory_space<semaphore_mem>>) src(%dma_wait3A_416 : memref<2x128xi32, #tpu.memory_space<hbm>>) dst(%arg8 : memref<2x128xi32, #tpu.memory_space<vmem>>)
        %dma_start3A_417 = arith.constant 0 : i32
        %dma_start3A_418 = arith.constant 0 : i32
        %dma_start3A_419 = tpu.memref_slice %arg8[%dma_start3A_417, %dma_start3A_418] : memref<2x128xi32, #tpu.memory_space<vmem>> -> memref<1x128xi32, #tpu.memory_space<vmem>>
        %dma_start3A_420 = tpu.memref_squeeze %dma_start3A_419 : memref<1x128xi32, #tpu.memory_space<vmem>> -> memref<128xi32, #tpu.memory_space<vmem>>
        %dma_start3A_421 = arith.constant 0 : i32
        %dma_start3A_422 = arith.constant 0 : i32
        %dma_start3A_423 = tpu.memref_slice %arg3[%dma_start3A_421, %dma_start3A_422] : memref<10000x128xf32, #tpu.memory_space<hbm>> -> memref<10000x128xf32, #tpu.memory_space<hbm>>
        tpu.enqueue_indirect_dma source(%dma_start3A_423 : memref<10000x128xf32, #tpu.memory_space<hbm>>) target(%arg10 : memref<128x128xf32, #tpu.memory_space<vmem>>) offsets(%dma_start3A_420 : memref<128xi32, #tpu.memory_space<vmem>>) semaphore(%arg15 : memref<!tpu.dma_semaphore, #tpu.memory_space<semaphore_mem>>)
      } else {
      }
      %dma_start3A_354 = arith.constant 1 : i32
      %dma_start3A_355 = arith.constant 0 : i32
      %dma_start3A_356 = tpu.memref_slice %arg7[%dma_start3A_354, %dma_start3A_355] : memref<2x128xi32, #tpu.memory_space<vmem>> -> memref<1x128xi32, #tpu.memory_space<vmem>>
      %dma_start3A_357 = tpu.memref_squeeze %dma_start3A_356 : memref<1x128xi32, #tpu.memory_space<vmem>> -> memref<128xi32, #tpu.memory_space<vmem>>
      %dma_start3A_358 = arith.constant 0 : i32
      %dma_start3A_359 = arith.constant 0 : i32
      %dma_start3A_360 = tpu.memref_slice %arg18[%dma_start3A_358, %dma_start3A_359] : memref<10000x128xf32, #tpu.memory_space<vmem_shared>> -> memref<10000x128xf32, #tpu.memory_space<vmem_shared>>
      tpu.enqueue_indirect_dma source(%arg9 : memref<128x128xf32, #tpu.memory_space<vmem>>) target(%dma_start3A_360 : memref<10000x128xf32, #tpu.memory_space<vmem_shared>>) offsets(%dma_start3A_357 : memref<128xi32, #tpu.memory_space<vmem>>) semaphore(%arg16 : memref<!tpu.dma_semaphore, #tpu.memory_space<semaphore_mem>>) {add = true}
      %dma_wait3A_361 = arith.constant 1 : i32
      %dma_wait3A_362 = arith.constant 0 : i32
      %dma_wait3A_363 = tpu.memref_slice %arg7[%dma_wait3A_361, %dma_wait3A_362] : memref<2x128xi32, #tpu.memory_space<vmem>> -> memref<1x128xi32, #tpu.memory_space<vmem>>
      %dma_wait3A_364 = tpu.memref_squeeze %dma_wait3A_363 : memref<1x128xi32, #tpu.memory_space<vmem>> -> memref<128xi32, #tpu.memory_space<vmem>>
      %dma_wait3A_365 = arith.constant 0 : i32
      %dma_wait3A_366 = arith.constant 0 : i32
      %dma_wait3A_367 = tpu.memref_slice %arg18[%dma_wait3A_365, %dma_wait3A_366] : memref<10000x128xf32, #tpu.memory_space<vmem_shared>> -> memref<10000x128xf32, #tpu.memory_space<vmem_shared>>
      tpu.wait_indirect_dma semaphore(%arg16 : memref<!tpu.dma_semaphore, #tpu.memory_space<semaphore_mem>>) src(%arg9 : memref<128x128xf32, #tpu.memory_space<vmem>>) dst(%dma_wait3A_367 : memref<10000x128xf32, #tpu.memory_space<vmem_shared>>)
      %add3A_368 = arith.constant 3 : i32
      %add3A_369 = arith.addi %add3A_340, %add3A_368 : i32
      %lt3A_370 = arith.cmpi slt, %add3A_369, %select_n3A : i32
      %convert_element_type3A_371 = arith.extui %lt3A_370 : i1 to i32
      %cond3A_372 = arith.constant 0 : i32
      %cond3A_373 = arith.cmpi ne, %convert_element_type3A_371, %cond3A_372 : i32
      scf.if %cond3A_373 {
        %add3A_411 = arith.constant 3 : i32
        %add3A_412 = arith.addi %add3A_340, %add3A_411 : i32
        %add3A_413 = arith.addi %mul3A_2, %add3A_412 : i32
        %mul3A_414 = arith.constant 128 : i32
        %mul3A_415 = arith.muli %add3A_413, %mul3A_414 : i32
        %dma_start3A_416 = arith.constant 0 : i32
        %dma_start3A_417 = tpu.memref_slice %arg2[%dma_start3A_416, %mul3A_415] : memref<2x320000xi32, #tpu.memory_space<hbm>> -> memref<2x128xi32, #tpu.memory_space<hbm>>
        %dma_start3A_418 = arith.constant 0 : i32
        %dma_start3A_419 = tpu.memref_slice %arg2[%dma_start3A_418, %mul3A_415] : memref<2x320000xi32, #tpu.memory_space<hbm>> -> memref<2x128xi32, #tpu.memory_space<hbm>>
        tpu.enqueue_dma source(%dma_start3A_419 : memref<2x128xi32, #tpu.memory_space<hbm>>) target(%arg7 : memref<2x128xi32, #tpu.memory_space<vmem>>) target_semaphore(%arg12 : memref<!tpu.dma_semaphore, #tpu.memory_space<semaphore_mem>>)
      } else {
      }
      %mul3A_374 = arith.constant 6 : i32
      %mul3A_375 = arith.muli %add3A_188, %mul3A_374 : i32
      %add3A_376 = arith.constant 5 : i32
      %add3A_377 = arith.addi %mul3A_375, %add3A_376 : i32
      %dma_wait3A_378 = arith.constant 0 : i32
      %dma_wait3A_379 = arith.constant 0 : i32
      %dma_wait3A_380 = tpu.memref_slice %arg8[%dma_wait3A_378, %dma_wait3A_379] : memref<2x128xi32, #tpu.memory_space<vmem>> -> memref<1x128xi32, #tpu.memory_space<vmem>>
      %dma_wait3A_381 = tpu.memref_squeeze %dma_wait3A_380 : memref<1x128xi32, #tpu.memory_space<vmem>> -> memref<128xi32, #tpu.memory_space<vmem>>
      %dma_wait3A_382 = arith.constant 0 : i32
      %dma_wait3A_383 = arith.constant 0 : i32
      %dma_wait3A_384 = tpu.memref_slice %arg3[%dma_wait3A_382, %dma_wait3A_383] : memref<10000x128xf32, #tpu.memory_space<hbm>> -> memref<10000x128xf32, #tpu.memory_space<hbm>>
      tpu.wait_indirect_dma semaphore(%arg15 : memref<!tpu.dma_semaphore, #tpu.memory_space<semaphore_mem>>) src(%dma_wait3A_384 : memref<10000x128xf32, #tpu.memory_space<hbm>>) dst(%arg10 : memref<128x128xf32, #tpu.memory_space<vmem>>)
      %add3A_385 = arith.constant 1 : i32
      %add3A_386 = arith.addi %add3A_377, %add3A_385 : i32
      %lt3A_387 = arith.cmpi slt, %add3A_386, %select_n3A : i32
      %convert_element_type3A_388 = arith.extui %lt3A_387 : i1 to i32
      %cond3A_389 = arith.constant 0 : i32
      %cond3A_390 = arith.cmpi ne, %convert_element_type3A_388, %cond3A_389 : i32
      scf.if %cond3A_390 {
        %dma_wait3A_411 = arith.constant 0 : i32
        %dma_wait3A_412 = arith.constant 0 : i32
        %dma_wait3A_413 = tpu.memref_slice %arg2[%dma_wait3A_411, %dma_wait3A_412] : memref<2x320000xi32, #tpu.memory_space<hbm>> -> memref<2x128xi32, #tpu.memory_space<hbm>>
        %dma_wait3A_414 = arith.constant 0 : i32
        %dma_wait3A_415 = arith.constant 0 : i32
        %dma_wait3A_416 = tpu.memref_slice %arg2[%dma_wait3A_414, %dma_wait3A_415] : memref<2x320000xi32, #tpu.memory_space<hbm>> -> memref<2x128xi32, #tpu.memory_space<hbm>>
        tpu.wait_dma2 semaphore(%arg11 : memref<!tpu.dma_semaphore, #tpu.memory_space<semaphore_mem>>) src(%dma_wait3A_416 : memref<2x128xi32, #tpu.memory_space<hbm>>) dst(%arg6 : memref<2x128xi32, #tpu.memory_space<vmem>>)
        %dma_start3A_417 = arith.constant 0 : i32
        %dma_start3A_418 = arith.constant 0 : i32
        %dma_start3A_419 = tpu.memref_slice %arg6[%dma_start3A_417, %dma_start3A_418] : memref<2x128xi32, #tpu.memory_space<vmem>> -> memref<1x128xi32, #tpu.memory_space<vmem>>
        %dma_start3A_420 = tpu.memref_squeeze %dma_start3A_419 : memref<1x128xi32, #tpu.memory_space<vmem>> -> memref<128xi32, #tpu.memory_space<vmem>>
        %dma_start3A_421 = arith.constant 0 : i32
        %dma_start3A_422 = arith.constant 0 : i32
        %dma_start3A_423 = tpu.memref_slice %arg3[%dma_start3A_421, %dma_start3A_422] : memref<10000x128xf32, #tpu.memory_space<hbm>> -> memref<10000x128xf32, #tpu.memory_space<hbm>>
        tpu.enqueue_indirect_dma source(%dma_start3A_423 : memref<10000x128xf32, #tpu.memory_space<hbm>>) target(%arg9 : memref<128x128xf32, #tpu.memory_space<vmem>>) offsets(%dma_start3A_420 : memref<128xi32, #tpu.memory_space<vmem>>) semaphore(%arg14 : memref<!tpu.dma_semaphore, #tpu.memory_space<semaphore_mem>>)
      } else {
      }
      %dma_start3A_391 = arith.constant 1 : i32
      %dma_start3A_392 = arith.constant 0 : i32
      %dma_start3A_393 = tpu.memref_slice %arg8[%dma_start3A_391, %dma_start3A_392] : memref<2x128xi32, #tpu.memory_space<vmem>> -> memref<1x128xi32, #tpu.memory_space<vmem>>
      %dma_start3A_394 = tpu.memref_squeeze %dma_start3A_393 : memref<1x128xi32, #tpu.memory_space<vmem>> -> memref<128xi32, #tpu.memory_space<vmem>>
      %dma_start3A_395 = arith.constant 0 : i32
      %dma_start3A_396 = arith.constant 0 : i32
      %dma_start3A_397 = tpu.memref_slice %arg18[%dma_start3A_395, %dma_start3A_396] : memref<10000x128xf32, #tpu.memory_space<vmem_shared>> -> memref<10000x128xf32, #tpu.memory_space<vmem_shared>>
      tpu.enqueue_indirect_dma source(%arg10 : memref<128x128xf32, #tpu.memory_space<vmem>>) target(%dma_start3A_397 : memref<10000x128xf32, #tpu.memory_space<vmem_shared>>) offsets(%dma_start3A_394 : memref<128xi32, #tpu.memory_space<vmem>>) semaphore(%arg17 : memref<!tpu.dma_semaphore, #tpu.memory_space<semaphore_mem>>) {add = true}
      %dma_wait3A_398 = arith.constant 1 : i32
      %dma_wait3A_399 = arith.constant 0 : i32
      %dma_wait3A_400 = tpu.memref_slice %arg8[%dma_wait3A_398, %dma_wait3A_399] : memref<2x128xi32, #tpu.memory_space<vmem>> -> memref<1x128xi32, #tpu.memory_space<vmem>>
      %dma_wait3A_401 = tpu.memref_squeeze %dma_wait3A_400 : memref<1x128xi32, #tpu.memory_space<vmem>> -> memref<128xi32, #tpu.memory_space<vmem>>
      %dma_wait3A_402 = arith.constant 0 : i32
      %dma_wait3A_403 = arith.constant 0 : i32
      %dma_wait3A_404 = tpu.memref_slice %arg18[%dma_wait3A_402, %dma_wait3A_403] : memref<10000x128xf32, #tpu.memory_space<vmem_shared>> -> memref<10000x128xf32, #tpu.memory_space<vmem_shared>>
      tpu.wait_indirect_dma semaphore(%arg17 : memref<!tpu.dma_semaphore, #tpu.memory_space<semaphore_mem>>) src(%arg10 : memref<128x128xf32, #tpu.memory_space<vmem>>) dst(%dma_wait3A_404 : memref<10000x128xf32, #tpu.memory_space<vmem_shared>>)
      %add3A_405 = arith.constant 3 : i32
      %add3A_406 = arith.addi %add3A_377, %add3A_405 : i32
      %lt3A_407 = arith.cmpi slt, %add3A_406, %select_n3A : i32
      %convert_element_type3A_408 = arith.extui %lt3A_407 : i1 to i32
      %cond3A_409 = arith.constant 0 : i32
      %cond3A_410 = arith.cmpi ne, %convert_element_type3A_408, %cond3A_409 : i32
      scf.if %cond3A_410 {
        %add3A_411 = arith.constant 3 : i32
        %add3A_412 = arith.addi %add3A_377, %add3A_411 : i32
        %add3A_413 = arith.addi %mul3A_2, %add3A_412 : i32
        %mul3A_414 = arith.constant 128 : i32
        %mul3A_415 = arith.muli %add3A_413, %mul3A_414 : i32
        %dma_start3A_416 = arith.constant 0 : i32
        %dma_start3A_417 = tpu.memref_slice %arg2[%dma_start3A_416, %mul3A_415] : memref<2x320000xi32, #tpu.memory_space<hbm>> -> memref<2x128xi32, #tpu.memory_space<hbm>>
        %dma_start3A_418 = arith.constant 0 : i32
        %dma_start3A_419 = tpu.memref_slice %arg2[%dma_start3A_418, %mul3A_415] : memref<2x320000xi32, #tpu.memory_space<hbm>> -> memref<2x128xi32, #tpu.memory_space<hbm>>
        tpu.enqueue_dma source(%dma_start3A_419 : memref<2x128xi32, #tpu.memory_space<hbm>>) target(%arg8 : memref<2x128xi32, #tpu.memory_space<vmem>>) target_semaphore(%arg13 : memref<!tpu.dma_semaphore, #tpu.memory_space<semaphore_mem>>)
      } else {
      }
    }
    %sub3A_95 = arith.constant 2 : i32
    %sub3A_96 = arith.subi %select_n3A, %sub3A_95 : i32
    %dma_wait3A_97 = arith.constant 0 : i32
    %dma_wait3A_98 = arith.constant 0 : i32
    %dma_wait3A_99 = tpu.memref_slice %arg6[%dma_wait3A_97, %dma_wait3A_98] : memref<2x128xi32, #tpu.memory_space<vmem>> -> memref<1x128xi32, #tpu.memory_space<vmem>>
    %dma_wait3A_100 = tpu.memref_squeeze %dma_wait3A_99 : memref<1x128xi32, #tpu.memory_space<vmem>> -> memref<128xi32, #tpu.memory_space<vmem>>
    %dma_wait3A_101 = arith.constant 0 : i32
    %dma_wait3A_102 = arith.constant 0 : i32
    %dma_wait3A_103 = tpu.memref_slice %arg3[%dma_wait3A_101, %dma_wait3A_102] : memref<10000x128xf32, #tpu.memory_space<hbm>> -> memref<10000x128xf32, #tpu.memory_space<hbm>>
    tpu.wait_indirect_dma semaphore(%arg14 : memref<!tpu.dma_semaphore, #tpu.memory_space<semaphore_mem>>) src(%dma_wait3A_103 : memref<10000x128xf32, #tpu.memory_space<hbm>>) dst(%arg9 : memref<128x128xf32, #tpu.memory_space<vmem>>)
    %add3A_104 = arith.constant 1 : i32
    %add3A_105 = arith.addi %sub3A_96, %add3A_104 : i32
    %lt3A_106 = arith.cmpi slt, %add3A_105, %select_n3A : i32
    %convert_element_type3A_107 = arith.extui %lt3A_106 : i1 to i32
    %cond3A_108 = arith.constant 0 : i32
    %cond3A_109 = arith.cmpi ne, %convert_element_type3A_107, %cond3A_108 : i32
    scf.if %cond3A_109 {
      %dma_wait3A_186 = arith.constant 0 : i32
      %dma_wait3A_187 = arith.constant 0 : i32
      %dma_wait3A_188 = tpu.memref_slice %arg2[%dma_wait3A_186, %dma_wait3A_187] : memref<2x320000xi32, #tpu.memory_space<hbm>> -> memref<2x128xi32, #tpu.memory_space<hbm>>
      %dma_wait3A_189 = arith.constant 0 : i32
      %dma_wait3A_190 = arith.constant 0 : i32
      %dma_wait3A_191 = tpu.memref_slice %arg2[%dma_wait3A_189, %dma_wait3A_190] : memref<2x320000xi32, #tpu.memory_space<hbm>> -> memref<2x128xi32, #tpu.memory_space<hbm>>
      tpu.wait_dma2 semaphore(%arg12 : memref<!tpu.dma_semaphore, #tpu.memory_space<semaphore_mem>>) src(%dma_wait3A_191 : memref<2x128xi32, #tpu.memory_space<hbm>>) dst(%arg7 : memref<2x128xi32, #tpu.memory_space<vmem>>)
      %dma_start3A_192 = arith.constant 0 : i32
      %dma_start3A_193 = arith.constant 0 : i32
      %dma_start3A_194 = tpu.memref_slice %arg7[%dma_start3A_192, %dma_start3A_193] : memref<2x128xi32, #tpu.memory_space<vmem>> -> memref<1x128xi32, #tpu.memory_space<vmem>>
      %dma_start3A_195 = tpu.memref_squeeze %dma_start3A_194 : memref<1x128xi32, #tpu.memory_space<vmem>> -> memref<128xi32, #tpu.memory_space<vmem>>
      %dma_start3A_196 = arith.constant 0 : i32
      %dma_start3A_197 = arith.constant 0 : i32
      %dma_start3A_198 = tpu.memref_slice %arg3[%dma_start3A_196, %dma_start3A_197] : memref<10000x128xf32, #tpu.memory_space<hbm>> -> memref<10000x128xf32, #tpu.memory_space<hbm>>
      tpu.enqueue_indirect_dma source(%dma_start3A_198 : memref<10000x128xf32, #tpu.memory_space<hbm>>) target(%arg10 : memref<128x128xf32, #tpu.memory_space<vmem>>) offsets(%dma_start3A_195 : memref<128xi32, #tpu.memory_space<vmem>>) semaphore(%arg15 : memref<!tpu.dma_semaphore, #tpu.memory_space<semaphore_mem>>)
    } else {
    }
    %dma_start3A_110 = arith.constant 1 : i32
    %dma_start3A_111 = arith.constant 0 : i32
    %dma_start3A_112 = tpu.memref_slice %arg6[%dma_start3A_110, %dma_start3A_111] : memref<2x128xi32, #tpu.memory_space<vmem>> -> memref<1x128xi32, #tpu.memory_space<vmem>>
    %dma_start3A_113 = tpu.memref_squeeze %dma_start3A_112 : memref<1x128xi32, #tpu.memory_space<vmem>> -> memref<128xi32, #tpu.memory_space<vmem>>
    %dma_start3A_114 = arith.constant 0 : i32
    %dma_start3A_115 = arith.constant 0 : i32
    %dma_start3A_116 = tpu.memref_slice %arg18[%dma_start3A_114, %dma_start3A_115] : memref<10000x128xf32, #tpu.memory_space<vmem_shared>> -> memref<10000x128xf32, #tpu.memory_space<vmem_shared>>
    tpu.enqueue_indirect_dma source(%arg9 : memref<128x128xf32, #tpu.memory_space<vmem>>) target(%dma_start3A_116 : memref<10000x128xf32, #tpu.memory_space<vmem_shared>>) offsets(%dma_start3A_113 : memref<128xi32, #tpu.memory_space<vmem>>) semaphore(%arg16 : memref<!tpu.dma_semaphore, #tpu.memory_space<semaphore_mem>>) {add = true}
    %dma_wait3A_117 = arith.constant 1 : i32
    %dma_wait3A_118 = arith.constant 0 : i32
    %dma_wait3A_119 = tpu.memref_slice %arg6[%dma_wait3A_117, %dma_wait3A_118] : memref<2x128xi32, #tpu.memory_space<vmem>> -> memref<1x128xi32, #tpu.memory_space<vmem>>
    %dma_wait3A_120 = tpu.memref_squeeze %dma_wait3A_119 : memref<1x128xi32, #tpu.memory_space<vmem>> -> memref<128xi32, #tpu.memory_space<vmem>>
    %dma_wait3A_121 = arith.constant 0 : i32
    %dma_wait3A_122 = arith.constant 0 : i32
    %dma_wait3A_123 = tpu.memref_slice %arg18[%dma_wait3A_121, %dma_wait3A_122] : memref<10000x128xf32, #tpu.memory_space<vmem_shared>> -> memref<10000x128xf32, #tpu.memory_space<vmem_shared>>
    tpu.wait_indirect_dma semaphore(%arg16 : memref<!tpu.dma_semaphore, #tpu.memory_space<semaphore_mem>>) src(%arg9 : memref<128x128xf32, #tpu.memory_space<vmem>>) dst(%dma_wait3A_123 : memref<10000x128xf32, #tpu.memory_space<vmem_shared>>)
    %add3A_124 = arith.constant 3 : i32
    %add3A_125 = arith.addi %sub3A_96, %add3A_124 : i32
    %lt3A_126 = arith.cmpi slt, %add3A_125, %select_n3A : i32
    %convert_element_type3A_127 = arith.extui %lt3A_126 : i1 to i32
    %cond3A_128 = arith.constant 0 : i32
    %cond3A_129 = arith.cmpi ne, %convert_element_type3A_127, %cond3A_128 : i32
    scf.if %cond3A_129 {
      %add3A_186 = arith.constant 3 : i32
      %add3A_187 = arith.addi %sub3A_96, %add3A_186 : i32
      %add3A_188 = arith.addi %mul3A_2, %add3A_187 : i32
      %mul3A_189 = arith.constant 128 : i32
      %mul3A_190 = arith.muli %add3A_188, %mul3A_189 : i32
      %dma_start3A_191 = arith.constant 0 : i32
      %dma_start3A_192 = tpu.memref_slice %arg2[%dma_start3A_191, %mul3A_190] : memref<2x320000xi32, #tpu.memory_space<hbm>> -> memref<2x128xi32, #tpu.memory_space<hbm>>
      %dma_start3A_193 = arith.constant 0 : i32
      %dma_start3A_194 = tpu.memref_slice %arg2[%dma_start3A_193, %mul3A_190] : memref<2x320000xi32, #tpu.memory_space<hbm>> -> memref<2x128xi32, #tpu.memory_space<hbm>>
      tpu.enqueue_dma source(%dma_start3A_194 : memref<2x128xi32, #tpu.memory_space<hbm>>) target(%arg6 : memref<2x128xi32, #tpu.memory_space<vmem>>) target_semaphore(%arg11 : memref<!tpu.dma_semaphore, #tpu.memory_space<semaphore_mem>>)
    } else {
    }
    %sub3A_130 = arith.constant 1 : i32
    %sub3A_131 = arith.subi %select_n3A, %sub3A_130 : i32
    %dma_wait3A_132 = arith.constant 0 : i32
    %dma_wait3A_133 = arith.constant 0 : i32
    %dma_wait3A_134 = tpu.memref_slice %arg7[%dma_wait3A_132, %dma_wait3A_133] : memref<2x128xi32, #tpu.memory_space<vmem>> -> memref<1x128xi32, #tpu.memory_space<vmem>>
    %dma_wait3A_135 = tpu.memref_squeeze %dma_wait3A_134 : memref<1x128xi32, #tpu.memory_space<vmem>> -> memref<128xi32, #tpu.memory_space<vmem>>
    %dma_wait3A_136 = arith.constant 0 : i32
    %dma_wait3A_137 = arith.constant 0 : i32
    %dma_wait3A_138 = tpu.memref_slice %arg3[%dma_wait3A_136, %dma_wait3A_137] : memref<10000x128xf32, #tpu.memory_space<hbm>> -> memref<10000x128xf32, #tpu.memory_space<hbm>>
    tpu.wait_indirect_dma semaphore(%arg15 : memref<!tpu.dma_semaphore, #tpu.memory_space<semaphore_mem>>) src(%dma_wait3A_138 : memref<10000x128xf32, #tpu.memory_space<hbm>>) dst(%arg10 : memref<128x128xf32, #tpu.memory_space<vmem>>)
    %add3A_139 = arith.constant 1 : i32
    %add3A_140 = arith.addi %sub3A_131, %add3A_139 : i32
    %lt3A_141 = arith.cmpi slt, %add3A_140, %select_n3A : i32
    %convert_element_type3A_142 = arith.extui %lt3A_141 : i1 to i32
    %cond3A_143 = arith.constant 0 : i32
    %cond3A_144 = arith.cmpi ne, %convert_element_type3A_142, %cond3A_143 : i32
    scf.if %cond3A_144 {
      %dma_wait3A_186 = arith.constant 0 : i32
      %dma_wait3A_187 = arith.constant 0 : i32
      %dma_wait3A_188 = tpu.memref_slice %arg2[%dma_wait3A_186, %dma_wait3A_187] : memref<2x320000xi32, #tpu.memory_space<hbm>> -> memref<2x128xi32, #tpu.memory_space<hbm>>
      %dma_wait3A_189 = arith.constant 0 : i32
      %dma_wait3A_190 = arith.constant 0 : i32
      %dma_wait3A_191 = tpu.memref_slice %arg2[%dma_wait3A_189, %dma_wait3A_190] : memref<2x320000xi32, #tpu.memory_space<hbm>> -> memref<2x128xi32, #tpu.memory_space<hbm>>
      tpu.wait_dma2 semaphore(%arg13 : memref<!tpu.dma_semaphore, #tpu.memory_space<semaphore_mem>>) src(%dma_wait3A_191 : memref<2x128xi32, #tpu.memory_space<hbm>>) dst(%arg8 : memref<2x128xi32, #tpu.memory_space<vmem>>)
      %dma_start3A_192 = arith.constant 0 : i32
      %dma_start3A_193 = arith.constant 0 : i32
      %dma_start3A_194 = tpu.memref_slice %arg8[%dma_start3A_192, %dma_start3A_193] : memref<2x128xi32, #tpu.memory_space<vmem>> -> memref<1x128xi32, #tpu.memory_space<vmem>>
      %dma_start3A_195 = tpu.memref_squeeze %dma_start3A_194 : memref<1x128xi32, #tpu.memory_space<vmem>> -> memref<128xi32, #tpu.memory_space<vmem>>
      %dma_start3A_196 = arith.constant 0 : i32
      %dma_start3A_197 = arith.constant 0 : i32
      %dma_start3A_198 = tpu.memref_slice %arg3[%dma_start3A_196, %dma_start3A_197] : memref<10000x128xf32, #tpu.memory_space<hbm>> -> memref<10000x128xf32, #tpu.memory_space<hbm>>
      tpu.enqueue_indirect_dma source(%dma_start3A_198 : memref<10000x128xf32, #tpu.memory_space<hbm>>) target(%arg9 : memref<128x128xf32, #tpu.memory_space<vmem>>) offsets(%dma_start3A_195 : memref<128xi32, #tpu.memory_space<vmem>>) semaphore(%arg14 : memref<!tpu.dma_semaphore, #tpu.memory_space<semaphore_mem>>)
    } else {
    }
    %dma_start3A_145 = arith.constant 1 : i32
    %dma_start3A_146 = arith.constant 0 : i32
    %dma_start3A_147 = tpu.memref_slice %arg7[%dma_start3A_145, %dma_start3A_146] : memref<2x128xi32, #tpu.memory_space<vmem>> -> memref<1x128xi32, #tpu.memory_space<vmem>>
    %dma_start3A_148 = tpu.memref_squeeze %dma_start3A_147 : memref<1x128xi32, #tpu.memory_space<vmem>> -> memref<128xi32, #tpu.memory_space<vmem>>
    %dma_start3A_149 = arith.constant 0 : i32
    %dma_start3A_150 = arith.constant 0 : i32
    %dma_start3A_151 = tpu.memref_slice %arg18[%dma_start3A_149, %dma_start3A_150] : memref<10000x128xf32, #tpu.memory_space<vmem_shared>> -> memref<10000x128xf32, #tpu.memory_space<vmem_shared>>
    tpu.enqueue_indirect_dma source(%arg10 : memref<128x128xf32, #tpu.memory_space<vmem>>) target(%dma_start3A_151 : memref<10000x128xf32, #tpu.memory_space<vmem_shared>>) offsets(%dma_start3A_148 : memref<128xi32, #tpu.memory_space<vmem>>) semaphore(%arg17 : memref<!tpu.dma_semaphore, #tpu.memory_space<semaphore_mem>>) {add = true}
    %dma_wait3A_152 = arith.constant 1 : i32
    %dma_wait3A_153 = arith.constant 0 : i32
    %dma_wait3A_154 = tpu.memref_slice %arg7[%dma_wait3A_152, %dma_wait3A_153] : memref<2x128xi32, #tpu.memory_space<vmem>> -> memref<1x128xi32, #tpu.memory_space<vmem>>
    %dma_wait3A_155 = tpu.memref_squeeze %dma_wait3A_154 : memref<1x128xi32, #tpu.memory_space<vmem>> -> memref<128xi32, #tpu.memory_space<vmem>>
    %dma_wait3A_156 = arith.constant 0 : i32
    %dma_wait3A_157 = arith.constant 0 : i32
    %dma_wait3A_158 = tpu.memref_slice %arg18[%dma_wait3A_156, %dma_wait3A_157] : memref<10000x128xf32, #tpu.memory_space<vmem_shared>> -> memref<10000x128xf32, #tpu.memory_space<vmem_shared>>
    tpu.wait_indirect_dma semaphore(%arg17 : memref<!tpu.dma_semaphore, #tpu.memory_space<semaphore_mem>>) src(%arg10 : memref<128x128xf32, #tpu.memory_space<vmem>>) dst(%dma_wait3A_158 : memref<10000x128xf32, #tpu.memory_space<vmem_shared>>)
    %add3A_159 = arith.constant 3 : i32
    %add3A_160 = arith.addi %sub3A_131, %add3A_159 : i32
    %lt3A_161 = arith.cmpi slt, %add3A_160, %select_n3A : i32
    %convert_element_type3A_162 = arith.extui %lt3A_161 : i1 to i32
    %cond3A_163 = arith.constant 0 : i32
    %cond3A_164 = arith.cmpi ne, %convert_element_type3A_162, %cond3A_163 : i32
    scf.if %cond3A_164 {
      %add3A_186 = arith.constant 3 : i32
      %add3A_187 = arith.addi %sub3A_131, %add3A_186 : i32
      %add3A_188 = arith.addi %mul3A_2, %add3A_187 : i32
      %mul3A_189 = arith.constant 128 : i32
      %mul3A_190 = arith.muli %add3A_188, %mul3A_189 : i32
      %dma_start3A_191 = arith.constant 0 : i32
      %dma_start3A_192 = tpu.memref_slice %arg2[%dma_start3A_191, %mul3A_190] : memref<2x320000xi32, #tpu.memory_space<hbm>> -> memref<2x128xi32, #tpu.memory_space<hbm>>
      %dma_start3A_193 = arith.constant 0 : i32
      %dma_start3A_194 = tpu.memref_slice %arg2[%dma_start3A_193, %mul3A_190] : memref<2x320000xi32, #tpu.memory_space<hbm>> -> memref<2x128xi32, #tpu.memory_space<hbm>>
      tpu.enqueue_dma source(%dma_start3A_194 : memref<2x128xi32, #tpu.memory_space<hbm>>) target(%arg7 : memref<2x128xi32, #tpu.memory_space<vmem>>) target_semaphore(%arg12 : memref<!tpu.dma_semaphore, #tpu.memory_space<semaphore_mem>>)
    } else {
    }
    %barrier3A_165 = arith.constant 0 : index
    tpu.barrier barrier_id(%barrier3A_165)
    %lt3A_166 = arith.constant 15 : i32
    %lt3A_167 = arith.cmpi slt, %arg1, %lt3A_166 : i32
    %convert_element_type3A_168 = arith.extui %lt3A_167 : i1 to i32
    %cond3A_169 = arith.constant 0 : i32
    %cond3A_170 = arith.cmpi ne, %convert_element_type3A_168, %cond3A_169 : i32
    scf.if %cond3A_170 {
      %mul3A_186 = arith.constant 624 : i32
      %mul3A_187 = arith.muli %arg1, %mul3A_186 : i32
      %add3A_188 = arith.constant 0 : i32
      %add3A_189 = arith.addi %mul3A_187, %add3A_188 : i32
      "tpu.region"() ({
        %run_scoped3A = tpu.sem_alloc : memref<!tpu.dma_semaphore, #tpu.memory_space<semaphore_mem>>
        %dma_start3A_308 = arith.constant 0 : i32
        %dma_start3A_309 = arith.constant 0 : i32
        %dma_start3A_310 = tpu.memref_slice %arg9[%dma_start3A_308, %dma_start3A_309] : memref<128x128xf32, #tpu.memory_space<vmem>> -> memref<128x128xf32, #tpu.memory_space<vmem>>
        %dma_start3A_311 = arith.constant 0 : i32
        %dma_start3A_312 = tpu.memref_slice %arg18[%add3A_189, %dma_start3A_311] : memref<10000x128xf32, #tpu.memory_space<vmem_shared>> -> memref<128x128xf32, #tpu.memory_space<vmem_shared>>
        %dma_start3A_313 = arith.constant 0 : i32
        %dma_start3A_314 = arith.constant 0 : i32
        %dma_start3A_315 = tpu.memref_slice %arg9[%dma_start3A_313, %dma_start3A_314] : memref<128x128xf32, #tpu.memory_space<vmem>> -> memref<128x128xf32, #tpu.memory_space<vmem>>
        %dma_start3A_316 = arith.constant 0 : i32
        %dma_start3A_317 = tpu.memref_slice %arg18[%add3A_189, %dma_start3A_316] : memref<10000x128xf32, #tpu.memory_space<vmem_shared>> -> memref<128x128xf32, #tpu.memory_space<vmem_shared>>
        tpu.enqueue_dma source(%dma_start3A_317 : memref<128x128xf32, #tpu.memory_space<vmem_shared>>) target(%dma_start3A_315 : memref<128x128xf32, #tpu.memory_space<vmem>>) target_semaphore(%run_scoped3A : memref<!tpu.dma_semaphore, #tpu.memory_space<semaphore_mem>>)
        %dma_wait3A_318 = arith.constant 0 : i32
        %dma_wait3A_319 = arith.constant 0 : i32
        %dma_wait3A_320 = tpu.memref_slice %arg9[%dma_wait3A_318, %dma_wait3A_319] : memref<128x128xf32, #tpu.memory_space<vmem>> -> memref<128x128xf32, #tpu.memory_space<vmem>>
        %dma_wait3A_321 = arith.constant 0 : i32
        %dma_wait3A_322 = tpu.memref_slice %arg18[%add3A_189, %dma_wait3A_321] : memref<10000x128xf32, #tpu.memory_space<vmem_shared>> -> memref<128x128xf32, #tpu.memory_space<vmem_shared>>
        %dma_wait3A_323 = arith.constant 0 : i32
        %dma_wait3A_324 = arith.constant 0 : i32
        %dma_wait3A_325 = tpu.memref_slice %arg9[%dma_wait3A_323, %dma_wait3A_324] : memref<128x128xf32, #tpu.memory_space<vmem>> -> memref<128x128xf32, #tpu.memory_space<vmem>>
        %dma_wait3A_326 = arith.constant 0 : i32
        %dma_wait3A_327 = tpu.memref_slice %arg18[%add3A_189, %dma_wait3A_326] : memref<10000x128xf32, #tpu.memory_space<vmem_shared>> -> memref<128x128xf32, #tpu.memory_space<vmem_shared>>
        tpu.wait_dma2 semaphore(%run_scoped3A : memref<!tpu.dma_semaphore, #tpu.memory_space<semaphore_mem>>) src(%dma_wait3A_327 : memref<128x128xf32, #tpu.memory_space<vmem_shared>>) dst(%dma_wait3A_325 : memref<128x128xf32, #tpu.memory_space<vmem>>)
        tpu.yield
      }) : () -> ()
      %dma_start3A_190 = arith.constant 0 : i32
      %dma_start3A_191 = arith.constant 0 : i32
      %dma_start3A_192 = tpu.memref_slice %arg9[%dma_start3A_190, %dma_start3A_191] : memref<128x128xf32, #tpu.memory_space<vmem>> -> memref<128x128xf32, #tpu.memory_space<vmem>>
      %dma_start3A_193 = arith.constant 0 : i32
      %dma_start3A_194 = tpu.memref_slice %arg5[%arg0, %add3A_189, %dma_start3A_193] : memref<2x10000x128xf32, #tpu.memory_space<hbm>> -> memref<1x128x128xf32, #tpu.memory_space<hbm>>
      %dma_start3A_195 = tpu.memref_squeeze %dma_start3A_194 : memref<1x128x128xf32, #tpu.memory_space<hbm>> -> memref<128x128xf32, #tpu.memory_space<hbm>>
      %dma_start3A_196 = arith.constant 0 : i32
      %dma_start3A_197 = tpu.memref_slice %arg5[%arg0, %add3A_189, %dma_start3A_196] : memref<2x10000x128xf32, #tpu.memory_space<hbm>> -> memref<1x128x128xf32, #tpu.memory_space<hbm>>
      %dma_start3A_198 = tpu.memref_squeeze %dma_start3A_197 : memref<1x128x128xf32, #tpu.memory_space<hbm>> -> memref<128x128xf32, #tpu.memory_space<hbm>>
      %dma_start3A_199 = arith.constant 0 : i32
      %dma_start3A_200 = arith.constant 0 : i32
      %dma_start3A_201 = tpu.memref_slice %arg9[%dma_start3A_199, %dma_start3A_200] : memref<128x128xf32, #tpu.memory_space<vmem>> -> memref<128x128xf32, #tpu.memory_space<vmem>>
      tpu.enqueue_dma source(%dma_start3A_201 : memref<128x128xf32, #tpu.memory_space<vmem>>) target(%dma_start3A_198 : memref<128x128xf32, #tpu.memory_space<hbm>>) target_semaphore(%arg14 : memref<!tpu.dma_semaphore, #tpu.memory_space<semaphore_mem>>)
      %mul3A_202 = arith.constant 624 : i32
      %mul3A_203 = arith.muli %arg1, %mul3A_202 : i32
      %add3A_204 = arith.constant 128 : i32
      %add3A_205 = arith.addi %mul3A_203, %add3A_204 : i32
      "tpu.region"() ({
        %run_scoped3A = tpu.sem_alloc : memref<!tpu.dma_semaphore, #tpu.memory_space<semaphore_mem>>
        %dma_start3A_308 = arith.constant 0 : i32
        %dma_start3A_309 = arith.constant 0 : i32
        %dma_start3A_310 = tpu.memref_slice %arg10[%dma_start3A_308, %dma_start3A_309] : memref<128x128xf32, #tpu.memory_space<vmem>> -> memref<128x128xf32, #tpu.memory_space<vmem>>
        %dma_start3A_311 = arith.constant 0 : i32
        %dma_start3A_312 = tpu.memref_slice %arg18[%add3A_205, %dma_start3A_311] : memref<10000x128xf32, #tpu.memory_space<vmem_shared>> -> memref<128x128xf32, #tpu.memory_space<vmem_shared>>
        %dma_start3A_313 = arith.constant 0 : i32
        %dma_start3A_314 = arith.constant 0 : i32
        %dma_start3A_315 = tpu.memref_slice %arg10[%dma_start3A_313, %dma_start3A_314] : memref<128x128xf32, #tpu.memory_space<vmem>> -> memref<128x128xf32, #tpu.memory_space<vmem>>
        %dma_start3A_316 = arith.constant 0 : i32
        %dma_start3A_317 = tpu.memref_slice %arg18[%add3A_205, %dma_start3A_316] : memref<10000x128xf32, #tpu.memory_space<vmem_shared>> -> memref<128x128xf32, #tpu.memory_space<vmem_shared>>
        tpu.enqueue_dma source(%dma_start3A_317 : memref<128x128xf32, #tpu.memory_space<vmem_shared>>) target(%dma_start3A_315 : memref<128x128xf32, #tpu.memory_space<vmem>>) target_semaphore(%run_scoped3A : memref<!tpu.dma_semaphore, #tpu.memory_space<semaphore_mem>>)
        %dma_wait3A_318 = arith.constant 0 : i32
        %dma_wait3A_319 = arith.constant 0 : i32
        %dma_wait3A_320 = tpu.memref_slice %arg10[%dma_wait3A_318, %dma_wait3A_319] : memref<128x128xf32, #tpu.memory_space<vmem>> -> memref<128x128xf32, #tpu.memory_space<vmem>>
        %dma_wait3A_321 = arith.constant 0 : i32
        %dma_wait3A_322 = tpu.memref_slice %arg18[%add3A_205, %dma_wait3A_321] : memref<10000x128xf32, #tpu.memory_space<vmem_shared>> -> memref<128x128xf32, #tpu.memory_space<vmem_shared>>
        %dma_wait3A_323 = arith.constant 0 : i32
        %dma_wait3A_324 = arith.constant 0 : i32
        %dma_wait3A_325 = tpu.memref_slice %arg10[%dma_wait3A_323, %dma_wait3A_324] : memref<128x128xf32, #tpu.memory_space<vmem>> -> memref<128x128xf32, #tpu.memory_space<vmem>>
        %dma_wait3A_326 = arith.constant 0 : i32
        %dma_wait3A_327 = tpu.memref_slice %arg18[%add3A_205, %dma_wait3A_326] : memref<10000x128xf32, #tpu.memory_space<vmem_shared>> -> memref<128x128xf32, #tpu.memory_space<vmem_shared>>
        tpu.wait_dma2 semaphore(%run_scoped3A : memref<!tpu.dma_semaphore, #tpu.memory_space<semaphore_mem>>) src(%dma_wait3A_327 : memref<128x128xf32, #tpu.memory_space<vmem_shared>>) dst(%dma_wait3A_325 : memref<128x128xf32, #tpu.memory_space<vmem>>)
        tpu.yield
      }) : () -> ()
      %dma_start3A_206 = arith.constant 0 : i32
      %dma_start3A_207 = arith.constant 0 : i32
      %dma_start3A_208 = tpu.memref_slice %arg10[%dma_start3A_206, %dma_start3A_207] : memref<128x128xf32, #tpu.memory_space<vmem>> -> memref<128x128xf32, #tpu.memory_space<vmem>>
      %dma_start3A_209 = arith.constant 0 : i32
      %dma_start3A_210 = tpu.memref_slice %arg5[%arg0, %add3A_205, %dma_start3A_209] : memref<2x10000x128xf32, #tpu.memory_space<hbm>> -> memref<1x128x128xf32, #tpu.memory_space<hbm>>
      %dma_start3A_211 = tpu.memref_squeeze %dma_start3A_210 : memref<1x128x128xf32, #tpu.memory_space<hbm>> -> memref<128x128xf32, #tpu.memory_space<hbm>>
      %dma_start3A_212 = arith.constant 0 : i32
      %dma_start3A_213 = tpu.memref_slice %arg5[%arg0, %add3A_205, %dma_start3A_212] : memref<2x10000x128xf32, #tpu.memory_space<hbm>> -> memref<1x128x128xf32, #tpu.memory_space<hbm>>
      %dma_start3A_214 = tpu.memref_squeeze %dma_start3A_213 : memref<1x128x128xf32, #tpu.memory_space<hbm>> -> memref<128x128xf32, #tpu.memory_space<hbm>>
      %dma_start3A_215 = arith.constant 0 : i32
      %dma_start3A_216 = arith.constant 0 : i32
      %dma_start3A_217 = tpu.memref_slice %arg10[%dma_start3A_215, %dma_start3A_216] : memref<128x128xf32, #tpu.memory_space<vmem>> -> memref<128x128xf32, #tpu.memory_space<vmem>>
      tpu.enqueue_dma source(%dma_start3A_217 : memref<128x128xf32, #tpu.memory_space<vmem>>) target(%dma_start3A_214 : memref<128x128xf32, #tpu.memory_space<hbm>>) target_semaphore(%arg15 : memref<!tpu.dma_semaphore, #tpu.memory_space<semaphore_mem>>)
      %mul3A_218 = arith.constant 624 : i32
      %mul3A_219 = arith.muli %arg1, %mul3A_218 : i32
      %add3A_220 = arith.constant 256 : i32
      %add3A_221 = arith.addi %mul3A_219, %add3A_220 : i32
      %sub3A_222 = arith.constant 256 : i32
      %sub3A_223 = arith.subi %add3A_221, %sub3A_222 : i32
      %dma_wait3A_224 = arith.constant 0 : i32
      %dma_wait3A_225 = arith.constant 0 : i32
      %dma_wait3A_226 = tpu.memref_slice %arg9[%dma_wait3A_224, %dma_wait3A_225] : memref<128x128xf32, #tpu.memory_space<vmem>> -> memref<128x128xf32, #tpu.memory_space<vmem>>
      %dma_wait3A_227 = arith.constant 0 : i32
      %dma_wait3A_228 = tpu.memref_slice %arg5[%arg0, %sub3A_223, %dma_wait3A_227] : memref<2x10000x128xf32, #tpu.memory_space<hbm>> -> memref<1x128x128xf32, #tpu.memory_space<hbm>>
      %dma_wait3A_229 = tpu.memref_squeeze %dma_wait3A_228 : memref<1x128x128xf32, #tpu.memory_space<hbm>> -> memref<128x128xf32, #tpu.memory_space<hbm>>
      %dma_wait3A_230 = arith.constant 0 : i32
      %dma_wait3A_231 = tpu.memref_slice %arg5[%arg0, %sub3A_223, %dma_wait3A_230] : memref<2x10000x128xf32, #tpu.memory_space<hbm>> -> memref<1x128x128xf32, #tpu.memory_space<hbm>>
      %dma_wait3A_232 = tpu.memref_squeeze %dma_wait3A_231 : memref<1x128x128xf32, #tpu.memory_space<hbm>> -> memref<128x128xf32, #tpu.memory_space<hbm>>
      %dma_wait3A_233 = arith.constant 0 : i32
      %dma_wait3A_234 = arith.constant 0 : i32
      %dma_wait3A_235 = tpu.memref_slice %arg9[%dma_wait3A_233, %dma_wait3A_234] : memref<128x128xf32, #tpu.memory_space<vmem>> -> memref<128x128xf32, #tpu.memory_space<vmem>>
      tpu.wait_dma2 semaphore(%arg14 : memref<!tpu.dma_semaphore, #tpu.memory_space<semaphore_mem>>) src(%dma_wait3A_235 : memref<128x128xf32, #tpu.memory_space<vmem>>) dst(%dma_wait3A_232 : memref<128x128xf32, #tpu.memory_space<hbm>>)
      "tpu.region"() ({
        %run_scoped3A = tpu.sem_alloc : memref<!tpu.dma_semaphore, #tpu.memory_space<semaphore_mem>>
        %dma_start3A_308 = arith.constant 0 : i32
        %dma_start3A_309 = arith.constant 0 : i32
        %dma_start3A_310 = tpu.memref_slice %arg9[%dma_start3A_308, %dma_start3A_309] : memref<128x128xf32, #tpu.memory_space<vmem>> -> memref<128x128xf32, #tpu.memory_space<vmem>>
        %dma_start3A_311 = arith.constant 0 : i32
        %dma_start3A_312 = tpu.memref_slice %arg18[%add3A_221, %dma_start3A_311] : memref<10000x128xf32, #tpu.memory_space<vmem_shared>> -> memref<128x128xf32, #tpu.memory_space<vmem_shared>>
        %dma_start3A_313 = arith.constant 0 : i32
        %dma_start3A_314 = arith.constant 0 : i32
        %dma_start3A_315 = tpu.memref_slice %arg9[%dma_start3A_313, %dma_start3A_314] : memref<128x128xf32, #tpu.memory_space<vmem>> -> memref<128x128xf32, #tpu.memory_space<vmem>>
        %dma_start3A_316 = arith.constant 0 : i32
        %dma_start3A_317 = tpu.memref_slice %arg18[%add3A_221, %dma_start3A_316] : memref<10000x128xf32, #tpu.memory_space<vmem_shared>> -> memref<128x128xf32, #tpu.memory_space<vmem_shared>>
        tpu.enqueue_dma source(%dma_start3A_317 : memref<128x128xf32, #tpu.memory_space<vmem_shared>>) target(%dma_start3A_315 : memref<128x128xf32, #tpu.memory_space<vmem>>) target_semaphore(%run_scoped3A : memref<!tpu.dma_semaphore, #tpu.memory_space<semaphore_mem>>)
        %dma_wait3A_318 = arith.constant 0 : i32
        %dma_wait3A_319 = arith.constant 0 : i32
        %dma_wait3A_320 = tpu.memref_slice %arg9[%dma_wait3A_318, %dma_wait3A_319] : memref<128x128xf32, #tpu.memory_space<vmem>> -> memref<128x128xf32, #tpu.memory_space<vmem>>
        %dma_wait3A_321 = arith.constant 0 : i32
        %dma_wait3A_322 = tpu.memref_slice %arg18[%add3A_221, %dma_wait3A_321] : memref<10000x128xf32, #tpu.memory_space<vmem_shared>> -> memref<128x128xf32, #tpu.memory_space<vmem_shared>>
        %dma_wait3A_323 = arith.constant 0 : i32
        %dma_wait3A_324 = arith.constant 0 : i32
        %dma_wait3A_325 = tpu.memref_slice %arg9[%dma_wait3A_323, %dma_wait3A_324] : memref<128x128xf32, #tpu.memory_space<vmem>> -> memref<128x128xf32, #tpu.memory_space<vmem>>
        %dma_wait3A_326 = arith.constant 0 : i32
        %dma_wait3A_327 = tpu.memref_slice %arg18[%add3A_221, %dma_wait3A_326] : memref<10000x128xf32, #tpu.memory_space<vmem_shared>> -> memref<128x128xf32, #tpu.memory_space<vmem_shared>>
        tpu.wait_dma2 semaphore(%run_scoped3A : memref<!tpu.dma_semaphore, #tpu.memory_space<semaphore_mem>>) src(%dma_wait3A_327 : memref<128x128xf32, #tpu.memory_space<vmem_shared>>) dst(%dma_wait3A_325 : memref<128x128xf32, #tpu.memory_space<vmem>>)
        tpu.yield
      }) : () -> ()
      %dma_start3A_236 = arith.constant 0 : i32
      %dma_start3A_237 = arith.constant 0 : i32
      %dma_start3A_238 = tpu.memref_slice %arg9[%dma_start3A_236, %dma_start3A_237] : memref<128x128xf32, #tpu.memory_space<vmem>> -> memref<128x128xf32, #tpu.memory_space<vmem>>
      %dma_start3A_239 = arith.constant 0 : i32
      %dma_start3A_240 = tpu.memref_slice %arg5[%arg0, %add3A_221, %dma_start3A_239] : memref<2x10000x128xf32, #tpu.memory_space<hbm>> -> memref<1x128x128xf32, #tpu.memory_space<hbm>>
      %dma_start3A_241 = tpu.memref_squeeze %dma_start3A_240 : memref<1x128x128xf32, #tpu.memory_space<hbm>> -> memref<128x128xf32, #tpu.memory_space<hbm>>
      %dma_start3A_242 = arith.constant 0 : i32
      %dma_start3A_243 = tpu.memref_slice %arg5[%arg0, %add3A_221, %dma_start3A_242] : memref<2x10000x128xf32, #tpu.memory_space<hbm>> -> memref<1x128x128xf32, #tpu.memory_space<hbm>>
      %dma_start3A_244 = tpu.memref_squeeze %dma_start3A_243 : memref<1x128x128xf32, #tpu.memory_space<hbm>> -> memref<128x128xf32, #tpu.memory_space<hbm>>
      %dma_start3A_245 = arith.constant 0 : i32
      %dma_start3A_246 = arith.constant 0 : i32
      %dma_start3A_247 = tpu.memref_slice %arg9[%dma_start3A_245, %dma_start3A_246] : memref<128x128xf32, #tpu.memory_space<vmem>> -> memref<128x128xf32, #tpu.memory_space<vmem>>
      tpu.enqueue_dma source(%dma_start3A_247 : memref<128x128xf32, #tpu.memory_space<vmem>>) target(%dma_start3A_244 : memref<128x128xf32, #tpu.memory_space<hbm>>) target_semaphore(%arg14 : memref<!tpu.dma_semaphore, #tpu.memory_space<semaphore_mem>>)
      %mul3A_248 = arith.constant 624 : i32
      %mul3A_249 = arith.muli %arg1, %mul3A_248 : i32
      %add3A_250 = arith.constant 384 : i32
      %add3A_251 = arith.addi %mul3A_249, %add3A_250 : i32
      %sub3A_252 = arith.constant 256 : i32
      %sub3A_253 = arith.subi %add3A_251, %sub3A_252 : i32
      %dma_wait3A_254 = arith.constant 0 : i32
      %dma_wait3A_255 = arith.constant 0 : i32
      %dma_wait3A_256 = tpu.memref_slice %arg10[%dma_wait3A_254, %dma_wait3A_255] : memref<128x128xf32, #tpu.memory_space<vmem>> -> memref<128x128xf32, #tpu.memory_space<vmem>>
      %dma_wait3A_257 = arith.constant 0 : i32
      %dma_wait3A_258 = tpu.memref_slice %arg5[%arg0, %sub3A_253, %dma_wait3A_257] : memref<2x10000x128xf32, #tpu.memory_space<hbm>> -> memref<1x128x128xf32, #tpu.memory_space<hbm>>
      %dma_wait3A_259 = tpu.memref_squeeze %dma_wait3A_258 : memref<1x128x128xf32, #tpu.memory_space<hbm>> -> memref<128x128xf32, #tpu.memory_space<hbm>>
      %dma_wait3A_260 = arith.constant 0 : i32
      %dma_wait3A_261 = tpu.memref_slice %arg5[%arg0, %sub3A_253, %dma_wait3A_260] : memref<2x10000x128xf32, #tpu.memory_space<hbm>> -> memref<1x128x128xf32, #tpu.memory_space<hbm>>
      %dma_wait3A_262 = tpu.memref_squeeze %dma_wait3A_261 : memref<1x128x128xf32, #tpu.memory_space<hbm>> -> memref<128x128xf32, #tpu.memory_space<hbm>>
      %dma_wait3A_263 = arith.constant 0 : i32
      %dma_wait3A_264 = arith.constant 0 : i32
      %dma_wait3A_265 = tpu.memref_slice %arg10[%dma_wait3A_263, %dma_wait3A_264] : memref<128x128xf32, #tpu.memory_space<vmem>> -> memref<128x128xf32, #tpu.memory_space<vmem>>
      tpu.wait_dma2 semaphore(%arg15 : memref<!tpu.dma_semaphore, #tpu.memory_space<semaphore_mem>>) src(%dma_wait3A_265 : memref<128x128xf32, #tpu.memory_space<vmem>>) dst(%dma_wait3A_262 : memref<128x128xf32, #tpu.memory_space<hbm>>)
      "tpu.region"() ({
        %run_scoped3A = tpu.sem_alloc : memref<!tpu.dma_semaphore, #tpu.memory_space<semaphore_mem>>
        %dma_start3A_308 = arith.constant 0 : i32
        %dma_start3A_309 = arith.constant 0 : i32
        %dma_start3A_310 = tpu.memref_slice %arg10[%dma_start3A_308, %dma_start3A_309] : memref<128x128xf32, #tpu.memory_space<vmem>> -> memref<128x128xf32, #tpu.memory_space<vmem>>
        %dma_start3A_311 = arith.constant 0 : i32
        %dma_start3A_312 = tpu.memref_slice %arg18[%add3A_251, %dma_start3A_311] : memref<10000x128xf32, #tpu.memory_space<vmem_shared>> -> memref<128x128xf32, #tpu.memory_space<vmem_shared>>
        %dma_start3A_313 = arith.constant 0 : i32
        %dma_start3A_314 = arith.constant 0 : i32
        %dma_start3A_315 = tpu.memref_slice %arg10[%dma_start3A_313, %dma_start3A_314] : memref<128x128xf32, #tpu.memory_space<vmem>> -> memref<128x128xf32, #tpu.memory_space<vmem>>
        %dma_start3A_316 = arith.constant 0 : i32
        %dma_start3A_317 = tpu.memref_slice %arg18[%add3A_251, %dma_start3A_316] : memref<10000x128xf32, #tpu.memory_space<vmem_shared>> -> memref<128x128xf32, #tpu.memory_space<vmem_shared>>
        tpu.enqueue_dma source(%dma_start3A_317 : memref<128x128xf32, #tpu.memory_space<vmem_shared>>) target(%dma_start3A_315 : memref<128x128xf32, #tpu.memory_space<vmem>>) target_semaphore(%run_scoped3A : memref<!tpu.dma_semaphore, #tpu.memory_space<semaphore_mem>>)
        %dma_wait3A_318 = arith.constant 0 : i32
        %dma_wait3A_319 = arith.constant 0 : i32
        %dma_wait3A_320 = tpu.memref_slice %arg10[%dma_wait3A_318, %dma_wait3A_319] : memref<128x128xf32, #tpu.memory_space<vmem>> -> memref<128x128xf32, #tpu.memory_space<vmem>>
        %dma_wait3A_321 = arith.constant 0 : i32
        %dma_wait3A_322 = tpu.memref_slice %arg18[%add3A_251, %dma_wait3A_321] : memref<10000x128xf32, #tpu.memory_space<vmem_shared>> -> memref<128x128xf32, #tpu.memory_space<vmem_shared>>
        %dma_wait3A_323 = arith.constant 0 : i32
        %dma_wait3A_324 = arith.constant 0 : i32
        %dma_wait3A_325 = tpu.memref_slice %arg10[%dma_wait3A_323, %dma_wait3A_324] : memref<128x128xf32, #tpu.memory_space<vmem>> -> memref<128x128xf32, #tpu.memory_space<vmem>>
        %dma_wait3A_326 = arith.constant 0 : i32
        %dma_wait3A_327 = tpu.memref_slice %arg18[%add3A_251, %dma_wait3A_326] : memref<10000x128xf32, #tpu.memory_space<vmem_shared>> -> memref<128x128xf32, #tpu.memory_space<vmem_shared>>
        tpu.wait_dma2 semaphore(%run_scoped3A : memref<!tpu.dma_semaphore, #tpu.memory_space<semaphore_mem>>) src(%dma_wait3A_327 : memref<128x128xf32, #tpu.memory_space<vmem_shared>>) dst(%dma_wait3A_325 : memref<128x128xf32, #tpu.memory_space<vmem>>)
        tpu.yield
      }) : () -> ()
      %dma_start3A_266 = arith.constant 0 : i32
      %dma_start3A_267 = arith.constant 0 : i32
      %dma_start3A_268 = tpu.memref_slice %arg10[%dma_start3A_266, %dma_start3A_267] : memref<128x128xf32, #tpu.memory_space<vmem>> -> memref<128x128xf32, #tpu.memory_space<vmem>>
      %dma_start3A_269 = arith.constant 0 : i32
      %dma_start3A_270 = tpu.memref_slice %arg5[%arg0, %add3A_251, %dma_start3A_269] : memref<2x10000x128xf32, #tpu.memory_space<hbm>> -> memref<1x128x128xf32, #tpu.memory_space<hbm>>
      %dma_start3A_271 = tpu.memref_squeeze %dma_start3A_270 : memref<1x128x128xf32, #tpu.memory_space<hbm>> -> memref<128x128xf32, #tpu.memory_space<hbm>>
      %dma_start3A_272 = arith.constant 0 : i32
      %dma_start3A_273 = tpu.memref_slice %arg5[%arg0, %add3A_251, %dma_start3A_272] : memref<2x10000x128xf32, #tpu.memory_space<hbm>> -> memref<1x128x128xf32, #tpu.memory_space<hbm>>
      %dma_start3A_274 = tpu.memref_squeeze %dma_start3A_273 : memref<1x128x128xf32, #tpu.memory_space<hbm>> -> memref<128x128xf32, #tpu.memory_space<hbm>>
      %dma_start3A_275 = arith.constant 0 : i32
      %dma_start3A_276 = arith.constant 0 : i32
      %dma_start3A_277 = tpu.memref_slice %arg10[%dma_start3A_275, %dma_start3A_276] : memref<128x128xf32, #tpu.memory_space<vmem>> -> memref<128x128xf32, #tpu.memory_space<vmem>>
      tpu.enqueue_dma source(%dma_start3A_277 : memref<128x128xf32, #tpu.memory_space<vmem>>) target(%dma_start3A_274 : memref<128x128xf32, #tpu.memory_space<hbm>>) target_semaphore(%arg15 : memref<!tpu.dma_semaphore, #tpu.memory_space<semaphore_mem>>)
      %mul3A_278 = arith.constant 624 : i32
      %mul3A_279 = arith.muli %arg1, %mul3A_278 : i32
      %add3A_280 = arith.constant 512 : i32
      %add3A_281 = arith.addi %mul3A_279, %add3A_280 : i32
      %sub3A_282 = arith.constant 256 : i32
      %sub3A_283 = arith.subi %add3A_281, %sub3A_282 : i32
      %dma_wait3A_284 = arith.constant 0 : i32
      %dma_wait3A_285 = arith.constant 0 : i32
      %dma_wait3A_286 = tpu.memref_slice %arg9[%dma_wait3A_284, %dma_wait3A_285] : memref<128x128xf32, #tpu.memory_space<vmem>> -> memref<128x128xf32, #tpu.memory_space<vmem>>
      %dma_wait3A_287 = arith.constant 0 : i32
      %dma_wait3A_288 = tpu.memref_slice %arg5[%arg0, %sub3A_283, %dma_wait3A_287] : memref<2x10000x128xf32, #tpu.memory_space<hbm>> -> memref<1x128x128xf32, #tpu.memory_space<hbm>>
      %dma_wait3A_289 = tpu.memref_squeeze %dma_wait3A_288 : memref<1x128x128xf32, #tpu.memory_space<hbm>> -> memref<128x128xf32, #tpu.memory_space<hbm>>
      %dma_wait3A_290 = arith.constant 0 : i32
      %dma_wait3A_291 = tpu.memref_slice %arg5[%arg0, %sub3A_283, %dma_wait3A_290] : memref<2x10000x128xf32, #tpu.memory_space<hbm>> -> memref<1x128x128xf32, #tpu.memory_space<hbm>>
      %dma_wait3A_292 = tpu.memref_squeeze %dma_wait3A_291 : memref<1x128x128xf32, #tpu.memory_space<hbm>> -> memref<128x128xf32, #tpu.memory_space<hbm>>
      %dma_wait3A_293 = arith.constant 0 : i32
      %dma_wait3A_294 = arith.constant 0 : i32
      %dma_wait3A_295 = tpu.memref_slice %arg9[%dma_wait3A_293, %dma_wait3A_294] : memref<128x128xf32, #tpu.memory_space<vmem>> -> memref<128x128xf32, #tpu.memory_space<vmem>>
      tpu.wait_dma2 semaphore(%arg14 : memref<!tpu.dma_semaphore, #tpu.memory_space<semaphore_mem>>) src(%dma_wait3A_295 : memref<128x128xf32, #tpu.memory_space<vmem>>) dst(%dma_wait3A_292 : memref<128x128xf32, #tpu.memory_space<hbm>>)
      "tpu.region"() ({
        %run_scoped3A = tpu.sem_alloc : memref<!tpu.dma_semaphore, #tpu.memory_space<semaphore_mem>>
        %dma_start3A_308 = arith.constant 0 : i32
        %dma_start3A_309 = arith.constant 0 : i32
        %dma_start3A_310 = tpu.memref_slice %arg9[%dma_start3A_308, %dma_start3A_309] : memref<128x128xf32, #tpu.memory_space<vmem>> -> memref<112x128xf32, #tpu.memory_space<vmem>>
        %dma_start3A_311 = arith.constant 0 : i32
        %dma_start3A_312 = tpu.memref_slice %arg18[%add3A_281, %dma_start3A_311] : memref<10000x128xf32, #tpu.memory_space<vmem_shared>> -> memref<112x128xf32, #tpu.memory_space<vmem_shared>>
        %dma_start3A_313 = arith.constant 0 : i32
        %dma_start3A_314 = arith.constant 0 : i32
        %dma_start3A_315 = tpu.memref_slice %arg9[%dma_start3A_313, %dma_start3A_314] : memref<128x128xf32, #tpu.memory_space<vmem>> -> memref<112x128xf32, #tpu.memory_space<vmem>>
        %dma_start3A_316 = arith.constant 0 : i32
        %dma_start3A_317 = tpu.memref_slice %arg18[%add3A_281, %dma_start3A_316] : memref<10000x128xf32, #tpu.memory_space<vmem_shared>> -> memref<112x128xf32, #tpu.memory_space<vmem_shared>>
        tpu.enqueue_dma source(%dma_start3A_317 : memref<112x128xf32, #tpu.memory_space<vmem_shared>>) target(%dma_start3A_315 : memref<112x128xf32, #tpu.memory_space<vmem>>) target_semaphore(%run_scoped3A : memref<!tpu.dma_semaphore, #tpu.memory_space<semaphore_mem>>)
        %dma_wait3A_318 = arith.constant 0 : i32
        %dma_wait3A_319 = arith.constant 0 : i32
        %dma_wait3A_320 = tpu.memref_slice %arg9[%dma_wait3A_318, %dma_wait3A_319] : memref<128x128xf32, #tpu.memory_space<vmem>> -> memref<112x128xf32, #tpu.memory_space<vmem>>
        %dma_wait3A_321 = arith.constant 0 : i32
        %dma_wait3A_322 = tpu.memref_slice %arg18[%add3A_281, %dma_wait3A_321] : memref<10000x128xf32, #tpu.memory_space<vmem_shared>> -> memref<112x128xf32, #tpu.memory_space<vmem_shared>>
        %dma_wait3A_323 = arith.constant 0 : i32
        %dma_wait3A_324 = arith.constant 0 : i32
        %dma_wait3A_325 = tpu.memref_slice %arg9[%dma_wait3A_323, %dma_wait3A_324] : memref<128x128xf32, #tpu.memory_space<vmem>> -> memref<112x128xf32, #tpu.memory_space<vmem>>
        %dma_wait3A_326 = arith.constant 0 : i32
        %dma_wait3A_327 = tpu.memref_slice %arg18[%add3A_281, %dma_wait3A_326] : memref<10000x128xf32, #tpu.memory_space<vmem_shared>> -> memref<112x128xf32, #tpu.memory_space<vmem_shared>>
        tpu.wait_dma2 semaphore(%run_scoped3A : memref<!tpu.dma_semaphore, #tpu.memory_space<semaphore_mem>>) src(%dma_wait3A_327 : memref<112x128xf32, #tpu.memory_space<vmem_shared>>) dst(%dma_wait3A_325 : memref<112x128xf32, #tpu.memory_space<vmem>>)
        tpu.yield
      }) : () -> ()
      %dma_start3A_296 = arith.constant 0 : i32
      %dma_start3A_297 = arith.constant 0 : i32
      %dma_start3A_298 = tpu.memref_slice %arg9[%dma_start3A_296, %dma_start3A_297] : memref<128x128xf32, #tpu.memory_space<vmem>> -> memref<112x128xf32, #tpu.memory_space<vmem>>
      %dma_start3A_299 = arith.constant 0 : i32
      %dma_start3A_300 = tpu.memref_slice %arg5[%arg0, %add3A_281, %dma_start3A_299] : memref<2x10000x128xf32, #tpu.memory_space<hbm>> -> memref<1x112x128xf32, #tpu.memory_space<hbm>>
      %dma_start3A_301 = tpu.memref_squeeze %dma_start3A_300 : memref<1x112x128xf32, #tpu.memory_space<hbm>> -> memref<112x128xf32, #tpu.memory_space<hbm>>
      %dma_start3A_302 = arith.constant 0 : i32
      %dma_start3A_303 = tpu.memref_slice %arg5[%arg0, %add3A_281, %dma_start3A_302] : memref<2x10000x128xf32, #tpu.memory_space<hbm>> -> memref<1x112x128xf32, #tpu.memory_space<hbm>>
      %dma_start3A_304 = tpu.memref_squeeze %dma_start3A_303 : memref<1x112x128xf32, #tpu.memory_space<hbm>> -> memref<112x128xf32, #tpu.memory_space<hbm>>
      %dma_start3A_305 = arith.constant 0 : i32
      %dma_start3A_306 = arith.constant 0 : i32
      %dma_start3A_307 = tpu.memref_slice %arg9[%dma_start3A_305, %dma_start3A_306] : memref<128x128xf32, #tpu.memory_space<vmem>> -> memref<112x128xf32, #tpu.memory_space<vmem>>
      tpu.enqueue_dma source(%dma_start3A_307 : memref<112x128xf32, #tpu.memory_space<vmem>>) target(%dma_start3A_304 : memref<112x128xf32, #tpu.memory_space<hbm>>) target_semaphore(%arg14 : memref<!tpu.dma_semaphore, #tpu.memory_space<semaphore_mem>>)
    } else {
    }
    %eq3A_171 = arith.constant 15 : i32
    %eq3A_172 = arith.cmpi eq, %arg1, %eq3A_171 : i32
    %convert_element_type3A_173 = arith.extui %eq3A_172 : i1 to i32
    %cond3A_174 = arith.constant 0 : i32
    %cond3A_175 = arith.cmpi ne, %convert_element_type3A_173, %cond3A_174 : i32
    scf.if %cond3A_175 {
      "tpu.region"() ({
        %run_scoped3A = tpu.sem_alloc : memref<!tpu.dma_semaphore, #tpu.memory_space<semaphore_mem>>
        %dma_start3A_298 = arith.constant 0 : i32
        %dma_start3A_299 = arith.constant 0 : i32
        %dma_start3A_300 = tpu.memref_slice %arg9[%dma_start3A_298, %dma_start3A_299] : memref<128x128xf32, #tpu.memory_space<vmem>> -> memref<128x128xf32, #tpu.memory_space<vmem>>
        %dma_start3A_301 = arith.constant 9360 : i32
        %dma_start3A_302 = arith.constant 0 : i32
        %dma_start3A_303 = tpu.memref_slice %arg18[%dma_start3A_301, %dma_start3A_302] : memref<10000x128xf32, #tpu.memory_space<vmem_shared>> -> memref<128x128xf32, #tpu.memory_space<vmem_shared>>
        %dma_start3A_304 = arith.constant 0 : i32
        %dma_start3A_305 = arith.constant 0 : i32
        %dma_start3A_306 = tpu.memref_slice %arg9[%dma_start3A_304, %dma_start3A_305] : memref<128x128xf32, #tpu.memory_space<vmem>> -> memref<128x128xf32, #tpu.memory_space<vmem>>
        %dma_start3A_307 = arith.constant 9360 : i32
        %dma_start3A_308 = arith.constant 0 : i32
        %dma_start3A_309 = tpu.memref_slice %arg18[%dma_start3A_307, %dma_start3A_308] : memref<10000x128xf32, #tpu.memory_space<vmem_shared>> -> memref<128x128xf32, #tpu.memory_space<vmem_shared>>
        tpu.enqueue_dma source(%dma_start3A_309 : memref<128x128xf32, #tpu.memory_space<vmem_shared>>) target(%dma_start3A_306 : memref<128x128xf32, #tpu.memory_space<vmem>>) target_semaphore(%run_scoped3A : memref<!tpu.dma_semaphore, #tpu.memory_space<semaphore_mem>>)
        %dma_wait3A_310 = arith.constant 0 : i32
        %dma_wait3A_311 = arith.constant 0 : i32
        %dma_wait3A_312 = tpu.memref_slice %arg9[%dma_wait3A_310, %dma_wait3A_311] : memref<128x128xf32, #tpu.memory_space<vmem>> -> memref<128x128xf32, #tpu.memory_space<vmem>>
        %dma_wait3A_313 = arith.constant 9360 : i32
        %dma_wait3A_314 = arith.constant 0 : i32
        %dma_wait3A_315 = tpu.memref_slice %arg18[%dma_wait3A_313, %dma_wait3A_314] : memref<10000x128xf32, #tpu.memory_space<vmem_shared>> -> memref<128x128xf32, #tpu.memory_space<vmem_shared>>
        %dma_wait3A_316 = arith.constant 0 : i32
        %dma_wait3A_317 = arith.constant 0 : i32
        %dma_wait3A_318 = tpu.memref_slice %arg9[%dma_wait3A_316, %dma_wait3A_317] : memref<128x128xf32, #tpu.memory_space<vmem>> -> memref<128x128xf32, #tpu.memory_space<vmem>>
        %dma_wait3A_319 = arith.constant 9360 : i32
        %dma_wait3A_320 = arith.constant 0 : i32
        %dma_wait3A_321 = tpu.memref_slice %arg18[%dma_wait3A_319, %dma_wait3A_320] : memref<10000x128xf32, #tpu.memory_space<vmem_shared>> -> memref<128x128xf32, #tpu.memory_space<vmem_shared>>
        tpu.wait_dma2 semaphore(%run_scoped3A : memref<!tpu.dma_semaphore, #tpu.memory_space<semaphore_mem>>) src(%dma_wait3A_321 : memref<128x128xf32, #tpu.memory_space<vmem_shared>>) dst(%dma_wait3A_318 : memref<128x128xf32, #tpu.memory_space<vmem>>)
        tpu.yield
      }) : () -> ()
      %dma_start3A_186 = arith.constant 0 : i32
      %dma_start3A_187 = arith.constant 0 : i32
      %dma_start3A_188 = tpu.memref_slice %arg9[%dma_start3A_186, %dma_start3A_187] : memref<128x128xf32, #tpu.memory_space<vmem>> -> memref<128x128xf32, #tpu.memory_space<vmem>>
      %dma_start3A_189 = arith.constant 9360 : i32
      %dma_start3A_190 = arith.constant 0 : i32
      %dma_start3A_191 = tpu.memref_slice %arg5[%arg0, %dma_start3A_189, %dma_start3A_190] : memref<2x10000x128xf32, #tpu.memory_space<hbm>> -> memref<1x128x128xf32, #tpu.memory_space<hbm>>
      %dma_start3A_192 = tpu.memref_squeeze %dma_start3A_191 : memref<1x128x128xf32, #tpu.memory_space<hbm>> -> memref<128x128xf32, #tpu.memory_space<hbm>>
      %dma_start3A_193 = arith.constant 9360 : i32
      %dma_start3A_194 = arith.constant 0 : i32
      %dma_start3A_195 = tpu.memref_slice %arg5[%arg0, %dma_start3A_193, %dma_start3A_194] : memref<2x10000x128xf32, #tpu.memory_space<hbm>> -> memref<1x128x128xf32, #tpu.memory_space<hbm>>
      %dma_start3A_196 = tpu.memref_squeeze %dma_start3A_195 : memref<1x128x128xf32, #tpu.memory_space<hbm>> -> memref<128x128xf32, #tpu.memory_space<hbm>>
      %dma_start3A_197 = arith.constant 0 : i32
      %dma_start3A_198 = arith.constant 0 : i32
      %dma_start3A_199 = tpu.memref_slice %arg9[%dma_start3A_197, %dma_start3A_198] : memref<128x128xf32, #tpu.memory_space<vmem>> -> memref<128x128xf32, #tpu.memory_space<vmem>>
      tpu.enqueue_dma source(%dma_start3A_199 : memref<128x128xf32, #tpu.memory_space<vmem>>) target(%dma_start3A_196 : memref<128x128xf32, #tpu.memory_space<hbm>>) target_semaphore(%arg14 : memref<!tpu.dma_semaphore, #tpu.memory_space<semaphore_mem>>)
      "tpu.region"() ({
        %run_scoped3A = tpu.sem_alloc : memref<!tpu.dma_semaphore, #tpu.memory_space<semaphore_mem>>
        %dma_start3A_298 = arith.constant 0 : i32
        %dma_start3A_299 = arith.constant 0 : i32
        %dma_start3A_300 = tpu.memref_slice %arg10[%dma_start3A_298, %dma_start3A_299] : memref<128x128xf32, #tpu.memory_space<vmem>> -> memref<128x128xf32, #tpu.memory_space<vmem>>
        %dma_start3A_301 = arith.constant 9488 : i32
        %dma_start3A_302 = arith.constant 0 : i32
        %dma_start3A_303 = tpu.memref_slice %arg18[%dma_start3A_301, %dma_start3A_302] : memref<10000x128xf32, #tpu.memory_space<vmem_shared>> -> memref<128x128xf32, #tpu.memory_space<vmem_shared>>
        %dma_start3A_304 = arith.constant 0 : i32
        %dma_start3A_305 = arith.constant 0 : i32
        %dma_start3A_306 = tpu.memref_slice %arg10[%dma_start3A_304, %dma_start3A_305] : memref<128x128xf32, #tpu.memory_space<vmem>> -> memref<128x128xf32, #tpu.memory_space<vmem>>
        %dma_start3A_307 = arith.constant 9488 : i32
        %dma_start3A_308 = arith.constant 0 : i32
        %dma_start3A_309 = tpu.memref_slice %arg18[%dma_start3A_307, %dma_start3A_308] : memref<10000x128xf32, #tpu.memory_space<vmem_shared>> -> memref<128x128xf32, #tpu.memory_space<vmem_shared>>
        tpu.enqueue_dma source(%dma_start3A_309 : memref<128x128xf32, #tpu.memory_space<vmem_shared>>) target(%dma_start3A_306 : memref<128x128xf32, #tpu.memory_space<vmem>>) target_semaphore(%run_scoped3A : memref<!tpu.dma_semaphore, #tpu.memory_space<semaphore_mem>>)
        %dma_wait3A_310 = arith.constant 0 : i32
        %dma_wait3A_311 = arith.constant 0 : i32
        %dma_wait3A_312 = tpu.memref_slice %arg10[%dma_wait3A_310, %dma_wait3A_311] : memref<128x128xf32, #tpu.memory_space<vmem>> -> memref<128x128xf32, #tpu.memory_space<vmem>>
        %dma_wait3A_313 = arith.constant 9488 : i32
        %dma_wait3A_314 = arith.constant 0 : i32
        %dma_wait3A_315 = tpu.memref_slice %arg18[%dma_wait3A_313, %dma_wait3A_314] : memref<10000x128xf32, #tpu.memory_space<vmem_shared>> -> memref<128x128xf32, #tpu.memory_space<vmem_shared>>
        %dma_wait3A_316 = arith.constant 0 : i32
        %dma_wait3A_317 = arith.constant 0 : i32
        %dma_wait3A_318 = tpu.memref_slice %arg10[%dma_wait3A_316, %dma_wait3A_317] : memref<128x128xf32, #tpu.memory_space<vmem>> -> memref<128x128xf32, #tpu.memory_space<vmem>>
        %dma_wait3A_319 = arith.constant 9488 : i32
        %dma_wait3A_320 = arith.constant 0 : i32
        %dma_wait3A_321 = tpu.memref_slice %arg18[%dma_wait3A_319, %dma_wait3A_320] : memref<10000x128xf32, #tpu.memory_space<vmem_shared>> -> memref<128x128xf32, #tpu.memory_space<vmem_shared>>
        tpu.wait_dma2 semaphore(%run_scoped3A : memref<!tpu.dma_semaphore, #tpu.memory_space<semaphore_mem>>) src(%dma_wait3A_321 : memref<128x128xf32, #tpu.memory_space<vmem_shared>>) dst(%dma_wait3A_318 : memref<128x128xf32, #tpu.memory_space<vmem>>)
        tpu.yield
      }) : () -> ()
      %dma_start3A_200 = arith.constant 0 : i32
      %dma_start3A_201 = arith.constant 0 : i32
      %dma_start3A_202 = tpu.memref_slice %arg10[%dma_start3A_200, %dma_start3A_201] : memref<128x128xf32, #tpu.memory_space<vmem>> -> memref<128x128xf32, #tpu.memory_space<vmem>>
      %dma_start3A_203 = arith.constant 9488 : i32
      %dma_start3A_204 = arith.constant 0 : i32
      %dma_start3A_205 = tpu.memref_slice %arg5[%arg0, %dma_start3A_203, %dma_start3A_204] : memref<2x10000x128xf32, #tpu.memory_space<hbm>> -> memref<1x128x128xf32, #tpu.memory_space<hbm>>
      %dma_start3A_206 = tpu.memref_squeeze %dma_start3A_205 : memref<1x128x128xf32, #tpu.memory_space<hbm>> -> memref<128x128xf32, #tpu.memory_space<hbm>>
      %dma_start3A_207 = arith.constant 9488 : i32
      %dma_start3A_208 = arith.constant 0 : i32
      %dma_start3A_209 = tpu.memref_slice %arg5[%arg0, %dma_start3A_207, %dma_start3A_208] : memref<2x10000x128xf32, #tpu.memory_space<hbm>> -> memref<1x128x128xf32, #tpu.memory_space<hbm>>
      %dma_start3A_210 = tpu.memref_squeeze %dma_start3A_209 : memref<1x128x128xf32, #tpu.memory_space<hbm>> -> memref<128x128xf32, #tpu.memory_space<hbm>>
      %dma_start3A_211 = arith.constant 0 : i32
      %dma_start3A_212 = arith.constant 0 : i32
      %dma_start3A_213 = tpu.memref_slice %arg10[%dma_start3A_211, %dma_start3A_212] : memref<128x128xf32, #tpu.memory_space<vmem>> -> memref<128x128xf32, #tpu.memory_space<vmem>>
      tpu.enqueue_dma source(%dma_start3A_213 : memref<128x128xf32, #tpu.memory_space<vmem>>) target(%dma_start3A_210 : memref<128x128xf32, #tpu.memory_space<hbm>>) target_semaphore(%arg15 : memref<!tpu.dma_semaphore, #tpu.memory_space<semaphore_mem>>)
      %dma_wait3A_214 = arith.constant 0 : i32
      %dma_wait3A_215 = arith.constant 0 : i32
      %dma_wait3A_216 = tpu.memref_slice %arg9[%dma_wait3A_214, %dma_wait3A_215] : memref<128x128xf32, #tpu.memory_space<vmem>> -> memref<128x128xf32, #tpu.memory_space<vmem>>
      %dma_wait3A_217 = arith.constant 9360 : i32
      %dma_wait3A_218 = arith.constant 0 : i32
      %dma_wait3A_219 = tpu.memref_slice %arg5[%arg0, %dma_wait3A_217, %dma_wait3A_218] : memref<2x10000x128xf32, #tpu.memory_space<hbm>> -> memref<1x128x128xf32, #tpu.memory_space<hbm>>
      %dma_wait3A_220 = tpu.memref_squeeze %dma_wait3A_219 : memref<1x128x128xf32, #tpu.memory_space<hbm>> -> memref<128x128xf32, #tpu.memory_space<hbm>>
      %dma_wait3A_221 = arith.constant 9360 : i32
      %dma_wait3A_222 = arith.constant 0 : i32
      %dma_wait3A_223 = tpu.memref_slice %arg5[%arg0, %dma_wait3A_221, %dma_wait3A_222] : memref<2x10000x128xf32, #tpu.memory_space<hbm>> -> memref<1x128x128xf32, #tpu.memory_space<hbm>>
      %dma_wait3A_224 = tpu.memref_squeeze %dma_wait3A_223 : memref<1x128x128xf32, #tpu.memory_space<hbm>> -> memref<128x128xf32, #tpu.memory_space<hbm>>
      %dma_wait3A_225 = arith.constant 0 : i32
      %dma_wait3A_226 = arith.constant 0 : i32
      %dma_wait3A_227 = tpu.memref_slice %arg9[%dma_wait3A_225, %dma_wait3A_226] : memref<128x128xf32, #tpu.memory_space<vmem>> -> memref<128x128xf32, #tpu.memory_space<vmem>>
      tpu.wait_dma2 semaphore(%arg14 : memref<!tpu.dma_semaphore, #tpu.memory_space<semaphore_mem>>) src(%dma_wait3A_227 : memref<128x128xf32, #tpu.memory_space<vmem>>) dst(%dma_wait3A_224 : memref<128x128xf32, #tpu.memory_space<hbm>>)
      "tpu.region"() ({
        %run_scoped3A = tpu.sem_alloc : memref<!tpu.dma_semaphore, #tpu.memory_space<semaphore_mem>>
        %dma_start3A_298 = arith.constant 0 : i32
        %dma_start3A_299 = arith.constant 0 : i32
        %dma_start3A_300 = tpu.memref_slice %arg9[%dma_start3A_298, %dma_start3A_299] : memref<128x128xf32, #tpu.memory_space<vmem>> -> memref<128x128xf32, #tpu.memory_space<vmem>>
        %dma_start3A_301 = arith.constant 9616 : i32
        %dma_start3A_302 = arith.constant 0 : i32
        %dma_start3A_303 = tpu.memref_slice %arg18[%dma_start3A_301, %dma_start3A_302] : memref<10000x128xf32, #tpu.memory_space<vmem_shared>> -> memref<128x128xf32, #tpu.memory_space<vmem_shared>>
        %dma_start3A_304 = arith.constant 0 : i32
        %dma_start3A_305 = arith.constant 0 : i32
        %dma_start3A_306 = tpu.memref_slice %arg9[%dma_start3A_304, %dma_start3A_305] : memref<128x128xf32, #tpu.memory_space<vmem>> -> memref<128x128xf32, #tpu.memory_space<vmem>>
        %dma_start3A_307 = arith.constant 9616 : i32
        %dma_start3A_308 = arith.constant 0 : i32
        %dma_start3A_309 = tpu.memref_slice %arg18[%dma_start3A_307, %dma_start3A_308] : memref<10000x128xf32, #tpu.memory_space<vmem_shared>> -> memref<128x128xf32, #tpu.memory_space<vmem_shared>>
        tpu.enqueue_dma source(%dma_start3A_309 : memref<128x128xf32, #tpu.memory_space<vmem_shared>>) target(%dma_start3A_306 : memref<128x128xf32, #tpu.memory_space<vmem>>) target_semaphore(%run_scoped3A : memref<!tpu.dma_semaphore, #tpu.memory_space<semaphore_mem>>)
        %dma_wait3A_310 = arith.constant 0 : i32
        %dma_wait3A_311 = arith.constant 0 : i32
        %dma_wait3A_312 = tpu.memref_slice %arg9[%dma_wait3A_310, %dma_wait3A_311] : memref<128x128xf32, #tpu.memory_space<vmem>> -> memref<128x128xf32, #tpu.memory_space<vmem>>
        %dma_wait3A_313 = arith.constant 9616 : i32
        %dma_wait3A_314 = arith.constant 0 : i32
        %dma_wait3A_315 = tpu.memref_slice %arg18[%dma_wait3A_313, %dma_wait3A_314] : memref<10000x128xf32, #tpu.memory_space<vmem_shared>> -> memref<128x128xf32, #tpu.memory_space<vmem_shared>>
        %dma_wait3A_316 = arith.constant 0 : i32
        %dma_wait3A_317 = arith.constant 0 : i32
        %dma_wait3A_318 = tpu.memref_slice %arg9[%dma_wait3A_316, %dma_wait3A_317] : memref<128x128xf32, #tpu.memory_space<vmem>> -> memref<128x128xf32, #tpu.memory_space<vmem>>
        %dma_wait3A_319 = arith.constant 9616 : i32
        %dma_wait3A_320 = arith.constant 0 : i32
        %dma_wait3A_321 = tpu.memref_slice %arg18[%dma_wait3A_319, %dma_wait3A_320] : memref<10000x128xf32, #tpu.memory_space<vmem_shared>> -> memref<128x128xf32, #tpu.memory_space<vmem_shared>>
        tpu.wait_dma2 semaphore(%run_scoped3A : memref<!tpu.dma_semaphore, #tpu.memory_space<semaphore_mem>>) src(%dma_wait3A_321 : memref<128x128xf32, #tpu.memory_space<vmem_shared>>) dst(%dma_wait3A_318 : memref<128x128xf32, #tpu.memory_space<vmem>>)
        tpu.yield
      }) : () -> ()
      %dma_start3A_228 = arith.constant 0 : i32
      %dma_start3A_229 = arith.constant 0 : i32
      %dma_start3A_230 = tpu.memref_slice %arg9[%dma_start3A_228, %dma_start3A_229] : memref<128x128xf32, #tpu.memory_space<vmem>> -> memref<128x128xf32, #tpu.memory_space<vmem>>
      %dma_start3A_231 = arith.constant 9616 : i32
      %dma_start3A_232 = arith.constant 0 : i32
      %dma_start3A_233 = tpu.memref_slice %arg5[%arg0, %dma_start3A_231, %dma_start3A_232] : memref<2x10000x128xf32, #tpu.memory_space<hbm>> -> memref<1x128x128xf32, #tpu.memory_space<hbm>>
      %dma_start3A_234 = tpu.memref_squeeze %dma_start3A_233 : memref<1x128x128xf32, #tpu.memory_space<hbm>> -> memref<128x128xf32, #tpu.memory_space<hbm>>
      %dma_start3A_235 = arith.constant 9616 : i32
      %dma_start3A_236 = arith.constant 0 : i32
      %dma_start3A_237 = tpu.memref_slice %arg5[%arg0, %dma_start3A_235, %dma_start3A_236] : memref<2x10000x128xf32, #tpu.memory_space<hbm>> -> memref<1x128x128xf32, #tpu.memory_space<hbm>>
      %dma_start3A_238 = tpu.memref_squeeze %dma_start3A_237 : memref<1x128x128xf32, #tpu.memory_space<hbm>> -> memref<128x128xf32, #tpu.memory_space<hbm>>
      %dma_start3A_239 = arith.constant 0 : i32
      %dma_start3A_240 = arith.constant 0 : i32
      %dma_start3A_241 = tpu.memref_slice %arg9[%dma_start3A_239, %dma_start3A_240] : memref<128x128xf32, #tpu.memory_space<vmem>> -> memref<128x128xf32, #tpu.memory_space<vmem>>
      tpu.enqueue_dma source(%dma_start3A_241 : memref<128x128xf32, #tpu.memory_space<vmem>>) target(%dma_start3A_238 : memref<128x128xf32, #tpu.memory_space<hbm>>) target_semaphore(%arg14 : memref<!tpu.dma_semaphore, #tpu.memory_space<semaphore_mem>>)
      %dma_wait3A_242 = arith.constant 0 : i32
      %dma_wait3A_243 = arith.constant 0 : i32
      %dma_wait3A_244 = tpu.memref_slice %arg10[%dma_wait3A_242, %dma_wait3A_243] : memref<128x128xf32, #tpu.memory_space<vmem>> -> memref<128x128xf32, #tpu.memory_space<vmem>>
      %dma_wait3A_245 = arith.constant 9488 : i32
      %dma_wait3A_246 = arith.constant 0 : i32
      %dma_wait3A_247 = tpu.memref_slice %arg5[%arg0, %dma_wait3A_245, %dma_wait3A_246] : memref<2x10000x128xf32, #tpu.memory_space<hbm>> -> memref<1x128x128xf32, #tpu.memory_space<hbm>>
      %dma_wait3A_248 = tpu.memref_squeeze %dma_wait3A_247 : memref<1x128x128xf32, #tpu.memory_space<hbm>> -> memref<128x128xf32, #tpu.memory_space<hbm>>
      %dma_wait3A_249 = arith.constant 9488 : i32
      %dma_wait3A_250 = arith.constant 0 : i32
      %dma_wait3A_251 = tpu.memref_slice %arg5[%arg0, %dma_wait3A_249, %dma_wait3A_250] : memref<2x10000x128xf32, #tpu.memory_space<hbm>> -> memref<1x128x128xf32, #tpu.memory_space<hbm>>
      %dma_wait3A_252 = tpu.memref_squeeze %dma_wait3A_251 : memref<1x128x128xf32, #tpu.memory_space<hbm>> -> memref<128x128xf32, #tpu.memory_space<hbm>>
      %dma_wait3A_253 = arith.constant 0 : i32
      %dma_wait3A_254 = arith.constant 0 : i32
      %dma_wait3A_255 = tpu.memref_slice %arg10[%dma_wait3A_253, %dma_wait3A_254] : memref<128x128xf32, #tpu.memory_space<vmem>> -> memref<128x128xf32, #tpu.memory_space<vmem>>
      tpu.wait_dma2 semaphore(%arg15 : memref<!tpu.dma_semaphore, #tpu.memory_space<semaphore_mem>>) src(%dma_wait3A_255 : memref<128x128xf32, #tpu.memory_space<vmem>>) dst(%dma_wait3A_252 : memref<128x128xf32, #tpu.memory_space<hbm>>)
      "tpu.region"() ({
        %run_scoped3A = tpu.sem_alloc : memref<!tpu.dma_semaphore, #tpu.memory_space<semaphore_mem>>
        %dma_start3A_298 = arith.constant 0 : i32
        %dma_start3A_299 = arith.constant 0 : i32
        %dma_start3A_300 = tpu.memref_slice %arg10[%dma_start3A_298, %dma_start3A_299] : memref<128x128xf32, #tpu.memory_space<vmem>> -> memref<128x128xf32, #tpu.memory_space<vmem>>
        %dma_start3A_301 = arith.constant 9744 : i32
        %dma_start3A_302 = arith.constant 0 : i32
        %dma_start3A_303 = tpu.memref_slice %arg18[%dma_start3A_301, %dma_start3A_302] : memref<10000x128xf32, #tpu.memory_space<vmem_shared>> -> memref<128x128xf32, #tpu.memory_space<vmem_shared>>
        %dma_start3A_304 = arith.constant 0 : i32
        %dma_start3A_305 = arith.constant 0 : i32
        %dma_start3A_306 = tpu.memref_slice %arg10[%dma_start3A_304, %dma_start3A_305] : memref<128x128xf32, #tpu.memory_space<vmem>> -> memref<128x128xf32, #tpu.memory_space<vmem>>
        %dma_start3A_307 = arith.constant 9744 : i32
        %dma_start3A_308 = arith.constant 0 : i32
        %dma_start3A_309 = tpu.memref_slice %arg18[%dma_start3A_307, %dma_start3A_308] : memref<10000x128xf32, #tpu.memory_space<vmem_shared>> -> memref<128x128xf32, #tpu.memory_space<vmem_shared>>
        tpu.enqueue_dma source(%dma_start3A_309 : memref<128x128xf32, #tpu.memory_space<vmem_shared>>) target(%dma_start3A_306 : memref<128x128xf32, #tpu.memory_space<vmem>>) target_semaphore(%run_scoped3A : memref<!tpu.dma_semaphore, #tpu.memory_space<semaphore_mem>>)
        %dma_wait3A_310 = arith.constant 0 : i32
        %dma_wait3A_311 = arith.constant 0 : i32
        %dma_wait3A_312 = tpu.memref_slice %arg10[%dma_wait3A_310, %dma_wait3A_311] : memref<128x128xf32, #tpu.memory_space<vmem>> -> memref<128x128xf32, #tpu.memory_space<vmem>>
        %dma_wait3A_313 = arith.constant 9744 : i32
        %dma_wait3A_314 = arith.constant 0 : i32
        %dma_wait3A_315 = tpu.memref_slice %arg18[%dma_wait3A_313, %dma_wait3A_314] : memref<10000x128xf32, #tpu.memory_space<vmem_shared>> -> memref<128x128xf32, #tpu.memory_space<vmem_shared>>
        %dma_wait3A_316 = arith.constant 0 : i32
        %dma_wait3A_317 = arith.constant 0 : i32
        %dma_wait3A_318 = tpu.memref_slice %arg10[%dma_wait3A_316, %dma_wait3A_317] : memref<128x128xf32, #tpu.memory_space<vmem>> -> memref<128x128xf32, #tpu.memory_space<vmem>>
        %dma_wait3A_319 = arith.constant 9744 : i32
        %dma_wait3A_320 = arith.constant 0 : i32
        %dma_wait3A_321 = tpu.memref_slice %arg18[%dma_wait3A_319, %dma_wait3A_320] : memref<10000x128xf32, #tpu.memory_space<vmem_shared>> -> memref<128x128xf32, #tpu.memory_space<vmem_shared>>
        tpu.wait_dma2 semaphore(%run_scoped3A : memref<!tpu.dma_semaphore, #tpu.memory_space<semaphore_mem>>) src(%dma_wait3A_321 : memref<128x128xf32, #tpu.memory_space<vmem_shared>>) dst(%dma_wait3A_318 : memref<128x128xf32, #tpu.memory_space<vmem>>)
        tpu.yield
      }) : () -> ()
      %dma_start3A_256 = arith.constant 0 : i32
      %dma_start3A_257 = arith.constant 0 : i32
      %dma_start3A_258 = tpu.memref_slice %arg10[%dma_start3A_256, %dma_start3A_257] : memref<128x128xf32, #tpu.memory_space<vmem>> -> memref<128x128xf32, #tpu.memory_space<vmem>>
      %dma_start3A_259 = arith.constant 9744 : i32
      %dma_start3A_260 = arith.constant 0 : i32
      %dma_start3A_261 = tpu.memref_slice %arg5[%arg0, %dma_start3A_259, %dma_start3A_260] : memref<2x10000x128xf32, #tpu.memory_space<hbm>> -> memref<1x128x128xf32, #tpu.memory_space<hbm>>
      %dma_start3A_262 = tpu.memref_squeeze %dma_start3A_261 : memref<1x128x128xf32, #tpu.memory_space<hbm>> -> memref<128x128xf32, #tpu.memory_space<hbm>>
      %dma_start3A_263 = arith.constant 9744 : i32
      %dma_start3A_264 = arith.constant 0 : i32
      %dma_start3A_265 = tpu.memref_slice %arg5[%arg0, %dma_start3A_263, %dma_start3A_264] : memref<2x10000x128xf32, #tpu.memory_space<hbm>> -> memref<1x128x128xf32, #tpu.memory_space<hbm>>
      %dma_start3A_266 = tpu.memref_squeeze %dma_start3A_265 : memref<1x128x128xf32, #tpu.memory_space<hbm>> -> memref<128x128xf32, #tpu.memory_space<hbm>>
      %dma_start3A_267 = arith.constant 0 : i32
      %dma_start3A_268 = arith.constant 0 : i32
      %dma_start3A_269 = tpu.memref_slice %arg10[%dma_start3A_267, %dma_start3A_268] : memref<128x128xf32, #tpu.memory_space<vmem>> -> memref<128x128xf32, #tpu.memory_space<vmem>>
      tpu.enqueue_dma source(%dma_start3A_269 : memref<128x128xf32, #tpu.memory_space<vmem>>) target(%dma_start3A_266 : memref<128x128xf32, #tpu.memory_space<hbm>>) target_semaphore(%arg15 : memref<!tpu.dma_semaphore, #tpu.memory_space<semaphore_mem>>)
      %dma_wait3A_270 = arith.constant 0 : i32
      %dma_wait3A_271 = arith.constant 0 : i32
      %dma_wait3A_272 = tpu.memref_slice %arg9[%dma_wait3A_270, %dma_wait3A_271] : memref<128x128xf32, #tpu.memory_space<vmem>> -> memref<128x128xf32, #tpu.memory_space<vmem>>
      %dma_wait3A_273 = arith.constant 9616 : i32
      %dma_wait3A_274 = arith.constant 0 : i32
      %dma_wait3A_275 = tpu.memref_slice %arg5[%arg0, %dma_wait3A_273, %dma_wait3A_274] : memref<2x10000x128xf32, #tpu.memory_space<hbm>> -> memref<1x128x128xf32, #tpu.memory_space<hbm>>
      %dma_wait3A_276 = tpu.memref_squeeze %dma_wait3A_275 : memref<1x128x128xf32, #tpu.memory_space<hbm>> -> memref<128x128xf32, #tpu.memory_space<hbm>>
      %dma_wait3A_277 = arith.constant 9616 : i32
      %dma_wait3A_278 = arith.constant 0 : i32
      %dma_wait3A_279 = tpu.memref_slice %arg5[%arg0, %dma_wait3A_277, %dma_wait3A_278] : memref<2x10000x128xf32, #tpu.memory_space<hbm>> -> memref<1x128x128xf32, #tpu.memory_space<hbm>>
      %dma_wait3A_280 = tpu.memref_squeeze %dma_wait3A_279 : memref<1x128x128xf32, #tpu.memory_space<hbm>> -> memref<128x128xf32, #tpu.memory_space<hbm>>
      %dma_wait3A_281 = arith.constant 0 : i32
      %dma_wait3A_282 = arith.constant 0 : i32
      %dma_wait3A_283 = tpu.memref_slice %arg9[%dma_wait3A_281, %dma_wait3A_282] : memref<128x128xf32, #tpu.memory_space<vmem>> -> memref<128x128xf32, #tpu.memory_space<vmem>>
      tpu.wait_dma2 semaphore(%arg14 : memref<!tpu.dma_semaphore, #tpu.memory_space<semaphore_mem>>) src(%dma_wait3A_283 : memref<128x128xf32, #tpu.memory_space<vmem>>) dst(%dma_wait3A_280 : memref<128x128xf32, #tpu.memory_space<hbm>>)
      "tpu.region"() ({
        %run_scoped3A = tpu.sem_alloc : memref<!tpu.dma_semaphore, #tpu.memory_space<semaphore_mem>>
        %dma_start3A_298 = arith.constant 0 : i32
        %dma_start3A_299 = arith.constant 0 : i32
        %dma_start3A_300 = tpu.memref_slice %arg9[%dma_start3A_298, %dma_start3A_299] : memref<128x128xf32, #tpu.memory_space<vmem>> -> memref<128x128xf32, #tpu.memory_space<vmem>>
        %dma_start3A_301 = arith.constant 9872 : i32
        %dma_start3A_302 = arith.constant 0 : i32
        %dma_start3A_303 = tpu.memref_slice %arg18[%dma_start3A_301, %dma_start3A_302] : memref<10000x128xf32, #tpu.memory_space<vmem_shared>> -> memref<128x128xf32, #tpu.memory_space<vmem_shared>>
        %dma_start3A_304 = arith.constant 0 : i32
        %dma_start3A_305 = arith.constant 0 : i32
        %dma_start3A_306 = tpu.memref_slice %arg9[%dma_start3A_304, %dma_start3A_305] : memref<128x128xf32, #tpu.memory_space<vmem>> -> memref<128x128xf32, #tpu.memory_space<vmem>>
        %dma_start3A_307 = arith.constant 9872 : i32
        %dma_start3A_308 = arith.constant 0 : i32
        %dma_start3A_309 = tpu.memref_slice %arg18[%dma_start3A_307, %dma_start3A_308] : memref<10000x128xf32, #tpu.memory_space<vmem_shared>> -> memref<128x128xf32, #tpu.memory_space<vmem_shared>>
        tpu.enqueue_dma source(%dma_start3A_309 : memref<128x128xf32, #tpu.memory_space<vmem_shared>>) target(%dma_start3A_306 : memref<128x128xf32, #tpu.memory_space<vmem>>) target_semaphore(%run_scoped3A : memref<!tpu.dma_semaphore, #tpu.memory_space<semaphore_mem>>)
        %dma_wait3A_310 = arith.constant 0 : i32
        %dma_wait3A_311 = arith.constant 0 : i32
        %dma_wait3A_312 = tpu.memref_slice %arg9[%dma_wait3A_310, %dma_wait3A_311] : memref<128x128xf32, #tpu.memory_space<vmem>> -> memref<128x128xf32, #tpu.memory_space<vmem>>
        %dma_wait3A_313 = arith.constant 9872 : i32
        %dma_wait3A_314 = arith.constant 0 : i32
        %dma_wait3A_315 = tpu.memref_slice %arg18[%dma_wait3A_313, %dma_wait3A_314] : memref<10000x128xf32, #tpu.memory_space<vmem_shared>> -> memref<128x128xf32, #tpu.memory_space<vmem_shared>>
        %dma_wait3A_316 = arith.constant 0 : i32
        %dma_wait3A_317 = arith.constant 0 : i32
        %dma_wait3A_318 = tpu.memref_slice %arg9[%dma_wait3A_316, %dma_wait3A_317] : memref<128x128xf32, #tpu.memory_space<vmem>> -> memref<128x128xf32, #tpu.memory_space<vmem>>
        %dma_wait3A_319 = arith.constant 9872 : i32
        %dma_wait3A_320 = arith.constant 0 : i32
        %dma_wait3A_321 = tpu.memref_slice %arg18[%dma_wait3A_319, %dma_wait3A_320] : memref<10000x128xf32, #tpu.memory_space<vmem_shared>> -> memref<128x128xf32, #tpu.memory_space<vmem_shared>>
        tpu.wait_dma2 semaphore(%run_scoped3A : memref<!tpu.dma_semaphore, #tpu.memory_space<semaphore_mem>>) src(%dma_wait3A_321 : memref<128x128xf32, #tpu.memory_space<vmem_shared>>) dst(%dma_wait3A_318 : memref<128x128xf32, #tpu.memory_space<vmem>>)
        tpu.yield
      }) : () -> ()
      %dma_start3A_284 = arith.constant 0 : i32
      %dma_start3A_285 = arith.constant 0 : i32
      %dma_start3A_286 = tpu.memref_slice %arg9[%dma_start3A_284, %dma_start3A_285] : memref<128x128xf32, #tpu.memory_space<vmem>> -> memref<128x128xf32, #tpu.memory_space<vmem>>
      %dma_start3A_287 = arith.constant 9872 : i32
      %dma_start3A_288 = arith.constant 0 : i32
      %dma_start3A_289 = tpu.memref_slice %arg5[%arg0, %dma_start3A_287, %dma_start3A_288] : memref<2x10000x128xf32, #tpu.memory_space<hbm>> -> memref<1x128x128xf32, #tpu.memory_space<hbm>>
      %dma_start3A_290 = tpu.memref_squeeze %dma_start3A_289 : memref<1x128x128xf32, #tpu.memory_space<hbm>> -> memref<128x128xf32, #tpu.memory_space<hbm>>
      %dma_start3A_291 = arith.constant 9872 : i32
      %dma_start3A_292 = arith.constant 0 : i32
      %dma_start3A_293 = tpu.memref_slice %arg5[%arg0, %dma_start3A_291, %dma_start3A_292] : memref<2x10000x128xf32, #tpu.memory_space<hbm>> -> memref<1x128x128xf32, #tpu.memory_space<hbm>>
      %dma_start3A_294 = tpu.memref_squeeze %dma_start3A_293 : memref<1x128x128xf32, #tpu.memory_space<hbm>> -> memref<128x128xf32, #tpu.memory_space<hbm>>
      %dma_start3A_295 = arith.constant 0 : i32
      %dma_start3A_296 = arith.constant 0 : i32
      %dma_start3A_297 = tpu.memref_slice %arg9[%dma_start3A_295, %dma_start3A_296] : memref<128x128xf32, #tpu.memory_space<vmem>> -> memref<128x128xf32, #tpu.memory_space<vmem>>
      tpu.enqueue_dma source(%dma_start3A_297 : memref<128x128xf32, #tpu.memory_space<vmem>>) target(%dma_start3A_294 : memref<128x128xf32, #tpu.memory_space<hbm>>) target_semaphore(%arg14 : memref<!tpu.dma_semaphore, #tpu.memory_space<semaphore_mem>>)
    } else {
    }
    %lt3A_176 = arith.constant 15 : i32
    %lt3A_177 = arith.cmpi slt, %arg1, %lt3A_176 : i32
    %convert_element_type3A_178 = arith.extui %lt3A_177 : i1 to i32
    %cond3A_179 = arith.constant 0 : i32
    %cond3A_180 = arith.cmpi ne, %convert_element_type3A_178, %cond3A_179 : i32
    scf.if %cond3A_180 {
      %mul3A_186 = arith.constant 624 : i32
      %mul3A_187 = arith.muli %arg1, %mul3A_186 : i32
      %add3A_188 = arith.constant 0 : i32
      %add3A_189 = arith.addi %mul3A_187, %add3A_188 : i32
      %mul3A_190 = arith.constant 624 : i32
      %mul3A_191 = arith.muli %arg1, %mul3A_190 : i32
      %add3A_192 = arith.constant 128 : i32
      %add3A_193 = arith.addi %mul3A_191, %add3A_192 : i32
      %mul3A_194 = arith.constant 624 : i32
      %mul3A_195 = arith.muli %arg1, %mul3A_194 : i32
      %add3A_196 = arith.constant 256 : i32
      %add3A_197 = arith.addi %mul3A_195, %add3A_196 : i32
      %mul3A_198 = arith.constant 624 : i32
      %mul3A_199 = arith.muli %arg1, %mul3A_198 : i32
      %add3A_200 = arith.constant 384 : i32
      %add3A_201 = arith.addi %mul3A_199, %add3A_200 : i32
      %dma_wait3A_202 = arith.constant 0 : i32
      %dma_wait3A_203 = arith.constant 0 : i32
      %dma_wait3A_204 = tpu.memref_slice %arg10[%dma_wait3A_202, %dma_wait3A_203] : memref<128x128xf32, #tpu.memory_space<vmem>> -> memref<128x128xf32, #tpu.memory_space<vmem>>
      %dma_wait3A_205 = arith.constant 0 : i32
      %dma_wait3A_206 = tpu.memref_slice %arg5[%arg0, %add3A_201, %dma_wait3A_205] : memref<2x10000x128xf32, #tpu.memory_space<hbm>> -> memref<1x128x128xf32, #tpu.memory_space<hbm>>
      %dma_wait3A_207 = tpu.memref_squeeze %dma_wait3A_206 : memref<1x128x128xf32, #tpu.memory_space<hbm>> -> memref<128x128xf32, #tpu.memory_space<hbm>>
      %dma_wait3A_208 = arith.constant 0 : i32
      %dma_wait3A_209 = tpu.memref_slice %arg5[%arg0, %add3A_201, %dma_wait3A_208] : memref<2x10000x128xf32, #tpu.memory_space<hbm>> -> memref<1x128x128xf32, #tpu.memory_space<hbm>>
      %dma_wait3A_210 = tpu.memref_squeeze %dma_wait3A_209 : memref<1x128x128xf32, #tpu.memory_space<hbm>> -> memref<128x128xf32, #tpu.memory_space<hbm>>
      %dma_wait3A_211 = arith.constant 0 : i32
      %dma_wait3A_212 = arith.constant 0 : i32
      %dma_wait3A_213 = tpu.memref_slice %arg10[%dma_wait3A_211, %dma_wait3A_212] : memref<128x128xf32, #tpu.memory_space<vmem>> -> memref<128x128xf32, #tpu.memory_space<vmem>>
      tpu.wait_dma2 semaphore(%arg15 : memref<!tpu.dma_semaphore, #tpu.memory_space<semaphore_mem>>) src(%dma_wait3A_213 : memref<128x128xf32, #tpu.memory_space<vmem>>) dst(%dma_wait3A_210 : memref<128x128xf32, #tpu.memory_space<hbm>>)
      %mul3A_214 = arith.constant 624 : i32
      %mul3A_215 = arith.muli %arg1, %mul3A_214 : i32
      %add3A_216 = arith.constant 512 : i32
      %add3A_217 = arith.addi %mul3A_215, %add3A_216 : i32
      %dma_wait3A_218 = arith.constant 0 : i32
      %dma_wait3A_219 = arith.constant 0 : i32
      %dma_wait3A_220 = tpu.memref_slice %arg9[%dma_wait3A_218, %dma_wait3A_219] : memref<128x128xf32, #tpu.memory_space<vmem>> -> memref<112x128xf32, #tpu.memory_space<vmem>>
      %dma_wait3A_221 = arith.constant 0 : i32
      %dma_wait3A_222 = tpu.memref_slice %arg5[%arg0, %add3A_217, %dma_wait3A_221] : memref<2x10000x128xf32, #tpu.memory_space<hbm>> -> memref<1x112x128xf32, #tpu.memory_space<hbm>>
      %dma_wait3A_223 = tpu.memref_squeeze %dma_wait3A_222 : memref<1x112x128xf32, #tpu.memory_space<hbm>> -> memref<112x128xf32, #tpu.memory_space<hbm>>
      %dma_wait3A_224 = arith.constant 0 : i32
      %dma_wait3A_225 = tpu.memref_slice %arg5[%arg0, %add3A_217, %dma_wait3A_224] : memref<2x10000x128xf32, #tpu.memory_space<hbm>> -> memref<1x112x128xf32, #tpu.memory_space<hbm>>
      %dma_wait3A_226 = tpu.memref_squeeze %dma_wait3A_225 : memref<1x112x128xf32, #tpu.memory_space<hbm>> -> memref<112x128xf32, #tpu.memory_space<hbm>>
      %dma_wait3A_227 = arith.constant 0 : i32
      %dma_wait3A_228 = arith.constant 0 : i32
      %dma_wait3A_229 = tpu.memref_slice %arg9[%dma_wait3A_227, %dma_wait3A_228] : memref<128x128xf32, #tpu.memory_space<vmem>> -> memref<112x128xf32, #tpu.memory_space<vmem>>
      tpu.wait_dma2 semaphore(%arg14 : memref<!tpu.dma_semaphore, #tpu.memory_space<semaphore_mem>>) src(%dma_wait3A_229 : memref<112x128xf32, #tpu.memory_space<vmem>>) dst(%dma_wait3A_226 : memref<112x128xf32, #tpu.memory_space<hbm>>)
    } else {
    }
    %eq3A_181 = arith.constant 15 : i32
    %eq3A_182 = arith.cmpi eq, %arg1, %eq3A_181 : i32
    %convert_element_type3A_183 = arith.extui %eq3A_182 : i1 to i32
    %cond3A_184 = arith.constant 0 : i32
    %cond3A_185 = arith.cmpi ne, %convert_element_type3A_183, %cond3A_184 : i32
    scf.if %cond3A_185 {
      %dma_wait3A_186 = arith.constant 0 : i32
      %dma_wait3A_187 = arith.constant 0 : i32
      %dma_wait3A_188 = tpu.memref_slice %arg10[%dma_wait3A_186, %dma_wait3A_187] : memref<128x128xf32, #tpu.memory_space<vmem>> -> memref<128x128xf32, #tpu.memory_space<vmem>>
      %dma_wait3A_189 = arith.constant 9744 : i32
      %dma_wait3A_190 = arith.constant 0 : i32
      %dma_wait3A_191 = tpu.memref_slice %arg5[%arg0, %dma_wait3A_189, %dma_wait3A_190] : memref<2x10000x128xf32, #tpu.memory_space<hbm>> -> memref<1x128x128xf32, #tpu.memory_space<hbm>>
      %dma_wait3A_192 = tpu.memref_squeeze %dma_wait3A_191 : memref<1x128x128xf32, #tpu.memory_space<hbm>> -> memref<128x128xf32, #tpu.memory_space<hbm>>
      %dma_wait3A_193 = arith.constant 9744 : i32
      %dma_wait3A_194 = arith.constant 0 : i32
      %dma_wait3A_195 = tpu.memref_slice %arg5[%arg0, %dma_wait3A_193, %dma_wait3A_194] : memref<2x10000x128xf32, #tpu.memory_space<hbm>> -> memref<1x128x128xf32, #tpu.memory_space<hbm>>
      %dma_wait3A_196 = tpu.memref_squeeze %dma_wait3A_195 : memref<1x128x128xf32, #tpu.memory_space<hbm>> -> memref<128x128xf32, #tpu.memory_space<hbm>>
      %dma_wait3A_197 = arith.constant 0 : i32
      %dma_wait3A_198 = arith.constant 0 : i32
      %dma_wait3A_199 = tpu.memref_slice %arg10[%dma_wait3A_197, %dma_wait3A_198] : memref<128x128xf32, #tpu.memory_space<vmem>> -> memref<128x128xf32, #tpu.memory_space<vmem>>
      tpu.wait_dma2 semaphore(%arg15 : memref<!tpu.dma_semaphore, #tpu.memory_space<semaphore_mem>>) src(%dma_wait3A_199 : memref<128x128xf32, #tpu.memory_space<vmem>>) dst(%dma_wait3A_196 : memref<128x128xf32, #tpu.memory_space<hbm>>)
      %dma_wait3A_200 = arith.constant 0 : i32
      %dma_wait3A_201 = arith.constant 0 : i32
      %dma_wait3A_202 = tpu.memref_slice %arg9[%dma_wait3A_200, %dma_wait3A_201] : memref<128x128xf32, #tpu.memory_space<vmem>> -> memref<128x128xf32, #tpu.memory_space<vmem>>
      %dma_wait3A_203 = arith.constant 9872 : i32
      %dma_wait3A_204 = arith.constant 0 : i32
      %dma_wait3A_205 = tpu.memref_slice %arg5[%arg0, %dma_wait3A_203, %dma_wait3A_204] : memref<2x10000x128xf32, #tpu.memory_space<hbm>> -> memref<1x128x128xf32, #tpu.memory_space<hbm>>
      %dma_wait3A_206 = tpu.memref_squeeze %dma_wait3A_205 : memref<1x128x128xf32, #tpu.memory_space<hbm>> -> memref<128x128xf32, #tpu.memory_space<hbm>>
      %dma_wait3A_207 = arith.constant 9872 : i32
      %dma_wait3A_208 = arith.constant 0 : i32
      %dma_wait3A_209 = tpu.memref_slice %arg5[%arg0, %dma_wait3A_207, %dma_wait3A_208] : memref<2x10000x128xf32, #tpu.memory_space<hbm>> -> memref<1x128x128xf32, #tpu.memory_space<hbm>>
      %dma_wait3A_210 = tpu.memref_squeeze %dma_wait3A_209 : memref<1x128x128xf32, #tpu.memory_space<hbm>> -> memref<128x128xf32, #tpu.memory_space<hbm>>
      %dma_wait3A_211 = arith.constant 0 : i32
      %dma_wait3A_212 = arith.constant 0 : i32
      %dma_wait3A_213 = tpu.memref_slice %arg9[%dma_wait3A_211, %dma_wait3A_212] : memref<128x128xf32, #tpu.memory_space<vmem>> -> memref<128x128xf32, #tpu.memory_space<vmem>>
      tpu.wait_dma2 semaphore(%arg14 : memref<!tpu.dma_semaphore, #tpu.memory_space<semaphore_mem>>) src(%dma_wait3A_213 : memref<128x128xf32, #tpu.memory_space<vmem>>) dst(%dma_wait3A_210 : memref<128x128xf32, #tpu.memory_space<hbm>>)
    } else {
    }
    return
  }
}

#map = affine_map<(d0, d1) -> (0, 0)>
#map1 = affine_map<(d0, d1) -> (0)>
module attributes {stable_mosaic.version = 14 : i64} {
  func.func @_deg_kernel(%arg0: i32, %arg1: i32, %arg2: memref<2x320000xi32, #tpu.memory_space<hbm>>, %arg3: memref<128xf32, #tpu.memory_space<hbm>>, %arg4: memref<640xf32, #tpu.memory_space<hbm>>, %arg5: memref<20000xf32, #tpu.memory_space<hbm>>, %arg6: memref<2x10240xi32, #tpu.memory_space<vmem>>, %arg7: memref<128xf32, #tpu.memory_space<vmem>>, %arg8: memref<640xf32, #tpu.memory_space<vmem>>, %arg9: memref<10000xf32, #tpu.memory_space<vmem_shared>>, %arg10: memref<!tpu.dma_semaphore, #tpu.memory_space<semaphore_mem>>) attributes {dimension_semantics = [#tpu.dimension_semantics<core_parallel>, #tpu.dimension_semantics<subcore_parallel>], iteration_bounds = array<i64: 2, 16>, scalar_prefetch = 0 : i64, scratch_operands = 5 : i64, tpu.core_type = #tpu.core_type<sc_vector_subcore>, window_params = [{transform_indices = #map}, {transform_indices = #map1}, {transform_indices = #map1}, {transform_indices = #map1}]} {
    %mul3A = arith.constant 16 : i32
    %mul3A_0 = arith.muli %arg0, %mul3A : i32
    %add3A = arith.addi %mul3A_0, %arg1 : i32
    %mul3A_1 = arith.constant 80 : i32
    %mul3A_2 = arith.muli %add3A, %mul3A_1 : i32
    %eq3A = arith.constant 31 : i32
    %eq3A_3 = arith.cmpi eq, %add3A, %eq3A : i32
    %jit3A = arith.constant 20 : i32
    %jit3A_4 = arith.constant 80 : i32
    %select_n3A = arith.select %eq3A_3, %jit3A, %jit3A_4 : i32
    "tpu.region"() ({
      %run_scoped3A = tpu.sem_alloc : memref<!tpu.dma_semaphore, #tpu.memory_space<semaphore_mem>>
      tpu.enqueue_dma source(%arg3 : memref<128xf32, #tpu.memory_space<hbm>>) target(%arg7 : memref<128xf32, #tpu.memory_space<vmem>>) target_semaphore(%run_scoped3A : memref<!tpu.dma_semaphore, #tpu.memory_space<semaphore_mem>>)
      tpu.wait_dma2 semaphore(%run_scoped3A : memref<!tpu.dma_semaphore, #tpu.memory_space<semaphore_mem>>) src(%arg3 : memref<128xf32, #tpu.memory_space<hbm>>) dst(%arg7 : memref<128xf32, #tpu.memory_space<vmem>>)
      tpu.yield
    }) : () -> ()
    %lt3A = arith.constant 31 : i32
    %lt3A_5 = arith.cmpi slt, %add3A, %lt3A : i32
    %convert_element_type3A = arith.extui %lt3A_5 : i1 to i32
    %cond3A = arith.constant 0 : i32
    %cond3A_6 = arith.cmpi ne, %convert_element_type3A, %cond3A : i32
    scf.if %cond3A_6 {
      %mul3A_69 = arith.constant 128 : i32
      %mul3A_70 = arith.muli %mul3A_2, %mul3A_69 : i32
      "tpu.region"() ({
        %run_scoped3A = tpu.sem_alloc : memref<!tpu.dma_semaphore, #tpu.memory_space<semaphore_mem>>
        %dma_start3A = arith.constant 0 : i32
        %dma_start3A_71 = tpu.memref_slice %arg2[%dma_start3A, %mul3A_70] : memref<2x320000xi32, #tpu.memory_space<hbm>> -> memref<2x10240xi32, #tpu.memory_space<hbm>>
        %dma_start3A_72 = arith.constant 0 : i32
        %dma_start3A_73 = tpu.memref_slice %arg2[%dma_start3A_72, %mul3A_70] : memref<2x320000xi32, #tpu.memory_space<hbm>> -> memref<2x10240xi32, #tpu.memory_space<hbm>>
        tpu.enqueue_dma source(%dma_start3A_73 : memref<2x10240xi32, #tpu.memory_space<hbm>>) target(%arg6 : memref<2x10240xi32, #tpu.memory_space<vmem>>) target_semaphore(%run_scoped3A : memref<!tpu.dma_semaphore, #tpu.memory_space<semaphore_mem>>)
        %dma_wait3A = arith.constant 0 : i32
        %dma_wait3A_74 = tpu.memref_slice %arg2[%dma_wait3A, %mul3A_70] : memref<2x320000xi32, #tpu.memory_space<hbm>> -> memref<2x10240xi32, #tpu.memory_space<hbm>>
        %dma_wait3A_75 = arith.constant 0 : i32
        %dma_wait3A_76 = tpu.memref_slice %arg2[%dma_wait3A_75, %mul3A_70] : memref<2x320000xi32, #tpu.memory_space<hbm>> -> memref<2x10240xi32, #tpu.memory_space<hbm>>
        tpu.wait_dma2 semaphore(%run_scoped3A : memref<!tpu.dma_semaphore, #tpu.memory_space<semaphore_mem>>) src(%dma_wait3A_76 : memref<2x10240xi32, #tpu.memory_space<hbm>>) dst(%arg6 : memref<2x10240xi32, #tpu.memory_space<vmem>>)
        tpu.yield
      }) : () -> ()
    } else {
    }
    %eq3A_7 = arith.constant 31 : i32
    %eq3A_8 = arith.cmpi eq, %add3A, %eq3A_7 : i32
    %convert_element_type3A_9 = arith.extui %eq3A_8 : i1 to i32
    %cond3A_10 = arith.constant 0 : i32
    %cond3A_11 = arith.cmpi ne, %convert_element_type3A_9, %cond3A_10 : i32
    scf.if %cond3A_11 {
      %mul3A_69 = arith.constant 128 : i32
      %mul3A_70 = arith.muli %mul3A_2, %mul3A_69 : i32
      "tpu.region"() ({
        %run_scoped3A = tpu.sem_alloc : memref<!tpu.dma_semaphore, #tpu.memory_space<semaphore_mem>>
        %dma_start3A = arith.constant 0 : i32
        %dma_start3A_71 = arith.constant 0 : i32
        %dma_start3A_72 = tpu.memref_slice %arg6[%dma_start3A, %dma_start3A_71] : memref<2x10240xi32, #tpu.memory_space<vmem>> -> memref<2x2560xi32, #tpu.memory_space<vmem>>
        %dma_start3A_73 = arith.constant 0 : i32
        %dma_start3A_74 = tpu.memref_slice %arg2[%dma_start3A_73, %mul3A_70] : memref<2x320000xi32, #tpu.memory_space<hbm>> -> memref<2x2560xi32, #tpu.memory_space<hbm>>
        %dma_start3A_75 = arith.constant 0 : i32
        %dma_start3A_76 = arith.constant 0 : i32
        %dma_start3A_77 = tpu.memref_slice %arg6[%dma_start3A_75, %dma_start3A_76] : memref<2x10240xi32, #tpu.memory_space<vmem>> -> memref<2x2560xi32, #tpu.memory_space<vmem>>
        %dma_start3A_78 = arith.constant 0 : i32
        %dma_start3A_79 = tpu.memref_slice %arg2[%dma_start3A_78, %mul3A_70] : memref<2x320000xi32, #tpu.memory_space<hbm>> -> memref<2x2560xi32, #tpu.memory_space<hbm>>
        tpu.enqueue_dma source(%dma_start3A_79 : memref<2x2560xi32, #tpu.memory_space<hbm>>) target(%dma_start3A_77 : memref<2x2560xi32, #tpu.memory_space<vmem>>) target_semaphore(%run_scoped3A : memref<!tpu.dma_semaphore, #tpu.memory_space<semaphore_mem>>)
        %dma_wait3A = arith.constant 0 : i32
        %dma_wait3A_80 = arith.constant 0 : i32
        %dma_wait3A_81 = tpu.memref_slice %arg6[%dma_wait3A, %dma_wait3A_80] : memref<2x10240xi32, #tpu.memory_space<vmem>> -> memref<2x2560xi32, #tpu.memory_space<vmem>>
        %dma_wait3A_82 = arith.constant 0 : i32
        %dma_wait3A_83 = tpu.memref_slice %arg2[%dma_wait3A_82, %mul3A_70] : memref<2x320000xi32, #tpu.memory_space<hbm>> -> memref<2x2560xi32, #tpu.memory_space<hbm>>
        %dma_wait3A_84 = arith.constant 0 : i32
        %dma_wait3A_85 = arith.constant 0 : i32
        %dma_wait3A_86 = tpu.memref_slice %arg6[%dma_wait3A_84, %dma_wait3A_85] : memref<2x10240xi32, #tpu.memory_space<vmem>> -> memref<2x2560xi32, #tpu.memory_space<vmem>>
        %dma_wait3A_87 = arith.constant 0 : i32
        %dma_wait3A_88 = tpu.memref_slice %arg2[%dma_wait3A_87, %mul3A_70] : memref<2x320000xi32, #tpu.memory_space<hbm>> -> memref<2x2560xi32, #tpu.memory_space<hbm>>
        tpu.wait_dma2 semaphore(%run_scoped3A : memref<!tpu.dma_semaphore, #tpu.memory_space<semaphore_mem>>) src(%dma_wait3A_88 : memref<2x2560xi32, #tpu.memory_space<hbm>>) dst(%dma_wait3A_86 : memref<2x2560xi32, #tpu.memory_space<vmem>>)
        tpu.yield
      }) : () -> ()
    } else {
    }
    "tpu.region"() ({
      %run_scoped3A = tpu.sem_alloc : memref<!tpu.dma_semaphore, #tpu.memory_space<semaphore_mem>>
      tpu.enqueue_dma source(%arg4 : memref<640xf32, #tpu.memory_space<hbm>>) target(%arg8 : memref<640xf32, #tpu.memory_space<vmem>>) target_semaphore(%run_scoped3A : memref<!tpu.dma_semaphore, #tpu.memory_space<semaphore_mem>>)
      tpu.wait_dma2 semaphore(%run_scoped3A : memref<!tpu.dma_semaphore, #tpu.memory_space<semaphore_mem>>) src(%arg4 : memref<640xf32, #tpu.memory_space<hbm>>) dst(%arg8 : memref<640xf32, #tpu.memory_space<vmem>>)
      tpu.yield
    }) : () -> ()
    %lt3A_12 = arith.constant 15 : i32
    %lt3A_13 = arith.cmpi slt, %arg1, %lt3A_12 : i32
    %convert_element_type3A_14 = arith.extui %lt3A_13 : i1 to i32
    %cond3A_15 = arith.constant 0 : i32
    %cond3A_16 = arith.cmpi ne, %convert_element_type3A_14, %cond3A_15 : i32
    scf.if %cond3A_16 {
      %mul3A_69 = arith.constant 624 : i32
      %mul3A_70 = arith.muli %arg1, %mul3A_69 : i32
      "tpu.region"() ({
        %run_scoped3A = tpu.sem_alloc : memref<!tpu.dma_semaphore, #tpu.memory_space<semaphore_mem>>
        %dma_start3A = arith.constant 0 : i32
        %dma_start3A_71 = tpu.memref_slice %arg8[%dma_start3A] : memref<640xf32, #tpu.memory_space<vmem>> -> memref<624xf32, #tpu.memory_space<vmem>>
        %dma_start3A_72 = tpu.memref_slice %arg9[%mul3A_70] : memref<10000xf32, #tpu.memory_space<vmem_shared>> -> memref<624xf32, #tpu.memory_space<vmem_shared>>
        %dma_start3A_73 = tpu.memref_slice %arg9[%mul3A_70] : memref<10000xf32, #tpu.memory_space<vmem_shared>> -> memref<624xf32, #tpu.memory_space<vmem_shared>>
        %dma_start3A_74 = arith.constant 0 : i32
        %dma_start3A_75 = tpu.memref_slice %arg8[%dma_start3A_74] : memref<640xf32, #tpu.memory_space<vmem>> -> memref<624xf32, #tpu.memory_space<vmem>>
        tpu.enqueue_dma source(%dma_start3A_75 : memref<624xf32, #tpu.memory_space<vmem>>) target(%dma_start3A_73 : memref<624xf32, #tpu.memory_space<vmem_shared>>) target_semaphore(%run_scoped3A : memref<!tpu.dma_semaphore, #tpu.memory_space<semaphore_mem>>)
        %dma_wait3A = arith.constant 0 : i32
        %dma_wait3A_76 = tpu.memref_slice %arg8[%dma_wait3A] : memref<640xf32, #tpu.memory_space<vmem>> -> memref<624xf32, #tpu.memory_space<vmem>>
        %dma_wait3A_77 = tpu.memref_slice %arg9[%mul3A_70] : memref<10000xf32, #tpu.memory_space<vmem_shared>> -> memref<624xf32, #tpu.memory_space<vmem_shared>>
        %dma_wait3A_78 = tpu.memref_slice %arg9[%mul3A_70] : memref<10000xf32, #tpu.memory_space<vmem_shared>> -> memref<624xf32, #tpu.memory_space<vmem_shared>>
        %dma_wait3A_79 = arith.constant 0 : i32
        %dma_wait3A_80 = tpu.memref_slice %arg8[%dma_wait3A_79] : memref<640xf32, #tpu.memory_space<vmem>> -> memref<624xf32, #tpu.memory_space<vmem>>
        tpu.wait_dma2 semaphore(%run_scoped3A : memref<!tpu.dma_semaphore, #tpu.memory_space<semaphore_mem>>) src(%dma_wait3A_80 : memref<624xf32, #tpu.memory_space<vmem>>) dst(%dma_wait3A_78 : memref<624xf32, #tpu.memory_space<vmem_shared>>)
        tpu.yield
      }) : () -> ()
    } else {
    }
    %eq3A_17 = arith.constant 15 : i32
    %eq3A_18 = arith.cmpi eq, %arg1, %eq3A_17 : i32
    %convert_element_type3A_19 = arith.extui %eq3A_18 : i1 to i32
    %cond3A_20 = arith.constant 0 : i32
    %cond3A_21 = arith.cmpi ne, %convert_element_type3A_19, %cond3A_20 : i32
    scf.if %cond3A_21 {
      "tpu.region"() ({
        %run_scoped3A = tpu.sem_alloc : memref<!tpu.dma_semaphore, #tpu.memory_space<semaphore_mem>>
        %dma_start3A = arith.constant 9360 : i32
        %dma_start3A_69 = tpu.memref_slice %arg9[%dma_start3A] : memref<10000xf32, #tpu.memory_space<vmem_shared>> -> memref<640xf32, #tpu.memory_space<vmem_shared>>
        %dma_start3A_70 = arith.constant 9360 : i32
        %dma_start3A_71 = tpu.memref_slice %arg9[%dma_start3A_70] : memref<10000xf32, #tpu.memory_space<vmem_shared>> -> memref<640xf32, #tpu.memory_space<vmem_shared>>
        tpu.enqueue_dma source(%arg8 : memref<640xf32, #tpu.memory_space<vmem>>) target(%dma_start3A_71 : memref<640xf32, #tpu.memory_space<vmem_shared>>) target_semaphore(%run_scoped3A : memref<!tpu.dma_semaphore, #tpu.memory_space<semaphore_mem>>)
        %dma_wait3A = arith.constant 9360 : i32
        %dma_wait3A_72 = tpu.memref_slice %arg9[%dma_wait3A] : memref<10000xf32, #tpu.memory_space<vmem_shared>> -> memref<640xf32, #tpu.memory_space<vmem_shared>>
        %dma_wait3A_73 = arith.constant 9360 : i32
        %dma_wait3A_74 = tpu.memref_slice %arg9[%dma_wait3A_73] : memref<10000xf32, #tpu.memory_space<vmem_shared>> -> memref<640xf32, #tpu.memory_space<vmem_shared>>
        tpu.wait_dma2 semaphore(%run_scoped3A : memref<!tpu.dma_semaphore, #tpu.memory_space<semaphore_mem>>) src(%arg8 : memref<640xf32, #tpu.memory_space<vmem>>) dst(%dma_wait3A_74 : memref<640xf32, #tpu.memory_space<vmem_shared>>)
        tpu.yield
      }) : () -> ()
    } else {
    }
    %barrier3A = arith.constant 0 : index
    tpu.barrier barrier_id(%barrier3A)
    %jit3A_22 = arith.constant 4 : i32
    %div3A = arith.divsi %select_n3A, %jit3A_22 : i32
    %sign3A = arith.constant 0 : i32
    %sign3A_23 = arith.cmpi sgt, %select_n3A, %sign3A : i32
    %sign3A_24 = arith.extui %sign3A_23 : i1 to i32
    %sign3A_25 = arith.constant 0 : i32
    %sign3A_26 = arith.cmpi slt, %select_n3A, %sign3A_25 : i32
    %sign3A_27 = arith.extui %sign3A_26 : i1 to i32
    %sign3A_28 = arith.subi %sign3A_24, %sign3A_27 : i32
    %sign3A_29 = arith.constant 0 : i32
    %sign3A_30 = arith.cmpi sgt, %jit3A_22, %sign3A_29 : i32
    %sign3A_31 = arith.extui %sign3A_30 : i1 to i32
    %sign3A_32 = arith.constant 0 : i32
    %sign3A_33 = arith.cmpi slt, %jit3A_22, %sign3A_32 : i32
    %sign3A_34 = arith.extui %sign3A_33 : i1 to i32
    %sign3A_35 = arith.subi %sign3A_31, %sign3A_34 : i32
    %ne3A = arith.cmpi ne, %sign3A_28, %sign3A_35 : i32
    %rem3A = arith.remsi %select_n3A, %jit3A_22 : i32
    %ne3A_36 = arith.constant 0 : i32
    %ne3A_37 = arith.cmpi ne, %rem3A, %ne3A_36 : i32
    %and3A = arith.andi %ne3A, %ne3A_37 : i1
    %sub3A = arith.constant 1 : i32
    %sub3A_38 = arith.subi %div3A, %sub3A : i32
    %select_n3A_39 = arith.select %and3A, %sub3A_38, %div3A : i32
    %sub3A_40 = arith.constant 0 : i32
    %sub3A_41 = arith.subi %select_n3A_39, %sub3A_40 : i32
    %sub3A_42 = arith.constant 1 : i32
    %sub3A_43 = arith.constant 1 : i32
    %sub3A_44 = arith.subi %sub3A_42, %sub3A_43 : i32
    %add3A_45 = arith.addi %sub3A_41, %sub3A_44 : i32
    %div3A_46 = arith.constant 1 : i32
    %div3A_47 = arith.divsi %add3A_45, %div3A_46 : i32
    %while3A = arith.constant 1 : i32
    %while3A_48 = arith.constant 0 : i32
    %while3A_49 = arith.constant 0 : i32
    %while3A_50 = arith.subi %div3A_47, %while3A_49 : i32
    %while3A_51 = arith.addi %while3A_49, %while3A_50 : i32
    %while3A_52 = arith.constant 1 : i32
    %while3A_53 = arith.divsi %while3A_50, %while3A_52 : i32
    %while3A_54 = arith.muli %while3A_53, %while3A_52 : i32
    %while3A_55 = arith.addi %while3A_49, %while3A_54 : i32
    %while3A_56 = arith.constant 1 : i32
    scf.for %while3A_69 = %while3A_49 to %while3A_55 step %while3A_56  : i32 {
      %mul3A_70 = arith.muli %while3A_69, %while3A : i32
      %add3A_71 = arith.addi %while3A_48, %mul3A_70 : i32
      %mul3A_72 = arith.constant 4 : i32
      %mul3A_73 = arith.muli %add3A_71, %mul3A_72 : i32
      %add3A_74 = arith.constant 0 : i32
      %add3A_75 = arith.addi %mul3A_73, %add3A_74 : i32
      %mul3A_76 = arith.constant 128 : i32
      %mul3A_77 = arith.muli %add3A_75, %mul3A_76 : i32
      %dma_start3A = arith.constant 1 : i32
      %dma_start3A_78 = tpu.memref_slice %arg6[%dma_start3A, %mul3A_77] : memref<2x10240xi32, #tpu.memory_space<vmem>> -> memref<1x128xi32, #tpu.memory_space<vmem>>
      %dma_start3A_79 = tpu.memref_squeeze %dma_start3A_78 : memref<1x128xi32, #tpu.memory_space<vmem>> -> memref<128xi32, #tpu.memory_space<vmem>>
      %dma_start3A_80 = arith.constant 0 : i32
      %dma_start3A_81 = tpu.memref_slice %arg9[%dma_start3A_80] : memref<10000xf32, #tpu.memory_space<vmem_shared>> -> memref<10000xf32, #tpu.memory_space<vmem_shared>>
      tpu.enqueue_indirect_dma source(%arg7 : memref<128xf32, #tpu.memory_space<vmem>>) target(%dma_start3A_81 : memref<10000xf32, #tpu.memory_space<vmem_shared>>) offsets(%dma_start3A_79 : memref<128xi32, #tpu.memory_space<vmem>>) semaphore(%arg10 : memref<!tpu.dma_semaphore, #tpu.memory_space<semaphore_mem>>) {add = true}
      %mul3A_82 = arith.constant 4 : i32
      %mul3A_83 = arith.muli %add3A_71, %mul3A_82 : i32
      %add3A_84 = arith.constant 1 : i32
      %add3A_85 = arith.addi %mul3A_83, %add3A_84 : i32
      %mul3A_86 = arith.constant 128 : i32
      %mul3A_87 = arith.muli %add3A_85, %mul3A_86 : i32
      %dma_start3A_88 = arith.constant 1 : i32
      %dma_start3A_89 = tpu.memref_slice %arg6[%dma_start3A_88, %mul3A_87] : memref<2x10240xi32, #tpu.memory_space<vmem>> -> memref<1x128xi32, #tpu.memory_space<vmem>>
      %dma_start3A_90 = tpu.memref_squeeze %dma_start3A_89 : memref<1x128xi32, #tpu.memory_space<vmem>> -> memref<128xi32, #tpu.memory_space<vmem>>
      %dma_start3A_91 = arith.constant 0 : i32
      %dma_start3A_92 = tpu.memref_slice %arg9[%dma_start3A_91] : memref<10000xf32, #tpu.memory_space<vmem_shared>> -> memref<10000xf32, #tpu.memory_space<vmem_shared>>
      tpu.enqueue_indirect_dma source(%arg7 : memref<128xf32, #tpu.memory_space<vmem>>) target(%dma_start3A_92 : memref<10000xf32, #tpu.memory_space<vmem_shared>>) offsets(%dma_start3A_90 : memref<128xi32, #tpu.memory_space<vmem>>) semaphore(%arg10 : memref<!tpu.dma_semaphore, #tpu.memory_space<semaphore_mem>>) {add = true}
      %mul3A_93 = arith.constant 4 : i32
      %mul3A_94 = arith.muli %add3A_71, %mul3A_93 : i32
      %add3A_95 = arith.constant 2 : i32
      %add3A_96 = arith.addi %mul3A_94, %add3A_95 : i32
      %mul3A_97 = arith.constant 128 : i32
      %mul3A_98 = arith.muli %add3A_96, %mul3A_97 : i32
      %dma_start3A_99 = arith.constant 1 : i32
      %dma_start3A_100 = tpu.memref_slice %arg6[%dma_start3A_99, %mul3A_98] : memref<2x10240xi32, #tpu.memory_space<vmem>> -> memref<1x128xi32, #tpu.memory_space<vmem>>
      %dma_start3A_101 = tpu.memref_squeeze %dma_start3A_100 : memref<1x128xi32, #tpu.memory_space<vmem>> -> memref<128xi32, #tpu.memory_space<vmem>>
      %dma_start3A_102 = arith.constant 0 : i32
      %dma_start3A_103 = tpu.memref_slice %arg9[%dma_start3A_102] : memref<10000xf32, #tpu.memory_space<vmem_shared>> -> memref<10000xf32, #tpu.memory_space<vmem_shared>>
      tpu.enqueue_indirect_dma source(%arg7 : memref<128xf32, #tpu.memory_space<vmem>>) target(%dma_start3A_103 : memref<10000xf32, #tpu.memory_space<vmem_shared>>) offsets(%dma_start3A_101 : memref<128xi32, #tpu.memory_space<vmem>>) semaphore(%arg10 : memref<!tpu.dma_semaphore, #tpu.memory_space<semaphore_mem>>) {add = true}
      %mul3A_104 = arith.constant 4 : i32
      %mul3A_105 = arith.muli %add3A_71, %mul3A_104 : i32
      %add3A_106 = arith.constant 3 : i32
      %add3A_107 = arith.addi %mul3A_105, %add3A_106 : i32
      %mul3A_108 = arith.constant 128 : i32
      %mul3A_109 = arith.muli %add3A_107, %mul3A_108 : i32
      %dma_start3A_110 = arith.constant 1 : i32
      %dma_start3A_111 = tpu.memref_slice %arg6[%dma_start3A_110, %mul3A_109] : memref<2x10240xi32, #tpu.memory_space<vmem>> -> memref<1x128xi32, #tpu.memory_space<vmem>>
      %dma_start3A_112 = tpu.memref_squeeze %dma_start3A_111 : memref<1x128xi32, #tpu.memory_space<vmem>> -> memref<128xi32, #tpu.memory_space<vmem>>
      %dma_start3A_113 = arith.constant 0 : i32
      %dma_start3A_114 = tpu.memref_slice %arg9[%dma_start3A_113] : memref<10000xf32, #tpu.memory_space<vmem_shared>> -> memref<10000xf32, #tpu.memory_space<vmem_shared>>
      tpu.enqueue_indirect_dma source(%arg7 : memref<128xf32, #tpu.memory_space<vmem>>) target(%dma_start3A_114 : memref<10000xf32, #tpu.memory_space<vmem_shared>>) offsets(%dma_start3A_112 : memref<128xi32, #tpu.memory_space<vmem>>) semaphore(%arg10 : memref<!tpu.dma_semaphore, #tpu.memory_space<semaphore_mem>>) {add = true}
      %mul3A_115 = arith.constant 4 : i32
      %mul3A_116 = arith.muli %add3A_71, %mul3A_115 : i32
      %add3A_117 = arith.constant 0 : i32
      %add3A_118 = arith.addi %mul3A_116, %add3A_117 : i32
      %mul3A_119 = arith.constant 128 : i32
      %mul3A_120 = arith.muli %add3A_118, %mul3A_119 : i32
      %dma_wait3A = arith.constant 1 : i32
      %dma_wait3A_121 = tpu.memref_slice %arg6[%dma_wait3A, %mul3A_120] : memref<2x10240xi32, #tpu.memory_space<vmem>> -> memref<1x128xi32, #tpu.memory_space<vmem>>
      %dma_wait3A_122 = tpu.memref_squeeze %dma_wait3A_121 : memref<1x128xi32, #tpu.memory_space<vmem>> -> memref<128xi32, #tpu.memory_space<vmem>>
      %dma_wait3A_123 = arith.constant 0 : i32
      %dma_wait3A_124 = tpu.memref_slice %arg9[%dma_wait3A_123] : memref<10000xf32, #tpu.memory_space<vmem_shared>> -> memref<10000xf32, #tpu.memory_space<vmem_shared>>
      tpu.wait_indirect_dma semaphore(%arg10 : memref<!tpu.dma_semaphore, #tpu.memory_space<semaphore_mem>>) src(%arg7 : memref<128xf32, #tpu.memory_space<vmem>>) dst(%dma_wait3A_124 : memref<10000xf32, #tpu.memory_space<vmem_shared>>)
      %mul3A_125 = arith.constant 4 : i32
      %mul3A_126 = arith.muli %add3A_71, %mul3A_125 : i32
      %add3A_127 = arith.constant 1 : i32
      %add3A_128 = arith.addi %mul3A_126, %add3A_127 : i32
      %mul3A_129 = arith.constant 128 : i32
      %mul3A_130 = arith.muli %add3A_128, %mul3A_129 : i32
      %dma_wait3A_131 = arith.constant 1 : i32
      %dma_wait3A_132 = tpu.memref_slice %arg6[%dma_wait3A_131, %mul3A_130] : memref<2x10240xi32, #tpu.memory_space<vmem>> -> memref<1x128xi32, #tpu.memory_space<vmem>>
      %dma_wait3A_133 = tpu.memref_squeeze %dma_wait3A_132 : memref<1x128xi32, #tpu.memory_space<vmem>> -> memref<128xi32, #tpu.memory_space<vmem>>
      %dma_wait3A_134 = arith.constant 0 : i32
      %dma_wait3A_135 = tpu.memref_slice %arg9[%dma_wait3A_134] : memref<10000xf32, #tpu.memory_space<vmem_shared>> -> memref<10000xf32, #tpu.memory_space<vmem_shared>>
      tpu.wait_indirect_dma semaphore(%arg10 : memref<!tpu.dma_semaphore, #tpu.memory_space<semaphore_mem>>) src(%arg7 : memref<128xf32, #tpu.memory_space<vmem>>) dst(%dma_wait3A_135 : memref<10000xf32, #tpu.memory_space<vmem_shared>>)
      %mul3A_136 = arith.constant 4 : i32
      %mul3A_137 = arith.muli %add3A_71, %mul3A_136 : i32
      %add3A_138 = arith.constant 2 : i32
      %add3A_139 = arith.addi %mul3A_137, %add3A_138 : i32
      %mul3A_140 = arith.constant 128 : i32
      %mul3A_141 = arith.muli %add3A_139, %mul3A_140 : i32
      %dma_wait3A_142 = arith.constant 1 : i32
      %dma_wait3A_143 = tpu.memref_slice %arg6[%dma_wait3A_142, %mul3A_141] : memref<2x10240xi32, #tpu.memory_space<vmem>> -> memref<1x128xi32, #tpu.memory_space<vmem>>
      %dma_wait3A_144 = tpu.memref_squeeze %dma_wait3A_143 : memref<1x128xi32, #tpu.memory_space<vmem>> -> memref<128xi32, #tpu.memory_space<vmem>>
      %dma_wait3A_145 = arith.constant 0 : i32
      %dma_wait3A_146 = tpu.memref_slice %arg9[%dma_wait3A_145] : memref<10000xf32, #tpu.memory_space<vmem_shared>> -> memref<10000xf32, #tpu.memory_space<vmem_shared>>
      tpu.wait_indirect_dma semaphore(%arg10 : memref<!tpu.dma_semaphore, #tpu.memory_space<semaphore_mem>>) src(%arg7 : memref<128xf32, #tpu.memory_space<vmem>>) dst(%dma_wait3A_146 : memref<10000xf32, #tpu.memory_space<vmem_shared>>)
      %mul3A_147 = arith.constant 4 : i32
      %mul3A_148 = arith.muli %add3A_71, %mul3A_147 : i32
      %add3A_149 = arith.constant 3 : i32
      %add3A_150 = arith.addi %mul3A_148, %add3A_149 : i32
      %mul3A_151 = arith.constant 128 : i32
      %mul3A_152 = arith.muli %add3A_150, %mul3A_151 : i32
      %dma_wait3A_153 = arith.constant 1 : i32
      %dma_wait3A_154 = tpu.memref_slice %arg6[%dma_wait3A_153, %mul3A_152] : memref<2x10240xi32, #tpu.memory_space<vmem>> -> memref<1x128xi32, #tpu.memory_space<vmem>>
      %dma_wait3A_155 = tpu.memref_squeeze %dma_wait3A_154 : memref<1x128xi32, #tpu.memory_space<vmem>> -> memref<128xi32, #tpu.memory_space<vmem>>
      %dma_wait3A_156 = arith.constant 0 : i32
      %dma_wait3A_157 = tpu.memref_slice %arg9[%dma_wait3A_156] : memref<10000xf32, #tpu.memory_space<vmem_shared>> -> memref<10000xf32, #tpu.memory_space<vmem_shared>>
      tpu.wait_indirect_dma semaphore(%arg10 : memref<!tpu.dma_semaphore, #tpu.memory_space<semaphore_mem>>) src(%arg7 : memref<128xf32, #tpu.memory_space<vmem>>) dst(%dma_wait3A_157 : memref<10000xf32, #tpu.memory_space<vmem_shared>>)
    }
    %while3A_57 = arith.constant 1 : i32
    scf.for %while3A_69 = %while3A_55 to %while3A_51 step %while3A_57  : i32 {
      %mul3A_70 = arith.muli %while3A_69, %while3A : i32
      %add3A_71 = arith.addi %while3A_48, %mul3A_70 : i32
      %mul3A_72 = arith.constant 4 : i32
      %mul3A_73 = arith.muli %add3A_71, %mul3A_72 : i32
      %add3A_74 = arith.constant 0 : i32
      %add3A_75 = arith.addi %mul3A_73, %add3A_74 : i32
      %mul3A_76 = arith.constant 128 : i32
      %mul3A_77 = arith.muli %add3A_75, %mul3A_76 : i32
      %dma_start3A = arith.constant 1 : i32
      %dma_start3A_78 = tpu.memref_slice %arg6[%dma_start3A, %mul3A_77] : memref<2x10240xi32, #tpu.memory_space<vmem>> -> memref<1x128xi32, #tpu.memory_space<vmem>>
      %dma_start3A_79 = tpu.memref_squeeze %dma_start3A_78 : memref<1x128xi32, #tpu.memory_space<vmem>> -> memref<128xi32, #tpu.memory_space<vmem>>
      %dma_start3A_80 = arith.constant 0 : i32
      %dma_start3A_81 = tpu.memref_slice %arg9[%dma_start3A_80] : memref<10000xf32, #tpu.memory_space<vmem_shared>> -> memref<10000xf32, #tpu.memory_space<vmem_shared>>
      tpu.enqueue_indirect_dma source(%arg7 : memref<128xf32, #tpu.memory_space<vmem>>) target(%dma_start3A_81 : memref<10000xf32, #tpu.memory_space<vmem_shared>>) offsets(%dma_start3A_79 : memref<128xi32, #tpu.memory_space<vmem>>) semaphore(%arg10 : memref<!tpu.dma_semaphore, #tpu.memory_space<semaphore_mem>>) {add = true}
      %mul3A_82 = arith.constant 4 : i32
      %mul3A_83 = arith.muli %add3A_71, %mul3A_82 : i32
      %add3A_84 = arith.constant 1 : i32
      %add3A_85 = arith.addi %mul3A_83, %add3A_84 : i32
      %mul3A_86 = arith.constant 128 : i32
      %mul3A_87 = arith.muli %add3A_85, %mul3A_86 : i32
      %dma_start3A_88 = arith.constant 1 : i32
      %dma_start3A_89 = tpu.memref_slice %arg6[%dma_start3A_88, %mul3A_87] : memref<2x10240xi32, #tpu.memory_space<vmem>> -> memref<1x128xi32, #tpu.memory_space<vmem>>
      %dma_start3A_90 = tpu.memref_squeeze %dma_start3A_89 : memref<1x128xi32, #tpu.memory_space<vmem>> -> memref<128xi32, #tpu.memory_space<vmem>>
      %dma_start3A_91 = arith.constant 0 : i32
      %dma_start3A_92 = tpu.memref_slice %arg9[%dma_start3A_91] : memref<10000xf32, #tpu.memory_space<vmem_shared>> -> memref<10000xf32, #tpu.memory_space<vmem_shared>>
      tpu.enqueue_indirect_dma source(%arg7 : memref<128xf32, #tpu.memory_space<vmem>>) target(%dma_start3A_92 : memref<10000xf32, #tpu.memory_space<vmem_shared>>) offsets(%dma_start3A_90 : memref<128xi32, #tpu.memory_space<vmem>>) semaphore(%arg10 : memref<!tpu.dma_semaphore, #tpu.memory_space<semaphore_mem>>) {add = true}
      %mul3A_93 = arith.constant 4 : i32
      %mul3A_94 = arith.muli %add3A_71, %mul3A_93 : i32
      %add3A_95 = arith.constant 2 : i32
      %add3A_96 = arith.addi %mul3A_94, %add3A_95 : i32
      %mul3A_97 = arith.constant 128 : i32
      %mul3A_98 = arith.muli %add3A_96, %mul3A_97 : i32
      %dma_start3A_99 = arith.constant 1 : i32
      %dma_start3A_100 = tpu.memref_slice %arg6[%dma_start3A_99, %mul3A_98] : memref<2x10240xi32, #tpu.memory_space<vmem>> -> memref<1x128xi32, #tpu.memory_space<vmem>>
      %dma_start3A_101 = tpu.memref_squeeze %dma_start3A_100 : memref<1x128xi32, #tpu.memory_space<vmem>> -> memref<128xi32, #tpu.memory_space<vmem>>
      %dma_start3A_102 = arith.constant 0 : i32
      %dma_start3A_103 = tpu.memref_slice %arg9[%dma_start3A_102] : memref<10000xf32, #tpu.memory_space<vmem_shared>> -> memref<10000xf32, #tpu.memory_space<vmem_shared>>
      tpu.enqueue_indirect_dma source(%arg7 : memref<128xf32, #tpu.memory_space<vmem>>) target(%dma_start3A_103 : memref<10000xf32, #tpu.memory_space<vmem_shared>>) offsets(%dma_start3A_101 : memref<128xi32, #tpu.memory_space<vmem>>) semaphore(%arg10 : memref<!tpu.dma_semaphore, #tpu.memory_space<semaphore_mem>>) {add = true}
      %mul3A_104 = arith.constant 4 : i32
      %mul3A_105 = arith.muli %add3A_71, %mul3A_104 : i32
      %add3A_106 = arith.constant 3 : i32
      %add3A_107 = arith.addi %mul3A_105, %add3A_106 : i32
      %mul3A_108 = arith.constant 128 : i32
      %mul3A_109 = arith.muli %add3A_107, %mul3A_108 : i32
      %dma_start3A_110 = arith.constant 1 : i32
      %dma_start3A_111 = tpu.memref_slice %arg6[%dma_start3A_110, %mul3A_109] : memref<2x10240xi32, #tpu.memory_space<vmem>> -> memref<1x128xi32, #tpu.memory_space<vmem>>
      %dma_start3A_112 = tpu.memref_squeeze %dma_start3A_111 : memref<1x128xi32, #tpu.memory_space<vmem>> -> memref<128xi32, #tpu.memory_space<vmem>>
      %dma_start3A_113 = arith.constant 0 : i32
      %dma_start3A_114 = tpu.memref_slice %arg9[%dma_start3A_113] : memref<10000xf32, #tpu.memory_space<vmem_shared>> -> memref<10000xf32, #tpu.memory_space<vmem_shared>>
      tpu.enqueue_indirect_dma source(%arg7 : memref<128xf32, #tpu.memory_space<vmem>>) target(%dma_start3A_114 : memref<10000xf32, #tpu.memory_space<vmem_shared>>) offsets(%dma_start3A_112 : memref<128xi32, #tpu.memory_space<vmem>>) semaphore(%arg10 : memref<!tpu.dma_semaphore, #tpu.memory_space<semaphore_mem>>) {add = true}
      %mul3A_115 = arith.constant 4 : i32
      %mul3A_116 = arith.muli %add3A_71, %mul3A_115 : i32
      %add3A_117 = arith.constant 0 : i32
      %add3A_118 = arith.addi %mul3A_116, %add3A_117 : i32
      %mul3A_119 = arith.constant 128 : i32
      %mul3A_120 = arith.muli %add3A_118, %mul3A_119 : i32
      %dma_wait3A = arith.constant 1 : i32
      %dma_wait3A_121 = tpu.memref_slice %arg6[%dma_wait3A, %mul3A_120] : memref<2x10240xi32, #tpu.memory_space<vmem>> -> memref<1x128xi32, #tpu.memory_space<vmem>>
      %dma_wait3A_122 = tpu.memref_squeeze %dma_wait3A_121 : memref<1x128xi32, #tpu.memory_space<vmem>> -> memref<128xi32, #tpu.memory_space<vmem>>
      %dma_wait3A_123 = arith.constant 0 : i32
      %dma_wait3A_124 = tpu.memref_slice %arg9[%dma_wait3A_123] : memref<10000xf32, #tpu.memory_space<vmem_shared>> -> memref<10000xf32, #tpu.memory_space<vmem_shared>>
      tpu.wait_indirect_dma semaphore(%arg10 : memref<!tpu.dma_semaphore, #tpu.memory_space<semaphore_mem>>) src(%arg7 : memref<128xf32, #tpu.memory_space<vmem>>) dst(%dma_wait3A_124 : memref<10000xf32, #tpu.memory_space<vmem_shared>>)
      %mul3A_125 = arith.constant 4 : i32
      %mul3A_126 = arith.muli %add3A_71, %mul3A_125 : i32
      %add3A_127 = arith.constant 1 : i32
      %add3A_128 = arith.addi %mul3A_126, %add3A_127 : i32
      %mul3A_129 = arith.constant 128 : i32
      %mul3A_130 = arith.muli %add3A_128, %mul3A_129 : i32
      %dma_wait3A_131 = arith.constant 1 : i32
      %dma_wait3A_132 = tpu.memref_slice %arg6[%dma_wait3A_131, %mul3A_130] : memref<2x10240xi32, #tpu.memory_space<vmem>> -> memref<1x128xi32, #tpu.memory_space<vmem>>
      %dma_wait3A_133 = tpu.memref_squeeze %dma_wait3A_132 : memref<1x128xi32, #tpu.memory_space<vmem>> -> memref<128xi32, #tpu.memory_space<vmem>>
      %dma_wait3A_134 = arith.constant 0 : i32
      %dma_wait3A_135 = tpu.memref_slice %arg9[%dma_wait3A_134] : memref<10000xf32, #tpu.memory_space<vmem_shared>> -> memref<10000xf32, #tpu.memory_space<vmem_shared>>
      tpu.wait_indirect_dma semaphore(%arg10 : memref<!tpu.dma_semaphore, #tpu.memory_space<semaphore_mem>>) src(%arg7 : memref<128xf32, #tpu.memory_space<vmem>>) dst(%dma_wait3A_135 : memref<10000xf32, #tpu.memory_space<vmem_shared>>)
      %mul3A_136 = arith.constant 4 : i32
      %mul3A_137 = arith.muli %add3A_71, %mul3A_136 : i32
      %add3A_138 = arith.constant 2 : i32
      %add3A_139 = arith.addi %mul3A_137, %add3A_138 : i32
      %mul3A_140 = arith.constant 128 : i32
      %mul3A_141 = arith.muli %add3A_139, %mul3A_140 : i32
      %dma_wait3A_142 = arith.constant 1 : i32
      %dma_wait3A_143 = tpu.memref_slice %arg6[%dma_wait3A_142, %mul3A_141] : memref<2x10240xi32, #tpu.memory_space<vmem>> -> memref<1x128xi32, #tpu.memory_space<vmem>>
      %dma_wait3A_144 = tpu.memref_squeeze %dma_wait3A_143 : memref<1x128xi32, #tpu.memory_space<vmem>> -> memref<128xi32, #tpu.memory_space<vmem>>
      %dma_wait3A_145 = arith.constant 0 : i32
      %dma_wait3A_146 = tpu.memref_slice %arg9[%dma_wait3A_145] : memref<10000xf32, #tpu.memory_space<vmem_shared>> -> memref<10000xf32, #tpu.memory_space<vmem_shared>>
      tpu.wait_indirect_dma semaphore(%arg10 : memref<!tpu.dma_semaphore, #tpu.memory_space<semaphore_mem>>) src(%arg7 : memref<128xf32, #tpu.memory_space<vmem>>) dst(%dma_wait3A_146 : memref<10000xf32, #tpu.memory_space<vmem_shared>>)
      %mul3A_147 = arith.constant 4 : i32
      %mul3A_148 = arith.muli %add3A_71, %mul3A_147 : i32
      %add3A_149 = arith.constant 3 : i32
      %add3A_150 = arith.addi %mul3A_148, %add3A_149 : i32
      %mul3A_151 = arith.constant 128 : i32
      %mul3A_152 = arith.muli %add3A_150, %mul3A_151 : i32
      %dma_wait3A_153 = arith.constant 1 : i32
      %dma_wait3A_154 = tpu.memref_slice %arg6[%dma_wait3A_153, %mul3A_152] : memref<2x10240xi32, #tpu.memory_space<vmem>> -> memref<1x128xi32, #tpu.memory_space<vmem>>
      %dma_wait3A_155 = tpu.memref_squeeze %dma_wait3A_154 : memref<1x128xi32, #tpu.memory_space<vmem>> -> memref<128xi32, #tpu.memory_space<vmem>>
      %dma_wait3A_156 = arith.constant 0 : i32
      %dma_wait3A_157 = tpu.memref_slice %arg9[%dma_wait3A_156] : memref<10000xf32, #tpu.memory_space<vmem_shared>> -> memref<10000xf32, #tpu.memory_space<vmem_shared>>
      tpu.wait_indirect_dma semaphore(%arg10 : memref<!tpu.dma_semaphore, #tpu.memory_space<semaphore_mem>>) src(%arg7 : memref<128xf32, #tpu.memory_space<vmem>>) dst(%dma_wait3A_157 : memref<10000xf32, #tpu.memory_space<vmem_shared>>)
    }
    %barrier3A_58 = arith.constant 0 : index
    tpu.barrier barrier_id(%barrier3A_58)
    %lt3A_59 = arith.constant 15 : i32
    %lt3A_60 = arith.cmpi slt, %arg1, %lt3A_59 : i32
    %convert_element_type3A_61 = arith.extui %lt3A_60 : i1 to i32
    %cond3A_62 = arith.constant 0 : i32
    %cond3A_63 = arith.cmpi ne, %convert_element_type3A_61, %cond3A_62 : i32
    scf.if %cond3A_63 {
      %mul3A_69 = arith.constant 624 : i32
      %mul3A_70 = arith.muli %arg1, %mul3A_69 : i32
      "tpu.region"() ({
        %run_scoped3A = tpu.sem_alloc : memref<!tpu.dma_semaphore, #tpu.memory_space<semaphore_mem>>
        %dma_start3A = arith.constant 0 : i32
        %dma_start3A_76 = tpu.memref_slice %arg8[%dma_start3A] : memref<640xf32, #tpu.memory_space<vmem>> -> memref<624xf32, #tpu.memory_space<vmem>>
        %dma_start3A_77 = tpu.memref_slice %arg9[%mul3A_70] : memref<10000xf32, #tpu.memory_space<vmem_shared>> -> memref<624xf32, #tpu.memory_space<vmem_shared>>
        %dma_start3A_78 = arith.constant 0 : i32
        %dma_start3A_79 = tpu.memref_slice %arg8[%dma_start3A_78] : memref<640xf32, #tpu.memory_space<vmem>> -> memref<624xf32, #tpu.memory_space<vmem>>
        %dma_start3A_80 = tpu.memref_slice %arg9[%mul3A_70] : memref<10000xf32, #tpu.memory_space<vmem_shared>> -> memref<624xf32, #tpu.memory_space<vmem_shared>>
        tpu.enqueue_dma source(%dma_start3A_80 : memref<624xf32, #tpu.memory_space<vmem_shared>>) target(%dma_start3A_79 : memref<624xf32, #tpu.memory_space<vmem>>) target_semaphore(%run_scoped3A : memref<!tpu.dma_semaphore, #tpu.memory_space<semaphore_mem>>)
        %dma_wait3A = arith.constant 0 : i32
        %dma_wait3A_81 = tpu.memref_slice %arg8[%dma_wait3A] : memref<640xf32, #tpu.memory_space<vmem>> -> memref<624xf32, #tpu.memory_space<vmem>>
        %dma_wait3A_82 = tpu.memref_slice %arg9[%mul3A_70] : memref<10000xf32, #tpu.memory_space<vmem_shared>> -> memref<624xf32, #tpu.memory_space<vmem_shared>>
        %dma_wait3A_83 = arith.constant 0 : i32
        %dma_wait3A_84 = tpu.memref_slice %arg8[%dma_wait3A_83] : memref<640xf32, #tpu.memory_space<vmem>> -> memref<624xf32, #tpu.memory_space<vmem>>
        %dma_wait3A_85 = tpu.memref_slice %arg9[%mul3A_70] : memref<10000xf32, #tpu.memory_space<vmem_shared>> -> memref<624xf32, #tpu.memory_space<vmem_shared>>
        tpu.wait_dma2 semaphore(%run_scoped3A : memref<!tpu.dma_semaphore, #tpu.memory_space<semaphore_mem>>) src(%dma_wait3A_85 : memref<624xf32, #tpu.memory_space<vmem_shared>>) dst(%dma_wait3A_84 : memref<624xf32, #tpu.memory_space<vmem>>)
        tpu.yield
      }) : () -> ()
      %mul3A_71 = arith.constant 10000 : i32
      %mul3A_72 = arith.muli %arg0, %mul3A_71 : i32
      %mul3A_73 = arith.constant 624 : i32
      %mul3A_74 = arith.muli %arg1, %mul3A_73 : i32
      %add3A_75 = arith.addi %mul3A_72, %mul3A_74 : i32
      "tpu.region"() ({
        %run_scoped3A = tpu.sem_alloc : memref<!tpu.dma_semaphore, #tpu.memory_space<semaphore_mem>>
        %dma_start3A = arith.constant 0 : i32
        %dma_start3A_76 = tpu.memref_slice %arg8[%dma_start3A] : memref<640xf32, #tpu.memory_space<vmem>> -> memref<624xf32, #tpu.memory_space<vmem>>
        %dma_start3A_77 = tpu.memref_slice %arg5[%add3A_75] : memref<20000xf32, #tpu.memory_space<hbm>> -> memref<624xf32, #tpu.memory_space<hbm>>
        %dma_start3A_78 = tpu.memref_slice %arg5[%add3A_75] : memref<20000xf32, #tpu.memory_space<hbm>> -> memref<624xf32, #tpu.memory_space<hbm>>
        %dma_start3A_79 = arith.constant 0 : i32
        %dma_start3A_80 = tpu.memref_slice %arg8[%dma_start3A_79] : memref<640xf32, #tpu.memory_space<vmem>> -> memref<624xf32, #tpu.memory_space<vmem>>
        tpu.enqueue_dma source(%dma_start3A_80 : memref<624xf32, #tpu.memory_space<vmem>>) target(%dma_start3A_78 : memref<624xf32, #tpu.memory_space<hbm>>) target_semaphore(%run_scoped3A : memref<!tpu.dma_semaphore, #tpu.memory_space<semaphore_mem>>)
        %dma_wait3A = arith.constant 0 : i32
        %dma_wait3A_81 = tpu.memref_slice %arg8[%dma_wait3A] : memref<640xf32, #tpu.memory_space<vmem>> -> memref<624xf32, #tpu.memory_space<vmem>>
        %dma_wait3A_82 = tpu.memref_slice %arg5[%add3A_75] : memref<20000xf32, #tpu.memory_space<hbm>> -> memref<624xf32, #tpu.memory_space<hbm>>
        %dma_wait3A_83 = tpu.memref_slice %arg5[%add3A_75] : memref<20000xf32, #tpu.memory_space<hbm>> -> memref<624xf32, #tpu.memory_space<hbm>>
        %dma_wait3A_84 = arith.constant 0 : i32
        %dma_wait3A_85 = tpu.memref_slice %arg8[%dma_wait3A_84] : memref<640xf32, #tpu.memory_space<vmem>> -> memref<624xf32, #tpu.memory_space<vmem>>
        tpu.wait_dma2 semaphore(%run_scoped3A : memref<!tpu.dma_semaphore, #tpu.memory_space<semaphore_mem>>) src(%dma_wait3A_85 : memref<624xf32, #tpu.memory_space<vmem>>) dst(%dma_wait3A_83 : memref<624xf32, #tpu.memory_space<hbm>>)
        tpu.yield
      }) : () -> ()
    } else {
    }
    %eq3A_64 = arith.constant 15 : i32
    %eq3A_65 = arith.cmpi eq, %arg1, %eq3A_64 : i32
    %convert_element_type3A_66 = arith.extui %eq3A_65 : i1 to i32
    %cond3A_67 = arith.constant 0 : i32
    %cond3A_68 = arith.cmpi ne, %convert_element_type3A_66, %cond3A_67 : i32
    scf.if %cond3A_68 {
      "tpu.region"() ({
        %run_scoped3A = tpu.sem_alloc : memref<!tpu.dma_semaphore, #tpu.memory_space<semaphore_mem>>
        %dma_start3A = arith.constant 9360 : i32
        %dma_start3A_73 = tpu.memref_slice %arg9[%dma_start3A] : memref<10000xf32, #tpu.memory_space<vmem_shared>> -> memref<640xf32, #tpu.memory_space<vmem_shared>>
        %dma_start3A_74 = arith.constant 9360 : i32
        %dma_start3A_75 = tpu.memref_slice %arg9[%dma_start3A_74] : memref<10000xf32, #tpu.memory_space<vmem_shared>> -> memref<640xf32, #tpu.memory_space<vmem_shared>>
        tpu.enqueue_dma source(%dma_start3A_75 : memref<640xf32, #tpu.memory_space<vmem_shared>>) target(%arg8 : memref<640xf32, #tpu.memory_space<vmem>>) target_semaphore(%run_scoped3A : memref<!tpu.dma_semaphore, #tpu.memory_space<semaphore_mem>>)
        %dma_wait3A = arith.constant 9360 : i32
        %dma_wait3A_76 = tpu.memref_slice %arg9[%dma_wait3A] : memref<10000xf32, #tpu.memory_space<vmem_shared>> -> memref<640xf32, #tpu.memory_space<vmem_shared>>
        %dma_wait3A_77 = arith.constant 9360 : i32
        %dma_wait3A_78 = tpu.memref_slice %arg9[%dma_wait3A_77] : memref<10000xf32, #tpu.memory_space<vmem_shared>> -> memref<640xf32, #tpu.memory_space<vmem_shared>>
        tpu.wait_dma2 semaphore(%run_scoped3A : memref<!tpu.dma_semaphore, #tpu.memory_space<semaphore_mem>>) src(%dma_wait3A_78 : memref<640xf32, #tpu.memory_space<vmem_shared>>) dst(%arg8 : memref<640xf32, #tpu.memory_space<vmem>>)
        tpu.yield
      }) : () -> ()
      %mul3A_69 = arith.constant 10000 : i32
      %mul3A_70 = arith.muli %arg0, %mul3A_69 : i32
      %add3A_71 = arith.constant 9360 : i32
      %add3A_72 = arith.addi %mul3A_70, %add3A_71 : i32
      "tpu.region"() ({
        %run_scoped3A = tpu.sem_alloc : memref<!tpu.dma_semaphore, #tpu.memory_space<semaphore_mem>>
        %dma_start3A = tpu.memref_slice %arg5[%add3A_72] : memref<20000xf32, #tpu.memory_space<hbm>> -> memref<640xf32, #tpu.memory_space<hbm>>
        %dma_start3A_73 = tpu.memref_slice %arg5[%add3A_72] : memref<20000xf32, #tpu.memory_space<hbm>> -> memref<640xf32, #tpu.memory_space<hbm>>
        tpu.enqueue_dma source(%arg8 : memref<640xf32, #tpu.memory_space<vmem>>) target(%dma_start3A_73 : memref<640xf32, #tpu.memory_space<hbm>>) target_semaphore(%run_scoped3A : memref<!tpu.dma_semaphore, #tpu.memory_space<semaphore_mem>>)
        %dma_wait3A = tpu.memref_slice %arg5[%add3A_72] : memref<20000xf32, #tpu.memory_space<hbm>> -> memref<640xf32, #tpu.memory_space<hbm>>
        %dma_wait3A_74 = tpu.memref_slice %arg5[%add3A_72] : memref<20000xf32, #tpu.memory_space<hbm>> -> memref<640xf32, #tpu.memory_space<hbm>>
        tpu.wait_dma2 semaphore(%run_scoped3A : memref<!tpu.dma_semaphore, #tpu.memory_space<semaphore_mem>>) src(%arg8 : memref<640xf32, #tpu.memory_space<vmem>>) dst(%dma_wait3A_74 : memref<640xf32, #tpu.memory_space<hbm>>)
        tpu.yield
      }) : () -> ()
    } else {
    }
    return
  }
}

module attributes {stable_mosaic.version = 14 : i64} {
  func.func @_dense_body(%arg0: i32, %arg1: memref<1000x128xf32, #tpu.memory_space<vmem>>, %arg2: memref<1000x128xf32, #tpu.memory_space<vmem>>, %arg3: memref<1000x128xf32, #tpu.memory_space<vmem>>, %arg4: memref<1000x2xf32, #tpu.memory_space<vmem>>, %arg5: memref<128x256xf32, #tpu.memory_space<vmem>>, %arg6: memref<128x256xf32, #tpu.memory_space<vmem>>, %arg7: memref<128x256xf32, #tpu.memory_space<vmem>>, %arg8: memref<1x128xf32, #tpu.memory_space<vmem>>, %arg9: memref<1x128xf32, #tpu.memory_space<vmem>>, %arg10: memref<1000x128xf32, #tpu.memory_space<vmem>>, %arg11: memref<1000x128xf32, #tpu.memory_space<vmem>>, %arg12: memref<1000x1xf32, #tpu.memory_space<vmem>>) attributes {dimension_semantics = [#tpu.dimension_semantics<arbitrary>], iteration_bounds = array<i64: 10>, scalar_prefetch = 0 : i64, scratch_operands = 0 : i64, tpu.core_type = #tpu.core_type<tc>, window_params = [{transform_indices = @transform_0, window_bounds = array<i64: 1000, 128>}, {transform_indices = @transform_1, window_bounds = array<i64: 1000, 128>}, {transform_indices = @transform_2, window_bounds = array<i64: 1000, 128>}, {transform_indices = @transform_3, window_bounds = array<i64: 1000, 2>}, {pipeline_mode = #tpu.pipeline_mode<synchronous>, transform_indices = @transform_4, window_bounds = array<i64: 128, 256>}, {pipeline_mode = #tpu.pipeline_mode<synchronous>, transform_indices = @transform_5, window_bounds = array<i64: 128, 256>}, {pipeline_mode = #tpu.pipeline_mode<synchronous>, transform_indices = @transform_6, window_bounds = array<i64: 128, 256>}, {pipeline_mode = #tpu.pipeline_mode<synchronous>, transform_indices = @transform_7, window_bounds = array<i64: 1, 128>}, {pipeline_mode = #tpu.pipeline_mode<synchronous>, transform_indices = @transform_8, window_bounds = array<i64: 1, 128>}, {transform_indices = @transform_9, window_bounds = array<i64: 1000, 128>}, {transform_indices = @transform_10, window_bounds = array<i64: 1000, 128>}, {transform_indices = @transform_11, window_bounds = array<i64: 1000, 1>}]} {
    %get3A = arith.constant 0 : index
    %get3A_0 = arith.constant 0 : index
    %get3A_1 = vector.load %arg1[%get3A, %get3A_0] : memref<1000x128xf32, #tpu.memory_space<vmem>>, vector<1000x128xf32>
    %get3A_2 = arith.constant 0 : index
    %get3A_3 = arith.constant 0 : index
    %get3A_4 = vector.load %arg5[%get3A_2, %get3A_3] : memref<128x256xf32, #tpu.memory_space<vmem>>, vector<128x256xf32>
    %dot_general3A = arith.constant dense<0.000000e+00> : vector<1000x256xf32>
    %dot_general3A_5 = tpu.matmul %get3A_1, %get3A_4, %dot_general3A {dimension_numbers = #tpu.dot_dimension_numbers<[1], [0], [0], [1], [0, 0, 1, 1], [], []>, transpose_lhs_hint = false} : vector<1000x128xf32>, vector<128x256xf32>, vector<1000x256xf32> -> vector<1000x256xf32>
    %get3A_6 = arith.constant 0 : index
    %get3A_7 = arith.constant 0 : index
    %get3A_8 = vector.load %arg2[%get3A_6, %get3A_7] : memref<1000x128xf32, #tpu.memory_space<vmem>>, vector<1000x128xf32>
    %get3A_9 = arith.constant 0 : index
    %get3A_10 = arith.constant 0 : index
    %get3A_11 = vector.load %arg6[%get3A_9, %get3A_10] : memref<128x256xf32, #tpu.memory_space<vmem>>, vector<128x256xf32>
    %dot_general3A_12 = arith.constant dense<0.000000e+00> : vector<1000x256xf32>
    %dot_general3A_13 = tpu.matmul %get3A_8, %get3A_11, %dot_general3A_12 {dimension_numbers = #tpu.dot_dimension_numbers<[1], [0], [0], [1], [0, 0, 1, 1], [], []>, transpose_lhs_hint = false} : vector<1000x128xf32>, vector<128x256xf32>, vector<1000x256xf32> -> vector<1000x256xf32>
    %add3A = arith.addf %dot_general3A_5, %dot_general3A_13 : vector<1000x256xf32>
    %get3A_14 = arith.constant 0 : index
    %get3A_15 = arith.constant 0 : index
    %get3A_16 = vector.load %arg3[%get3A_14, %get3A_15] : memref<1000x128xf32, #tpu.memory_space<vmem>>, vector<1000x128xf32>
    %get3A_17 = arith.constant 0 : index
    %get3A_18 = arith.constant 0 : index
    %get3A_19 = vector.load %arg7[%get3A_17, %get3A_18] : memref<128x256xf32, #tpu.memory_space<vmem>>, vector<128x256xf32>
    %dot_general3A_20 = arith.constant dense<0.000000e+00> : vector<1000x256xf32>
    %dot_general3A_21 = tpu.matmul %get3A_16, %get3A_19, %dot_general3A_20 {dimension_numbers = #tpu.dot_dimension_numbers<[1], [0], [0], [1], [0, 0, 1, 1], [], []>, transpose_lhs_hint = false} : vector<1000x128xf32>, vector<128x256xf32>, vector<1000x256xf32> -> vector<1000x256xf32>
    %add3A_22 = arith.addf %add3A, %dot_general3A_21 : vector<1000x256xf32>
    %slice3A = vector.extract_strided_slice %add3A_22 {offsets = [0, 0], sizes = [1000, 128], strides = [1, 1]} : vector<1000x256xf32> to vector<1000x128xf32>
    %slice3A_23 = vector.extract_strided_slice %add3A_22 {offsets = [0, 128], sizes = [1000, 128], strides = [1, 1]} : vector<1000x256xf32> to vector<1000x128xf32>
    %get3A_24 = arith.constant 0 : index
    %get3A_25 = arith.constant 0 : index
    %get3A_26 = vector.load %arg4[%get3A_24, %get3A_25] : memref<1000x2xf32, #tpu.memory_space<vmem>>, vector<1000x1xf32>
    %get3A_27 = arith.constant 0 : index
    %get3A_28 = arith.constant 1 : index
    %get3A_29 = vector.load %arg4[%get3A_27, %get3A_28] : memref<1000x2xf32, #tpu.memory_space<vmem>>, vector<1000x1xf32>
    %add3A_30 = arith.addf %get3A_26, %get3A_29 : vector<1000x1xf32>
    %add3A_31 = arith.constant 1.000000e+00 : f32
    %add3A_32 = vector.broadcast %add3A_31 : f32 to vector<1000x1xf32>
    %add3A_33 = arith.addf %add3A_30, %add3A_32 : vector<1000x1xf32>
    %rsqrt3A = math.rsqrt %add3A_33 : vector<1000x1xf32>
    %mul3A = vector.broadcast %rsqrt3A : vector<1000x1xf32> to vector<1000x128xf32>
    %mul3A_34 = arith.mulf %slice3A, %mul3A : vector<1000x128xf32>
    %swap3A = arith.constant 0 : index
    %swap3A_35 = arith.constant 0 : index
    %swap3A_36 = vector.load %arg10[%swap3A, %swap3A_35] : memref<1000x128xf32, #tpu.memory_space<vmem>>, vector<1000x128xf32>
    tpu.vector_store %arg10[%swap3A, %swap3A_35], %mul3A_34 {strides = array<i32>} : memref<1000x128xf32, #tpu.memory_space<vmem>>, vector<1000x128xf32>,
    %mul3A_37 = arith.mulf %rsqrt3A, %rsqrt3A : vector<1000x1xf32>
    %mul3A_38 = vector.broadcast %mul3A_37 : vector<1000x1xf32> to vector<1000x128xf32>
    %mul3A_39 = arith.mulf %slice3A, %mul3A_38 : vector<1000x128xf32>
    %get3A_40 = arith.constant 0 : index
    %get3A_41 = arith.constant 0 : index
    %get3A_42 = vector.load %arg8[%get3A_40, %get3A_41] : memref<1x128xf32, #tpu.memory_space<vmem>>, vector<1x128xf32>
    %add3A_43 = vector.broadcast %get3A_42 : vector<1x128xf32> to vector<1000x128xf32>
    %add3A_44 = arith.addf %mul3A_39, %add3A_43 : vector<1000x128xf32>
    %add3A_45 = arith.addf %add3A_44, %slice3A_23 : vector<1000x128xf32>
    %get3A_46 = arith.constant 0 : index
    %get3A_47 = arith.constant 0 : index
    %get3A_48 = vector.load %arg9[%get3A_46, %get3A_47] : memref<1x128xf32, #tpu.memory_space<vmem>>, vector<1x128xf32>
    %add3A_49 = vector.broadcast %get3A_48 : vector<1x128xf32> to vector<1000x128xf32>
    %add3A_50 = arith.addf %add3A_45, %add3A_49 : vector<1000x128xf32>
    %swap3A_51 = arith.constant 0 : index
    %swap3A_52 = arith.constant 0 : index
    %swap3A_53 = vector.load %arg11[%swap3A_51, %swap3A_52] : memref<1000x128xf32, #tpu.memory_space<vmem>>, vector<1000x128xf32>
    tpu.vector_store %arg11[%swap3A_51, %swap3A_52], %add3A_50 {strides = array<i32>} : memref<1000x128xf32, #tpu.memory_space<vmem>>, vector<1000x128xf32>,
    %swap3A_54 = arith.constant 0 : index
    %swap3A_55 = arith.constant 0 : index
    %swap3A_56 = vector.load %arg12[%swap3A_54, %swap3A_55] : memref<1000x1xf32, #tpu.memory_space<vmem>>, vector<1000x1xf32>
    tpu.vector_store %arg12[%swap3A_54, %swap3A_55], %rsqrt3A {strides = array<i32>} : memref<1000x1xf32, #tpu.memory_space<vmem>>, vector<1000x1xf32>,
    return
  }
  func.func @transform_0(%arg0: i32) -> (i32, i32) {
    %c0_i32 = arith.constant 0 : i32
    %c0_i32_0 = arith.constant 0 : i32
    return %arg0, %c0_i32 : i32, i32
  }
  func.func @transform_1(%arg0: i32) -> (i32, i32) {
    %c0_i32 = arith.constant 0 : i32
    %c0_i32_0 = arith.constant 0 : i32
    return %arg0, %c0_i32 : i32, i32
  }
  func.func @transform_2(%arg0: i32) -> (i32, i32) {
    %c0_i32 = arith.constant 0 : i32
    %c0_i32_0 = arith.constant 0 : i32
    return %arg0, %c0_i32 : i32, i32
  }
  func.func @transform_3(%arg0: i32) -> (i32, i32) {
    %c0_i32 = arith.constant 0 : i32
    %c0_i32_0 = arith.constant 0 : i32
    return %arg0, %c0_i32 : i32, i32
  }
  func.func @transform_4(%arg0: i32) -> (i32, i32) {
    %c0_i32 = arith.constant 0 : i32
    %c0_i32_0 = arith.constant 0 : i32
    %c0_i32_1 = arith.constant 0 : i32
    return %c0_i32, %c0_i32_0 : i32, i32
  }
  func.func @transform_5(%arg0: i32) -> (i32, i32) {
    %c0_i32 = arith.constant 0 : i32
    %c0_i32_0 = arith.constant 0 : i32
    %c0_i32_1 = arith.constant 0 : i32
    return %c0_i32, %c0_i32_0 : i32, i32
  }
  func.func @transform_6(%arg0: i32) -> (i32, i32) {
    %c0_i32 = arith.constant 0 : i32
    %c0_i32_0 = arith.constant 0 : i32
    %c0_i32_1 = arith.constant 0 : i32
    return %c0_i32, %c0_i32_0 : i32, i32
  }
  func.func @transform_7(%arg0: i32) -> (i32, i32) {
    %c0_i32 = arith.constant 0 : i32
    %c0_i32_0 = arith.constant 0 : i32
    %c0_i32_1 = arith.constant 0 : i32
    return %c0_i32, %c0_i32_0 : i32, i32
  }
  func.func @transform_8(%arg0: i32) -> (i32, i32) {
    %c0_i32 = arith.constant 0 : i32
    %c0_i32_0 = arith.constant 0 : i32
    %c0_i32_1 = arith.constant 0 : i32
    return %c0_i32, %c0_i32_0 : i32, i32
  }
  func.func @transform_9(%arg0: i32) -> (i32, i32) {
    %c0_i32 = arith.constant 0 : i32
    %c0_i32_0 = arith.constant 0 : i32
    return %arg0, %c0_i32 : i32, i32
  }
  func.func @transform_10(%arg0: i32) -> (i32, i32) {
    %c0_i32 = arith.constant 0 : i32
    %c0_i32_0 = arith.constant 0 : i32
    return %arg0, %c0_i32 : i32, i32
  }
  func.func @transform_11(%arg0: i32) -> (i32, i32) {
    %c0_i32 = arith.constant 0 : i32
    %c0_i32_0 = arith.constant 0 : i32
    return %arg0, %c0_i32 : i32, i32
  }
}

module attributes {stable_mosaic.version = 14 : i64} {
  func.func @_combine_body(%arg0: i32, %arg1: memref<2x1000x128xf32, #tpu.memory_space<vmem>>, %arg2: memref<1000x1xf32, #tpu.memory_space<vmem>>, %arg3: memref<1000x128xf32, #tpu.memory_space<vmem>>, %arg4: memref<1000x128xf32, #tpu.memory_space<vmem>>) attributes {dimension_semantics = [#tpu.dimension_semantics<arbitrary>], iteration_bounds = array<i64: 10>, scalar_prefetch = 0 : i64, scratch_operands = 0 : i64, tpu.core_type = #tpu.core_type<tc>, window_params = [{transform_indices = @transform_0, window_bounds = array<i64: 2, 1000, 128>}, {transform_indices = @transform_1, window_bounds = array<i64: 1000, 1>}, {transform_indices = @transform_2, window_bounds = array<i64: 1000, 128>}, {transform_indices = @transform_3, window_bounds = array<i64: 1000, 128>}]} {
    %get3A = arith.constant 0 : index
    %get3A_0 = arith.constant 0 : index
    %get3A_1 = vector.load %arg2[%get3A, %get3A_0] : memref<1000x1xf32, #tpu.memory_space<vmem>>, vector<1000x1xf32>
    %get3A_2 = arith.constant 0 : index
    %get3A_3 = arith.constant 0 : index
    %get3A_4 = arith.constant 0 : index
    %get3A_5 = vector.load %arg1[%get3A_2, %get3A_3, %get3A_4] : memref<2x1000x128xf32, #tpu.memory_space<vmem>>, vector<1x1000x128xf32>
    %get3A_6 = vector.shape_cast %get3A_5 : vector<1x1000x128xf32> to vector<1000x128xf32>
    %get3A_7 = arith.constant 1 : index
    %get3A_8 = arith.constant 0 : index
    %get3A_9 = arith.constant 0 : index
    %get3A_10 = vector.load %arg1[%get3A_7, %get3A_8, %get3A_9] : memref<2x1000x128xf32, #tpu.memory_space<vmem>>, vector<1x1000x128xf32>
    %get3A_11 = vector.shape_cast %get3A_10 : vector<1x1000x128xf32> to vector<1000x128xf32>
    %add3A = arith.addf %get3A_6, %get3A_11 : vector<1000x128xf32>
    %mul3A = vector.broadcast %get3A_1 : vector<1000x1xf32> to vector<1000x128xf32>
    %mul3A_12 = arith.mulf %mul3A, %add3A : vector<1000x128xf32>
    %get3A_13 = arith.constant 0 : index
    %get3A_14 = arith.constant 0 : index
    %get3A_15 = vector.load %arg3[%get3A_13, %get3A_14] : memref<1000x128xf32, #tpu.memory_space<vmem>>, vector<1000x128xf32>
    %add3A_16 = arith.addf %mul3A_12, %get3A_15 : vector<1000x128xf32>
    %swap3A = arith.constant 0 : index
    %swap3A_17 = arith.constant 0 : index
    %swap3A_18 = vector.load %arg4[%swap3A, %swap3A_17] : memref<1000x128xf32, #tpu.memory_space<vmem>>, vector<1000x128xf32>
    tpu.vector_store %arg4[%swap3A, %swap3A_17], %add3A_16 {strides = array<i32>} : memref<1000x128xf32, #tpu.memory_space<vmem>>, vector<1000x128xf32>,
    return
  }
  func.func @transform_0(%arg0: i32) -> (i32, i32, i32) {
    %c0_i32 = arith.constant 0 : i32
    %c0_i32_0 = arith.constant 0 : i32
    %c0_i32_1 = arith.constant 0 : i32
    return %c0_i32, %arg0, %c0_i32_0 : i32, i32, i32
  }
  func.func @transform_1(%arg0: i32) -> (i32, i32) {
    %c0_i32 = arith.constant 0 : i32
    %c0_i32_0 = arith.constant 0 : i32
    return %arg0, %c0_i32 : i32, i32
  }
  func.func @transform_2(%arg0: i32) -> (i32, i32) {
    %c0_i32 = arith.constant 0 : i32
    %c0_i32_0 = arith.constant 0 : i32
    return %arg0, %c0_i32 : i32, i32
  }
  func.func @transform_3(%arg0: i32) -> (i32, i32) {
    %c0_i32 = arith.constant 0 : i32
    %c0_i32_0 = arith.constant 0 : i32
    return %arg0, %c0_i32 : i32, i32
  }
}

</mosaic_0001>

<sc_bundles>
// kernel: kernel.6.cloned.1.call-start
scs
__scs_entry_jumppad:
0x0: {  	(pc) =	sbr.rel $0x88, $3  }
0x1: {  	(tag) =	ssettag $0x0;
	lr =	simm.s32 $0x1  }
0x2: {  	[smem:$0x3F9B] =	sst lr;
	_ =	strace $0xD0000000  }
0x3: {  	_ = 	snop  }
0x4: {  	_ = 	snop  }
0x5: {  	_ = 	snop  }
0x6: {  	_ = 	snop  }
0x7: {  	_ = 	snop  }
__scs_overlays_trampoline_lowered:
0x8: {  	[smem:$0x3FAA] =	sst s0  }
0x9: {  	[smem:$0x3FAB] =	sst s1  }
0xa: {  	[smem:$0x3FAC] =	sst s2  }
0xb: {  	[smem:$0x3FAD] =	sst s3  }
0xc: {  	[smem:$0x3FAE] =	sst s4  }
0xd: {  	[smem:$0x3FAF] =	sst s5  }
0xe: {  	[smem:$0x3FB0] =	sst s6  }
0xf: {  	[smem:$0x3FB1] =	sst s7  }
0x10: {  	[smem:$0x3FB2] =	sst s8  }
0x11: {  	[smem:$0x3FB3] =	sst s9;
	s0 =	simm.s32 @!p0 $0x0  }
0x12: {  	s1 =	sld [smem:$0x3F99];
	s0 =	simm.s32 @p0 $0x1  }
0x13: {  	[smem:$0x3FB4] =	sst s0;
	s0 =	simm.s32 @!p1 $0x0  }
0x14: {  	s2 =	sld [smem:$0x3F98];
	s0 =	simm.s32 @p1 $0x1  }
0x15: {  	[smem:$0x3FB5] =	sst s0;
	s0 =	simm.s32 @!p2 $0x0  }
0x16: {  	s3 =	sld [smem:$0x3FDB];
	s0 =	simm.s32 @p2 $0x1  }
0x17: {  	s4 =	simm.s32 $0x1BF5;
	[smem:$0x3FB7] =	sst s0  }
0x18: {  	s0 =	sld [smem:$0x3F9A];
	_ =	swait.ge [sflag:s4], $0x0  }
0x19: {  	s7 =	sld [smem:$0x3F9B]  }
0x1a: {  	s8 =	sadd.s32 $0xFFFFE003, lr  }
0x1b: {  	s9 =	sadd.s32 $0xFFFFFEF7, lr;
	s5 =	simm.s32 $0xFFFFFFFF;
	p2 =	slt.u32 s8, $0xFFFFF086  }
0x1c: {  	p1 =	slt.u32 s9, $0xF7A;
	s5 =	simm.s32 @!p2 $0x0  }
0x1d: {  	s5 =	simm.s32 @p1 $0x1;
	p0 =	seq.s32 s7, s2  }
0x1e: {  	s7 =	smul.u32 @!p0 $0xF7A, s2;
	p2 =	seq.s32 @!p0 s5, $0x0  }
0x1f: {  	s9 =	smul.u32 $0xF7A, s1;
	s8 =	simm.s32 @!p0 $0x1BF5;
	p2 =	por !p2, p0  }
0x20: {  	[sflag:s8] =	ssyncset.s32 @!p0 $0xFFFFF086;
	s6 =	sadd.s32 @!p0 s3, s7;
	s7 =	simm.s32 @!p0 $0x108  }
0x21: {  	s3 =	sadd.s32 s3, s9;
	s6 =	sadd.s32 @!p0 $0x88, s6;
	s7 =	simm.s32 @p2 $0x1082  }
0x22: {  	[simem:s7], [sflag:s8] =	dma.local @!p0 [hbm:s6], $0xF7A  }
0x23: {  	s9 =	sor.u32 $0xD0000000, s2;
	s6 =	simm.s32 $0x108;
	_ =	swait.ge @!p0 [sflag:s8], $0x0  }
0x24: {  	s3 =	sadd.s32 $0x88, s3;
	s6 =	simm.s32 @!p1 $0x1082;
	[sflag:s4] =	ssyncset.s32 $0xFFFFF086  }
0x25: {  	[simem:s6], [sflag:s4] =	dma.local [hbm:s3], $0xF7A  }
0x26: {  	[smem:$0x3F9B] =	sst s1;
	(tag) =	ssettag s2;
	_ =	strace s9  }
0x27: {  	s1 =	sld [smem:$0x3FAB]  }
0x28: {  	s2 =	sld [smem:$0x3FAC]  }
0x29: {  	s4 =	sld [smem:$0x3FAE]  }
0x2a: {  	p0 =	seq.s32 s5, $0x0;
	s5 =	sld [smem:$0x3FAF]  }
0x2b: {  	s6 =	sld [smem:$0x3FB0]  }
0x2c: {  	s7 =	sld [smem:$0x3FB1]  }
0x2d: {  	s3 =	simm.s32 $0x108;
	s8 =	sld [smem:$0x3FB2]  }
0x2e: {  	s3 =	simm.s32 @!p0 $0x1082;
	s9 =	sld [smem:$0x3FB3]  }
0x2f: {  	lr =	sadd.s32 s0, s3;
	s0 =	sld [smem:$0x3FAA]  }
0x30: {  	s3 =	sld [smem:$0x3FAD]  }
0x31: {  	[smem:$0x3FB6] =	sst s10  }
0x32: {  	s10 =	sld [smem:$0x3FB4];
	_ =	sdelay $0x3  }
0x33: {  	p0 =	seq.s32 s10, $0x1;
	s10 =	sld [smem:$0x3FB6];
	_ =	sdelay $0x3  }
0x34: {  	[smem:$0x3FB6] =	sst s10  }
0x35: {  	s10 =	sld [smem:$0x3FB5];
	_ =	sdelay $0x3  }
0x36: {  	p1 =	seq.s32 s10, $0x1;
	s10 =	sld [smem:$0x3FB6];
	_ =	sdelay $0x3  }
0x37: {  	[smem:$0x3FB6] =	sst s10  }
0x38: {  	s10 =	sld [smem:$0x3FB7]  }
0x39: {  	_ = 	snop;
	(pc) =	sbr.ind lr, $3  }
0x3a: {  	_ = 	snop  }
0x3b: {  	_ = 	snop  }
0x3c: {  	p2 =	seq.s32 s10, $0x1;
	s10 =	sld [smem:$0x3FB6]  }
0x3d: {  	_ =	shalt  }
0x3e: {  	_ =	shalt  }
0x3f: {  	_ =	shalt  }
0x40: {  	_ =	shalt  }
0x41: {  	_ =	shalt  }
0x42: {  	_ =	shalt  }
0x43: {  	_ =	shalt  }
0x44: {  	_ =	shalt  }
0x45: {  	_ =	shalt  }
0x46: {  	_ =	shalt  }
0x47: {  	_ =	shalt  }
0x48: {  	_ =	shalt  }
0x49: {  	_ =	shalt  }
0x4a: {  	_ =	shalt  }
0x4b: {  	_ =	shalt  }
0x4c: {  	_ =	shalt  }
0x4d: {  	_ =	shalt  }
0x4e: {  	_ =	shalt  }
0x4f: {  	_ =	shalt  }
0x50: {  	_ =	shalt  }
0x51: {  	_ =	shalt  }
0x52: {  	_ =	shalt  }
0x53: {  	_ =	shalt  }
0x54: {  	_ =	shalt  }
0x55: {  	_ =	shalt  }
0x56: {  	_ =	shalt  }
0x57: {  	_ =	shalt  }
0x58: {  	_ =	shalt  }
0x59: {  	_ =	shalt  }
0x5a: {  	_ =	shalt  }
0x5b: {  	_ =	shalt  }
0x5c: {  	_ =	shalt  }
0x5d: {  	_ =	shalt  }
0x5e: {  	_ =	shalt  }
0x5f: {  	_ =	shalt  }
0x60: {  	_ =	shalt  }
0x61: {  	_ =	shalt  }
0x62: {  	_ =	shalt  }
0x63: {  	_ =	shalt  }
0x64: {  	_ =	shalt  }
0x65: {  	_ =	shalt  }
0x66: {  	_ =	shalt  }
0x67: {  	_ =	shalt  }
0x68: {  	_ =	shalt  }
0x69: {  	_ =	shalt  }
0x6a: {  	_ =	shalt  }
0x6b: {  	_ =	shalt  }
0x6c: {  	_ =	shalt  }
0x6d: {  	_ =	shalt  }
0x6e: {  	_ =	shalt  }
0x6f: {  	_ =	shalt  }
0x70: {  	_ =	shalt  }
0x71: {  	_ =	shalt  }
0x72: {  	_ =	shalt  }
0x73: {  	_ =	shalt  }
0x74: {  	_ =	shalt  }
0x75: {  	_ =	shalt  }
0x76: {  	_ =	shalt  }
0x77: {  	_ =	shalt  }
0x78: {  	_ =	shalt  }
0x79: {  	_ =	shalt  }
0x7a: {  	_ =	shalt  }
0x7b: {  	_ =	shalt  }
0x7c: {  	_ =	shalt  }
0x7d: {  	_ =	shalt  }
0x7e: {  	_ =	shalt  }
0x7f: {  	_ =	shalt  }
0x80: {  	_ =	shalt  }
0x81: {  	_ =	shalt  }
0x82: {  	_ =	shalt  }
0x83: {  	_ =	shalt  }
0x84: {  	_ =	shalt  }
0x85: {  	_ =	shalt  }
0x86: {  	_ =	shalt  }
0x87: {  	_ =	shalt  }
.Lfunc_end0:
.L_simem_size_0:
called_computation_lowered:
.L_overlay_start_0:
0x88: {  	s2 =	sld [smem:$0x3FD9]  }
0x89: {  	s3 =	sld [smem:$0x3FFE];
	_ =	sdelay $0x1  }
0x8a: {  	s1 =	srdreg.scid  }
0x8b: {  	s0 =	sand.u32 $0x1, s1  }
0x8c: {  	s17 =	sshll.u32 s0, $0xA;
	s2 =	sadd.s32 s3, s2  }
0x8d: {  	s2 =	sadd.s32 s2, s17  }
0x8e: {  	[smem:$0x3FC2] =	sst s2  }
0x8f: {  	_ = 	snop  }
0x90: {  	s2 =	sld [smem:$0x3FC8];
	(tm) =	ssettm $0x1  }
0x91: {  	s18 =	sld [smem:$0x3FFB];
	_ =	sdelay $0x3  }
0x92: {  	_ =	strace s18  }
0x93: {  	s3 =	sld [smem:$0x3FFC];
	_ =	sdelay $0x3  }
0x94: {  	_ =	strace s3  }
0x95: {  	s3 =	sld [smem:$0x3FFD];
	_ =	sdelay $0x3  }
0x96: {  	_ =	strace s3  }
0x97: {  	_ =	strace $0x8FFFFFFF  }
0x98: {  	s19 =	sld [smem:$0x3FDB];
	_ =	sdelay $0x1  }
0x99: {  	s4 =	simm.s32 $_scs_section_size  }
0x9a: {  	s5 =	simm.s32 $_size__tile_overlayer_lowered;
	s6 =	simm.s32 $_tile_overlayer_lowered  }
0x9b: {  	s22 =	simm.s32 $0x1BFF;
	s21 =	sshll.u32 s6, $0x1;
	s3 =	sadd.s32 s4, s19  }
0x9c: {  	s7 =	simm.s32 $0x0;
	s20 =	sshll.u32 s5, $0x1;
	s5 =	sadd.s32 s21, s3  }
0x9d: {  	[timem:s7], [sflag:s22] =	dma.local [hbm:s5], s20  }
0x9e: {  	_ =	swait.ge [sflag:s22], s20  }
0x9f: {  	s4 =	ssub.s32 $0x0, s20;
	[sflag:s22] =	ssyncset.done $0x0  }
0xa0: {  	[sflag:s22] =	ssyncadd.s32 s4;
	_ =	sdelay $0x1  }
0xa1: {  	s23 =	simm.s32 $0x1B8B  }
0xa2: {  	_ =	swait.ge [sflag:s23], $0x1  }
0xa3: {  	[sflag:s23] =	ssyncset.done $0x0  }
0xa4: {  	s25 =	simm.s32 $0x1B8E;
	s24 =	sld [smem:$0x3FFE];
	[sflag:s23] =	ssyncadd.s32 $0xFFFFFFFF  }
0xa5: {  	s26 =	simm.s32 $execute0_lowered;
	[smem:$0x3FD2] =	sst s25  }
0xa6: {  	s5 =	sshll.u32 s26, $0x1;
	_ =	strace $0x80000046;
	[dreg:$0x1] =	wrdreg $0xFFFFFFFF  }
0xa7: {  	s28 =	simm.s32 $_size_execute0_lowered;
	s3 =	sadd.s32 s3, s5;
	[dreg:$0x0] =	wrdreg $0x0  }
0xa8: {  	s5 =	sshll.u32 s28, $0x1;
	[dreg:$0x2] =	wrdreg s3  }
0xa9: {  	[dreg:$0x3] =	wrdreg s5  }
0xaa: {  	[dreg:$0x4] =	wrdreg $0xC0  }
0xab: {  	_ =	task [dreg:s7], $0x5FFFF  }
0xac: {  	[dreg:$0x1] =	wrdreg $0xFFFFFFFF  }
0xad: {  	[dreg:$0x0] =	wrdreg $0x60  }
0xae: {  	[dreg:$0x2] =	wrdreg s2  }
0xaf: {  	[dreg:$0x3] =	wrdreg s24  }
0xb0: {  	[dreg:$0x4] =	wrdreg $0x53000  }
0xb1: {  	[dreg:$0x5] =	wrdreg $0x9  }
0xb2: {  	_ =	task.clear_ibuf [dreg:s7], $0x6FFFF;
	_ =	strace $0x90000046  }
0xb3: {  	s29 =	simm.s32 $0x9;
	_ =	strace $0x80000048  }
0xb4: {  	_ =	swait.ge [sflag:s29], $0x1  }
0xb5: {  	[sflag:s29] =	ssyncadd.s32 $0xFFFFFFFF  }
0xb6: {  	_ =	strace $0x90000048  }
0xb7: {  	_ =	sfence  }
0xb8: {  	s30 =	sld [smem:$0x0];
	_ =	sdelay $0x2  }
0xb9: {  	s31 =	sshll.u32 s1, $0xD;
	s1 =	sshrl.u32 s1, $0x2  }
0xba: {  	s3 =	sand.u32 $0x4000, s31;
	s1 =	sadd.s32 s1, s30  }
0xbb: {  	s0 =	sor.u32 s3, s0;
	s1 =	sshll.u32 s1, $0x11  }
0xbc: {  	s0 =	sor.u32 s1, s0  }
0xbd: {  	s0 =	sadd.s32 $0x8F2B, s0  }
0xbe: {  	[sflag:s0] =	ssyncadd.remote.s32 $0x1  }
0xbf: {  	_ =	sfence.sel $0xFFFF  }
0xc0: {  	[dreg:$0x0] =	wrdreg $0xFFFFFFFF;
	(pc) =	sbr.abs _section_cstart, $3  }
0xc1: {  	[dreg:$0x1] =	wrdreg $0xFFFFFFFF  }
0xc2: {  	_ =	task.clear_ibuf [dreg:s7], $0x2FFFF;
	_ =	strace $0x9FFFFFFF  }
0xc3: {  	(tm) =	ssettm $0x7FFFFFFF  }
tec
execute0_lowered:
.L_overlay_start_1:
0x0: {  	(tag) =	ssettag $0x1  }
0x1: {  	s7 =	rddreg [dreg:$0x0]  }
0x2: {  	s6 =	rddreg [dreg:$0x1]  }
0x3: {  	s1 =	rddreg [dreg:$0x2]  }
0x4: {  	s2 =	srdreg.scid;
	s0 =	rddreg [dreg:$0x3];
	s3 =	simm.s32 $0x0  }
0x5: {  	s17 =	simm.s32 $0x5080;
	s18 =	simm.s32 $0x80;
	s19 =	simm.s32 $0x1  }
0x6: {  	s20 =	simm.s32 $0x0;
	s8 =	sand.u32 $0x1, s2;
	s2 =	stileid.u32  }
0x7: {  	[smem:$0x7FF] =	sst s3;
	s5 =	sadd.s32 $0x1C00, s6;
	s13 =	smul.u32 $0x9C0, s2  }
0x8: {  	s14 =	sadd.s32 $0x2000, s6;
	s4 =	sshll.u32 s8, $0x4;
	s28 =	smul.u32 $0x270, s2  }
0x9: {  	_ =	strace $0x80000047;
	s10 =	ssub.s32 $0x2, s8;
	s30 =	smul.u32 $0x2710, s8  }
0xa: {  	p1 =	seq.s32 s2, $0xF;
	s9 =	sor.u32 s2, s4;
	s12 =	sshrl.u32 s10, $0x1  }
0xb: {  	s4 =	sadd.s32 $0x1E00, s6;
	s11 =	smul.u32 $0xA00, s9;
	s15 =	ssub.s32 s10, s12  }
0xc: {  	p0 =	seq.s32 s9, $0x1F;
	s29 =	sshrl.u32 s13, $0x2;
	s9 =	sadd.s32 $0x2490, s1  }
0xd: {  	s10 =	simm.s32 $0x5;
	s31 =	sadd.s32 s28, s30;
	s13 =	sshrl.u32 s30, $0x3  }
0xe: {  	s8 =	sadd.s32 s29, s1;
	s10 =	simm.s32 @!p0 $0x14;
	s16 =	sshrl.u32 s31, $0x3  }
0xf: {  	s13 =	sadd.s32 s14, s13;
	s6 =	sadd.s32 s7, s11;
	s7 =	sadd.s32 $0x13600, s7  }
0x10: {  	s11 =	sadd.s32 s28, s1;
	s12 =	sadd.s32 s14, s16;
	s13 =	sadd.s32 $0x492, s13  }
0x11: {  	s14 =	smax.u32 s15, $0x1;
	s15 =	simm.s32 $0x5000;
	s16 =	simm.s32 $0x2  }
.LBB2_1:
0x12: {  	[tilespmem:s15], [sflag:$0x2] =	stream.linear.gather [hbm4b:s4+s3], $0x80, $0x38;
	[tilespmem:$0x5578] =	vst v63  }
0x13: {  	_ =	swait.ge [sflag:s16], $0x80  }
0x14: {  	[sflag:s16] =	ssyncset.done $0x0  }
0x15: {  	s21 =	simm.s32 @p0 $0x0;
	[sflag:s16] =	ssyncadd.s32 $0xFFFFFF80  }
0x16: {  	[tilespmem:s21], [sflag:$0x2] =	stream.linear.gather @p0 [hbm4b:s7+s21], $0x1400, $0x38;
	[tilespmem:$0x5578] =	vst v63  }
0x17: {  	s21 =	simm.s32 @p0 $0x2  }
0x18: {  	_ =	swait.ge @p0 [sflag:s21], $0x1400  }
0x19: {  	[sflag:s21] =	ssyncset.done @p0 $0x0  }
0x1a: {  	[sflag:s21] =	ssyncadd.s32 @p0 $0xFFFFEC00;
	s21 =	simm.s32 @!p0 $0x0  }
0x1b: {  	[tilespmem:s21], [sflag:$0x2] =	stream.linear.gather @!p0 [hbm4b:s6+s21], $0x5000, $0x38;
	[tilespmem:$0x5578] =	vst v63  }
0x1c: {  	s21 =	simm.s32 @!p0 $0x2  }
0x1d: {  	_ =	swait.ge @!p0 [sflag:s21], $0x5000  }
0x1e: {  	[sflag:s21] =	ssyncset.done @!p0 $0x0  }
0x1f: {  	[sflag:s21] =	ssyncadd.s32 @!p0 $0xFFFFB000  }
0x20: {  	[tilespmem:s17], [sflag:$0x2] =	stream.linear.gather [hbm4b:s5+s3], $0x280, $0x38;
	[tilespmem:$0x5578] =	vst v63  }
0x21: {  	_ =	swait.ge [sflag:s16], $0x280  }
0x22: {  	[sflag:s16] =	ssyncset.done $0x0  }
0x23: {  	s24 =	simm.s32 @p1 $0x5080;
	s23 =	simm.s32 @p1 $0x2;
	[sflag:s16] =	ssyncadd.s32 $0xFFFFFD80  }
0x24: {  	[spmem:s9] =	stream.linear.scatter @p1 [tilespmem:s24], [sflag:$0x2], $0x280, $0x38;
	[tilespmem:$0x5578] =	vst v63  }
0x25: {  	_ =	swait.ge @p1 [sflag:s23], $0x280  }
0x26: {  	s22 =	simm.s32 @!p1 $0x5080;
	[sflag:s23] =	ssyncset.done @p1 $0x0  }
0x27: {  	p3 =	sne.s32 s10, $0x1;
	s21 =	simm.s32 @!p1 $0x2;
	[sflag:s23] =	ssyncadd.s32 @p1 $0xFFFFFD80  }
0x28: {  	[spmem:s8] =	stream.linear.scatter @!p1 [tilespmem:s22], [sflag:$0x2], $0x270, $0x38;
	[tilespmem:$0x5578] =	vst v63  }
.Ltmp0:
0x29: {  	_ =	swait.ge @!p1 [sflag:s21], $0x270;
	(pc) =	sbr.rel @!p3 .LBB2_4-.Ltmp0, $4  }
0x2a: {  	[sflag:s21] =	ssyncset.done @!p1 $0x0  }
0x2b: {  	[sflag:s21] =	ssyncadd.s32 @!p1 $0xFFFFFD90  }
0x2c: {  	[bflag:$0x0] =	sbarrier.arrive $0xFFFF  }
0x2d: {  	s25 =	simm.s32 $0x380;
	s26 =	sadd.s32 $0xFFFFFFFF, s10;
	p2 =	por $0x0, $0x0  }
0x2e: {  	s28 =	simm.s32 $0x80  }
0x2f: {  	[spmem:s1] =	stream.indirect.scatter.add.f32 [tilespmem:s15], [sflag:$0x1], $0x1, s28, s18, $0xb8;
	[tilespmem:$0x5578] =	vst v63  }
0x30: {  	s30 =	simm.s32 $0x180  }
0x31: {  	[spmem:s1] =	stream.indirect.scatter.add.f32 [tilespmem:s15], [sflag:$0x1], $0x1, s30, s18, $0xb8;
	[tilespmem:$0x5578] =	vst v63  }
0x32: {  	s31 =	simm.s32 $0x280  }
0x33: {  	[spmem:s1] =	stream.indirect.scatter.add.f32 [tilespmem:s15], [sflag:$0x1], $0x1, s31, s18, $0xb8;
	[tilespmem:$0x5578] =	vst v63  }
0x34: {  	_ = 	snop  }
0x35: {  	[spmem:s1] =	stream.indirect.scatter.add.f32 [tilespmem:s15], [sflag:$0x1], $0x1, s25, s18, $0xb8;
	[tilespmem:$0x5578] =	vst v63  }
0x36: {  	_ =	swait.ge [sflag:s19], $0x80  }
0x37: {  	[sflag:s19] =	ssyncset.done $0x0  }
0x38: {  	[sflag:s19] =	ssyncadd.s32 $0xFFFFFF80  }
0x39: {  	_ =	swait.ge [sflag:s19], $0x80  }
0x3a: {  	[sflag:s19] =	ssyncset.done $0x0  }
0x3b: {  	p3 =	sne.s32 s26, $0x1;
	[sflag:s19] =	ssyncadd.s32 $0xFFFFFF80  }
.Ltmp1:
0x3c: {  	_ =	swait.ge [sflag:s19], $0x80;
	(pc) =	sbr.rel @!p3 .LBB2_4-.Ltmp1, $4  }
0x3d: {  	[sflag:s19] =	ssyncset.done $0x0  }
0x3e: {  	[sflag:s19] =	ssyncadd.s32 $0xFFFFFF80  }
0x3f: {  	s26 =	sadd.s32 $0xFFFFFFFF, s26;
	_ =	swait.ge [sflag:s19], $0x80  }
0x40: {  	p2 =	por $0x1, $0x1;
	s25 =	simm.s32 $0x780;
	[sflag:s19] =	ssyncset.done $0x0  }
.LBB2_3:
0x41: {  	p3 =	sne.s32 s26, $0x1;
	s28 =	sadd.s32 $0xFFFFFD00, s25;
	[sflag:s19] =	ssyncadd.s32 $0xFFFFFF80  }
0x42: {  	[spmem:s1] =	stream.indirect.scatter.add.f32 [tilespmem:s15], [sflag:$0x1], $0x1, s28, s18, $0xb8;
	[tilespmem:$0x5578] =	vst v63  }
0x43: {  	s26 =	sadd.s32 $0xFFFFFFFF, s26;
	s28 =	sadd.s32 $0xFFFFFE00, s25  }
0x44: {  	[spmem:s1] =	stream.indirect.scatter.add.f32 [tilespmem:s15], [sflag:$0x1], $0x1, s28, s18, $0xb8;
	[tilespmem:$0x5578] =	vst v63  }
0x45: {  	s28 =	sadd.s32 $0xFFFFFF00, s25  }
0x46: {  	[spmem:s1] =	stream.indirect.scatter.add.f32 [tilespmem:s15], [sflag:$0x1], $0x1, s28, s18, $0xb8;
	[tilespmem:$0x5578] =	vst v63  }
0x47: {  	_ = 	snop  }
0x48: {  	[spmem:s1] =	stream.indirect.scatter.add.f32 [tilespmem:s15], [sflag:$0x1], $0x1, s25, s18, $0xb8;
	[tilespmem:$0x5578] =	vst v63  }
0x49: {  	_ =	swait.ge [sflag:s19], $0x80  }
0x4a: {  	[sflag:s19] =	ssyncset.done $0x0  }
0x4b: {  	[sflag:s19] =	ssyncadd.s32 $0xFFFFFF80  }
0x4c: {  	_ =	swait.ge [sflag:s19], $0x80  }
0x4d: {  	[sflag:s19] =	ssyncset.done $0x0  }
0x4e: {  	[sflag:s19] =	ssyncadd.s32 $0xFFFFFF80  }
.Ltmp2:
0x4f: {  	_ =	swait.ge [sflag:s19], $0x80;
	(pc) =	sbr.rel @p3 .LBB2_3-.Ltmp2, $4  }
0x50: {  	[sflag:s19] =	ssyncset.done $0x0  }
0x51: {  	[sflag:s19] =	ssyncadd.s32 $0xFFFFFF80  }
0x52: {  	_ =	swait.ge [sflag:s19], $0x80  }
0x53: {  	s25 =	sadd.s32 $0x400, s25;
	[sflag:s19] =	ssyncset.done $0x0  }
.LBB2_4:
0x54: {  	s26 =	sadd.s32 $0xFFFFFD00, s25;
	[sflag:s19] =	ssyncadd.s32 @p2 $0xFFFFFF80  }
0x55: {  	[spmem:s1] =	stream.indirect.scatter.add.f32 [tilespmem:s15], [sflag:$0x1], $0x1, s26, s18, $0xb8;
	[tilespmem:$0x5578] =	vst v63  }
0x56: {  	s30 =	sadd.s32 $0xFFFFFE00, s25  }
0x57: {  	[spmem:s1] =	stream.indirect.scatter.add.f32 [tilespmem:s15], [sflag:$0x1], $0x1, s30, s18, $0xb8;
	[tilespmem:$0x5578] =	vst v63  }
0x58: {  	s31 =	sadd.s32 $0xFFFFFF00, s25  }
0x59: {  	[spmem:s1] =	stream.indirect.scatter.add.f32 [tilespmem:s15], [sflag:$0x1], $0x1, s31, s18, $0xb8;
	[tilespmem:$0x5578] =	vst v63  }
0x5a: {  	_ = 	snop  }
0x5b: {  	[spmem:s1] =	stream.indirect.scatter.add.f32 [tilespmem:s15], [sflag:$0x1], $0x1, s25, s18, $0xb8;
	[tilespmem:$0x5578] =	vst v63  }
0x5c: {  	_ =	swait.ge [sflag:s19], $0x80  }
0x5d: {  	[sflag:s19] =	ssyncset.done $0x0  }
0x5e: {  	[sflag:s19] =	ssyncadd.s32 $0xFFFFFF80  }
0x5f: {  	_ =	swait.ge [sflag:s19], $0x80  }
0x60: {  	[sflag:s19] =	ssyncset.done $0x0  }
0x61: {  	[sflag:s19] =	ssyncadd.s32 $0xFFFFFF80  }
0x62: {  	_ =	swait.ge [sflag:s19], $0x80  }
0x63: {  	[sflag:s19] =	ssyncset.done $0x0  }
0x64: {  	[sflag:s19] =	ssyncadd.s32 $0xFFFFFF80  }
0x65: {  	_ =	swait.ge [sflag:s19], $0x80  }
0x66: {  	[sflag:s19] =	ssyncset.done $0x0  }
0x67: {  	[sflag:s19] =	ssyncadd.s32 $0xFFFFFF80  }
0x68: {  	[bflag:$0x0] =	sbarrier.arrive $0xFFFF  }
0x69: {  	[tilespmem:s24], [sflag:$0x2] =	stream.linear.gather @p1 [spmem:s9], $0x280, $0x38;
	[tilespmem:$0x5578] =	vst v63  }
0x6a: {  	_ =	swait.ge @p1 [sflag:s23], $0x280  }
0x6b: {  	[sflag:s23] =	ssyncset.done @p1 $0x0  }
0x6c: {  	s25 =	simm.s32 @p1 $0x0;
	[sflag:s23] =	ssyncadd.s32 @p1 $0xFFFFFD80  }
0x6d: {  	[hbm4b:s13+s25] =	stream.linear.scatter @p1 [tilespmem:s24], [sflag:$0x2], $0x280, $0x38;
	[tilespmem:$0x5578] =	vst v63  }
0x6e: {  	_ =	swait.ge @p1 [sflag:s23], $0x280  }
0x6f: {  	[sflag:s23] =	ssyncset.done @p1 $0x0  }
0x70: {  	[sflag:s23] =	ssyncadd.s32 @p1 $0xFFFFFD80  }
0x71: {  	[tilespmem:s22], [sflag:$0x2] =	stream.linear.gather @!p1 [spmem:s11], $0x270, $0x38;
	[tilespmem:$0x5578] =	vst v63  }
0x72: {  	s20 =	sadd.s32 $0x1, s20;
	_ =	swait.ge @!p1 [sflag:s21], $0x270  }
0x73: {  	p2 =	sne.s32 s20, s14;
	[sflag:s21] =	ssyncset.done @!p1 $0x0  }
.Ltmp3:
0x74: {  	s23 =	simm.s32 @!p1 $0x0;
	[sflag:s21] =	ssyncadd.s32 @!p1 $0xFFFFFD90;
	(pc) =	sbr.rel @p2 .LBB2_1-.Ltmp3, $4  }
0x75: {  	[hbm4b:s12+s23] =	stream.linear.scatter @!p1 [tilespmem:s22], [sflag:$0x2], $0x270, $0x38;
	[tilespmem:$0x5578] =	vst v63  }
0x76: {  	_ =	swait.ge @!p1 [sflag:s21], $0x270  }
0x77: {  	[sflag:s21] =	ssyncset.done @!p1 $0x0  }
0x78: {  	[sflag:s21] =	ssyncadd.s32 @!p1 $0xFFFFFD90  }
0x79: {  	_ =	sfence.sel $0x180000  }
0x7a: {  	[bflag:$0x0] =	sbarrier.arrive $0xFFFF  }
0x7b: {  	p0 =	sne.s32 s2, $0x0;
	_ =	strace $0x90000047  }
0x7c: {  	s0 =	sadd.s32 @!p0 $0x100000, s0;
	[bflag:$0x2] =	sbarrier.arrive $0xFFFF  }
0x7d: {  	[sflag:s0] =	ssyncadd.tile.s32 @!p0 $0x1;
	_ =	shalt  }
.Lfunc_end2:
_tile_overlayer_lowered:
.L_overlay_start_2:
0x7e: {  	(tag) =	ssettag $0x2  }
0x7f: {  	s0 =	rddreg [dreg:$0x0];
	s2 =	stileid.u32  }
0x80: {  	s1 =	rddreg [dreg:$0x1];
	p0 =	sne.s32 s2, $0x0  }
0x81: {  	s3 =	rddreg [dreg:$0x2];
	[bflag:$0x3] =	sbarrier.arrive $0xFFFF;
	s2 =	simm.s32 @!p0 $0x1C02  }
0x82: {  	[timem:s3], [sflag:s2] =	dma.local @!p0 [hbm:s0], s1  }
0x83: {  	s0 =	simm.s32 @!p0 $0x2  }
0x84: {  	_ =	swait.ge @!p0 [sflag:s0], s1  }
0x85: {  	s1 =	ssub.s32 @!p0 $0x0, s1;
	[sflag:s0] =	ssyncset.done @!p0 $0x0  }
0x86: {  	[sflag:s0] =	ssyncadd.s32 @!p0 s1  }
0x87: {  	[bflag:$0x3] =	sbarrier.arrive $0xFFFF  }
0x88: {  	_ =	shalt  }

// kernel: kernel.9.cloned.1.call-start
scs
__scs_entry_jumppad:
0x0: {  	(pc) =	sbr.rel $0x88, $3  }
0x1: {  	(tag) =	ssettag $0x0;
	lr =	simm.s32 $0x1  }
0x2: {  	[smem:$0x3F9B] =	sst lr;
	_ =	strace $0xD0000000  }
0x3: {  	_ = 	snop  }
0x4: {  	_ = 	snop  }
0x5: {  	_ = 	snop  }
0x6: {  	_ = 	snop  }
0x7: {  	_ = 	snop  }
__scs_overlays_trampoline_lowered:
0x8: {  	[smem:$0x3FAA] =	sst s0  }
0x9: {  	[smem:$0x3FAB] =	sst s1  }
0xa: {  	[smem:$0x3FAC] =	sst s2  }
0xb: {  	[smem:$0x3FAD] =	sst s3  }
0xc: {  	[smem:$0x3FAE] =	sst s4  }
0xd: {  	[smem:$0x3FAF] =	sst s5  }
0xe: {  	[smem:$0x3FB0] =	sst s6  }
0xf: {  	[smem:$0x3FB1] =	sst s7  }
0x10: {  	[smem:$0x3FB2] =	sst s8  }
0x11: {  	[smem:$0x3FB3] =	sst s9;
	s0 =	simm.s32 @!p0 $0x0  }
0x12: {  	s1 =	sld [smem:$0x3F99];
	s0 =	simm.s32 @p0 $0x1  }
0x13: {  	[smem:$0x3FB4] =	sst s0;
	s0 =	simm.s32 @!p1 $0x0  }
0x14: {  	s2 =	sld [smem:$0x3F98];
	s0 =	simm.s32 @p1 $0x1  }
0x15: {  	[smem:$0x3FB5] =	sst s0;
	s0 =	simm.s32 @!p2 $0x0  }
0x16: {  	s3 =	sld [smem:$0x3FDB];
	s0 =	simm.s32 @p2 $0x1  }
0x17: {  	s4 =	simm.s32 $0x1BF5;
	[smem:$0x3FB7] =	sst s0  }
0x18: {  	s0 =	sld [smem:$0x3F9A];
	_ =	swait.ge [sflag:s4], $0x0  }
0x19: {  	s7 =	sld [smem:$0x3F9B]  }
0x1a: {  	s8 =	sadd.s32 $0xFFFFE003, lr  }
0x1b: {  	s9 =	sadd.s32 $0xFFFFFEF7, lr;
	s5 =	simm.s32 $0xFFFFFFFF;
	p2 =	slt.u32 s8, $0xFFFFF086  }
0x1c: {  	p1 =	slt.u32 s9, $0xF7A;
	s5 =	simm.s32 @!p2 $0x0  }
0x1d: {  	s5 =	simm.s32 @p1 $0x1;
	p0 =	seq.s32 s7, s2  }
0x1e: {  	s7 =	smul.u32 @!p0 $0xF7A, s2;
	p2 =	seq.s32 @!p0 s5, $0x0  }
0x1f: {  	s9 =	smul.u32 $0xF7A, s1;
	s8 =	simm.s32 @!p0 $0x1BF5;
	p2 =	por !p2, p0  }
0x20: {  	[sflag:s8] =	ssyncset.s32 @!p0 $0xFFFFF086;
	s6 =	sadd.s32 @!p0 s3, s7;
	s7 =	simm.s32 @!p0 $0x108  }
0x21: {  	s3 =	sadd.s32 s3, s9;
	s6 =	sadd.s32 @!p0 $0x88, s6;
	s7 =	simm.s32 @p2 $0x1082  }
0x22: {  	[simem:s7], [sflag:s8] =	dma.local @!p0 [hbm:s6], $0xF7A  }
0x23: {  	s9 =	sor.u32 $0xD0000000, s2;
	s6 =	simm.s32 $0x108;
	_ =	swait.ge @!p0 [sflag:s8], $0x0  }
0x24: {  	s3 =	sadd.s32 $0x88, s3;
	s6 =	simm.s32 @!p1 $0x1082;
	[sflag:s4] =	ssyncset.s32 $0xFFFFF086  }
0x25: {  	[simem:s6], [sflag:s4] =	dma.local [hbm:s3], $0xF7A  }
0x26: {  	[smem:$0x3F9B] =	sst s1;
	(tag) =	ssettag s2;
	_ =	strace s9  }
0x27: {  	s1 =	sld [smem:$0x3FAB]  }
0x28: {  	s2 =	sld [smem:$0x3FAC]  }
0x29: {  	s4 =	sld [smem:$0x3FAE]  }
0x2a: {  	p0 =	seq.s32 s5, $0x0;
	s5 =	sld [smem:$0x3FAF]  }
0x2b: {  	s6 =	sld [smem:$0x3FB0]  }
0x2c: {  	s7 =	sld [smem:$0x3FB1]  }
0x2d: {  	s3 =	simm.s32 $0x108;
	s8 =	sld [smem:$0x3FB2]  }
0x2e: {  	s3 =	simm.s32 @!p0 $0x1082;
	s9 =	sld [smem:$0x3FB3]  }
0x2f: {  	lr =	sadd.s32 s0, s3;
	s0 =	sld [smem:$0x3FAA]  }
0x30: {  	s3 =	sld [smem:$0x3FAD]  }
0x31: {  	[smem:$0x3FB6] =	sst s10  }
0x32: {  	s10 =	sld [smem:$0x3FB4];
	_ =	sdelay $0x3  }
0x33: {  	p0 =	seq.s32 s10, $0x1;
	s10 =	sld [smem:$0x3FB6];
	_ =	sdelay $0x3  }
0x34: {  	[smem:$0x3FB6] =	sst s10  }
0x35: {  	s10 =	sld [smem:$0x3FB5];
	_ =	sdelay $0x3  }
0x36: {  	p1 =	seq.s32 s10, $0x1;
	s10 =	sld [smem:$0x3FB6];
	_ =	sdelay $0x3  }
0x37: {  	[smem:$0x3FB6] =	sst s10  }
0x38: {  	s10 =	sld [smem:$0x3FB7]  }
0x39: {  	_ = 	snop;
	(pc) =	sbr.ind lr, $3  }
0x3a: {  	_ = 	snop  }
0x3b: {  	_ = 	snop  }
0x3c: {  	p2 =	seq.s32 s10, $0x1;
	s10 =	sld [smem:$0x3FB6]  }
0x3d: {  	_ =	shalt  }
0x3e: {  	_ =	shalt  }
0x3f: {  	_ =	shalt  }
0x40: {  	_ =	shalt  }
0x41: {  	_ =	shalt  }
0x42: {  	_ =	shalt  }
0x43: {  	_ =	shalt  }
0x44: {  	_ =	shalt  }
0x45: {  	_ =	shalt  }
0x46: {  	_ =	shalt  }
0x47: {  	_ =	shalt  }
0x48: {  	_ =	shalt  }
0x49: {  	_ =	shalt  }
0x4a: {  	_ =	shalt  }
0x4b: {  	_ =	shalt  }
0x4c: {  	_ =	shalt  }
0x4d: {  	_ =	shalt  }
0x4e: {  	_ =	shalt  }
0x4f: {  	_ =	shalt  }
0x50: {  	_ =	shalt  }
0x51: {  	_ =	shalt  }
0x52: {  	_ =	shalt  }
0x53: {  	_ =	shalt  }
0x54: {  	_ =	shalt  }
0x55: {  	_ =	shalt  }
0x56: {  	_ =	shalt  }
0x57: {  	_ =	shalt  }
0x58: {  	_ =	shalt  }
0x59: {  	_ =	shalt  }
0x5a: {  	_ =	shalt  }
0x5b: {  	_ =	shalt  }
0x5c: {  	_ =	shalt  }
0x5d: {  	_ =	shalt  }
0x5e: {  	_ =	shalt  }
0x5f: {  	_ =	shalt  }
0x60: {  	_ =	shalt  }
0x61: {  	_ =	shalt  }
0x62: {  	_ =	shalt  }
0x63: {  	_ =	shalt  }
0x64: {  	_ =	shalt  }
0x65: {  	_ =	shalt  }
0x66: {  	_ =	shalt  }
0x67: {  	_ =	shalt  }
0x68: {  	_ =	shalt  }
0x69: {  	_ =	shalt  }
0x6a: {  	_ =	shalt  }
0x6b: {  	_ =	shalt  }
0x6c: {  	_ =	shalt  }
0x6d: {  	_ =	shalt  }
0x6e: {  	_ =	shalt  }
0x6f: {  	_ =	shalt  }
0x70: {  	_ =	shalt  }
0x71: {  	_ =	shalt  }
0x72: {  	_ =	shalt  }
0x73: {  	_ =	shalt  }
0x74: {  	_ =	shalt  }
0x75: {  	_ =	shalt  }
0x76: {  	_ =	shalt  }
0x77: {  	_ =	shalt  }
0x78: {  	_ =	shalt  }
0x79: {  	_ =	shalt  }
0x7a: {  	_ =	shalt  }
0x7b: {  	_ =	shalt  }
0x7c: {  	_ =	shalt  }
0x7d: {  	_ =	shalt  }
0x7e: {  	_ =	shalt  }
0x7f: {  	_ =	shalt  }
0x80: {  	_ =	shalt  }
0x81: {  	_ =	shalt  }
0x82: {  	_ =	shalt  }
0x83: {  	_ =	shalt  }
0x84: {  	_ =	shalt  }
0x85: {  	_ =	shalt  }
0x86: {  	_ =	shalt  }
0x87: {  	_ =	shalt  }
.Lfunc_end0:
.L_simem_size_0:
called_computation.1_lowered:
.L_overlay_start_0:
0x88: {  	s2 =	sld [smem:$0x3FD9]  }
0x89: {  	s3 =	sld [smem:$0x3FFE];
	_ =	sdelay $0x1  }
0x8a: {  	s1 =	srdreg.scid  }
0x8b: {  	s0 =	sand.u32 $0x1, s1  }
0x8c: {  	s17 =	sshll.u32 s0, $0xA;
	s2 =	sadd.s32 s3, s2  }
0x8d: {  	s2 =	sadd.s32 s2, s17  }
0x8e: {  	[smem:$0x3FC2] =	sst s2  }
0x8f: {  	_ = 	snop  }
0x90: {  	s2 =	sld [smem:$0x3FC8]  }
0x91: {  	s18 =	sld [smem:$0x3FD0];
	(tm) =	ssettm $0x1  }
0x92: {  	s4 =	sld [smem:$0x3FFB];
	_ =	sdelay $0x3  }
0x93: {  	_ =	strace s4  }
0x94: {  	s4 =	sld [smem:$0x3FFC];
	_ =	sdelay $0x3  }
0x95: {  	_ =	strace s4  }
0x96: {  	s4 =	sld [smem:$0x3FFD];
	_ =	sdelay $0x3  }
0x97: {  	_ =	strace s4  }
0x98: {  	_ =	strace $0x8FFFFFFF  }
0x99: {  	s19 =	sld [smem:$0x3FDB];
	_ =	sdelay $0x1  }
0x9a: {  	s5 =	simm.s32 $_scs_section_size  }
0x9b: {  	s6 =	simm.s32 $_size__tile_overlayer_lowered;
	s7 =	simm.s32 $_tile_overlayer_lowered  }
0x9c: {  	s22 =	simm.s32 $0x1BFF;
	s21 =	sshll.u32 s7, $0x1;
	s4 =	sadd.s32 s5, s19  }
0x9d: {  	s8 =	simm.s32 $0x0;
	s20 =	sshll.u32 s6, $0x1;
	s6 =	sadd.s32 s21, s4  }
0x9e: {  	[timem:s8], [sflag:s22] =	dma.local [hbm:s6], s20  }
0x9f: {  	_ =	swait.ge [sflag:s22], s20  }
0xa0: {  	s5 =	ssub.s32 $0x0, s20;
	[sflag:s22] =	ssyncset.done $0x0  }
0xa1: {  	[sflag:s22] =	ssyncadd.s32 s5;
	_ =	sdelay $0x1  }
0xa2: {  	s23 =	simm.s32 $0x1B8B  }
0xa3: {  	_ =	swait.ge [sflag:s23], $0x1  }
0xa4: {  	[sflag:s23] =	ssyncset.done $0x0  }
0xa5: {  	s25 =	simm.s32 $0x1B8E;
	s24 =	sld [smem:$0x3FFE];
	[sflag:s23] =	ssyncadd.s32 $0xFFFFFFFF  }
0xa6: {  	s26 =	simm.s32 $execute0_lowered;
	[smem:$0x3FD2] =	sst s25  }
0xa7: {  	s6 =	sshll.u32 s26, $0x1;
	_ =	strace $0x80000049;
	[dreg:$0x1] =	wrdreg $0xFFFFFFFF  }
0xa8: {  	s28 =	simm.s32 $_size_execute0_lowered;
	s4 =	sadd.s32 s4, s6;
	[dreg:$0x0] =	wrdreg $0x0  }
0xa9: {  	s6 =	sshll.u32 s28, $0x1;
	[dreg:$0x2] =	wrdreg s4  }
0xaa: {  	[dreg:$0x3] =	wrdreg s6  }
0xab: {  	[dreg:$0x4] =	wrdreg $0xC0  }
0xac: {  	_ =	task [dreg:s8], $0x5FFFF  }
0xad: {  	[dreg:$0x1] =	wrdreg $0xFFFFFFFF  }
0xae: {  	[dreg:$0x0] =	wrdreg $0x60  }
0xaf: {  	[dreg:$0x2] =	wrdreg s2  }
0xb0: {  	[dreg:$0x3] =	wrdreg s18  }
0xb1: {  	[dreg:$0x4] =	wrdreg s24  }
0xb2: {  	[dreg:$0x5] =	wrdreg $0x83000  }
0xb3: {  	[dreg:$0x6] =	wrdreg $0x9  }
0xb4: {  	_ =	task.clear_ibuf [dreg:s8], $0x7FFFF;
	_ =	strace $0x90000049  }
0xb5: {  	s29 =	simm.s32 $0x9;
	_ =	strace $0x8000004B  }
0xb6: {  	_ =	swait.ge [sflag:s29], $0x1  }
0xb7: {  	[sflag:s29] =	ssyncadd.s32 $0xFFFFFFFF  }
0xb8: {  	_ =	strace $0x9000004B  }
0xb9: {  	_ =	sfence  }
0xba: {  	s30 =	sld [smem:$0x0];
	_ =	sdelay $0x2  }
0xbb: {  	s31 =	sshll.u32 s1, $0xD;
	s1 =	sshrl.u32 s1, $0x2  }
0xbc: {  	s3 =	sand.u32 $0x4000, s31;
	s1 =	sadd.s32 s1, s30  }
0xbd: {  	s0 =	sor.u32 s3, s0;
	s1 =	sshll.u32 s1, $0x11  }
0xbe: {  	s0 =	sor.u32 s1, s0  }
0xbf: {  	s0 =	sadd.s32 $0x8F2B, s0  }
0xc0: {  	[sflag:s0] =	ssyncadd.remote.s32 $0x1  }
0xc1: {  	_ =	sfence.sel $0xFFFF  }
0xc2: {  	[dreg:$0x0] =	wrdreg $0xFFFFFFFF;
	(pc) =	sbr.abs _section_cstart, $3  }
0xc3: {  	[dreg:$0x1] =	wrdreg $0xFFFFFFFF  }
0xc4: {  	_ =	task.clear_ibuf [dreg:s8], $0x2FFFF;
	_ =	strace $0x9FFFFFFF  }
0xc5: {  	(tm) =	ssettm $0x7FFFFFFF  }
tec
execute0_lowered:
.L_overlay_start_1:
0x0: {  	(tag) =	ssettag $0x1  }
0x1: {  	s14 =	rddreg [dreg:$0x0]  }
0x2: {  	s1 =	rddreg [dreg:$0x1]  }
0x3: {  	s2 =	rddreg [dreg:$0x2]  }
0x4: {  	s0 =	srdreg.scid;
	s4 =	rddreg [dreg:$0x3]  }
0x5: {  	s15 =	stileid.u32;
	s5 =	simm.s32 $0x0;
	s6 =	simm.s32 $0x14  }
0x6: {  	s0 =	sand.u32 $0x1, s0;
	[smem:$0x7FF] =	sst s5;
	s8 =	smul.u32 $0x4E000, s15  }
0x7: {  	s9 =	sadd.s32 $0x1C00, s2;
	s2 =	sadd.s32 $0x2400, s2;
	s13 =	smul.u32 $0x13800, s15  }
0x8: {  	s25 =	smul.u32 $0x50, s15;
	s3 =	sshll.u32 s0, $0x4;
	_ =	strace $0x8000004A  }
0x9: {  	[dreg:$0xa] =	wrdreg s9;
	s29 =	ssub.s32 $0x2, s0;
	s12 =	smul.u32 $0x138800, s0  }
0xa: {  	s0 =	smul.u32 $0x500, s0;
	s3 =	sor.u32 s15, s3;
	s11 =	sshrl.u32 s29, $0x1  }
0xb: {  	s8 =	sshrl.u32 s8, $0x2;
	s17 =	sadd.s32 $0x4000, s13;
	s21 =	sadd.s32 $0x8000, s13  }
0xc: {  	s23 =	sadd.s32 $0xC000, s13;
	p0 =	seq.s32 s3, $0x1F;
	s3 =	smul.u32 $0xA00, s3  }
0xd: {  	s11 =	ssub.s32 s29, s11;
	s19 =	sadd.s32 s12, s17;
	s22 =	sadd.s32 s12, s21  }
0xe: {  	s24 =	sadd.s32 s12, s23;
	s0 =	sadd.s32 s25, s0;
	s29 =	sshrl.u32 s12, $0x3  }
0xf: {  	s6 =	simm.s32 @!p0 $0x50;
	s20 =	sshrl.u32 s19, $0x3;
	s19 =	sshll.u32 s0, $0x5  }
0x10: {  	s16 =	sadd.s32 s14, s3;
	s14 =	sadd.s32 s13, s12;
	s13 =	sadd.s32 $0x10000, s13  }
0x11: {  	s18 =	sshrl.u32 s14, $0x3;
	s14 =	sadd.s32 s17, s4;
	[dreg:$0xb] =	wrdreg s16  }
0x12: {  	s26 =	sadd.s32 s12, s13;
	s12 =	sor.u32 $0xC0, s19;
	[dreg:$0xd] =	wrdreg s14  }
0x13: {  	s7 =	sadd.s32 $0xFFFFFFFE, s6;
	s17 =	sor.u32 $0x80, s19;
	[dreg:$0x8] =	wrdreg s12  }
0x14: {  	s10 =	smul.u32 $0x2B, s7;
	s25 =	sadd.s32 s13, s4;
	[dreg:$0x9] =	wrdreg s17  }
0x15: {  	s9 =	sadd.s32 s8, s4;
	s8 =	sadd.s32 s2, s18;
	[dreg:$0x1d] =	wrdreg s25  }
0x16: {  	s30 =	sshrl.u32 s10, $0x8;
	s10 =	sadd.s32 $0xFFFFFFFF, s6;
	[dreg:$0xc] =	wrdreg s8  }
0x17: {  	s8 =	sadd.s32 s2, s20;
	[dreg:$0x5] =	wrdreg s10  }
0x18: {  	[dreg:$0xe] =	wrdreg s8;
	s10 =	sadd.s32 s21, s4  }
0x19: {  	s8 =	sshrl.u32 s22, $0x3;
	s21 =	sadd.s32 $0x4000, s9;
	[dreg:$0xf] =	wrdreg s10  }
0x1a: {  	s3 =	smul.u32 $0x6, s30;
	s22 =	sadd.s32 $0x8000, s9;
	[dreg:$0x19] =	wrdreg s21  }
0x1b: {  	s30 =	sadd.s32 s2, s29;
	s29 =	sadd.s32 $0x20, s16;
	[dreg:$0x1a] =	wrdreg s22  }
0x1c: {  	s28 =	simm.s32 $0x0;
	s8 =	sadd.s32 s2, s8;
	[dreg:$0x1f] =	wrdreg s29  }
0x1d: {  	s31 =	sadd.s32 $0x124800, s4;
	s10 =	sadd.s32 s23, s4;
	[dreg:$0x10] =	wrdreg s8  }
0x1e: {  	p0 =	seq.s32 s15, $0xF;
	s12 =	simm.s32 $0x100;
	[dreg:$0x11] =	wrdreg s10  }
0x1f: {  	s17 =	simm.s32 $0x80;
	s14 =	sadd.s32 $0x25100, s30;
	[dreg:$0x6] =	wrdreg s3  }
0x20: {  	s25 =	simm.s32 $0x280;
	s18 =	sadd.s32 $0x25900, s30;
	[dreg:$0x15] =	wrdreg s14  }
0x21: {  	s20 =	sadd.s32 $0x26100, s30;
	s0 =	sadd.s32 $0x26900, s30;
	[dreg:$0x16] =	wrdreg s18  }
0x22: {  	s23 =	sadd.s32 $0xC000, s9;
	s21 =	simm.s32 $0x5;
	[dreg:$0x17] =	wrdreg s20  }
0x23: {  	s22 =	simm.s32 $0x180;
	s8 =	sshrl.u32 s24, $0x3;
	[dreg:$0x18] =	wrdreg s0  }
0x24: {  	s10 =	sadd.s32 $0x24900, s30;
	[dreg:$0x1b] =	wrdreg s23;
	s24 =	sadd.s32 $0x10000, s9  }
0x25: {  	s0 =	sadd.s32 $0x12C800, s4;
	s30 =	sadd.s32 $0x40, s16;
	s14 =	simm.s32 $0x300  }
0x26: {  	s18 =	simm.s32 $0x4;
	s20 =	simm.s32 $0x6;
	[dreg:$0x14] =	wrdreg s10  }
0x27: {  	s23 =	simm.s32 $0x4300;
	s8 =	sadd.s32 s2, s8;
	[dreg:$0x1c] =	wrdreg s24  }
0x28: {  	[smem:$0x7FD] =	sst s30;
	s10 =	simm.s32 $0x1;
	s24 =	simm.s32 $0x7  }
0x29: {  	[dreg:$0x12] =	wrdreg s8;
	s8 =	sshrl.u32 s26, $0x3;
	s26 =	smax.u32 s11, $0x1  }
0x2a: {  	s11 =	sadd.s32 $0x134800, s4;
	s8 =	sadd.s32 s2, s8;
	[dreg:$0x1e] =	wrdreg s26  }
0x2b: {  	s2 =	sadd.s32 $0x128800, s4;
	[dreg:$0x13] =	wrdreg s8;
	s8 =	sor.u32 $0x100, s19  }
0x2c: {  	s26 =	simm.s32 $0x2;
	[dreg:$0x7] =	wrdreg s8;
	s8 =	sadd.s32 $0x130800, s4  }
.LBB2_1:
0x2d: {  	s3 =	rddreg [dreg:$0xa];
	s15 =	simm.s32 $0x8  }
0x2e: {  	[tilespmem:s14], [sflag:$0x8] =	stream.linear.gather [hbm4b:s3+s5], $0x4000, $0x38;
	[tilespmem:$0x1BB80] =	vst v63  }
0x2f: {  	_ =	swait.ge [sflag:s15], $0x4000  }
0x30: {  	[sflag:s15] =	ssyncset.done $0x0  }
0x31: {  	s29 =	simm.s32 @p0 $0x300;
	[sflag:s15] =	ssyncadd.s32 $0xFFFFC000  }
0x32: {  	[spmem:s31] =	stream.linear.scatter @p0 [tilespmem:s29], [sflag:$0x6], $0x4000, $0x38;
	[tilespmem:$0x1BB80] =	vst v63  }
0x33: {  	_ = 	snop  }
0x34: {  	[spmem:s2] =	stream.linear.scatter @p0 [tilespmem:s29], [sflag:$0x6], $0x4000, $0x38;
	[tilespmem:$0x1BB80] =	vst v63  }
0x35: {  	_ = 	snop  }
0x36: {  	[spmem:s0] =	stream.linear.scatter @p0 [tilespmem:s29], [sflag:$0x6], $0x4000, $0x38;
	[tilespmem:$0x1BB80] =	vst v63  }
0x37: {  	_ = 	snop  }
0x38: {  	[spmem:s8] =	stream.linear.scatter @p0 [tilespmem:s29], [sflag:$0x6], $0x4000, $0x38;
	[tilespmem:$0x1BB80] =	vst v63  }
0x39: {  	_ = 	snop  }
0x3a: {  	[spmem:s11] =	stream.linear.scatter @p0 [tilespmem:s29], [sflag:$0x6], $0x4000, $0x38;
	[tilespmem:$0x1BB80] =	vst v63  }
0x3b: {  	s29 =	simm.s32 @p0 $0x6  }
0x3c: {  	_ =	swait.ge @p0 [sflag:s29], $0x4000  }
0x3d: {  	[sflag:s29] =	ssyncset.done @p0 $0x0  }
0x3e: {  	[sflag:s29] =	ssyncadd.s32 @p0 $0xFFFFC000  }
0x3f: {  	_ =	swait.ge @p0 [sflag:s29], $0x4000  }
0x40: {  	[sflag:s29] =	ssyncset.done @p0 $0x0  }
0x41: {  	[sflag:s29] =	ssyncadd.s32 @p0 $0xFFFFC000  }
0x42: {  	_ =	swait.ge @p0 [sflag:s29], $0x4000  }
0x43: {  	[sflag:s29] =	ssyncset.done @p0 $0x0  }
0x44: {  	[sflag:s29] =	ssyncadd.s32 @p0 $0xFFFFC000  }
0x45: {  	_ =	swait.ge @p0 [sflag:s29], $0x4000  }
0x46: {  	[sflag:s29] =	ssyncset.done @p0 $0x0  }
0x47: {  	[sflag:s29] =	ssyncadd.s32 @p0 $0xFFFFC000  }
0x48: {  	_ =	swait.ge @p0 [sflag:s29], $0x4000  }
0x49: {  	[sflag:s29] =	ssyncset.done @p0 $0x0  }
0x4a: {  	[sflag:s29] =	ssyncadd.s32 @p0 $0xFFFFC000;
	s29 =	simm.s32 @!p0 $0x300  }
0x4b: {  	[spmem:s9] =	stream.linear.scatter @!p0 [tilespmem:s29], [sflag:$0x6], $0x4000, $0x38;
	[tilespmem:$0x1BB80] =	vst v63  }
0x4c: {  	s3 =	rddreg [dreg:$0x19]  }
0x4d: {  	[spmem:s3] =	stream.linear.scatter @!p0 [tilespmem:s29], [sflag:$0x6], $0x4000, $0x38;
	[tilespmem:$0x1BB80] =	vst v63  }
0x4e: {  	s3 =	rddreg [dreg:$0x1a]  }
0x4f: {  	[spmem:s3] =	stream.linear.scatter @!p0 [tilespmem:s29], [sflag:$0x6], $0x4000, $0x38;
	[tilespmem:$0x1BB80] =	vst v63  }
0x50: {  	s3 =	rddreg [dreg:$0x1b]  }
0x51: {  	[spmem:s3] =	stream.linear.scatter @!p0 [tilespmem:s29], [sflag:$0x6], $0x4000, $0x38;
	[tilespmem:$0x1BB80] =	vst v63  }
0x52: {  	s3 =	rddreg [dreg:$0x1c]  }
0x53: {  	[spmem:s3] =	stream.linear.scatter @!p0 [tilespmem:s29], [sflag:$0x6], $0x3800, $0x38;
	[tilespmem:$0x1BB80] =	vst v63  }
0x54: {  	s29 =	simm.s32 @!p0 $0x6  }
0x55: {  	_ =	swait.ge @!p0 [sflag:s29], $0x4000  }
0x56: {  	[sflag:s29] =	ssyncset.done @!p0 $0x0  }
0x57: {  	[sflag:s29] =	ssyncadd.s32 @!p0 $0xFFFFC000  }
0x58: {  	_ =	swait.ge @!p0 [sflag:s29], $0x4000  }
0x59: {  	[sflag:s29] =	ssyncset.done @!p0 $0x0  }
0x5a: {  	[sflag:s29] =	ssyncadd.s32 @!p0 $0xFFFFC000  }
0x5b: {  	_ =	swait.ge @!p0 [sflag:s29], $0x4000  }
0x5c: {  	[sflag:s29] =	ssyncset.done @!p0 $0x0  }
0x5d: {  	[sflag:s29] =	ssyncadd.s32 @!p0 $0xFFFFC000  }
0x5e: {  	_ =	swait.ge @!p0 [sflag:s29], $0x4000  }
0x5f: {  	[sflag:s29] =	ssyncset.done @!p0 $0x0  }
0x60: {  	[sflag:s29] =	ssyncadd.s32 @!p0 $0xFFFFC000  }
0x61: {  	_ =	swait.ge @!p0 [sflag:s29], $0x3800  }
0x62: {  	[sflag:s29] =	ssyncset.done @!p0 $0x0  }
0x63: {  	[sflag:s29] =	ssyncadd.s32 @!p0 $0xFFFFC800  }
0x64: {  	[bflag:$0x0] =	sbarrier.arrive $0xFFFF  }
0x65: {  	s16 =	rddreg [dreg:$0xb]  }
0x66: {  	s13 =	rddreg [dreg:$0x1f]  }
0x67: {  	[tilespmem:s5], [sflag:$0x1] =	stream.linear.gather [hbm4b:s16+s5], $0x100, $0x38;
	[tilespmem:$0x1BB80] =	vst v63  }
0x68: {  	s15 =	sld [smem:$0x7FD]  }
0x69: {  	[tilespmem:s12], [sflag:$0x2] =	stream.linear.gather [hbm4b:s13+s5], $0x100, $0x38;
	[tilespmem:$0x1BB80] =	vst v63  }
0x6a: {  	s16 =	simm.s32 $0x200  }
0x6b: {  	[tilespmem:s16], [sflag:$0x3] =	stream.linear.gather [hbm4b:s15+s5], $0x100, $0x38;
	[tilespmem:$0x1BB80] =	vst v63  }
0x6c: {  	_ =	swait.ge [sflag:s10], $0x100  }
0x6d: {  	[sflag:s10] =	ssyncset.done $0x0  }
0x6e: {  	[sflag:s10] =	ssyncadd.s32 $0xFFFFFF00  }
0x6f: {  	[tilespmem:s14], [sflag:$0x4] =	stream.indirect.gather [hbm4b:s1+s17], $0x80, s5, s17, $0xb8;
	[tilespmem:$0x1BB80] =	vst v63  }
0x70: {  	s30 =	simm.s32 $0x0;
	s29 =	rddreg [dreg:$0x0]  }
.LBB2_2:
0x71: {  	_ =	swait.ge [sflag:s18], $0x4000  }
0x72: {  	s3 =	rddreg [dreg:$0x5]  }
0x73: {  	[sflag:s18] =	ssyncset.done $0x0;
	p1 =	sge.u32 s30, s3  }
0x74: {  	[sflag:s18] =	ssyncadd.s32 $0xFFFFC000;
	s3 =	simm.s32 @!p1 $0x2  }
0x75: {  	_ =	swait.ge @!p1 [sflag:s3], $0x100  }
0x76: {  	s16 =	simm.s32 @!p1 $0x100;
	[sflag:s3] =	ssyncset.done @!p1 $0x0  }
0x77: {  	s12 =	simm.s32 @!p1 $0x4300;
	[sflag:s3] =	ssyncadd.s32 @!p1 $0xFFFFFF00;
	s3 =	simm.s32 @!p1 $0x80  }
0x78: {  	[tilespmem:s12], [sflag:$0x5] =	stream.indirect.gather @!p1 [hbm4b:s1+s3], $0x80, s16, s3, $0xb8;
	[tilespmem:$0x1BB80] =	vst v63  }
0x79: {  	s15 =	sadd.s32 $0x3, s30  }
0x7a: {  	[spmem:s4] =	stream.indirect.scatter.add.f32 [tilespmem:s14], [sflag:$0x6], $0x80, s17, s17, $0xb8;
	[tilespmem:$0x1BB80] =	vst v63  }
0x7b: {  	p1 =	sge.u32 s15, s6;
	_ =	swait.ge [sflag:s20], $0x4000  }
0x7c: {  	s3 =	sadd.s32 @!p1 s29, s19;
	[sflag:s20] =	ssyncset.done $0x0  }
0x7d: {  	s12 =	simm.s32 @!p1 $0x0;
	s3 =	sadd.s32 @!p1 $0x60, s3;
	[sflag:s20] =	ssyncadd.s32 $0xFFFFC000  }
0x7e: {  	[tilespmem:s12], [sflag:$0x1] =	stream.linear.gather @!p1 [hbm4b:s3+s12], $0x100, $0x38;
	[tilespmem:$0x1BB80] =	vst v63  }
0x7f: {  	_ =	swait.ge [sflag:s21], $0x4000  }
0x80: {  	p2 =	sge.u32 s30, s7;
	[sflag:s21] =	ssyncset.done $0x0  }
0x81: {  	s3 =	simm.s32 @!p2 $0x3;
	[sflag:s21] =	ssyncadd.s32 $0xFFFFC000  }
0x82: {  	_ =	swait.ge @!p2 [sflag:s3], $0x100  }
0x83: {  	s13 =	simm.s32 @!p2 $0x300;
	[sflag:s3] =	ssyncset.done @!p2 $0x0  }
0x84: {  	s16 =	simm.s32 @!p2 $0x200;
	[sflag:s3] =	ssyncadd.s32 @!p2 $0xFFFFFF00;
	s3 =	simm.s32 @!p2 $0x80  }
0x85: {  	[tilespmem:s13], [sflag:$0x4] =	stream.indirect.gather @!p2 [hbm4b:s1+s3], $0x80, s16, s3, $0xb8;
	[tilespmem:$0x1BB80] =	vst v63  }
0x86: {  	s16 =	sadd.s32 $0x4, s30  }
0x87: {  	[spmem:s4] =	stream.indirect.scatter.add.f32 [tilespmem:s23], [sflag:$0x7], $0x80, s22, s17, $0xb8;
	[tilespmem:$0x1BB80] =	vst v63  }
0x88: {  	p2 =	sge.u32 s16, s6;
	_ =	swait.ge [sflag:s24], $0x4000  }
0x89: {  	s13 =	simm.s32 @!p2 $0x0;
	s3 =	rddreg [dreg:$0x9];
	[sflag:s24] =	ssyncset.done $0x0  }
0x8a: {  	s16 =	simm.s32 @!p2 $0x100;
	[sflag:s24] =	ssyncadd.s32 $0xFFFFC000;
	s3 =	sadd.s32 @!p2 s29, s3  }
0x8b: {  	[tilespmem:s16], [sflag:$0x2] =	stream.linear.gather @!p2 [hbm4b:s3+s13], $0x100, $0x38;
	[tilespmem:$0x1BB80] =	vst v63  }
0x8c: {  	_ =	swait.ge [sflag:s18], $0x4000  }
0x8d: {  	[sflag:s18] =	ssyncset.done $0x0  }
0x8e: {  	s3 =	simm.s32 @!p1 $0x1;
	[sflag:s18] =	ssyncadd.s32 $0xFFFFC000  }
0x8f: {  	_ =	swait.ge @!p1 [sflag:s3], $0x100  }
0x90: {  	[sflag:s3] =	ssyncset.done @!p1 $0x0  }
0x91: {  	s13 =	simm.s32 @!p1 $0x4300;
	[sflag:s3] =	ssyncadd.s32 @!p1 $0xFFFFFF00;
	s3 =	simm.s32 @!p1 $0x80  }
0x92: {  	[tilespmem:s13], [sflag:$0x5] =	stream.indirect.gather @!p1 [hbm4b:s1+s3], $0x80, s12, s3, $0xb8;
	[tilespmem:$0x1BB80] =	vst v63  }
0x93: {  	s13 =	sadd.s32 $0x5, s30  }
0x94: {  	[spmem:s4] =	stream.indirect.scatter.add.f32 [tilespmem:s14], [sflag:$0x6], $0x80, s25, s17, $0xb8;
	[tilespmem:$0x1BB80] =	vst v63  }
0x95: {  	p1 =	sge.u32 s13, s6;
	_ =	swait.ge [sflag:s20], $0x4000  }
0x96: {  	s3 =	sadd.s32 @!p1 s29, s19;
	s12 =	simm.s32 @!p1 $0x0;
	[sflag:s20] =	ssyncset.done $0x0  }
0x97: {  	s13 =	simm.s32 @!p1 $0x200;
	s3 =	sadd.s32 @!p1 $0xA0, s3;
	[sflag:s20] =	ssyncadd.s32 $0xFFFFC000  }
0x98: {  	[tilespmem:s13], [sflag:$0x3] =	stream.linear.gather @!p1 [hbm4b:s3+s12], $0x100, $0x38;
	[tilespmem:$0x1BB80] =	vst v63  }
0x99: {  	_ =	swait.ge [sflag:s21], $0x4000  }
0x9a: {  	[sflag:s21] =	ssyncset.done $0x0  }
0x9b: {  	s3 =	simm.s32 @!p2 $0x2;
	[sflag:s21] =	ssyncadd.s32 $0xFFFFC000  }
0x9c: {  	_ =	swait.ge @!p2 [sflag:s3], $0x100  }
0x9d: {  	[sflag:s3] =	ssyncset.done @!p2 $0x0  }
0x9e: {  	s12 =	simm.s32 @!p2 $0x300;
	[sflag:s3] =	ssyncadd.s32 @!p2 $0xFFFFFF00;
	s3 =	simm.s32 @!p2 $0x80  }
0x9f: {  	[tilespmem:s12], [sflag:$0x4] =	stream.indirect.gather @!p2 [hbm4b:s1+s3], $0x80, s16, s3, $0xb8;
	[tilespmem:$0x1BB80] =	vst v63  }
0xa0: {  	_ = 	snop  }
0xa1: {  	[spmem:s4] =	stream.indirect.scatter.add.f32 [tilespmem:s23], [sflag:$0x7], $0x80, s17, s17, $0xb8;
	[tilespmem:$0x1BB80] =	vst v63  }
0xa2: {  	s12 =	sadd.s32 $0x6, s30;
	_ =	swait.ge [sflag:s24], $0x4000  }
0xa3: {  	p2 =	sge.u32 s12, s6;
	s3 =	rddreg [dreg:$0x8];
	[sflag:s24] =	ssyncset.done $0x0  }
0xa4: {  	s16 =	simm.s32 @!p2 $0x0;
	[sflag:s24] =	ssyncadd.s32 $0xFFFFC000;
	s3 =	sadd.s32 @!p2 s29, s3  }
0xa5: {  	[tilespmem:s16], [sflag:$0x1] =	stream.linear.gather @!p2 [hbm4b:s3+s16], $0x100, $0x38;
	[tilespmem:$0x1BB80] =	vst v63  }
0xa6: {  	_ =	swait.ge [sflag:s18], $0x4000  }
0xa7: {  	[sflag:s18] =	ssyncset.done $0x0  }
0xa8: {  	s3 =	simm.s32 @!p1 $0x3;
	[sflag:s18] =	ssyncadd.s32 $0xFFFFC000  }
0xa9: {  	_ =	swait.ge @!p1 [sflag:s3], $0x100  }
0xaa: {  	[sflag:s3] =	ssyncset.done @!p1 $0x0  }
0xab: {  	s15 =	simm.s32 @!p1 $0x4300;
	[sflag:s3] =	ssyncadd.s32 @!p1 $0xFFFFFF00;
	s3 =	simm.s32 @!p1 $0x80  }
0xac: {  	[tilespmem:s15], [sflag:$0x5] =	stream.indirect.gather @!p1 [hbm4b:s1+s3], $0x80, s13, s3, $0xb8;
	[tilespmem:$0x1BB80] =	vst v63  }
0xad: {  	s15 =	sadd.s32 $0x7, s30  }
0xae: {  	[spmem:s4] =	stream.indirect.scatter.add.f32 [tilespmem:s14], [sflag:$0x6], $0x80, s22, s17, $0xb8;
	[tilespmem:$0x1BB80] =	vst v63  }
0xaf: {  	p1 =	sge.u32 s15, s6;
	_ =	swait.ge [sflag:s20], $0x4000  }
0xb0: {  	s3 =	sadd.s32 @!p1 s29, s19;
	s13 =	simm.s32 @!p1 $0x0;
	[sflag:s20] =	ssyncset.done $0x0  }
0xb1: {  	s15 =	simm.s32 @!p1 $0x100;
	s3 =	sadd.s32 @!p1 $0xE0, s3;
	[sflag:s20] =	ssyncadd.s32 $0xFFFFC000  }
0xb2: {  	[tilespmem:s15], [sflag:$0x2] =	stream.linear.gather @!p1 [hbm4b:s3+s13], $0x100, $0x38;
	[tilespmem:$0x1BB80] =	vst v63  }
0xb3: {  	_ =	swait.ge [sflag:s21], $0x4000  }
0xb4: {  	[sflag:s21] =	ssyncset.done $0x0  }
0xb5: {  	s3 =	simm.s32 @!p2 $0x1;
	[sflag:s21] =	ssyncadd.s32 $0xFFFFC000  }
0xb6: {  	_ =	swait.ge @!p2 [sflag:s3], $0x100  }
0xb7: {  	[sflag:s3] =	ssyncset.done @!p2 $0x0  }
0xb8: {  	s13 =	simm.s32 @!p2 $0x300;
	[sflag:s3] =	ssyncadd.s32 @!p2 $0xFFFFFF00;
	s3 =	simm.s32 @!p2 $0x80  }
0xb9: {  	[tilespmem:s13], [sflag:$0x4] =	stream.indirect.gather @!p2 [hbm4b:s1+s3], $0x80, s16, s3, $0xb8;
	[tilespmem:$0x1BB80] =	vst v63  }
0xba: {  	s16 =	sadd.s32 $0x8, s30  }
0xbb: {  	p1 =	sge.u32 s16, s6  }
0xbc: {  	[spmem:s4] =	stream.indirect.scatter.add.f32 [tilespmem:s23], [sflag:$0x7], $0x80, s25, s17, $0xb8;
	[tilespmem:$0x1BB80] =	vst v63  }
0xbd: {  	s15 =	simm.s32 @!p1 $0x0;
	_ =	swait.ge [sflag:s24], $0x4000  }
0xbe: {  	s16 =	simm.s32 @!p1 $0x200;
	s3 =	rddreg [dreg:$0x7];
	[sflag:s24] =	ssyncset.done $0x0  }
0xbf: {  	s13 =	rddreg [dreg:$0x6];
	[sflag:s24] =	ssyncadd.s32 $0xFFFFC000;
	s3 =	sadd.s32 @!p1 s29, s3  }
0xc0: {  	[tilespmem:s16], [sflag:$0x3] =	stream.linear.gather @!p1 [hbm4b:s3+s15], $0x100, $0x38;
	[tilespmem:$0x1BB80] =	vst v63  }
0xc1: {  	p1 =	sne.s32 s13, s12  }
.Ltmp0:
0xc2: {  	_ = 	snop;
	(pc) =	sbr.rel @p1 .LBB2_2-.Ltmp0, $2  }
0xc3: {  	_ =	sdelay $0x2  }
0xc4: {  	s30 =	smov.u32 s12;
	s29 =	sadd.s32 $0xC0, s29  }
0xc5: {  	_ =	swait.ge [sflag:s18], $0x4000  }
0xc6: {  	[sflag:s18] =	ssyncset.done $0x0  }
0xc7: {  	[sflag:s18] =	ssyncadd.s32 $0xFFFFC000  }
0xc8: {  	_ =	swait.ge [sflag:s26], $0x100  }
0xc9: {  	[sflag:s26] =	ssyncset.done $0x0  }
0xca: {  	s3 =	simm.s32 $0x100;
	[sflag:s26] =	ssyncadd.s32 $0xFFFFFF00  }
0xcb: {  	[tilespmem:s23], [sflag:$0x5] =	stream.indirect.gather [hbm4b:s1+s17], $0x80, s3, s17, $0xb8;
	[tilespmem:$0x1BB80] =	vst v63  }
0xcc: {  	_ = 	snop  }
0xcd: {  	[spmem:s4] =	stream.indirect.scatter.add.f32 [tilespmem:s14], [sflag:$0x6], $0x80, s17, s17, $0xb8;
	[tilespmem:$0x1BB80] =	vst v63  }
0xce: {  	_ =	swait.ge [sflag:s20], $0x4000  }
0xcf: {  	[sflag:s20] =	ssyncset.done $0x0  }
0xd0: {  	[sflag:s20] =	ssyncadd.s32 $0xFFFFC000  }
0xd1: {  	_ =	swait.ge [sflag:s21], $0x4000  }
0xd2: {  	[sflag:s21] =	ssyncset.done $0x0  }
0xd3: {  	[sflag:s21] =	ssyncadd.s32 $0xFFFFC000  }
0xd4: {  	[spmem:s4] =	stream.indirect.scatter.add.f32 [tilespmem:s23], [sflag:$0x7], $0x80, s22, s17, $0xb8;
	[tilespmem:$0x1BB80] =	vst v63  }
0xd5: {  	_ =	swait.ge [sflag:s24], $0x4000  }
0xd6: {  	[sflag:s24] =	ssyncset.done $0x0  }
0xd7: {  	[sflag:s24] =	ssyncadd.s32 $0xFFFFC000  }
0xd8: {  	s12 =	simm.s32 @p0 $0x8;
	s3 =	simm.s32 @p0 $0x300;
	[bflag:$0x0] =	sbarrier.arrive $0xFFFF  }
0xd9: {  	[tilespmem:s3], [sflag:$0x8] =	stream.linear.gather @p0 [spmem:s31], $0x4000, $0x38;
	[tilespmem:$0x1BB80] =	vst v63  }
0xda: {  	_ =	swait.ge @p0 [sflag:s12], $0x4000  }
0xdb: {  	[sflag:s12] =	ssyncset.done @p0 $0x0  }
0xdc: {  	s13 =	simm.s32 @p0 $0x0;
	s15 =	rddreg [dreg:$0x14];
	[sflag:s12] =	ssyncadd.s32 @p0 $0xFFFFC000  }
0xdd: {  	[hbm4b:s15+s13] =	stream.linear.scatter @p0 [tilespmem:s3], [sflag:$0x4], $0x4000, $0x38;
	[tilespmem:$0x1BB80] =	vst v63  }
0xde: {  	s15 =	simm.s32 @p0 $0x4300  }
0xdf: {  	[tilespmem:s15], [sflag:$0x8] =	stream.linear.gather @p0 [spmem:s2], $0x4000, $0x38;
	[tilespmem:$0x1BB80] =	vst v63  }
0xe0: {  	_ =	swait.ge @p0 [sflag:s12], $0x4000  }
0xe1: {  	[sflag:s12] =	ssyncset.done @p0 $0x0  }
0xe2: {  	s16 =	rddreg [dreg:$0x15];
	[sflag:s12] =	ssyncadd.s32 @p0 $0xFFFFC000  }
0xe3: {  	[hbm4b:s16+s13] =	stream.linear.scatter @p0 [tilespmem:s15], [sflag:$0x5], $0x4000, $0x38;
	[tilespmem:$0x1BB80] =	vst v63  }
0xe4: {  	s16 =	simm.s32 @p0 $0x4  }
0xe5: {  	_ =	swait.ge @p0 [sflag:s16], $0x4000  }
0xe6: {  	[sflag:s16] =	ssyncset.done @p0 $0x0  }
0xe7: {  	[sflag:s16] =	ssyncadd.s32 @p0 $0xFFFFC000  }
0xe8: {  	[tilespmem:s3], [sflag:$0x8] =	stream.linear.gather @p0 [spmem:s0], $0x4000, $0x38;
	[tilespmem:$0x1BB80] =	vst v63  }
0xe9: {  	_ =	swait.ge @p0 [sflag:s12], $0x4000  }
0xea: {  	[sflag:s12] =	ssyncset.done @p0 $0x0  }
0xeb: {  	s29 =	rddreg [dreg:$0x16];
	[sflag:s12] =	ssyncadd.s32 @p0 $0xFFFFC000  }
0xec: {  	[hbm4b:s29+s13] =	stream.linear.scatter @p0 [tilespmem:s3], [sflag:$0x4], $0x4000, $0x38;
	[tilespmem:$0x1BB80] =	vst v63  }
0xed: {  	s29 =	simm.s32 @p0 $0x5  }
0xee: {  	_ =	swait.ge @p0 [sflag:s29], $0x4000  }
0xef: {  	[sflag:s29] =	ssyncset.done @p0 $0x0  }
0xf0: {  	[sflag:s29] =	ssyncadd.s32 @p0 $0xFFFFC000  }
0xf1: {  	[tilespmem:s15], [sflag:$0x8] =	stream.linear.gather @p0 [spmem:s8], $0x4000, $0x38;
	[tilespmem:$0x1BB80] =	vst v63  }
0xf2: {  	_ =	swait.ge @p0 [sflag:s12], $0x4000  }
0xf3: {  	[sflag:s12] =	ssyncset.done @p0 $0x0  }
0xf4: {  	s30 =	rddreg [dreg:$0x17];
	[sflag:s12] =	ssyncadd.s32 @p0 $0xFFFFC000  }
0xf5: {  	[hbm4b:s30+s13] =	stream.linear.scatter @p0 [tilespmem:s15], [sflag:$0x5], $0x4000, $0x38;
	[tilespmem:$0x1BB80] =	vst v63  }
0xf6: {  	_ =	swait.ge @p0 [sflag:s16], $0x4000  }
0xf7: {  	[sflag:s16] =	ssyncset.done @p0 $0x0  }
0xf8: {  	[sflag:s16] =	ssyncadd.s32 @p0 $0xFFFFC000  }
0xf9: {  	[tilespmem:s3], [sflag:$0x8] =	stream.linear.gather @p0 [spmem:s11], $0x4000, $0x38;
	[tilespmem:$0x1BB80] =	vst v63  }
0xfa: {  	_ =	swait.ge @p0 [sflag:s12], $0x4000  }
0xfb: {  	[sflag:s12] =	ssyncset.done @p0 $0x0  }
0xfc: {  	[sflag:s12] =	ssyncadd.s32 @p0 $0xFFFFC000;
	s12 =	rddreg [dreg:$0x18]  }
0xfd: {  	[hbm4b:s12+s13] =	stream.linear.scatter @p0 [tilespmem:s3], [sflag:$0x4], $0x4000, $0x38;
	[tilespmem:$0x1BB80] =	vst v63  }
0xfe: {  	_ =	swait.ge @p0 [sflag:s29], $0x4000  }
0xff: {  	[sflag:s29] =	ssyncset.done @p0 $0x0  }
0x100: {  	[sflag:s29] =	ssyncadd.s32 @p0 $0xFFFFC000  }
0x101: {  	_ =	swait.ge @p0 [sflag:s16], $0x4000  }
0x102: {  	[sflag:s16] =	ssyncset.done @p0 $0x0  }
0x103: {  	s3 =	simm.s32 @!p0 $0x300;
	s12 =	simm.s32 @!p0 $0x8;
	[sflag:s16] =	ssyncadd.s32 @p0 $0xFFFFC000  }
0x104: {  	[tilespmem:s3], [sflag:$0x8] =	stream.linear.gather @!p0 [spmem:s9], $0x4000, $0x38;
	[tilespmem:$0x1BB80] =	vst v63  }
0x105: {  	_ =	swait.ge @!p0 [sflag:s12], $0x4000  }
0x106: {  	[sflag:s12] =	ssyncset.done @!p0 $0x0  }
0x107: {  	s13 =	simm.s32 @!p0 $0x0;
	s15 =	rddreg [dreg:$0xc];
	[sflag:s12] =	ssyncadd.s32 @!p0 $0xFFFFC000  }
0x108: {  	[hbm4b:s15+s13] =	stream.linear.scatter @!p0 [tilespmem:s3], [sflag:$0x4], $0x4000, $0x38;
	[tilespmem:$0x1BB80] =	vst v63  }
0x109: {  	s16 =	rddreg [dreg:$0xd];
	s15 =	simm.s32 @!p0 $0x4300  }
0x10a: {  	[tilespmem:s15], [sflag:$0x8] =	stream.linear.gather @!p0 [spmem:s16], $0x4000, $0x38;
	[tilespmem:$0x1BB80] =	vst v63  }
0x10b: {  	_ =	swait.ge @!p0 [sflag:s12], $0x4000  }
0x10c: {  	[sflag:s12] =	ssyncset.done @!p0 $0x0  }
0x10d: {  	s16 =	rddreg [dreg:$0xe];
	[sflag:s12] =	ssyncadd.s32 @!p0 $0xFFFFC000  }
0x10e: {  	[hbm4b:s16+s13] =	stream.linear.scatter @!p0 [tilespmem:s15], [sflag:$0x5], $0x4000, $0x38;
	[tilespmem:$0x1BB80] =	vst v63  }
0x10f: {  	s16 =	simm.s32 @!p0 $0x4  }
0x110: {  	_ =	swait.ge @!p0 [sflag:s16], $0x4000  }
0x111: {  	[sflag:s16] =	ssyncset.done @!p0 $0x0  }
0x112: {  	s29 =	rddreg [dreg:$0xf];
	[sflag:s16] =	ssyncadd.s32 @!p0 $0xFFFFC000  }
0x113: {  	[tilespmem:s3], [sflag:$0x8] =	stream.linear.gather @!p0 [spmem:s29], $0x4000, $0x38;
	[tilespmem:$0x1BB80] =	vst v63  }
0x114: {  	_ =	swait.ge @!p0 [sflag:s12], $0x4000  }
0x115: {  	[sflag:s12] =	ssyncset.done @!p0 $0x0  }
0x116: {  	s29 =	rddreg [dreg:$0x10];
	[sflag:s12] =	ssyncadd.s32 @!p0 $0xFFFFC000  }
0x117: {  	[hbm4b:s29+s13] =	stream.linear.scatter @!p0 [tilespmem:s3], [sflag:$0x4], $0x4000, $0x38;
	[tilespmem:$0x1BB80] =	vst v63  }
0x118: {  	s29 =	simm.s32 @!p0 $0x5  }
0x119: {  	_ =	swait.ge @!p0 [sflag:s29], $0x4000  }
0x11a: {  	[sflag:s29] =	ssyncset.done @!p0 $0x0  }
0x11b: {  	s30 =	rddreg [dreg:$0x11];
	[sflag:s29] =	ssyncadd.s32 @!p0 $0xFFFFC000  }
0x11c: {  	[tilespmem:s15], [sflag:$0x8] =	stream.linear.gather @!p0 [spmem:s30], $0x4000, $0x38;
	[tilespmem:$0x1BB80] =	vst v63  }
0x11d: {  	_ =	swait.ge @!p0 [sflag:s12], $0x4000  }
0x11e: {  	[sflag:s12] =	ssyncset.done @!p0 $0x0  }
0x11f: {  	s30 =	rddreg [dreg:$0x12];
	[sflag:s12] =	ssyncadd.s32 @!p0 $0xFFFFC000  }
0x120: {  	[hbm4b:s30+s13] =	stream.linear.scatter @!p0 [tilespmem:s15], [sflag:$0x5], $0x4000, $0x38;
	[tilespmem:$0x1BB80] =	vst v63  }
0x121: {  	_ =	swait.ge @!p0 [sflag:s16], $0x4000  }
0x122: {  	[sflag:s16] =	ssyncset.done @!p0 $0x0  }
0x123: {  	s15 =	rddreg [dreg:$0x1d];
	[sflag:s16] =	ssyncadd.s32 @!p0 $0xFFFFC000  }
0x124: {  	[tilespmem:s3], [sflag:$0x8] =	stream.linear.gather @!p0 [spmem:s15], $0x3800, $0x38;
	[tilespmem:$0x1BB80] =	vst v63  }
0x125: {  	_ =	swait.ge @!p0 [sflag:s12], $0x3800  }
0x126: {  	[sflag:s12] =	ssyncset.done @!p0 $0x0  }
0x127: {  	[sflag:s12] =	ssyncadd.s32 @!p0 $0xFFFFC800;
	s12 =	rddreg [dreg:$0x13]  }
0x128: {  	[hbm4b:s12+s13] =	stream.linear.scatter @!p0 [tilespmem:s3], [sflag:$0x4], $0x3800, $0x38;
	[tilespmem:$0x1BB80] =	vst v63  }
0x129: {  	_ =	swait.ge @!p0 [sflag:s29], $0x4000  }
0x12a: {  	[sflag:s29] =	ssyncset.done @!p0 $0x0  }
0x12b: {  	[sflag:s29] =	ssyncadd.s32 @!p0 $0xFFFFC000  }
0x12c: {  	_ =	swait.ge @!p0 [sflag:s16], $0x3800  }
0x12d: {  	s28 =	sadd.s32 $0x1, s28;
	s30 =	rddreg [dreg:$0x1e]  }
0x12e: {  	p1 =	sne.s32 s28, s30  }
.Ltmp1:
0x12f: {  	_ = 	snop;
	(pc) =	sbr.rel @p1 .LBB2_1-.Ltmp1, $3  }
0x130: {  	_ =	sdelay $0x1  }
0x131: {  	[sflag:s16] =	ssyncset.done @!p0 $0x0  }
0x132: {  	s12 =	simm.s32 $0x100;
	[sflag:s16] =	ssyncadd.s32 @!p0 $0xFFFFC800  }
0x133: {  	_ =	sfence.sel $0x180000  }
0x134: {  	[bflag:$0x0] =	sbarrier.arrive $0xFFFF  }
0x135: {  	_ =	strace $0x9000004A  }
0x136: {  	s0 =	stileid.u32;
	[bflag:$0x2] =	sbarrier.arrive $0xFFFF  }
0x137: {  	p0 =	sne.s32 s0, $0x0;
	s0 =	rddreg [dreg:$0x4]  }
0x138: {  	s0 =	sadd.s32 @!p0 $0x100000, s0  }
0x139: {  	[sflag:s0] =	ssyncadd.tile.s32 @!p0 $0x1;
	_ =	shalt  }
.Lfunc_end2:
_tile_overlayer_lowered:
.L_overlay_start_2:
0x13a: {  	(tag) =	ssettag $0x2  }
0x13b: {  	s0 =	rddreg [dreg:$0x0];
	s2 =	stileid.u32  }
0x13c: {  	s1 =	rddreg [dreg:$0x1];
	p0 =	sne.s32 s2, $0x0  }
0x13d: {  	s3 =	rddreg [dreg:$0x2];
	[bflag:$0x3] =	sbarrier.arrive $0xFFFF;
	s2 =	simm.s32 @!p0 $0x1C08  }
0x13e: {  	[timem:s3], [sflag:s2] =	dma.local @!p0 [hbm:s0], s1  }
0x13f: {  	s0 =	simm.s32 @!p0 $0x8  }
0x140: {  	_ =	swait.ge @!p0 [sflag:s0], s1  }
0x141: {  	s1 =	ssub.s32 @!p0 $0x0, s1;
	[sflag:s0] =	ssyncset.done @!p0 $0x0  }
0x142: {  	[sflag:s0] =	ssyncadd.s32 @!p0 s1  }
0x143: {  	[bflag:$0x3] =	sbarrier.arrive $0xFFFF  }
0x144: {  	_ =	shalt  }

</sc_bundles>
